<compile_context>
chip_gen: v7x
topology: tpu7x:2x2x1
jax: 0.10.2.dev20260603
libtpu: 0.0.44.dev20260713+nightly
codegen_flags: <defaults>
</compile_context>

<pallas_src>
import functools

import jax
import jax.numpy as jnp
from jax import lax
from jax.experimental import pallas as pl
from jax.experimental.pallas import tpu as pltpu
from jax.experimental.pallas import tpu_sc as plsc

B = 4
N = 8192
S = 2048
K = 32
C = 64
CP = 128
EPS = 1e-5
L_TOT = B * N

NC = 2
NS = 16
NW = NC * NS
LANES = 16
RW = (B * S) // NW

F32 = jnp.float32
I32 = jnp.int32


def _fps_argmax5(v, i, x, y, z):
    t = (v, i, x, y, z)

    def comb(hi, lo):
        cond = (hi[0] > lo[0]) | ((hi[0] == lo[0]) & (hi[1] < lo[1]))
        return tuple(jnp.where(cond, a, b) for a, b in zip(hi, lo))

    r = 64
    while r > 1:
        h = r // 2
        t = comb(tuple(a[:h] for a in t), tuple(a[h:] for a in t))
        r = h
    c = 128
    while c > 1:
        h = c // 2
        t = comb(tuple(a[:, :h] for a in t), tuple(a[:, h:] for a in t))
        c = h
    return t


def _fps_body(xyz_ref, idx_ref, nx_ref):
    row_i = lax.broadcasted_iota(I32, (64, 128), 0)
    col_i = lax.broadcasted_iota(I32, (64, 128), 1)
    flat = row_i * 128 + col_i
    srow = lax.broadcasted_iota(I32, (16, 128), 0)
    scol = lax.broadcasted_iota(I32, (16, 128), 1)
    sflat = srow * 128 + scol

    def body(i, state):
        dists, fs = state
        sel = sflat == i
        new_d = ()
        new_f = ()
        for b in range(B):
            f, cx, cy, cz = fs[b]
            idx_ref[b] = jnp.where(sel, f + b * N, idx_ref[b])
            nx_ref[b, 0] = jnp.where(sel, cx, nx_ref[b, 0])
            nx_ref[b, 1] = jnp.where(sel, cy, nx_ref[b, 1])
            nx_ref[b, 2] = jnp.where(sel, cz, nx_ref[b, 2])
            X = xyz_ref[b, 0]
            Y = xyz_ref[b, 1]
            Z = xyz_ref[b, 2]
            dx = X - cx
            dy = Y - cy
            dz = Z - cz
            d = dx * dx + dy * dy + dz * dz
            dist = jnp.minimum(dists[b], d)
            _, f2, nx2, ny2, nz2 = _fps_argmax5(dist, flat, X, Y, Z)
            new_d += (dist,)
            new_f += ((f2, nx2, ny2, nz2),)
        return new_d, new_f

    dist0 = jnp.full((64, 128), 1e10, F32)
    f0 = jnp.zeros((1, 1), I32)
    c0s = []
    for b in range(B):
        c0s.append((f0, xyz_ref[b, 0, 0:1, 0:1], xyz_ref[b, 1, 0:1, 0:1],
                    xyz_ref[b, 2, 0:1, 0:1]))
    lax.fori_loop(0, S, body, ((dist0,) * B, tuple(c0s)))


def _fps_call(xyz_planes):
    return pl.pallas_call(
        _fps_body,
        in_specs=[pl.BlockSpec((B, 3, 64, 128), lambda: (0, 0, 0, 0))],
        out_specs=[
            pl.BlockSpec((B, 16, 128), lambda: (0, 0, 0)),
            pl.BlockSpec((B, 3, 16, 128), lambda: (0, 0, 0, 0)),
        ],
        out_shape=[
            jax.ShapeDtypeStruct((B, 16, 128), I32),
            jax.ShapeDtypeStruct((B, 3, 16, 128), F32),
        ],
    )(xyz_planes)


RT = 2048
NT = L_TOT // RT


def _bn_scale_shift(Wm, bias, gamma, beta, s_in, m_in):
    inv_l = 1.0 / L_TOT
    ewx = lax.dot_general(s_in, Wm, (((1,), (1,)), ((), ())),
                          preferred_element_type=F32) * inv_l
    mean = ewx + bias
    wm = jnp.dot(Wm, m_in, preferred_element_type=F32)
    ey2 = jnp.sum(wm * Wm, axis=1)[None, :] * inv_l
    ey2 = ey2 + 2.0 * bias * ewx + bias * bias
    var = ey2 - mean * mean
    scale = gamma * lax.rsqrt(var + EPS)
    shift = beta - mean * scale
    return scale, shift


def _d1_body(x_ref, w_ref, b_ref, pts_ref, s1_ref, m1_ref):
    x = x_ref[...]
    p = jnp.dot(x, w_ref[...], preferred_element_type=F32) + b_ref[...]
    pts_ref[...] = jnp.concatenate([p, jnp.zeros((RT, CP - C), F32)], axis=1)

    @pl.when(pl.program_id(0) == 0)
    def _():
        s1_ref[...] = jnp.zeros_like(s1_ref)
        m1_ref[...] = jnp.zeros_like(m1_ref)

    s1_ref[...] += jnp.sum(p, axis=0, keepdims=True)
    m1_ref[...] += lax.dot_general(p, p, (((0,), (0,)), ((), ())),
                                   preferred_element_type=F32)


def _d1_call(points_flat, W_fc1, b_fc1):
    return pl.pallas_call(
        _d1_body,
        grid=(NT,),
        in_specs=[
            pl.BlockSpec((RT, C), lambda t: (t, 0)),
            pl.BlockSpec((C, C), lambda t: (0, 0)),
            pl.BlockSpec((1, C), lambda t: (0, 0)),
        ],
        out_specs=[
            pl.BlockSpec((RT, CP), lambda t: (t, 0)),
            pl.BlockSpec((1, C), lambda t: (0, 0)),
            pl.BlockSpec((C, C), lambda t: (0, 0)),
        ],
        out_shape=[
            jax.ShapeDtypeStruct((L_TOT, CP), F32),
            jax.ShapeDtypeStruct((1, C), F32),
            jax.ShapeDtypeStruct((C, C), F32),
        ],
    )(points_flat, W_fc1, b_fc1)


def _d2_body(p_ref, w1_ref, b1_ref, g1_ref, be1_ref, s1_ref, m1_ref,
             s2_ref, m2_ref):
    sc1, sh1 = _bn_scale_shift(w1_ref[...], b1_ref[...], g1_ref[...],
                               be1_ref[...], s1_ref[...], m1_ref[...])
    p = p_ref[:, :C]
    y1 = lax.dot_general(p, w1_ref[...], (((1,), (1,)), ((), ())),
                         preferred_element_type=F32)
    h1 = jnp.maximum(y1 * sc1 + (b1_ref[...] * sc1 + sh1), 0.0)

    @pl.when(pl.program_id(0) == 0)
    def _():
        s2_ref[...] = jnp.zeros_like(s2_ref)
        m2_ref[...] = jnp.zeros_like(m2_ref)

    s2_ref[...] += jnp.sum(h1, axis=0, keepdims=True)
    m2_ref[...] += lax.dot_general(h1, h1, (((0,), (0,)), ((), ())),
                                   preferred_element_type=F32)


def _d2_call(pts, W_c1, b_c1, g1, be1, S1, M1):
    return pl.pallas_call(
        _d2_body,
        grid=(NT,),
        in_specs=[
            pl.BlockSpec((RT, CP), lambda t: (t, 0)),
            pl.BlockSpec((C, C), lambda t: (0, 0)),
            pl.BlockSpec((1, C), lambda t: (0, 0)),
            pl.BlockSpec((1, C), lambda t: (0, 0)),
            pl.BlockSpec((1, C), lambda t: (0, 0)),
            pl.BlockSpec((1, C), lambda t: (0, 0)),
            pl.BlockSpec((C, C), lambda t: (0, 0)),
        ],
        out_specs=[
            pl.BlockSpec((1, C), lambda t: (0, 0)),
            pl.BlockSpec((C, C), lambda t: (0, 0)),
        ],
        out_shape=[
            jax.ShapeDtypeStruct((1, C), F32),
            jax.ShapeDtypeStruct((C, C), F32),
        ],
    )(pts, W_c1, b_c1, g1, be1, S1, M1)


def _d3_body(p_ref, w1_ref, b1_ref, g1_ref, be1_ref, w2_ref, b2_ref, g2_ref,
             be2_ref, s1_ref, m1_ref, s2_ref, m2_ref, out_ref):
    sc1, sh1 = _bn_scale_shift(w1_ref[...], b1_ref[...], g1_ref[...],
                               be1_ref[...], s1_ref[...], m1_ref[...])
    sc2, sh2 = _bn_scale_shift(w2_ref[...], b2_ref[...], g2_ref[...],
                               be2_ref[...], s2_ref[...], m2_ref[...])
    p = p_ref[:, :C]
    y1 = lax.dot_general(p, w1_ref[...], (((1,), (1,)), ((), ())),
                         preferred_element_type=F32)
    h1 = jnp.maximum(y1 * sc1 + (b1_ref[...] * sc1 + sh1), 0.0)
    y2 = lax.dot_general(h1, w2_ref[...], (((1,), (1,)), ((), ())),
                         preferred_element_type=F32)
    h2 = jnp.maximum(y2 * sc2 + (b2_ref[...] * sc2 + sh2), 0.0)
    out_ref[...] = jnp.concatenate([p + h2, jnp.zeros((RT, CP - C), F32)],
                                   axis=1)


def _d3_call(pts, W_c1, b_c1, g1, be1, W_c2, b_c2, g2, be2, S1, M1, S2, M2):
    vec = pl.BlockSpec((1, C), lambda t: (0, 0))
    mat = pl.BlockSpec((C, C), lambda t: (0, 0))
    return pl.pallas_call(
        _d3_body,
        grid=(NT,),
        in_specs=[pl.BlockSpec((RT, CP), lambda t: (t, 0)),
                  mat, vec, vec, vec, mat, vec, vec, vec, vec, mat, vec, mat],
        out_specs=pl.BlockSpec((RT, CP), lambda t: (t, 0)),
        out_shape=jax.ShapeDtypeStruct((L_TOT, CP), F32),
    )(pts, W_c1, b_c1, g1, be1, W_c2, b_c2, g2, be2, S1, M1, S2, M2)


RS = 256
NQT = S // RS


def _knn_body(nx_ref, xp_ref, kidx_ref, d_ref):
    q = nx_ref[0]
    x = xp_ref[0]
    t = lax.dot_general(q, x, (((0,), (0,)), ((), ())),
                        preferred_element_type=F32)
    qsq = jnp.sum(q * q, axis=0)[:, None]
    xsq = jnp.sum(x * x, axis=0)[None, :]
    d_ref[...] = (-2.0 * t + qsq) + xsq

    col = lax.broadcasted_iota(I32, (RS, N), 1)
    kcol = lax.broadcasted_iota(I32, (RS, K), 1)
    big = jnp.float32(3.0e38)

    def step(k, acc):
        d = d_ref[...]
        m = jnp.min(d, axis=1, keepdims=True)
        eq = d == m
        j = jnp.min(jnp.where(eq, col, N), axis=1, keepdims=True)
        acc = jnp.where(kcol == k, j, acc)
        d_ref[...] = jnp.where(eq, big, d)
        return acc

    acc = lax.fori_loop(0, K, step, jnp.zeros((RS, K), I32))
    kidx_ref[0] = acc + pl.program_id(0) * N


def _knn_call(nx_planes, xyz_planes):
    return pl.pallas_call(
        _knn_body,
        grid=(B, NQT),
        in_specs=[
            pl.BlockSpec((1, 3, RS), lambda b, t: (b, 0, t)),
            pl.BlockSpec((1, 3, N), lambda b, t: (b, 0, 0)),
        ],
        out_specs=pl.BlockSpec((1, RS, K), lambda b, t: (b, t, 0)),
        out_shape=jax.ShapeDtypeStruct((B, S, K), I32),
        scratch_shapes=[pltpu.VMEM((RS, N), F32)],
    )(nx_planes, xyz_planes)


def _sca_body(pts_hbm, gidx_hbm, pori_hbm, gidx_v, po_v, sem):
    wid = lax.axis_index("s") * NC + lax.axis_index("c")
    base = wid * RW
    pltpu.sync_copy(gidx_hbm.at[pl.ds(base, RW)], gidx_v)
    pltpu.async_copy(pts_hbm.at[gidx_v], po_v, sem).wait()
    pltpu.sync_copy(po_v, pori_hbm.at[pl.ds(base, RW)])


def _scb_body(pts2_hbm, kidx_hbm, maxp_hbm, kidx_v, grp0_v, grp1_v, res_v,
              sem):
    wid = lax.axis_index("s") * NC + lax.axis_index("c")
    base = wid * RW

    pltpu.sync_copy(kidx_hbm.at[pl.ds(base * K, RW * K)], kidx_v)

    def start(r, grp):
        pltpu.make_async_copy(
            pts2_hbm.at[kidx_v.at[pl.ds(r * K, K)]], grp, sem).start()

    def wait(grp):
        pltpu.make_async_copy(
            pts2_hbm.at[kidx_v.at[pl.ds(0, K)]], grp, sem).wait()

    def compute(r, grp):
        for j in range(C // LANES):
            sl = pl.ds(j * LANES, LANES)
            a = grp[0, sl]
            for k in range(1, K):
                a = jnp.maximum(a, grp[k, sl])
            res_v[pl.ds(r * C + j * LANES, LANES)] = a

    start(0, grp0_v)
    start(1, grp1_v)

    def body(r2, carry):
        r = r2 * 2
        wait(grp0_v)
        compute(r, grp0_v)

        @pl.when(r + 2 < RW)
        def _():
            start(r + 2, grp0_v)

        wait(grp1_v)
        compute(r + 1, grp1_v)

        @pl.when(r + 3 < RW)
        def _():
            start(r + 3, grp1_v)

        return carry

    lax.fori_loop(0, RW // 2, body, 0)
    pltpu.sync_copy(res_v, maxp_hbm.at[pl.ds(base * C, RW * C)])


@functools.lru_cache(maxsize=None)
def _get_sc_kernels():
    mesh = plsc.VectorSubcoreMesh(core_axis_name="c", subcore_axis_name="s",
                                  num_cores=NC, num_subcores=NS)
    sca = functools.partial(
        pl.kernel,
        out_type=jax.ShapeDtypeStruct((B * S, CP), F32),
        mesh=mesh,
        scratch_types=[
            pltpu.VMEM((RW,), I32),
            pltpu.VMEM((RW, CP), F32),
            pltpu.SemaphoreType.DMA,
        ],
    )(_sca_body)
    scb = functools.partial(
        pl.kernel,
        out_type=jax.ShapeDtypeStruct((B * S * C,), F32),
        mesh=mesh,
        scratch_types=[
            pltpu.VMEM((RW * K,), I32),
            pltpu.VMEM((K, CP), F32),
            pltpu.VMEM((K, CP), F32),
            pltpu.VMEM((RW * C,), F32),
            pltpu.SemaphoreType.DMA,
        ],
    )(_scb_body)
    return sca, scb


FT = 2048
NFT = (B * S) // FT


def _fbn_stats_body(mx_ref, po_ref, np_ref, s_ref, q_ref):
    v = mx_ref[...] + po_ref[:, :C]
    np_ref[...] = v

    @pl.when(pl.program_id(0) == 0)
    def _():
        s_ref[...] = jnp.zeros_like(s_ref)
        q_ref[...] = jnp.zeros_like(q_ref)

    s_ref[...] += jnp.sum(v, axis=0, keepdims=True)
    q_ref[...] += jnp.sum(v * v, axis=0, keepdims=True)


def _fbn_stats_call(maxp, pori):
    return pl.pallas_call(
        _fbn_stats_body,
        grid=(NFT,),
        in_specs=[
            pl.BlockSpec((FT, C), lambda t: (t, 0)),
            pl.BlockSpec((FT, CP), lambda t: (t, 0)),
        ],
        out_specs=[
            pl.BlockSpec((FT, C), lambda t: (t, 0)),
            pl.BlockSpec((1, C), lambda t: (0, 0)),
            pl.BlockSpec((1, C), lambda t: (0, 0)),
        ],
        out_shape=[
            jax.ShapeDtypeStruct((B * S, C), F32),
            jax.ShapeDtypeStruct((1, C), F32),
            jax.ShapeDtypeStruct((1, C), F32),
        ],
    )(maxp, pori)


def _fbn_norm_body(np_ref, s_ref, q_ref, g_ref, be_ref, out_ref):
    inv_l = 1.0 / (B * S)
    mean = s_ref[...] * inv_l
    var = q_ref[...] * inv_l - mean * mean
    scale = g_ref[...] * lax.rsqrt(var + EPS)
    shift = be_ref[...] - mean * scale
    out_ref[...] = np_ref[...] * scale + shift


def _fbn_norm_call(newp, ssum, qsum, g_bn, be_bn):
    vec = pl.BlockSpec((1, C), lambda t: (0, 0))
    return pl.pallas_call(
        _fbn_norm_body,
        grid=(NFT,),
        in_specs=[pl.BlockSpec((FT, C), lambda t: (t, 0)), vec, vec, vec, vec],
        out_specs=pl.BlockSpec((FT, C), lambda t: (t, 0)),
        out_shape=jax.ShapeDtypeStruct((B * S, C), F32),
    )(newp, ssum, qsum, g_bn, be_bn)


def kernel(xyz, points, W_fc1, b_fc1, W_c1, b_c1, W_c2, b_c2,
           g_bn1, be_bn1, g_bn2, be_bn2, g_bn, be_bn):
    xyzp = xyz.transpose(0, 2, 1)
    xyzp4 = xyzp.reshape(B, 3, 64, 128)

    b_fc1r = b_fc1.reshape(1, C)
    b1 = b_c1.reshape(1, C)
    b2 = b_c2.reshape(1, C)
    g1 = g_bn1.reshape(1, C)
    be1 = be_bn1.reshape(1, C)
    g2 = g_bn2.reshape(1, C)
    be2 = be_bn2.reshape(1, C)
    gf = g_bn.reshape(1, C)
    bef = be_bn.reshape(1, C)

    gidx4, nxp4 = _fps_call(xyzp4)
    gidx = gidx4.reshape(B * S)
    nx_planes = nxp4.reshape(B, 3, S)
    new_xyz = nx_planes.transpose(0, 2, 1)

    pts, S1, M1 = _d1_call(points.reshape(L_TOT, C), W_fc1, b_fc1r)

    sca, scb = _get_sc_kernels()
    pori = sca(pts, gidx)

    S2, M2 = _d2_call(pts, W_c1, b1, g1, be1, S1, M1)
    pts2 = _d3_call(pts, W_c1, b1, g1, be1, W_c2, b2, g2, be2, S1, M1, S2, M2)

    kidx = _knn_call(nx_planes, xyzp).reshape(B * S * K)

    maxp = scb(pts2, kidx).reshape(B * S, C)

    newp, ssum, qsum = _fbn_stats_call(maxp, pori)
    new_points = _fbn_norm_call(newp, ssum, qsum, gf, bef).reshape(B, S, C)

    return (new_xyz, new_points)

# --- scband reference (transcript-rebuilt; emitter-appended) ---
"""Pipeline reference for scband-point-net-set-abstraction-39213051412827 (READ-ONLY COPY).

The authoritative reference and input builder live on the scoring server;
editing this copy changes nothing except your own understanding.
"""

import jax, jax.numpy as jnp
import numpy as np

NPOINT = 2048
NNEIGH = 32
IN_CHANNEL = 64
DIM = 64
EPS = 1e-5


def index_points(points, idx):
    # points: [B, N, C]; idx: [B, S] or [B, S, K]
    return jax.vmap(lambda p, i: p[i])(points, idx)


def square_distance(src, dst):
    dist = -2.0 * jnp.matmul(src, dst.transpose(0, 2, 1))
    dist = dist + jnp.sum(src ** 2, axis=-1)[:, :, None]
    dist = dist + jnp.sum(dst ** 2, axis=-1)[:, None, :]
    return dist


def furthest_point_sample(xyz, npoint):
    # xyz: [B, N, 3] -> int32 [B, npoint]
    def single(x):
        N = x.shape[0]
        def body(i, state):
            dist, farthest, idxs = state
            idxs = idxs.at[i].set(farthest)
            centroid = x[farthest]
            d = jnp.sum((x - centroid) ** 2, axis=-1)
            dist = jnp.minimum(dist, d)
            farthest = jnp.argmax(dist).astype(jnp.int32)
            return (dist, farthest, idxs)
        dist0 = jnp.full((N,), 1e10, dtype=x.dtype)
        idxs0 = jnp.zeros((npoint,), dtype=jnp.int32)
        _, _, idxs = jax.lax.fori_loop(0, npoint, body, (dist0, jnp.int32(0), idxs0))
        return idxs
    return jax.vmap(single)(xyz)


def bn_train(x, gamma, beta):
    # x: [B, C, L]; BatchNorm1d in training mode (batch statistics)
    mean = jnp.mean(x, axis=(0, 2), keepdims=True)
    var = jnp.var(x, axis=(0, 2), keepdims=True)
    xhat = (x - mean) / jnp.sqrt(var + EPS)
    return gamma[None, :, None] * xhat + beta[None, :, None]


def conv1d_k1(x, W, b):
    # x: [B, Cin, L], W: [Cout, Cin], b: [Cout]
    return jnp.einsum('oi,bil->bol', W, x) + b[None, :, None]


def setup_inputs(seed: int = 0) -> dict:
    key = jax.random.key(seed)
    ks = jax.random.split(key, 10)
    xyz = jax.random.normal(ks[0], (4, 8192, 3), dtype=jnp.float32)
    points = jax.random.normal(ks[1], (4, 8192, IN_CHANNEL), dtype=jnp.float32)
    W_fc1 = jax.random.normal(ks[2], (IN_CHANNEL, DIM), dtype=jnp.float32) * (1.0 / np.sqrt(IN_CHANNEL))
    b_fc1 = jnp.zeros((DIM,), dtype=jnp.float32)
    W_c1 = jax.random.normal(ks[3], (DIM, DIM), dtype=jnp.float32) * (1.0 / np.sqrt(DIM))
    b_c1 = jnp.zeros((DIM,), dtype=jnp.float32)
    W_c2 = jax.random.normal(ks[4], (DIM, DIM), dtype=jnp.float32) * (1.0 / np.sqrt(DIM))
    b_c2 = jnp.zeros((DIM,), dtype=jnp.float32)
    g_bn1 = jnp.ones((DIM,), dtype=jnp.float32)
    be_bn1 = jnp.zeros((DIM,), dtype=jnp.float32)
    g_bn2 = jnp.ones((DIM,), dtype=jnp.float32)
    be_bn2 = jnp.zeros((DIM,), dtype=jnp.float32)
    g_bn = jnp.ones((DIM,), dtype=jnp.float32)
    be_bn = jnp.zeros((DIM,), dtype=jnp.float32)
    return {"xyz": xyz, "points": points, "W_fc1": W_fc1, "b_fc1": b_fc1,
            "W_c1": W_c1, "b_c1": b_c1, "W_c2": W_c2, "b_c2": b_c2,
            "g_bn1": g_bn1, "be_bn1": be_bn1, "g_bn2": g_bn2, "be_bn2": be_bn2,
            "g_bn": g_bn, "be_bn": be_bn}


def reference(xyz, points, W_fc1, b_fc1, W_c1, b_c1, W_c2, b_c2,
              g_bn1, be_bn1, g_bn2, be_bn2, g_bn, be_bn):
    # FPS under no_grad
    fps_idx = furthest_point_sample(jax.lax.stop_gradient(xyz), NPOINT)
    new_xyz = index_points(xyz, fps_idx)
    pts = points @ W_fc1 + b_fc1  # fc1: [B, N, DIM]
    points_ori = index_points(pts, fps_idx)
    p = pts.transpose(0, 2, 1)  # [B, DIM, N]
    h = jax.nn.relu(bn_train(conv1d_k1(p, W_c1, b_c1), g_bn1, be_bn1))
    h = jax.nn.relu(bn_train(conv1d_k1(h, W_c2, b_c2), g_bn2, be_bn2))
    p = p + h
    pts2 = p.transpose(0, 2, 1)  # [B, N, DIM]
    # kNN under no_grad
    dists = square_distance(jax.lax.stop_gradient(new_xyz), jax.lax.stop_gradient(xyz))
    idx = jnp.argsort(dists, axis=-1)[:, :, :NNEIGH]
    grouped_points = index_points(pts2, idx)  # [B, S, K, DIM]
    new_points = points_ori + jnp.max(grouped_points, axis=2)
    new_points = bn_train(new_points.transpose(0, 2, 1), g_bn, be_bn).transpose(0, 2, 1)
    return (new_xyz, new_points)

if __name__ == "__main__":
    import jax
    _d = setup_inputs()
    print(jax.jit(kernel)(*tuple(_d.values())))

</pallas_src>

<mosaic_0001>
#map = affine_map<(d0, d1) -> (0, 0)>
#map1 = affine_map<(d0, d1) -> (0)>
module attributes {stable_mosaic.version = 14 : i64} {
  func.func @_sca_body(%arg0: i32, %arg1: i32, %arg2: memref<32768x128xf32, #tpu.memory_space<hbm>>, %arg3: memref<8192xi32, #tpu.memory_space<hbm>>, %arg4: memref<8192x128xf32, #tpu.memory_space<hbm>>, %arg5: memref<256xi32, #tpu.memory_space<vmem>>, %arg6: memref<256x128xf32, #tpu.memory_space<vmem>>, %arg7: memref<!tpu.dma_semaphore, #tpu.memory_space<semaphore_mem>>) attributes {dimension_semantics = [#tpu.dimension_semantics<core_parallel>, #tpu.dimension_semantics<subcore_parallel>], iteration_bounds = array<i64: 2, 16>, scalar_prefetch = 0 : i64, scratch_operands = 3 : i64, tpu.core_type = #tpu.core_type<sc_vector_subcore>, window_params = [{transform_indices = #map}, {transform_indices = #map1}, {transform_indices = #map}]} {
    %mul3A = arith.constant 2 : i32
    %mul3A_0 = arith.muli %arg1, %mul3A : i32
    %add3A = arith.addi %mul3A_0, %arg0 : i32
    %mul3A_1 = arith.constant 256 : i32
    %mul3A_2 = arith.muli %add3A, %mul3A_1 : i32
    "tpu.region"() ({
      %run_scoped3A = tpu.sem_alloc : memref<!tpu.dma_semaphore, #tpu.memory_space<semaphore_mem>>
      %dma_start3A_7 = tpu.memref_slice %arg3[%mul3A_2] : memref<8192xi32, #tpu.memory_space<hbm>> -> memref<256xi32, #tpu.memory_space<hbm>>
      %dma_start3A_8 = tpu.memref_slice %arg3[%mul3A_2] : memref<8192xi32, #tpu.memory_space<hbm>> -> memref<256xi32, #tpu.memory_space<hbm>>
      tpu.enqueue_dma source(%dma_start3A_8 : memref<256xi32, #tpu.memory_space<hbm>>) target(%arg5 : memref<256xi32, #tpu.memory_space<vmem>>) target_semaphore(%run_scoped3A : memref<!tpu.dma_semaphore, #tpu.memory_space<semaphore_mem>>)
      %dma_wait3A_9 = tpu.memref_slice %arg3[%mul3A_2] : memref<8192xi32, #tpu.memory_space<hbm>> -> memref<256xi32, #tpu.memory_space<hbm>>
      %dma_wait3A_10 = tpu.memref_slice %arg3[%mul3A_2] : memref<8192xi32, #tpu.memory_space<hbm>> -> memref<256xi32, #tpu.memory_space<hbm>>
      tpu.wait_dma2 semaphore(%run_scoped3A : memref<!tpu.dma_semaphore, #tpu.memory_space<semaphore_mem>>) src(%dma_wait3A_10 : memref<256xi32, #tpu.memory_space<hbm>>) dst(%arg5 : memref<256xi32, #tpu.memory_space<vmem>>)
      tpu.yield
    }) : () -> ()
    %dma_start3A = arith.constant 0 : i32
    %dma_start3A_3 = arith.constant 0 : i32
    %dma_start3A_4 = tpu.memref_slice %arg2[%dma_start3A, %dma_start3A_3] : memref<32768x128xf32, #tpu.memory_space<hbm>> -> memref<32768x128xf32, #tpu.memory_space<hbm>>
    tpu.enqueue_indirect_dma source(%dma_start3A_4 : memref<32768x128xf32, #tpu.memory_space<hbm>>) target(%arg6 : memref<256x128xf32, #tpu.memory_space<vmem>>) offsets(%arg5 : memref<256xi32, #tpu.memory_space<vmem>>) semaphore(%arg7 : memref<!tpu.dma_semaphore, #tpu.memory_space<semaphore_mem>>)
    %dma_wait3A = arith.constant 0 : i32
    %dma_wait3A_5 = arith.constant 0 : i32
    %dma_wait3A_6 = tpu.memref_slice %arg2[%dma_wait3A, %dma_wait3A_5] : memref<32768x128xf32, #tpu.memory_space<hbm>> -> memref<32768x128xf32, #tpu.memory_space<hbm>>
    tpu.wait_indirect_dma semaphore(%arg7 : memref<!tpu.dma_semaphore, #tpu.memory_space<semaphore_mem>>) src(%dma_wait3A_6 : memref<32768x128xf32, #tpu.memory_space<hbm>>) dst(%arg6 : memref<256x128xf32, #tpu.memory_space<vmem>>)
    "tpu.region"() ({
      %run_scoped3A = tpu.sem_alloc : memref<!tpu.dma_semaphore, #tpu.memory_space<semaphore_mem>>
      %dma_start3A_7 = arith.constant 0 : i32
      %dma_start3A_8 = tpu.memref_slice %arg4[%mul3A_2, %dma_start3A_7] : memref<8192x128xf32, #tpu.memory_space<hbm>> -> memref<256x128xf32, #tpu.memory_space<hbm>>
      %dma_start3A_9 = arith.constant 0 : i32
      %dma_start3A_10 = tpu.memref_slice %arg4[%mul3A_2, %dma_start3A_9] : memref<8192x128xf32, #tpu.memory_space<hbm>> -> memref<256x128xf32, #tpu.memory_space<hbm>>
      tpu.enqueue_dma source(%arg6 : memref<256x128xf32, #tpu.memory_space<vmem>>) target(%dma_start3A_10 : memref<256x128xf32, #tpu.memory_space<hbm>>) target_semaphore(%run_scoped3A : memref<!tpu.dma_semaphore, #tpu.memory_space<semaphore_mem>>)
      %dma_wait3A_11 = arith.constant 0 : i32
      %dma_wait3A_12 = tpu.memref_slice %arg4[%mul3A_2, %dma_wait3A_11] : memref<8192x128xf32, #tpu.memory_space<hbm>> -> memref<256x128xf32, #tpu.memory_space<hbm>>
      %dma_wait3A_13 = arith.constant 0 : i32
      %dma_wait3A_14 = tpu.memref_slice %arg4[%mul3A_2, %dma_wait3A_13] : memref<8192x128xf32, #tpu.memory_space<hbm>> -> memref<256x128xf32, #tpu.memory_space<hbm>>
      tpu.wait_dma2 semaphore(%run_scoped3A : memref<!tpu.dma_semaphore, #tpu.memory_space<semaphore_mem>>) src(%arg6 : memref<256x128xf32, #tpu.memory_space<vmem>>) dst(%dma_wait3A_14 : memref<256x128xf32, #tpu.memory_space<hbm>>)
      tpu.yield
    }) : () -> ()
    return
  }
}

#map = affine_map<(d0, d1) -> (0, 0)>
#map1 = affine_map<(d0, d1) -> (0)>
module attributes {stable_mosaic.version = 14 : i64} {
  func.func @_scb_body(%arg0: i32, %arg1: i32, %arg2: memref<32768x128xf32, #tpu.memory_space<hbm>>, %arg3: memref<262144xi32, #tpu.memory_space<hbm>>, %arg4: memref<524288xf32, #tpu.memory_space<hbm>>, %arg5: memref<8192xi32, #tpu.memory_space<vmem>>, %arg6: memref<32x128xf32, #tpu.memory_space<vmem>>, %arg7: memref<32x128xf32, #tpu.memory_space<vmem>>, %arg8: memref<16384xf32, #tpu.memory_space<vmem>>, %arg9: memref<!tpu.dma_semaphore, #tpu.memory_space<semaphore_mem>>) attributes {dimension_semantics = [#tpu.dimension_semantics<core_parallel>, #tpu.dimension_semantics<subcore_parallel>], iteration_bounds = array<i64: 2, 16>, scalar_prefetch = 0 : i64, scratch_operands = 5 : i64, tpu.core_type = #tpu.core_type<sc_vector_subcore>, window_params = [{transform_indices = #map}, {transform_indices = #map1}, {transform_indices = #map1}]} {
    %mul3A = arith.constant 2 : i32
    %mul3A_0 = arith.muli %arg1, %mul3A : i32
    %add3A = arith.addi %mul3A_0, %arg0 : i32
    %mul3A_1 = arith.constant 256 : i32
    %mul3A_2 = arith.muli %add3A, %mul3A_1 : i32
    %mul3A_3 = arith.constant 32 : i32
    %mul3A_4 = arith.muli %mul3A_2, %mul3A_3 : i32
    "tpu.region"() ({
      %run_scoped3A = tpu.sem_alloc : memref<!tpu.dma_semaphore, #tpu.memory_space<semaphore_mem>>
      %dma_start3A_21 = tpu.memref_slice %arg3[%mul3A_4] : memref<262144xi32, #tpu.memory_space<hbm>> -> memref<8192xi32, #tpu.memory_space<hbm>>
      %dma_start3A_22 = tpu.memref_slice %arg3[%mul3A_4] : memref<262144xi32, #tpu.memory_space<hbm>> -> memref<8192xi32, #tpu.memory_space<hbm>>
      tpu.enqueue_dma source(%dma_start3A_22 : memref<8192xi32, #tpu.memory_space<hbm>>) target(%arg5 : memref<8192xi32, #tpu.memory_space<vmem>>) target_semaphore(%run_scoped3A : memref<!tpu.dma_semaphore, #tpu.memory_space<semaphore_mem>>)
      %dma_wait3A = tpu.memref_slice %arg3[%mul3A_4] : memref<262144xi32, #tpu.memory_space<hbm>> -> memref<8192xi32, #tpu.memory_space<hbm>>
      %dma_wait3A_23 = tpu.memref_slice %arg3[%mul3A_4] : memref<262144xi32, #tpu.memory_space<hbm>> -> memref<8192xi32, #tpu.memory_space<hbm>>
      tpu.wait_dma2 semaphore(%run_scoped3A : memref<!tpu.dma_semaphore, #tpu.memory_space<semaphore_mem>>) src(%dma_wait3A_23 : memref<8192xi32, #tpu.memory_space<hbm>>) dst(%arg5 : memref<8192xi32, #tpu.memory_space<vmem>>)
      tpu.yield
    }) : () -> ()
    %dma_start3A = arith.constant 0 : i32
    %dma_start3A_5 = tpu.memref_slice %arg5[%dma_start3A] : memref<8192xi32, #tpu.memory_space<vmem>> -> memref<32xi32, #tpu.memory_space<vmem>>
    %dma_start3A_6 = arith.constant 0 : i32
    %dma_start3A_7 = arith.constant 0 : i32
    %dma_start3A_8 = tpu.memref_slice %arg2[%dma_start3A_6, %dma_start3A_7] : memref<32768x128xf32, #tpu.memory_space<hbm>> -> memref<32768x128xf32, #tpu.memory_space<hbm>>
    tpu.enqueue_indirect_dma source(%dma_start3A_8 : memref<32768x128xf32, #tpu.memory_space<hbm>>) target(%arg6 : memref<32x128xf32, #tpu.memory_space<vmem>>) offsets(%dma_start3A_5 : memref<32xi32, #tpu.memory_space<vmem>>) semaphore(%arg9 : memref<!tpu.dma_semaphore, #tpu.memory_space<semaphore_mem>>)
    %dma_start3A_9 = arith.constant 32 : i32
    %dma_start3A_10 = tpu.memref_slice %arg5[%dma_start3A_9] : memref<8192xi32, #tpu.memory_space<vmem>> -> memref<32xi32, #tpu.memory_space<vmem>>
    %dma_start3A_11 = arith.constant 0 : i32
    %dma_start3A_12 = arith.constant 0 : i32
    %dma_start3A_13 = tpu.memref_slice %arg2[%dma_start3A_11, %dma_start3A_12] : memref<32768x128xf32, #tpu.memory_space<hbm>> -> memref<32768x128xf32, #tpu.memory_space<hbm>>
    tpu.enqueue_indirect_dma source(%dma_start3A_13 : memref<32768x128xf32, #tpu.memory_space<hbm>>) target(%arg7 : memref<32x128xf32, #tpu.memory_space<vmem>>) offsets(%dma_start3A_10 : memref<32xi32, #tpu.memory_space<vmem>>) semaphore(%arg9 : memref<!tpu.dma_semaphore, #tpu.memory_space<semaphore_mem>>)
    %scan3A = arith.constant 0 : i32
    %scan3A_14 = arith.constant 0 : i32
    %scan3A_15 = arith.constant 128 : i32
    %scan3A_16 = arith.addi %scan3A_14, %scan3A_15 : i32
    %scan3A_17 = arith.constant 1 : i32
    scf.for %scan3A_21 = %scan3A_14 to %scan3A_16 step %scan3A_17  : i32 {
      %mul3A_22 = arith.constant 2 : i32
      %mul3A_23 = arith.muli %scan3A_21, %mul3A_22 : i32
      %dma_wait3A = arith.constant 0 : i32
      %dma_wait3A_24 = tpu.memref_slice %arg5[%dma_wait3A] : memref<8192xi32, #tpu.memory_space<vmem>> -> memref<32xi32, #tpu.memory_space<vmem>>
      %dma_wait3A_25 = arith.constant 0 : i32
      %dma_wait3A_26 = arith.constant 0 : i32
      %dma_wait3A_27 = tpu.memref_slice %arg2[%dma_wait3A_25, %dma_wait3A_26] : memref<32768x128xf32, #tpu.memory_space<hbm>> -> memref<32768x128xf32, #tpu.memory_space<hbm>>
      tpu.wait_indirect_dma semaphore(%arg9 : memref<!tpu.dma_semaphore, #tpu.memory_space<semaphore_mem>>) src(%dma_wait3A_27 : memref<32768x128xf32, #tpu.memory_space<hbm>>) dst(%arg6 : memref<32x128xf32, #tpu.memory_space<vmem>>)
      %get3A = arith.constant 0 : i32
      %get3A_28 = arith.index_cast %get3A : i32 to index
      %get3A_29 = arith.constant 0 : index
      %get3A_30 = tpu.vector_load %arg6[%get3A_28, %get3A_29] {strides = array<i32>} : memref<32x128xf32, #tpu.memory_space<vmem>>, vector<1x16xf32>,
      %get3A_31 = vector.shape_cast %get3A_30 : vector<1x16xf32> to vector<16xf32>
      %get3A_32 = arith.constant 1 : i32
      %get3A_33 = arith.index_cast %get3A_32 : i32 to index
      %get3A_34 = arith.constant 0 : index
      %get3A_35 = tpu.vector_load %arg6[%get3A_33, %get3A_34] {strides = array<i32>} : memref<32x128xf32, #tpu.memory_space<vmem>>, vector<1x16xf32>,
      %get3A_36 = vector.shape_cast %get3A_35 : vector<1x16xf32> to vector<16xf32>
      %max3A = arith.maximumf %get3A_31, %get3A_36 : vector<16xf32>
      %get3A_37 = arith.constant 2 : i32
      %get3A_38 = arith.index_cast %get3A_37 : i32 to index
      %get3A_39 = arith.constant 0 : index
      %get3A_40 = tpu.vector_load %arg6[%get3A_38, %get3A_39] {strides = array<i32>} : memref<32x128xf32, #tpu.memory_space<vmem>>, vector<1x16xf32>,
      %get3A_41 = vector.shape_cast %get3A_40 : vector<1x16xf32> to vector<16xf32>
      %max3A_42 = arith.maximumf %max3A, %get3A_41 : vector<16xf32>
      %get3A_43 = arith.constant 3 : i32
      %get3A_44 = arith.index_cast %get3A_43 : i32 to index
      %get3A_45 = arith.constant 0 : index
      %get3A_46 = tpu.vector_load %arg6[%get3A_44, %get3A_45] {strides = array<i32>} : memref<32x128xf32, #tpu.memory_space<vmem>>, vector<1x16xf32>,
      %get3A_47 = vector.shape_cast %get3A_46 : vector<1x16xf32> to vector<16xf32>
      %max3A_48 = arith.maximumf %max3A_42, %get3A_47 : vector<16xf32>
      %get3A_49 = arith.constant 4 : i32
      %get3A_50 = arith.index_cast %get3A_49 : i32 to index
      %get3A_51 = arith.constant 0 : index
      %get3A_52 = tpu.vector_load %arg6[%get3A_50, %get3A_51] {strides = array<i32>} : memref<32x128xf32, #tpu.memory_space<vmem>>, vector<1x16xf32>,
      %get3A_53 = vector.shape_cast %get3A_52 : vector<1x16xf32> to vector<16xf32>
      %max3A_54 = arith.maximumf %max3A_48, %get3A_53 : vector<16xf32>
      %get3A_55 = arith.constant 5 : i32
      %get3A_56 = arith.index_cast %get3A_55 : i32 to index
      %get3A_57 = arith.constant 0 : index
      %get3A_58 = tpu.vector_load %arg6[%get3A_56, %get3A_57] {strides = array<i32>} : memref<32x128xf32, #tpu.memory_space<vmem>>, vector<1x16xf32>,
      %get3A_59 = vector.shape_cast %get3A_58 : vector<1x16xf32> to vector<16xf32>
      %max3A_60 = arith.maximumf %max3A_54, %get3A_59 : vector<16xf32>
      %get3A_61 = arith.constant 6 : i32
      %get3A_62 = arith.index_cast %get3A_61 : i32 to index
      %get3A_63 = arith.constant 0 : index
      %get3A_64 = tpu.vector_load %arg6[%get3A_62, %get3A_63] {strides = array<i32>} : memref<32x128xf32, #tpu.memory_space<vmem>>, vector<1x16xf32>,
      %get3A_65 = vector.shape_cast %get3A_64 : vector<1x16xf32> to vector<16xf32>
      %max3A_66 = arith.maximumf %max3A_60, %get3A_65 : vector<16xf32>
      %get3A_67 = arith.constant 7 : i32
      %get3A_68 = arith.index_cast %get3A_67 : i32 to index
      %get3A_69 = arith.constant 0 : index
      %get3A_70 = tpu.vector_load %arg6[%get3A_68, %get3A_69] {strides = array<i32>} : memref<32x128xf32, #tpu.memory_space<vmem>>, vector<1x16xf32>,
      %get3A_71 = vector.shape_cast %get3A_70 : vector<1x16xf32> to vector<16xf32>
      %max3A_72 = arith.maximumf %max3A_66, %get3A_71 : vector<16xf32>
      %get3A_73 = arith.constant 8 : i32
      %get3A_74 = arith.index_cast %get3A_73 : i32 to index
      %get3A_75 = arith.constant 0 : index
      %get3A_76 = tpu.vector_load %arg6[%get3A_74, %get3A_75] {strides = array<i32>} : memref<32x128xf32, #tpu.memory_space<vmem>>, vector<1x16xf32>,
      %get3A_77 = vector.shape_cast %get3A_76 : vector<1x16xf32> to vector<16xf32>
      %max3A_78 = arith.maximumf %max3A_72, %get3A_77 : vector<16xf32>
      %get3A_79 = arith.constant 9 : i32
      %get3A_80 = arith.index_cast %get3A_79 : i32 to index
      %get3A_81 = arith.constant 0 : index
      %get3A_82 = tpu.vector_load %arg6[%get3A_80, %get3A_81] {strides = array<i32>} : memref<32x128xf32, #tpu.memory_space<vmem>>, vector<1x16xf32>,
      %get3A_83 = vector.shape_cast %get3A_82 : vector<1x16xf32> to vector<16xf32>
      %max3A_84 = arith.maximumf %max3A_78, %get3A_83 : vector<16xf32>
      %get3A_85 = arith.constant 10 : i32
      %get3A_86 = arith.index_cast %get3A_85 : i32 to index
      %get3A_87 = arith.constant 0 : index
      %get3A_88 = tpu.vector_load %arg6[%get3A_86, %get3A_87] {strides = array<i32>} : memref<32x128xf32, #tpu.memory_space<vmem>>, vector<1x16xf32>,
      %get3A_89 = vector.shape_cast %get3A_88 : vector<1x16xf32> to vector<16xf32>
      %max3A_90 = arith.maximumf %max3A_84, %get3A_89 : vector<16xf32>
      %get3A_91 = arith.constant 11 : i32
      %get3A_92 = arith.index_cast %get3A_91 : i32 to index
      %get3A_93 = arith.constant 0 : index
      %get3A_94 = tpu.vector_load %arg6[%get3A_92, %get3A_93] {strides = array<i32>} : memref<32x128xf32, #tpu.memory_space<vmem>>, vector<1x16xf32>,
      %get3A_95 = vector.shape_cast %get3A_94 : vector<1x16xf32> to vector<16xf32>
      %max3A_96 = arith.maximumf %max3A_90, %get3A_95 : vector<16xf32>
      %get3A_97 = arith.constant 12 : i32
      %get3A_98 = arith.index_cast %get3A_97 : i32 to index
      %get3A_99 = arith.constant 0 : index
      %get3A_100 = tpu.vector_load %arg6[%get3A_98, %get3A_99] {strides = array<i32>} : memref<32x128xf32, #tpu.memory_space<vmem>>, vector<1x16xf32>,
      %get3A_101 = vector.shape_cast %get3A_100 : vector<1x16xf32> to vector<16xf32>
      %max3A_102 = arith.maximumf %max3A_96, %get3A_101 : vector<16xf32>
      %get3A_103 = arith.constant 13 : i32
      %get3A_104 = arith.index_cast %get3A_103 : i32 to index
      %get3A_105 = arith.constant 0 : index
      %get3A_106 = tpu.vector_load %arg6[%get3A_104, %get3A_105] {strides = array<i32>} : memref<32x128xf32, #tpu.memory_space<vmem>>, vector<1x16xf32>,
      %get3A_107 = vector.shape_cast %get3A_106 : vector<1x16xf32> to vector<16xf32>
      %max3A_108 = arith.maximumf %max3A_102, %get3A_107 : vector<16xf32>
      %get3A_109 = arith.constant 14 : i32
      %get3A_110 = arith.index_cast %get3A_109 : i32 to index
      %get3A_111 = arith.constant 0 : index
      %get3A_112 = tpu.vector_load %arg6[%get3A_110, %get3A_111] {strides = array<i32>} : memref<32x128xf32, #tpu.memory_space<vmem>>, vector<1x16xf32>,
      %get3A_113 = vector.shape_cast %get3A_112 : vector<1x16xf32> to vector<16xf32>
      %max3A_114 = arith.maximumf %max3A_108, %get3A_113 : vector<16xf32>
      %get3A_115 = arith.constant 15 : i32
      %get3A_116 = arith.index_cast %get3A_115 : i32 to index
      %get3A_117 = arith.constant 0 : index
      %get3A_118 = tpu.vector_load %arg6[%get3A_116, %get3A_117] {strides = array<i32>} : memref<32x128xf32, #tpu.memory_space<vmem>>, vector<1x16xf32>,
      %get3A_119 = vector.shape_cast %get3A_118 : vector<1x16xf32> to vector<16xf32>
      %max3A_120 = arith.maximumf %max3A_114, %get3A_119 : vector<16xf32>
      %get3A_121 = arith.constant 16 : i32
      %get3A_122 = arith.index_cast %get3A_121 : i32 to index
      %get3A_123 = arith.constant 0 : index
      %get3A_124 = tpu.vector_load %arg6[%get3A_122, %get3A_123] {strides = array<i32>} : memref<32x128xf32, #tpu.memory_space<vmem>>, vector<1x16xf32>,
      %get3A_125 = vector.shape_cast %get3A_124 : vector<1x16xf32> to vector<16xf32>
      %max3A_126 = arith.maximumf %max3A_120, %get3A_125 : vector<16xf32>
      %get3A_127 = arith.constant 17 : i32
      %get3A_128 = arith.index_cast %get3A_127 : i32 to index
      %get3A_129 = arith.constant 0 : index
      %get3A_130 = tpu.vector_load %arg6[%get3A_128, %get3A_129] {strides = array<i32>} : memref<32x128xf32, #tpu.memory_space<vmem>>, vector<1x16xf32>,
      %get3A_131 = vector.shape_cast %get3A_130 : vector<1x16xf32> to vector<16xf32>
      %max3A_132 = arith.maximumf %max3A_126, %get3A_131 : vector<16xf32>
      %get3A_133 = arith.constant 18 : i32
      %get3A_134 = arith.index_cast %get3A_133 : i32 to index
      %get3A_135 = arith.constant 0 : index
      %get3A_136 = tpu.vector_load %arg6[%get3A_134, %get3A_135] {strides = array<i32>} : memref<32x128xf32, #tpu.memory_space<vmem>>, vector<1x16xf32>,
      %get3A_137 = vector.shape_cast %get3A_136 : vector<1x16xf32> to vector<16xf32>
      %max3A_138 = arith.maximumf %max3A_132, %get3A_137 : vector<16xf32>
      %get3A_139 = arith.constant 19 : i32
      %get3A_140 = arith.index_cast %get3A_139 : i32 to index
      %get3A_141 = arith.constant 0 : index
      %get3A_142 = tpu.vector_load %arg6[%get3A_140, %get3A_141] {strides = array<i32>} : memref<32x128xf32, #tpu.memory_space<vmem>>, vector<1x16xf32>,
      %get3A_143 = vector.shape_cast %get3A_142 : vector<1x16xf32> to vector<16xf32>
      %max3A_144 = arith.maximumf %max3A_138, %get3A_143 : vector<16xf32>
      %get3A_145 = arith.constant 20 : i32
      %get3A_146 = arith.index_cast %get3A_145 : i32 to index
      %get3A_147 = arith.constant 0 : index
      %get3A_148 = tpu.vector_load %arg6[%get3A_146, %get3A_147] {strides = array<i32>} : memref<32x128xf32, #tpu.memory_space<vmem>>, vector<1x16xf32>,
      %get3A_149 = vector.shape_cast %get3A_148 : vector<1x16xf32> to vector<16xf32>
      %max3A_150 = arith.maximumf %max3A_144, %get3A_149 : vector<16xf32>
      %get3A_151 = arith.constant 21 : i32
      %get3A_152 = arith.index_cast %get3A_151 : i32 to index
      %get3A_153 = arith.constant 0 : index
      %get3A_154 = tpu.vector_load %arg6[%get3A_152, %get3A_153] {strides = array<i32>} : memref<32x128xf32, #tpu.memory_space<vmem>>, vector<1x16xf32>,
      %get3A_155 = vector.shape_cast %get3A_154 : vector<1x16xf32> to vector<16xf32>
      %max3A_156 = arith.maximumf %max3A_150, %get3A_155 : vector<16xf32>
      %get3A_157 = arith.constant 22 : i32
      %get3A_158 = arith.index_cast %get3A_157 : i32 to index
      %get3A_159 = arith.constant 0 : index
      %get3A_160 = tpu.vector_load %arg6[%get3A_158, %get3A_159] {strides = array<i32>} : memref<32x128xf32, #tpu.memory_space<vmem>>, vector<1x16xf32>,
      %get3A_161 = vector.shape_cast %get3A_160 : vector<1x16xf32> to vector<16xf32>
      %max3A_162 = arith.maximumf %max3A_156, %get3A_161 : vector<16xf32>
      %get3A_163 = arith.constant 23 : i32
      %get3A_164 = arith.index_cast %get3A_163 : i32 to index
      %get3A_165 = arith.constant 0 : index
      %get3A_166 = tpu.vector_load %arg6[%get3A_164, %get3A_165] {strides = array<i32>} : memref<32x128xf32, #tpu.memory_space<vmem>>, vector<1x16xf32>,
      %get3A_167 = vector.shape_cast %get3A_166 : vector<1x16xf32> to vector<16xf32>
      %max3A_168 = arith.maximumf %max3A_162, %get3A_167 : vector<16xf32>
      %get3A_169 = arith.constant 24 : i32
      %get3A_170 = arith.index_cast %get3A_169 : i32 to index
      %get3A_171 = arith.constant 0 : index
      %get3A_172 = tpu.vector_load %arg6[%get3A_170, %get3A_171] {strides = array<i32>} : memref<32x128xf32, #tpu.memory_space<vmem>>, vector<1x16xf32>,
      %get3A_173 = vector.shape_cast %get3A_172 : vector<1x16xf32> to vector<16xf32>
      %max3A_174 = arith.maximumf %max3A_168, %get3A_173 : vector<16xf32>
      %get3A_175 = arith.constant 25 : i32
      %get3A_176 = arith.index_cast %get3A_175 : i32 to index
      %get3A_177 = arith.constant 0 : index
      %get3A_178 = tpu.vector_load %arg6[%get3A_176, %get3A_177] {strides = array<i32>} : memref<32x128xf32, #tpu.memory_space<vmem>>, vector<1x16xf32>,
      %get3A_179 = vector.shape_cast %get3A_178 : vector<1x16xf32> to vector<16xf32>
      %max3A_180 = arith.maximumf %max3A_174, %get3A_179 : vector<16xf32>
      %get3A_181 = arith.constant 26 : i32
      %get3A_182 = arith.index_cast %get3A_181 : i32 to index
      %get3A_183 = arith.constant 0 : index
      %get3A_184 = tpu.vector_load %arg6[%get3A_182, %get3A_183] {strides = array<i32>} : memref<32x128xf32, #tpu.memory_space<vmem>>, vector<1x16xf32>,
      %get3A_185 = vector.shape_cast %get3A_184 : vector<1x16xf32> to vector<16xf32>
      %max3A_186 = arith.maximumf %max3A_180, %get3A_185 : vector<16xf32>
      %get3A_187 = arith.constant 27 : i32
      %get3A_188 = arith.index_cast %get3A_187 : i32 to index
      %get3A_189 = arith.constant 0 : index
      %get3A_190 = tpu.vector_load %arg6[%get3A_188, %get3A_189] {strides = array<i32>} : memref<32x128xf32, #tpu.memory_space<vmem>>, vector<1x16xf32>,
      %get3A_191 = vector.shape_cast %get3A_190 : vector<1x16xf32> to vector<16xf32>
      %max3A_192 = arith.maximumf %max3A_186, %get3A_191 : vector<16xf32>
      %get3A_193 = arith.constant 28 : i32
      %get3A_194 = arith.index_cast %get3A_193 : i32 to index
      %get3A_195 = arith.constant 0 : index
      %get3A_196 = tpu.vector_load %arg6[%get3A_194, %get3A_195] {strides = array<i32>} : memref<32x128xf32, #tpu.memory_space<vmem>>, vector<1x16xf32>,
      %get3A_197 = vector.shape_cast %get3A_196 : vector<1x16xf32> to vector<16xf32>
      %max3A_198 = arith.maximumf %max3A_192, %get3A_197 : vector<16xf32>
      %get3A_199 = arith.constant 29 : i32
      %get3A_200 = arith.index_cast %get3A_199 : i32 to index
      %get3A_201 = arith.constant 0 : index
      %get3A_202 = tpu.vector_load %arg6[%get3A_200, %get3A_201] {strides = array<i32>} : memref<32x128xf32, #tpu.memory_space<vmem>>, vector<1x16xf32>,
      %get3A_203 = vector.shape_cast %get3A_202 : vector<1x16xf32> to vector<16xf32>
      %max3A_204 = arith.maximumf %max3A_198, %get3A_203 : vector<16xf32>
      %get3A_205 = arith.constant 30 : i32
      %get3A_206 = arith.index_cast %get3A_205 : i32 to index
      %get3A_207 = arith.constant 0 : index
      %get3A_208 = tpu.vector_load %arg6[%get3A_206, %get3A_207] {strides = array<i32>} : memref<32x128xf32, #tpu.memory_space<vmem>>, vector<1x16xf32>,
      %get3A_209 = vector.shape_cast %get3A_208 : vector<1x16xf32> to vector<16xf32>
      %max3A_210 = arith.maximumf %max3A_204, %get3A_209 : vector<16xf32>
      %get3A_211 = arith.constant 31 : i32
      %get3A_212 = arith.index_cast %get3A_211 : i32 to index
      %get3A_213 = arith.constant 0 : index
      %get3A_214 = tpu.vector_load %arg6[%get3A_212, %get3A_213] {strides = array<i32>} : memref<32x128xf32, #tpu.memory_space<vmem>>, vector<1x16xf32>,
      %get3A_215 = vector.shape_cast %get3A_214 : vector<1x16xf32> to vector<16xf32>
      %max3A_216 = arith.maximumf %max3A_210, %get3A_215 : vector<16xf32>
      %mul3A_217 = arith.constant 64 : i32
      %mul3A_218 = arith.muli %mul3A_23, %mul3A_217 : i32
      %add3A_219 = arith.constant 0 : i32
      %add3A_220 = arith.addi %mul3A_218, %add3A_219 : i32
      %swap3A = arith.index_cast %add3A_220 : i32 to index
      %swap3A_221 = tpu.vector_load %arg8[%swap3A] {strides = array<i32>} : memref<16384xf32, #tpu.memory_space<vmem>>, vector<16xf32>,
      %swap3A_222 = vector.shape_cast %swap3A_221 : vector<16xf32> to vector<16xf32>
      %swap3A_223 = vector.shape_cast %max3A_216 : vector<16xf32> to vector<16xf32>
      tpu.vector_store %arg8[%swap3A], %swap3A_223 {strides = array<i32>} : memref<16384xf32, #tpu.memory_space<vmem>>, vector<16xf32>,
      %get3A_224 = arith.constant 0 : i32
      %get3A_225 = arith.index_cast %get3A_224 : i32 to index
      %get3A_226 = arith.constant 16 : index
      %get3A_227 = tpu.vector_load %arg6[%get3A_225, %get3A_226] {strides = array<i32>} : memref<32x128xf32, #tpu.memory_space<vmem>>, vector<1x16xf32>,
      %get3A_228 = vector.shape_cast %get3A_227 : vector<1x16xf32> to vector<16xf32>
      %get3A_229 = arith.constant 1 : i32
      %get3A_230 = arith.index_cast %get3A_229 : i32 to index
      %get3A_231 = arith.constant 16 : index
      %get3A_232 = tpu.vector_load %arg6[%get3A_230, %get3A_231] {strides = array<i32>} : memref<32x128xf32, #tpu.memory_space<vmem>>, vector<1x16xf32>,
      %get3A_233 = vector.shape_cast %get3A_232 : vector<1x16xf32> to vector<16xf32>
      %max3A_234 = arith.maximumf %get3A_228, %get3A_233 : vector<16xf32>
      %get3A_235 = arith.constant 2 : i32
      %get3A_236 = arith.index_cast %get3A_235 : i32 to index
      %get3A_237 = arith.constant 16 : index
      %get3A_238 = tpu.vector_load %arg6[%get3A_236, %get3A_237] {strides = array<i32>} : memref<32x128xf32, #tpu.memory_space<vmem>>, vector<1x16xf32>,
      %get3A_239 = vector.shape_cast %get3A_238 : vector<1x16xf32> to vector<16xf32>
      %max3A_240 = arith.maximumf %max3A_234, %get3A_239 : vector<16xf32>
      %get3A_241 = arith.constant 3 : i32
      %get3A_242 = arith.index_cast %get3A_241 : i32 to index
      %get3A_243 = arith.constant 16 : index
      %get3A_244 = tpu.vector_load %arg6[%get3A_242, %get3A_243] {strides = array<i32>} : memref<32x128xf32, #tpu.memory_space<vmem>>, vector<1x16xf32>,
      %get3A_245 = vector.shape_cast %get3A_244 : vector<1x16xf32> to vector<16xf32>
      %max3A_246 = arith.maximumf %max3A_240, %get3A_245 : vector<16xf32>
      %get3A_247 = arith.constant 4 : i32
      %get3A_248 = arith.index_cast %get3A_247 : i32 to index
      %get3A_249 = arith.constant 16 : index
      %get3A_250 = tpu.vector_load %arg6[%get3A_248, %get3A_249] {strides = array<i32>} : memref<32x128xf32, #tpu.memory_space<vmem>>, vector<1x16xf32>,
      %get3A_251 = vector.shape_cast %get3A_250 : vector<1x16xf32> to vector<16xf32>
      %max3A_252 = arith.maximumf %max3A_246, %get3A_251 : vector<16xf32>
      %get3A_253 = arith.constant 5 : i32
      %get3A_254 = arith.index_cast %get3A_253 : i32 to index
      %get3A_255 = arith.constant 16 : index
      %get3A_256 = tpu.vector_load %arg6[%get3A_254, %get3A_255] {strides = array<i32>} : memref<32x128xf32, #tpu.memory_space<vmem>>, vector<1x16xf32>,
      %get3A_257 = vector.shape_cast %get3A_256 : vector<1x16xf32> to vector<16xf32>
      %max3A_258 = arith.maximumf %max3A_252, %get3A_257 : vector<16xf32>
      %get3A_259 = arith.constant 6 : i32
      %get3A_260 = arith.index_cast %get3A_259 : i32 to index
      %get3A_261 = arith.constant 16 : index
      %get3A_262 = tpu.vector_load %arg6[%get3A_260, %get3A_261] {strides = array<i32>} : memref<32x128xf32, #tpu.memory_space<vmem>>, vector<1x16xf32>,
      %get3A_263 = vector.shape_cast %get3A_262 : vector<1x16xf32> to vector<16xf32>
      %max3A_264 = arith.maximumf %max3A_258, %get3A_263 : vector<16xf32>
      %get3A_265 = arith.constant 7 : i32
      %get3A_266 = arith.index_cast %get3A_265 : i32 to index
      %get3A_267 = arith.constant 16 : index
      %get3A_268 = tpu.vector_load %arg6[%get3A_266, %get3A_267] {strides = array<i32>} : memref<32x128xf32, #tpu.memory_space<vmem>>, vector<1x16xf32>,
      %get3A_269 = vector.shape_cast %get3A_268 : vector<1x16xf32> to vector<16xf32>
      %max3A_270 = arith.maximumf %max3A_264, %get3A_269 : vector<16xf32>
      %get3A_271 = arith.constant 8 : i32
      %get3A_272 = arith.index_cast %get3A_271 : i32 to index
      %get3A_273 = arith.constant 16 : index
      %get3A_274 = tpu.vector_load %arg6[%get3A_272, %get3A_273] {strides = array<i32>} : memref<32x128xf32, #tpu.memory_space<vmem>>, vector<1x16xf32>,
      %get3A_275 = vector.shape_cast %get3A_274 : vector<1x16xf32> to vector<16xf32>
      %max3A_276 = arith.maximumf %max3A_270, %get3A_275 : vector<16xf32>
      %get3A_277 = arith.constant 9 : i32
      %get3A_278 = arith.index_cast %get3A_277 : i32 to index
      %get3A_279 = arith.constant 16 : index
      %get3A_280 = tpu.vector_load %arg6[%get3A_278, %get3A_279] {strides = array<i32>} : memref<32x128xf32, #tpu.memory_space<vmem>>, vector<1x16xf32>,
      %get3A_281 = vector.shape_cast %get3A_280 : vector<1x16xf32> to vector<16xf32>
      %max3A_282 = arith.maximumf %max3A_276, %get3A_281 : vector<16xf32>
      %get3A_283 = arith.constant 10 : i32
      %get3A_284 = arith.index_cast %get3A_283 : i32 to index
      %get3A_285 = arith.constant 16 : index
      %get3A_286 = tpu.vector_load %arg6[%get3A_284, %get3A_285] {strides = array<i32>} : memref<32x128xf32, #tpu.memory_space<vmem>>, vector<1x16xf32>,
      %get3A_287 = vector.shape_cast %get3A_286 : vector<1x16xf32> to vector<16xf32>
      %max3A_288 = arith.maximumf %max3A_282, %get3A_287 : vector<16xf32>
      %get3A_289 = arith.constant 11 : i32
      %get3A_290 = arith.index_cast %get3A_289 : i32 to index
      %get3A_291 = arith.constant 16 : index
      %get3A_292 = tpu.vector_load %arg6[%get3A_290, %get3A_291] {strides = array<i32>} : memref<32x128xf32, #tpu.memory_space<vmem>>, vector<1x16xf32>,
      %get3A_293 = vector.shape_cast %get3A_292 : vector<1x16xf32> to vector<16xf32>
      %max3A_294 = arith.maximumf %max3A_288, %get3A_293 : vector<16xf32>
      %get3A_295 = arith.constant 12 : i32
      %get3A_296 = arith.index_cast %get3A_295 : i32 to index
      %get3A_297 = arith.constant 16 : index
      %get3A_298 = tpu.vector_load %arg6[%get3A_296, %get3A_297] {strides = array<i32>} : memref<32x128xf32, #tpu.memory_space<vmem>>, vector<1x16xf32>,
      %get3A_299 = vector.shape_cast %get3A_298 : vector<1x16xf32> to vector<16xf32>
      %max3A_300 = arith.maximumf %max3A_294, %get3A_299 : vector<16xf32>
      %get3A_301 = arith.constant 13 : i32
      %get3A_302 = arith.index_cast %get3A_301 : i32 to index
      %get3A_303 = arith.constant 16 : index
      %get3A_304 = tpu.vector_load %arg6[%get3A_302, %get3A_303] {strides = array<i32>} : memref<32x128xf32, #tpu.memory_space<vmem>>, vector<1x16xf32>,
      %get3A_305 = vector.shape_cast %get3A_304 : vector<1x16xf32> to vector<16xf32>
      %max3A_306 = arith.maximumf %max3A_300, %get3A_305 : vector<16xf32>
      %get3A_307 = arith.constant 14 : i32
      %get3A_308 = arith.index_cast %get3A_307 : i32 to index
      %get3A_309 = arith.constant 16 : index
      %get3A_310 = tpu.vector_load %arg6[%get3A_308, %get3A_309] {strides = array<i32>} : memref<32x128xf32, #tpu.memory_space<vmem>>, vector<1x16xf32>,
      %get3A_311 = vector.shape_cast %get3A_310 : vector<1x16xf32> to vector<16xf32>
      %max3A_312 = arith.maximumf %max3A_306, %get3A_311 : vector<16xf32>
      %get3A_313 = arith.constant 15 : i32
      %get3A_314 = arith.index_cast %get3A_313 : i32 to index
      %get3A_315 = arith.constant 16 : index
      %get3A_316 = tpu.vector_load %arg6[%get3A_314, %get3A_315] {strides = array<i32>} : memref<32x128xf32, #tpu.memory_space<vmem>>, vector<1x16xf32>,
      %get3A_317 = vector.shape_cast %get3A_316 : vector<1x16xf32> to vector<16xf32>
      %max3A_318 = arith.maximumf %max3A_312, %get3A_317 : vector<16xf32>
      %get3A_319 = arith.constant 16 : i32
      %get3A_320 = arith.index_cast %get3A_319 : i32 to index
      %get3A_321 = arith.constant 16 : index
      %get3A_322 = tpu.vector_load %arg6[%get3A_320, %get3A_321] {strides = array<i32>} : memref<32x128xf32, #tpu.memory_space<vmem>>, vector<1x16xf32>,
      %get3A_323 = vector.shape_cast %get3A_322 : vector<1x16xf32> to vector<16xf32>
      %max3A_324 = arith.maximumf %max3A_318, %get3A_323 : vector<16xf32>
      %get3A_325 = arith.constant 17 : i32
      %get3A_326 = arith.index_cast %get3A_325 : i32 to index
      %get3A_327 = arith.constant 16 : index
      %get3A_328 = tpu.vector_load %arg6[%get3A_326, %get3A_327] {strides = array<i32>} : memref<32x128xf32, #tpu.memory_space<vmem>>, vector<1x16xf32>,
      %get3A_329 = vector.shape_cast %get3A_328 : vector<1x16xf32> to vector<16xf32>
      %max3A_330 = arith.maximumf %max3A_324, %get3A_329 : vector<16xf32>
      %get3A_331 = arith.constant 18 : i32
      %get3A_332 = arith.index_cast %get3A_331 : i32 to index
      %get3A_333 = arith.constant 16 : index
      %get3A_334 = tpu.vector_load %arg6[%get3A_332, %get3A_333] {strides = array<i32>} : memref<32x128xf32, #tpu.memory_space<vmem>>, vector<1x16xf32>,
      %get3A_335 = vector.shape_cast %get3A_334 : vector<1x16xf32> to vector<16xf32>
      %max3A_336 = arith.maximumf %max3A_330, %get3A_335 : vector<16xf32>
      %get3A_337 = arith.constant 19 : i32
      %get3A_338 = arith.index_cast %get3A_337 : i32 to index
      %get3A_339 = arith.constant 16 : index
      %get3A_340 = tpu.vector_load %arg6[%get3A_338, %get3A_339] {strides = array<i32>} : memref<32x128xf32, #tpu.memory_space<vmem>>, vector<1x16xf32>,
      %get3A_341 = vector.shape_cast %get3A_340 : vector<1x16xf32> to vector<16xf32>
      %max3A_342 = arith.maximumf %max3A_336, %get3A_341 : vector<16xf32>
      %get3A_343 = arith.constant 20 : i32
      %get3A_344 = arith.index_cast %get3A_343 : i32 to index
      %get3A_345 = arith.constant 16 : index
      %get3A_346 = tpu.vector_load %arg6[%get3A_344, %get3A_345] {strides = array<i32>} : memref<32x128xf32, #tpu.memory_space<vmem>>, vector<1x16xf32>,
      %get3A_347 = vector.shape_cast %get3A_346 : vector<1x16xf32> to vector<16xf32>
      %max3A_348 = arith.maximumf %max3A_342, %get3A_347 : vector<16xf32>
      %get3A_349 = arith.constant 21 : i32
      %get3A_350 = arith.index_cast %get3A_349 : i32 to index
      %get3A_351 = arith.constant 16 : index
      %get3A_352 = tpu.vector_load %arg6[%get3A_350, %get3A_351] {strides = array<i32>} : memref<32x128xf32, #tpu.memory_space<vmem>>, vector<1x16xf32>,
      %get3A_353 = vector.shape_cast %get3A_352 : vector<1x16xf32> to vector<16xf32>
      %max3A_354 = arith.maximumf %max3A_348, %get3A_353 : vector<16xf32>
      %get3A_355 = arith.constant 22 : i32
      %get3A_356 = arith.index_cast %get3A_355 : i32 to index
      %get3A_357 = arith.constant 16 : index
      %get3A_358 = tpu.vector_load %arg6[%get3A_356, %get3A_357] {strides = array<i32>} : memref<32x128xf32, #tpu.memory_space<vmem>>, vector<1x16xf32>,
      %get3A_359 = vector.shape_cast %get3A_358 : vector<1x16xf32> to vector<16xf32>
      %max3A_360 = arith.maximumf %max3A_354, %get3A_359 : vector<16xf32>
      %get3A_361 = arith.constant 23 : i32
      %get3A_362 = arith.index_cast %get3A_361 : i32 to index
      %get3A_363 = arith.constant 16 : index
      %get3A_364 = tpu.vector_load %arg6[%get3A_362, %get3A_363] {strides = array<i32>} : memref<32x128xf32, #tpu.memory_space<vmem>>, vector<1x16xf32>,
      %get3A_365 = vector.shape_cast %get3A_364 : vector<1x16xf32> to vector<16xf32>
      %max3A_366 = arith.maximumf %max3A_360, %get3A_365 : vector<16xf32>
      %get3A_367 = arith.constant 24 : i32
      %get3A_368 = arith.index_cast %get3A_367 : i32 to index
      %get3A_369 = arith.constant 16 : index
      %get3A_370 = tpu.vector_load %arg6[%get3A_368, %get3A_369] {strides = array<i32>} : memref<32x128xf32, #tpu.memory_space<vmem>>, vector<1x16xf32>,
      %get3A_371 = vector.shape_cast %get3A_370 : vector<1x16xf32> to vector<16xf32>
      %max3A_372 = arith.maximumf %max3A_366, %get3A_371 : vector<16xf32>
      %get3A_373 = arith.constant 25 : i32
      %get3A_374 = arith.index_cast %get3A_373 : i32 to index
      %get3A_375 = arith.constant 16 : index
      %get3A_376 = tpu.vector_load %arg6[%get3A_374, %get3A_375] {strides = array<i32>} : memref<32x128xf32, #tpu.memory_space<vmem>>, vector<1x16xf32>,
      %get3A_377 = vector.shape_cast %get3A_376 : vector<1x16xf32> to vector<16xf32>
      %max3A_378 = arith.maximumf %max3A_372, %get3A_377 : vector<16xf32>
      %get3A_379 = arith.constant 26 : i32
      %get3A_380 = arith.index_cast %get3A_379 : i32 to index
      %get3A_381 = arith.constant 16 : index
      %get3A_382 = tpu.vector_load %arg6[%get3A_380, %get3A_381] {strides = array<i32>} : memref<32x128xf32, #tpu.memory_space<vmem>>, vector<1x16xf32>,
      %get3A_383 = vector.shape_cast %get3A_382 : vector<1x16xf32> to vector<16xf32>
      %max3A_384 = arith.maximumf %max3A_378, %get3A_383 : vector<16xf32>
      %get3A_385 = arith.constant 27 : i32
      %get3A_386 = arith.index_cast %get3A_385 : i32 to index
      %get3A_387 = arith.constant 16 : index
      %get3A_388 = tpu.vector_load %arg6[%get3A_386, %get3A_387] {strides = array<i32>} : memref<32x128xf32, #tpu.memory_space<vmem>>, vector<1x16xf32>,
      %get3A_389 = vector.shape_cast %get3A_388 : vector<1x16xf32> to vector<16xf32>
      %max3A_390 = arith.maximumf %max3A_384, %get3A_389 : vector<16xf32>
      %get3A_391 = arith.constant 28 : i32
      %get3A_392 = arith.index_cast %get3A_391 : i32 to index
      %get3A_393 = arith.constant 16 : index
      %get3A_394 = tpu.vector_load %arg6[%get3A_392, %get3A_393] {strides = array<i32>} : memref<32x128xf32, #tpu.memory_space<vmem>>, vector<1x16xf32>,
      %get3A_395 = vector.shape_cast %get3A_394 : vector<1x16xf32> to vector<16xf32>
      %max3A_396 = arith.maximumf %max3A_390, %get3A_395 : vector<16xf32>
      %get3A_397 = arith.constant 29 : i32
      %get3A_398 = arith.index_cast %get3A_397 : i32 to index
      %get3A_399 = arith.constant 16 : index
      %get3A_400 = tpu.vector_load %arg6[%get3A_398, %get3A_399] {strides = array<i32>} : memref<32x128xf32, #tpu.memory_space<vmem>>, vector<1x16xf32>,
      %get3A_401 = vector.shape_cast %get3A_400 : vector<1x16xf32> to vector<16xf32>
      %max3A_402 = arith.maximumf %max3A_396, %get3A_401 : vector<16xf32>
      %get3A_403 = arith.constant 30 : i32
      %get3A_404 = arith.index_cast %get3A_403 : i32 to index
      %get3A_405 = arith.constant 16 : index
      %get3A_406 = tpu.vector_load %arg6[%get3A_404, %get3A_405] {strides = array<i32>} : memref<32x128xf32, #tpu.memory_space<vmem>>, vector<1x16xf32>,
      %get3A_407 = vector.shape_cast %get3A_406 : vector<1x16xf32> to vector<16xf32>
      %max3A_408 = arith.maximumf %max3A_402, %get3A_407 : vector<16xf32>
      %get3A_409 = arith.constant 31 : i32
      %get3A_410 = arith.index_cast %get3A_409 : i32 to index
      %get3A_411 = arith.constant 16 : index
      %get3A_412 = tpu.vector_load %arg6[%get3A_410, %get3A_411] {strides = array<i32>} : memref<32x128xf32, #tpu.memory_space<vmem>>, vector<1x16xf32>,
      %get3A_413 = vector.shape_cast %get3A_412 : vector<1x16xf32> to vector<16xf32>
      %max3A_414 = arith.maximumf %max3A_408, %get3A_413 : vector<16xf32>
      %mul3A_415 = arith.constant 64 : i32
      %mul3A_416 = arith.muli %mul3A_23, %mul3A_415 : i32
      %add3A_417 = arith.constant 16 : i32
      %add3A_418 = arith.addi %mul3A_416, %add3A_417 : i32
      %swap3A_419 = arith.index_cast %add3A_418 : i32 to index
      %swap3A_420 = tpu.vector_load %arg8[%swap3A_419] {strides = array<i32>} : memref<16384xf32, #tpu.memory_space<vmem>>, vector<16xf32>,
      %swap3A_421 = vector.shape_cast %swap3A_420 : vector<16xf32> to vector<16xf32>
      %swap3A_422 = vector.shape_cast %max3A_414 : vector<16xf32> to vector<16xf32>
      tpu.vector_store %arg8[%swap3A_419], %swap3A_422 {strides = array<i32>} : memref<16384xf32, #tpu.memory_space<vmem>>, vector<16xf32>,
      %get3A_423 = arith.constant 0 : i32
      %get3A_424 = arith.index_cast %get3A_423 : i32 to index
      %get3A_425 = arith.constant 32 : index
      %get3A_426 = tpu.vector_load %arg6[%get3A_424, %get3A_425] {strides = array<i32>} : memref<32x128xf32, #tpu.memory_space<vmem>>, vector<1x16xf32>,
      %get3A_427 = vector.shape_cast %get3A_426 : vector<1x16xf32> to vector<16xf32>
      %get3A_428 = arith.constant 1 : i32
      %get3A_429 = arith.index_cast %get3A_428 : i32 to index
      %get3A_430 = arith.constant 32 : index
      %get3A_431 = tpu.vector_load %arg6[%get3A_429, %get3A_430] {strides = array<i32>} : memref<32x128xf32, #tpu.memory_space<vmem>>, vector<1x16xf32>,
      %get3A_432 = vector.shape_cast %get3A_431 : vector<1x16xf32> to vector<16xf32>
      %max3A_433 = arith.maximumf %get3A_427, %get3A_432 : vector<16xf32>
      %get3A_434 = arith.constant 2 : i32
      %get3A_435 = arith.index_cast %get3A_434 : i32 to index
      %get3A_436 = arith.constant 32 : index
      %get3A_437 = tpu.vector_load %arg6[%get3A_435, %get3A_436] {strides = array<i32>} : memref<32x128xf32, #tpu.memory_space<vmem>>, vector<1x16xf32>,
      %get3A_438 = vector.shape_cast %get3A_437 : vector<1x16xf32> to vector<16xf32>
      %max3A_439 = arith.maximumf %max3A_433, %get3A_438 : vector<16xf32>
      %get3A_440 = arith.constant 3 : i32
      %get3A_441 = arith.index_cast %get3A_440 : i32 to index
      %get3A_442 = arith.constant 32 : index
      %get3A_443 = tpu.vector_load %arg6[%get3A_441, %get3A_442] {strides = array<i32>} : memref<32x128xf32, #tpu.memory_space<vmem>>, vector<1x16xf32>,
      %get3A_444 = vector.shape_cast %get3A_443 : vector<1x16xf32> to vector<16xf32>
      %max3A_445 = arith.maximumf %max3A_439, %get3A_444 : vector<16xf32>
      %get3A_446 = arith.constant 4 : i32
      %get3A_447 = arith.index_cast %get3A_446 : i32 to index
      %get3A_448 = arith.constant 32 : index
      %get3A_449 = tpu.vector_load %arg6[%get3A_447, %get3A_448] {strides = array<i32>} : memref<32x128xf32, #tpu.memory_space<vmem>>, vector<1x16xf32>,
      %get3A_450 = vector.shape_cast %get3A_449 : vector<1x16xf32> to vector<16xf32>
      %max3A_451 = arith.maximumf %max3A_445, %get3A_450 : vector<16xf32>
      %get3A_452 = arith.constant 5 : i32
      %get3A_453 = arith.index_cast %get3A_452 : i32 to index
      %get3A_454 = arith.constant 32 : index
      %get3A_455 = tpu.vector_load %arg6[%get3A_453, %get3A_454] {strides = array<i32>} : memref<32x128xf32, #tpu.memory_space<vmem>>, vector<1x16xf32>,
      %get3A_456 = vector.shape_cast %get3A_455 : vector<1x16xf32> to vector<16xf32>
      %max3A_457 = arith.maximumf %max3A_451, %get3A_456 : vector<16xf32>
      %get3A_458 = arith.constant 6 : i32
      %get3A_459 = arith.index_cast %get3A_458 : i32 to index
      %get3A_460 = arith.constant 32 : index
      %get3A_461 = tpu.vector_load %arg6[%get3A_459, %get3A_460] {strides = array<i32>} : memref<32x128xf32, #tpu.memory_space<vmem>>, vector<1x16xf32>,
      %get3A_462 = vector.shape_cast %get3A_461 : vector<1x16xf32> to vector<16xf32>
      %max3A_463 = arith.maximumf %max3A_457, %get3A_462 : vector<16xf32>
      %get3A_464 = arith.constant 7 : i32
      %get3A_465 = arith.index_cast %get3A_464 : i32 to index
      %get3A_466 = arith.constant 32 : index
      %get3A_467 = tpu.vector_load %arg6[%get3A_465, %get3A_466] {strides = array<i32>} : memref<32x128xf32, #tpu.memory_space<vmem>>, vector<1x16xf32>,
      %get3A_468 = vector.shape_cast %get3A_467 : vector<1x16xf32> to vector<16xf32>
      %max3A_469 = arith.maximumf %max3A_463, %get3A_468 : vector<16xf32>
      %get3A_470 = arith.constant 8 : i32
      %get3A_471 = arith.index_cast %get3A_470 : i32 to index
      %get3A_472 = arith.constant 32 : index
      %get3A_473 = tpu.vector_load %arg6[%get3A_471, %get3A_472] {strides = array<i32>} : memref<32x128xf32, #tpu.memory_space<vmem>>, vector<1x16xf32>,
      %get3A_474 = vector.shape_cast %get3A_473 : vector<1x16xf32> to vector<16xf32>
      %max3A_475 = arith.maximumf %max3A_469, %get3A_474 : vector<16xf32>
      %get3A_476 = arith.constant 9 : i32
      %get3A_477 = arith.index_cast %get3A_476 : i32 to index
      %get3A_478 = arith.constant 32 : index
      %get3A_479 = tpu.vector_load %arg6[%get3A_477, %get3A_478] {strides = array<i32>} : memref<32x128xf32, #tpu.memory_space<vmem>>, vector<1x16xf32>,
      %get3A_480 = vector.shape_cast %get3A_479 : vector<1x16xf32> to vector<16xf32>
      %max3A_481 = arith.maximumf %max3A_475, %get3A_480 : vector<16xf32>
      %get3A_482 = arith.constant 10 : i32
      %get3A_483 = arith.index_cast %get3A_482 : i32 to index
      %get3A_484 = arith.constant 32 : index
      %get3A_485 = tpu.vector_load %arg6[%get3A_483, %get3A_484] {strides = array<i32>} : memref<32x128xf32, #tpu.memory_space<vmem>>, vector<1x16xf32>,
      %get3A_486 = vector.shape_cast %get3A_485 : vector<1x16xf32> to vector<16xf32>
      %max3A_487 = arith.maximumf %max3A_481, %get3A_486 : vector<16xf32>
      %get3A_488 = arith.constant 11 : i32
      %get3A_489 = arith.index_cast %get3A_488 : i32 to index
      %get3A_490 = arith.constant 32 : index
      %get3A_491 = tpu.vector_load %arg6[%get3A_489, %get3A_490] {strides = array<i32>} : memref<32x128xf32, #tpu.memory_space<vmem>>, vector<1x16xf32>,
      %get3A_492 = vector.shape_cast %get3A_491 : vector<1x16xf32> to vector<16xf32>
      %max3A_493 = arith.maximumf %max3A_487, %get3A_492 : vector<16xf32>
      %get3A_494 = arith.constant 12 : i32
      %get3A_495 = arith.index_cast %get3A_494 : i32 to index
      %get3A_496 = arith.constant 32 : index
      %get3A_497 = tpu.vector_load %arg6[%get3A_495, %get3A_496] {strides = array<i32>} : memref<32x128xf32, #tpu.memory_space<vmem>>, vector<1x16xf32>,
      %get3A_498 = vector.shape_cast %get3A_497 : vector<1x16xf32> to vector<16xf32>
      %max3A_499 = arith.maximumf %max3A_493, %get3A_498 : vector<16xf32>
      %get3A_500 = arith.constant 13 : i32
      %get3A_501 = arith.index_cast %get3A_500 : i32 to index
      %get3A_502 = arith.constant 32 : index
      %get3A_503 = tpu.vector_load %arg6[%get3A_501, %get3A_502] {strides = array<i32>} : memref<32x128xf32, #tpu.memory_space<vmem>>, vector<1x16xf32>,
      %get3A_504 = vector.shape_cast %get3A_503 : vector<1x16xf32> to vector<16xf32>
      %max3A_505 = arith.maximumf %max3A_499, %get3A_504 : vector<16xf32>
      %get3A_506 = arith.constant 14 : i32
      %get3A_507 = arith.index_cast %get3A_506 : i32 to index
      %get3A_508 = arith.constant 32 : index
      %get3A_509 = tpu.vector_load %arg6[%get3A_507, %get3A_508] {strides = array<i32>} : memref<32x128xf32, #tpu.memory_space<vmem>>, vector<1x16xf32>,
      %get3A_510 = vector.shape_cast %get3A_509 : vector<1x16xf32> to vector<16xf32>
      %max3A_511 = arith.maximumf %max3A_505, %get3A_510 : vector<16xf32>
      %get3A_512 = arith.constant 15 : i32
      %get3A_513 = arith.index_cast %get3A_512 : i32 to index
      %get3A_514 = arith.constant 32 : index
      %get3A_515 = tpu.vector_load %arg6[%get3A_513, %get3A_514] {strides = array<i32>} : memref<32x128xf32, #tpu.memory_space<vmem>>, vector<1x16xf32>,
      %get3A_516 = vector.shape_cast %get3A_515 : vector<1x16xf32> to vector<16xf32>
      %max3A_517 = arith.maximumf %max3A_511, %get3A_516 : vector<16xf32>
      %get3A_518 = arith.constant 16 : i32
      %get3A_519 = arith.index_cast %get3A_518 : i32 to index
      %get3A_520 = arith.constant 32 : index
      %get3A_521 = tpu.vector_load %arg6[%get3A_519, %get3A_520] {strides = array<i32>} : memref<32x128xf32, #tpu.memory_space<vmem>>, vector<1x16xf32>,
      %get3A_522 = vector.shape_cast %get3A_521 : vector<1x16xf32> to vector<16xf32>
      %max3A_523 = arith.maximumf %max3A_517, %get3A_522 : vector<16xf32>
      %get3A_524 = arith.constant 17 : i32
      %get3A_525 = arith.index_cast %get3A_524 : i32 to index
      %get3A_526 = arith.constant 32 : index
      %get3A_527 = tpu.vector_load %arg6[%get3A_525, %get3A_526] {strides = array<i32>} : memref<32x128xf32, #tpu.memory_space<vmem>>, vector<1x16xf32>,
      %get3A_528 = vector.shape_cast %get3A_527 : vector<1x16xf32> to vector<16xf32>
      %max3A_529 = arith.maximumf %max3A_523, %get3A_528 : vector<16xf32>
      %get3A_530 = arith.constant 18 : i32
      %get3A_531 = arith.index_cast %get3A_530 : i32 to index
      %get3A_532 = arith.constant 32 : index
      %get3A_533 = tpu.vector_load %arg6[%get3A_531, %get3A_532] {strides = array<i32>} : memref<32x128xf32, #tpu.memory_space<vmem>>, vector<1x16xf32>,
      %get3A_534 = vector.shape_cast %get3A_533 : vector<1x16xf32> to vector<16xf32>
      %max3A_535 = arith.maximumf %max3A_529, %get3A_534 : vector<16xf32>
      %get3A_536 = arith.constant 19 : i32
      %get3A_537 = arith.index_cast %get3A_536 : i32 to index
      %get3A_538 = arith.constant 32 : index
      %get3A_539 = tpu.vector_load %arg6[%get3A_537, %get3A_538] {strides = array<i32>} : memref<32x128xf32, #tpu.memory_space<vmem>>, vector<1x16xf32>,
      %get3A_540 = vector.shape_cast %get3A_539 : vector<1x16xf32> to vector<16xf32>
      %max3A_541 = arith.maximumf %max3A_535, %get3A_540 : vector<16xf32>
      %get3A_542 = arith.constant 20 : i32
      %get3A_543 = arith.index_cast %get3A_542 : i32 to index
      %get3A_544 = arith.constant 32 : index
      %get3A_545 = tpu.vector_load %arg6[%get3A_543, %get3A_544] {strides = array<i32>} : memref<32x128xf32, #tpu.memory_space<vmem>>, vector<1x16xf32>,
      %get3A_546 = vector.shape_cast %get3A_545 : vector<1x16xf32> to vector<16xf32>
      %max3A_547 = arith.maximumf %max3A_541, %get3A_546 : vector<16xf32>
      %get3A_548 = arith.constant 21 : i32
      %get3A_549 = arith.index_cast %get3A_548 : i32 to index
      %get3A_550 = arith.constant 32 : index
      %get3A_551 = tpu.vector_load %arg6[%get3A_549, %get3A_550] {strides = array<i32>} : memref<32x128xf32, #tpu.memory_space<vmem>>, vector<1x16xf32>,
      %get3A_552 = vector.shape_cast %get3A_551 : vector<1x16xf32> to vector<16xf32>
      %max3A_553 = arith.maximumf %max3A_547, %get3A_552 : vector<16xf32>
      %get3A_554 = arith.constant 22 : i32
      %get3A_555 = arith.index_cast %get3A_554 : i32 to index
      %get3A_556 = arith.constant 32 : index
      %get3A_557 = tpu.vector_load %arg6[%get3A_555, %get3A_556] {strides = array<i32>} : memref<32x128xf32, #tpu.memory_space<vmem>>, vector<1x16xf32>,
      %get3A_558 = vector.shape_cast %get3A_557 : vector<1x16xf32> to vector<16xf32>
      %max3A_559 = arith.maximumf %max3A_553, %get3A_558 : vector<16xf32>
      %get3A_560 = arith.constant 23 : i32
      %get3A_561 = arith.index_cast %get3A_560 : i32 to index
      %get3A_562 = arith.constant 32 : index
      %get3A_563 = tpu.vector_load %arg6[%get3A_561, %get3A_562] {strides = array<i32>} : memref<32x128xf32, #tpu.memory_space<vmem>>, vector<1x16xf32>,
      %get3A_564 = vector.shape_cast %get3A_563 : vector<1x16xf32> to vector<16xf32>
      %max3A_565 = arith.maximumf %max3A_559, %get3A_564 : vector<16xf32>
      %get3A_566 = arith.constant 24 : i32
      %get3A_567 = arith.index_cast %get3A_566 : i32 to index
      %get3A_568 = arith.constant 32 : index
      %get3A_569 = tpu.vector_load %arg6[%get3A_567, %get3A_568] {strides = array<i32>} : memref<32x128xf32, #tpu.memory_space<vmem>>, vector<1x16xf32>,
      %get3A_570 = vector.shape_cast %get3A_569 : vector<1x16xf32> to vector<16xf32>
      %max3A_571 = arith.maximumf %max3A_565, %get3A_570 : vector<16xf32>
      %get3A_572 = arith.constant 25 : i32
      %get3A_573 = arith.index_cast %get3A_572 : i32 to index
      %get3A_574 = arith.constant 32 : index
      %get3A_575 = tpu.vector_load %arg6[%get3A_573, %get3A_574] {strides = array<i32>} : memref<32x128xf32, #tpu.memory_space<vmem>>, vector<1x16xf32>,
      %get3A_576 = vector.shape_cast %get3A_575 : vector<1x16xf32> to vector<16xf32>
      %max3A_577 = arith.maximumf %max3A_571, %get3A_576 : vector<16xf32>
      %get3A_578 = arith.constant 26 : i32
      %get3A_579 = arith.index_cast %get3A_578 : i32 to index
      %get3A_580 = arith.constant 32 : index
      %get3A_581 = tpu.vector_load %arg6[%get3A_579, %get3A_580] {strides = array<i32>} : memref<32x128xf32, #tpu.memory_space<vmem>>, vector<1x16xf32>,
      %get3A_582 = vector.shape_cast %get3A_581 : vector<1x16xf32> to vector<16xf32>
      %max3A_583 = arith.maximumf %max3A_577, %get3A_582 : vector<16xf32>
      %get3A_584 = arith.constant 27 : i32
      %get3A_585 = arith.index_cast %get3A_584 : i32 to index
      %get3A_586 = arith.constant 32 : index
      %get3A_587 = tpu.vector_load %arg6[%get3A_585, %get3A_586] {strides = array<i32>} : memref<32x128xf32, #tpu.memory_space<vmem>>, vector<1x16xf32>,
      %get3A_588 = vector.shape_cast %get3A_587 : vector<1x16xf32> to vector<16xf32>
      %max3A_589 = arith.maximumf %max3A_583, %get3A_588 : vector<16xf32>
      %get3A_590 = arith.constant 28 : i32
      %get3A_591 = arith.index_cast %get3A_590 : i32 to index
      %get3A_592 = arith.constant 32 : index
      %get3A_593 = tpu.vector_load %arg6[%get3A_591, %get3A_592] {strides = array<i32>} : memref<32x128xf32, #tpu.memory_space<vmem>>, vector<1x16xf32>,
      %get3A_594 = vector.shape_cast %get3A_593 : vector<1x16xf32> to vector<16xf32>
      %max3A_595 = arith.maximumf %max3A_589, %get3A_594 : vector<16xf32>
      %get3A_596 = arith.constant 29 : i32
      %get3A_597 = arith.index_cast %get3A_596 : i32 to index
      %get3A_598 = arith.constant 32 : index
      %get3A_599 = tpu.vector_load %arg6[%get3A_597, %get3A_598] {strides = array<i32>} : memref<32x128xf32, #tpu.memory_space<vmem>>, vector<1x16xf32>,
      %get3A_600 = vector.shape_cast %get3A_599 : vector<1x16xf32> to vector<16xf32>
      %max3A_601 = arith.maximumf %max3A_595, %get3A_600 : vector<16xf32>
      %get3A_602 = arith.constant 30 : i32
      %get3A_603 = arith.index_cast %get3A_602 : i32 to index
      %get3A_604 = arith.constant 32 : index
      %get3A_605 = tpu.vector_load %arg6[%get3A_603, %get3A_604] {strides = array<i32>} : memref<32x128xf32, #tpu.memory_space<vmem>>, vector<1x16xf32>,
      %get3A_606 = vector.shape_cast %get3A_605 : vector<1x16xf32> to vector<16xf32>
      %max3A_607 = arith.maximumf %max3A_601, %get3A_606 : vector<16xf32>
      %get3A_608 = arith.constant 31 : i32
      %get3A_609 = arith.index_cast %get3A_608 : i32 to index
      %get3A_610 = arith.constant 32 : index
      %get3A_611 = tpu.vector_load %arg6[%get3A_609, %get3A_610] {strides = array<i32>} : memref<32x128xf32, #tpu.memory_space<vmem>>, vector<1x16xf32>,
      %get3A_612 = vector.shape_cast %get3A_611 : vector<1x16xf32> to vector<16xf32>
      %max3A_613 = arith.maximumf %max3A_607, %get3A_612 : vector<16xf32>
      %mul3A_614 = arith.constant 64 : i32
      %mul3A_615 = arith.muli %mul3A_23, %mul3A_614 : i32
      %add3A_616 = arith.constant 32 : i32
      %add3A_617 = arith.addi %mul3A_615, %add3A_616 : i32
      %swap3A_618 = arith.index_cast %add3A_617 : i32 to index
      %swap3A_619 = tpu.vector_load %arg8[%swap3A_618] {strides = array<i32>} : memref<16384xf32, #tpu.memory_space<vmem>>, vector<16xf32>,
      %swap3A_620 = vector.shape_cast %swap3A_619 : vector<16xf32> to vector<16xf32>
      %swap3A_621 = vector.shape_cast %max3A_613 : vector<16xf32> to vector<16xf32>
      tpu.vector_store %arg8[%swap3A_618], %swap3A_621 {strides = array<i32>} : memref<16384xf32, #tpu.memory_space<vmem>>, vector<16xf32>,
      %get3A_622 = arith.constant 0 : i32
      %get3A_623 = arith.index_cast %get3A_622 : i32 to index
      %get3A_624 = arith.constant 48 : index
      %get3A_625 = tpu.vector_load %arg6[%get3A_623, %get3A_624] {strides = array<i32>} : memref<32x128xf32, #tpu.memory_space<vmem>>, vector<1x16xf32>,
      %get3A_626 = vector.shape_cast %get3A_625 : vector<1x16xf32> to vector<16xf32>
      %get3A_627 = arith.constant 1 : i32
      %get3A_628 = arith.index_cast %get3A_627 : i32 to index
      %get3A_629 = arith.constant 48 : index
      %get3A_630 = tpu.vector_load %arg6[%get3A_628, %get3A_629] {strides = array<i32>} : memref<32x128xf32, #tpu.memory_space<vmem>>, vector<1x16xf32>,
      %get3A_631 = vector.shape_cast %get3A_630 : vector<1x16xf32> to vector<16xf32>
      %max3A_632 = arith.maximumf %get3A_626, %get3A_631 : vector<16xf32>
      %get3A_633 = arith.constant 2 : i32
      %get3A_634 = arith.index_cast %get3A_633 : i32 to index
      %get3A_635 = arith.constant 48 : index
      %get3A_636 = tpu.vector_load %arg6[%get3A_634, %get3A_635] {strides = array<i32>} : memref<32x128xf32, #tpu.memory_space<vmem>>, vector<1x16xf32>,
      %get3A_637 = vector.shape_cast %get3A_636 : vector<1x16xf32> to vector<16xf32>
      %max3A_638 = arith.maximumf %max3A_632, %get3A_637 : vector<16xf32>
      %get3A_639 = arith.constant 3 : i32
      %get3A_640 = arith.index_cast %get3A_639 : i32 to index
      %get3A_641 = arith.constant 48 : index
      %get3A_642 = tpu.vector_load %arg6[%get3A_640, %get3A_641] {strides = array<i32>} : memref<32x128xf32, #tpu.memory_space<vmem>>, vector<1x16xf32>,
      %get3A_643 = vector.shape_cast %get3A_642 : vector<1x16xf32> to vector<16xf32>
      %max3A_644 = arith.maximumf %max3A_638, %get3A_643 : vector<16xf32>
      %get3A_645 = arith.constant 4 : i32
      %get3A_646 = arith.index_cast %get3A_645 : i32 to index
      %get3A_647 = arith.constant 48 : index
      %get3A_648 = tpu.vector_load %arg6[%get3A_646, %get3A_647] {strides = array<i32>} : memref<32x128xf32, #tpu.memory_space<vmem>>, vector<1x16xf32>,
      %get3A_649 = vector.shape_cast %get3A_648 : vector<1x16xf32> to vector<16xf32>
      %max3A_650 = arith.maximumf %max3A_644, %get3A_649 : vector<16xf32>
      %get3A_651 = arith.constant 5 : i32
      %get3A_652 = arith.index_cast %get3A_651 : i32 to index
      %get3A_653 = arith.constant 48 : index
      %get3A_654 = tpu.vector_load %arg6[%get3A_652, %get3A_653] {strides = array<i32>} : memref<32x128xf32, #tpu.memory_space<vmem>>, vector<1x16xf32>,
      %get3A_655 = vector.shape_cast %get3A_654 : vector<1x16xf32> to vector<16xf32>
      %max3A_656 = arith.maximumf %max3A_650, %get3A_655 : vector<16xf32>
      %get3A_657 = arith.constant 6 : i32
      %get3A_658 = arith.index_cast %get3A_657 : i32 to index
      %get3A_659 = arith.constant 48 : index
      %get3A_660 = tpu.vector_load %arg6[%get3A_658, %get3A_659] {strides = array<i32>} : memref<32x128xf32, #tpu.memory_space<vmem>>, vector<1x16xf32>,
      %get3A_661 = vector.shape_cast %get3A_660 : vector<1x16xf32> to vector<16xf32>
      %max3A_662 = arith.maximumf %max3A_656, %get3A_661 : vector<16xf32>
      %get3A_663 = arith.constant 7 : i32
      %get3A_664 = arith.index_cast %get3A_663 : i32 to index
      %get3A_665 = arith.constant 48 : index
      %get3A_666 = tpu.vector_load %arg6[%get3A_664, %get3A_665] {strides = array<i32>} : memref<32x128xf32, #tpu.memory_space<vmem>>, vector<1x16xf32>,
      %get3A_667 = vector.shape_cast %get3A_666 : vector<1x16xf32> to vector<16xf32>
      %max3A_668 = arith.maximumf %max3A_662, %get3A_667 : vector<16xf32>
      %get3A_669 = arith.constant 8 : i32
      %get3A_670 = arith.index_cast %get3A_669 : i32 to index
      %get3A_671 = arith.constant 48 : index
      %get3A_672 = tpu.vector_load %arg6[%get3A_670, %get3A_671] {strides = array<i32>} : memref<32x128xf32, #tpu.memory_space<vmem>>, vector<1x16xf32>,
      %get3A_673 = vector.shape_cast %get3A_672 : vector<1x16xf32> to vector<16xf32>
      %max3A_674 = arith.maximumf %max3A_668, %get3A_673 : vector<16xf32>
      %get3A_675 = arith.constant 9 : i32
      %get3A_676 = arith.index_cast %get3A_675 : i32 to index
      %get3A_677 = arith.constant 48 : index
      %get3A_678 = tpu.vector_load %arg6[%get3A_676, %get3A_677] {strides = array<i32>} : memref<32x128xf32, #tpu.memory_space<vmem>>, vector<1x16xf32>,
      %get3A_679 = vector.shape_cast %get3A_678 : vector<1x16xf32> to vector<16xf32>
      %max3A_680 = arith.maximumf %max3A_674, %get3A_679 : vector<16xf32>
      %get3A_681 = arith.constant 10 : i32
      %get3A_682 = arith.index_cast %get3A_681 : i32 to index
      %get3A_683 = arith.constant 48 : index
      %get3A_684 = tpu.vector_load %arg6[%get3A_682, %get3A_683] {strides = array<i32>} : memref<32x128xf32, #tpu.memory_space<vmem>>, vector<1x16xf32>,
      %get3A_685 = vector.shape_cast %get3A_684 : vector<1x16xf32> to vector<16xf32>
      %max3A_686 = arith.maximumf %max3A_680, %get3A_685 : vector<16xf32>
      %get3A_687 = arith.constant 11 : i32
      %get3A_688 = arith.index_cast %get3A_687 : i32 to index
      %get3A_689 = arith.constant 48 : index
      %get3A_690 = tpu.vector_load %arg6[%get3A_688, %get3A_689] {strides = array<i32>} : memref<32x128xf32, #tpu.memory_space<vmem>>, vector<1x16xf32>,
      %get3A_691 = vector.shape_cast %get3A_690 : vector<1x16xf32> to vector<16xf32>
      %max3A_692 = arith.maximumf %max3A_686, %get3A_691 : vector<16xf32>
      %get3A_693 = arith.constant 12 : i32
      %get3A_694 = arith.index_cast %get3A_693 : i32 to index
      %get3A_695 = arith.constant 48 : index
      %get3A_696 = tpu.vector_load %arg6[%get3A_694, %get3A_695] {strides = array<i32>} : memref<32x128xf32, #tpu.memory_space<vmem>>, vector<1x16xf32>,
      %get3A_697 = vector.shape_cast %get3A_696 : vector<1x16xf32> to vector<16xf32>
      %max3A_698 = arith.maximumf %max3A_692, %get3A_697 : vector<16xf32>
      %get3A_699 = arith.constant 13 : i32
      %get3A_700 = arith.index_cast %get3A_699 : i32 to index
      %get3A_701 = arith.constant 48 : index
      %get3A_702 = tpu.vector_load %arg6[%get3A_700, %get3A_701] {strides = array<i32>} : memref<32x128xf32, #tpu.memory_space<vmem>>, vector<1x16xf32>,
      %get3A_703 = vector.shape_cast %get3A_702 : vector<1x16xf32> to vector<16xf32>
      %max3A_704 = arith.maximumf %max3A_698, %get3A_703 : vector<16xf32>
      %get3A_705 = arith.constant 14 : i32
      %get3A_706 = arith.index_cast %get3A_705 : i32 to index
      %get3A_707 = arith.constant 48 : index
      %get3A_708 = tpu.vector_load %arg6[%get3A_706, %get3A_707] {strides = array<i32>} : memref<32x128xf32, #tpu.memory_space<vmem>>, vector<1x16xf32>,
      %get3A_709 = vector.shape_cast %get3A_708 : vector<1x16xf32> to vector<16xf32>
      %max3A_710 = arith.maximumf %max3A_704, %get3A_709 : vector<16xf32>
      %get3A_711 = arith.constant 15 : i32
      %get3A_712 = arith.index_cast %get3A_711 : i32 to index
      %get3A_713 = arith.constant 48 : index
      %get3A_714 = tpu.vector_load %arg6[%get3A_712, %get3A_713] {strides = array<i32>} : memref<32x128xf32, #tpu.memory_space<vmem>>, vector<1x16xf32>,
      %get3A_715 = vector.shape_cast %get3A_714 : vector<1x16xf32> to vector<16xf32>
      %max3A_716 = arith.maximumf %max3A_710, %get3A_715 : vector<16xf32>
      %get3A_717 = arith.constant 16 : i32
      %get3A_718 = arith.index_cast %get3A_717 : i32 to index
      %get3A_719 = arith.constant 48 : index
      %get3A_720 = tpu.vector_load %arg6[%get3A_718, %get3A_719] {strides = array<i32>} : memref<32x128xf32, #tpu.memory_space<vmem>>, vector<1x16xf32>,
      %get3A_721 = vector.shape_cast %get3A_720 : vector<1x16xf32> to vector<16xf32>
      %max3A_722 = arith.maximumf %max3A_716, %get3A_721 : vector<16xf32>
      %get3A_723 = arith.constant 17 : i32
      %get3A_724 = arith.index_cast %get3A_723 : i32 to index
      %get3A_725 = arith.constant 48 : index
      %get3A_726 = tpu.vector_load %arg6[%get3A_724, %get3A_725] {strides = array<i32>} : memref<32x128xf32, #tpu.memory_space<vmem>>, vector<1x16xf32>,
      %get3A_727 = vector.shape_cast %get3A_726 : vector<1x16xf32> to vector<16xf32>
      %max3A_728 = arith.maximumf %max3A_722, %get3A_727 : vector<16xf32>
      %get3A_729 = arith.constant 18 : i32
      %get3A_730 = arith.index_cast %get3A_729 : i32 to index
      %get3A_731 = arith.constant 48 : index
      %get3A_732 = tpu.vector_load %arg6[%get3A_730, %get3A_731] {strides = array<i32>} : memref<32x128xf32, #tpu.memory_space<vmem>>, vector<1x16xf32>,
      %get3A_733 = vector.shape_cast %get3A_732 : vector<1x16xf32> to vector<16xf32>
      %max3A_734 = arith.maximumf %max3A_728, %get3A_733 : vector<16xf32>
      %get3A_735 = arith.constant 19 : i32
      %get3A_736 = arith.index_cast %get3A_735 : i32 to index
      %get3A_737 = arith.constant 48 : index
      %get3A_738 = tpu.vector_load %arg6[%get3A_736, %get3A_737] {strides = array<i32>} : memref<32x128xf32, #tpu.memory_space<vmem>>, vector<1x16xf32>,
      %get3A_739 = vector.shape_cast %get3A_738 : vector<1x16xf32> to vector<16xf32>
      %max3A_740 = arith.maximumf %max3A_734, %get3A_739 : vector<16xf32>
      %get3A_741 = arith.constant 20 : i32
      %get3A_742 = arith.index_cast %get3A_741 : i32 to index
      %get3A_743 = arith.constant 48 : index
      %get3A_744 = tpu.vector_load %arg6[%get3A_742, %get3A_743] {strides = array<i32>} : memref<32x128xf32, #tpu.memory_space<vmem>>, vector<1x16xf32>,
      %get3A_745 = vector.shape_cast %get3A_744 : vector<1x16xf32> to vector<16xf32>
      %max3A_746 = arith.maximumf %max3A_740, %get3A_745 : vector<16xf32>
      %get3A_747 = arith.constant 21 : i32
      %get3A_748 = arith.index_cast %get3A_747 : i32 to index
      %get3A_749 = arith.constant 48 : index
      %get3A_750 = tpu.vector_load %arg6[%get3A_748, %get3A_749] {strides = array<i32>} : memref<32x128xf32, #tpu.memory_space<vmem>>, vector<1x16xf32>,
      %get3A_751 = vector.shape_cast %get3A_750 : vector<1x16xf32> to vector<16xf32>
      %max3A_752 = arith.maximumf %max3A_746, %get3A_751 : vector<16xf32>
      %get3A_753 = arith.constant 22 : i32
      %get3A_754 = arith.index_cast %get3A_753 : i32 to index
      %get3A_755 = arith.constant 48 : index
      %get3A_756 = tpu.vector_load %arg6[%get3A_754, %get3A_755] {strides = array<i32>} : memref<32x128xf32, #tpu.memory_space<vmem>>, vector<1x16xf32>,
      %get3A_757 = vector.shape_cast %get3A_756 : vector<1x16xf32> to vector<16xf32>
      %max3A_758 = arith.maximumf %max3A_752, %get3A_757 : vector<16xf32>
      %get3A_759 = arith.constant 23 : i32
      %get3A_760 = arith.index_cast %get3A_759 : i32 to index
      %get3A_761 = arith.constant 48 : index
      %get3A_762 = tpu.vector_load %arg6[%get3A_760, %get3A_761] {strides = array<i32>} : memref<32x128xf32, #tpu.memory_space<vmem>>, vector<1x16xf32>,
      %get3A_763 = vector.shape_cast %get3A_762 : vector<1x16xf32> to vector<16xf32>
      %max3A_764 = arith.maximumf %max3A_758, %get3A_763 : vector<16xf32>
      %get3A_765 = arith.constant 24 : i32
      %get3A_766 = arith.index_cast %get3A_765 : i32 to index
      %get3A_767 = arith.constant 48 : index
      %get3A_768 = tpu.vector_load %arg6[%get3A_766, %get3A_767] {strides = array<i32>} : memref<32x128xf32, #tpu.memory_space<vmem>>, vector<1x16xf32>,
      %get3A_769 = vector.shape_cast %get3A_768 : vector<1x16xf32> to vector<16xf32>
      %max3A_770 = arith.maximumf %max3A_764, %get3A_769 : vector<16xf32>
      %get3A_771 = arith.constant 25 : i32
      %get3A_772 = arith.index_cast %get3A_771 : i32 to index
      %get3A_773 = arith.constant 48 : index
      %get3A_774 = tpu.vector_load %arg6[%get3A_772, %get3A_773] {strides = array<i32>} : memref<32x128xf32, #tpu.memory_space<vmem>>, vector<1x16xf32>,
      %get3A_775 = vector.shape_cast %get3A_774 : vector<1x16xf32> to vector<16xf32>
      %max3A_776 = arith.maximumf %max3A_770, %get3A_775 : vector<16xf32>
      %get3A_777 = arith.constant 26 : i32
      %get3A_778 = arith.index_cast %get3A_777 : i32 to index
      %get3A_779 = arith.constant 48 : index
      %get3A_780 = tpu.vector_load %arg6[%get3A_778, %get3A_779] {strides = array<i32>} : memref<32x128xf32, #tpu.memory_space<vmem>>, vector<1x16xf32>,
      %get3A_781 = vector.shape_cast %get3A_780 : vector<1x16xf32> to vector<16xf32>
      %max3A_782 = arith.maximumf %max3A_776, %get3A_781 : vector<16xf32>
      %get3A_783 = arith.constant 27 : i32
      %get3A_784 = arith.index_cast %get3A_783 : i32 to index
      %get3A_785 = arith.constant 48 : index
      %get3A_786 = tpu.vector_load %arg6[%get3A_784, %get3A_785] {strides = array<i32>} : memref<32x128xf32, #tpu.memory_space<vmem>>, vector<1x16xf32>,
      %get3A_787 = vector.shape_cast %get3A_786 : vector<1x16xf32> to vector<16xf32>
      %max3A_788 = arith.maximumf %max3A_782, %get3A_787 : vector<16xf32>
      %get3A_789 = arith.constant 28 : i32
      %get3A_790 = arith.index_cast %get3A_789 : i32 to index
      %get3A_791 = arith.constant 48 : index
      %get3A_792 = tpu.vector_load %arg6[%get3A_790, %get3A_791] {strides = array<i32>} : memref<32x128xf32, #tpu.memory_space<vmem>>, vector<1x16xf32>,
      %get3A_793 = vector.shape_cast %get3A_792 : vector<1x16xf32> to vector<16xf32>
      %max3A_794 = arith.maximumf %max3A_788, %get3A_793 : vector<16xf32>
      %get3A_795 = arith.constant 29 : i32
      %get3A_796 = arith.index_cast %get3A_795 : i32 to index
      %get3A_797 = arith.constant 48 : index
      %get3A_798 = tpu.vector_load %arg6[%get3A_796, %get3A_797] {strides = array<i32>} : memref<32x128xf32, #tpu.memory_space<vmem>>, vector<1x16xf32>,
      %get3A_799 = vector.shape_cast %get3A_798 : vector<1x16xf32> to vector<16xf32>
      %max3A_800 = arith.maximumf %max3A_794, %get3A_799 : vector<16xf32>
      %get3A_801 = arith.constant 30 : i32
      %get3A_802 = arith.index_cast %get3A_801 : i32 to index
      %get3A_803 = arith.constant 48 : index
      %get3A_804 = tpu.vector_load %arg6[%get3A_802, %get3A_803] {strides = array<i32>} : memref<32x128xf32, #tpu.memory_space<vmem>>, vector<1x16xf32>,
      %get3A_805 = vector.shape_cast %get3A_804 : vector<1x16xf32> to vector<16xf32>
      %max3A_806 = arith.maximumf %max3A_800, %get3A_805 : vector<16xf32>
      %get3A_807 = arith.constant 31 : i32
      %get3A_808 = arith.index_cast %get3A_807 : i32 to index
      %get3A_809 = arith.constant 48 : index
      %get3A_810 = tpu.vector_load %arg6[%get3A_808, %get3A_809] {strides = array<i32>} : memref<32x128xf32, #tpu.memory_space<vmem>>, vector<1x16xf32>,
      %get3A_811 = vector.shape_cast %get3A_810 : vector<1x16xf32> to vector<16xf32>
      %max3A_812 = arith.maximumf %max3A_806, %get3A_811 : vector<16xf32>
      %mul3A_813 = arith.constant 64 : i32
      %mul3A_814 = arith.muli %mul3A_23, %mul3A_813 : i32
      %add3A_815 = arith.constant 48 : i32
      %add3A_816 = arith.addi %mul3A_814, %add3A_815 : i32
      %swap3A_817 = arith.index_cast %add3A_816 : i32 to index
      %swap3A_818 = tpu.vector_load %arg8[%swap3A_817] {strides = array<i32>} : memref<16384xf32, #tpu.memory_space<vmem>>, vector<16xf32>,
      %swap3A_819 = vector.shape_cast %swap3A_818 : vector<16xf32> to vector<16xf32>
      %swap3A_820 = vector.shape_cast %max3A_812 : vector<16xf32> to vector<16xf32>
      tpu.vector_store %arg8[%swap3A_817], %swap3A_820 {strides = array<i32>} : memref<16384xf32, #tpu.memory_space<vmem>>, vector<16xf32>,
      %add3A_821 = arith.constant 2 : i32
      %add3A_822 = arith.addi %mul3A_23, %add3A_821 : i32
      %lt3A = arith.constant 256 : i32
      %lt3A_823 = arith.cmpi slt, %add3A_822, %lt3A : i32
      %convert_element_type3A = arith.extui %lt3A_823 : i1 to i32
      %cond3A = arith.constant 0 : i32
      %cond3A_824 = arith.cmpi ne, %convert_element_type3A, %cond3A : i32
      scf.if %cond3A_824 {
        %add3A_1635 = arith.constant 2 : i32
        %add3A_1636 = arith.addi %mul3A_23, %add3A_1635 : i32
        %mul3A_1637 = arith.constant 32 : i32
        %mul3A_1638 = arith.muli %add3A_1636, %mul3A_1637 : i32
        %dma_start3A_1639 = tpu.memref_slice %arg5[%mul3A_1638] : memref<8192xi32, #tpu.memory_space<vmem>> -> memref<32xi32, #tpu.memory_space<vmem>>
        %dma_start3A_1640 = arith.constant 0 : i32
        %dma_start3A_1641 = arith.constant 0 : i32
        %dma_start3A_1642 = tpu.memref_slice %arg2[%dma_start3A_1640, %dma_start3A_1641] : memref<32768x128xf32, #tpu.memory_space<hbm>> -> memref<32768x128xf32, #tpu.memory_space<hbm>>
        tpu.enqueue_indirect_dma source(%dma_start3A_1642 : memref<32768x128xf32, #tpu.memory_space<hbm>>) target(%arg6 : memref<32x128xf32, #tpu.memory_space<vmem>>) offsets(%dma_start3A_1639 : memref<32xi32, #tpu.memory_space<vmem>>) semaphore(%arg9 : memref<!tpu.dma_semaphore, #tpu.memory_space<semaphore_mem>>)
      } else {
      }
      %dma_wait3A_825 = arith.constant 0 : i32
      %dma_wait3A_826 = tpu.memref_slice %arg5[%dma_wait3A_825] : memref<8192xi32, #tpu.memory_space<vmem>> -> memref<32xi32, #tpu.memory_space<vmem>>
      %dma_wait3A_827 = arith.constant 0 : i32
      %dma_wait3A_828 = arith.constant 0 : i32
      %dma_wait3A_829 = tpu.memref_slice %arg2[%dma_wait3A_827, %dma_wait3A_828] : memref<32768x128xf32, #tpu.memory_space<hbm>> -> memref<32768x128xf32, #tpu.memory_space<hbm>>
      tpu.wait_indirect_dma semaphore(%arg9 : memref<!tpu.dma_semaphore, #tpu.memory_space<semaphore_mem>>) src(%dma_wait3A_829 : memref<32768x128xf32, #tpu.memory_space<hbm>>) dst(%arg7 : memref<32x128xf32, #tpu.memory_space<vmem>>)
      %add3A_830 = arith.constant 1 : i32
      %add3A_831 = arith.addi %mul3A_23, %add3A_830 : i32
      %get3A_832 = arith.constant 0 : i32
      %get3A_833 = arith.index_cast %get3A_832 : i32 to index
      %get3A_834 = arith.constant 0 : index
      %get3A_835 = tpu.vector_load %arg7[%get3A_833, %get3A_834] {strides = array<i32>} : memref<32x128xf32, #tpu.memory_space<vmem>>, vector<1x16xf32>,
      %get3A_836 = vector.shape_cast %get3A_835 : vector<1x16xf32> to vector<16xf32>
      %get3A_837 = arith.constant 1 : i32
      %get3A_838 = arith.index_cast %get3A_837 : i32 to index
      %get3A_839 = arith.constant 0 : index
      %get3A_840 = tpu.vector_load %arg7[%get3A_838, %get3A_839] {strides = array<i32>} : memref<32x128xf32, #tpu.memory_space<vmem>>, vector<1x16xf32>,
      %get3A_841 = vector.shape_cast %get3A_840 : vector<1x16xf32> to vector<16xf32>
      %max3A_842 = arith.maximumf %get3A_836, %get3A_841 : vector<16xf32>
      %get3A_843 = arith.constant 2 : i32
      %get3A_844 = arith.index_cast %get3A_843 : i32 to index
      %get3A_845 = arith.constant 0 : index
      %get3A_846 = tpu.vector_load %arg7[%get3A_844, %get3A_845] {strides = array<i32>} : memref<32x128xf32, #tpu.memory_space<vmem>>, vector<1x16xf32>,
      %get3A_847 = vector.shape_cast %get3A_846 : vector<1x16xf32> to vector<16xf32>
      %max3A_848 = arith.maximumf %max3A_842, %get3A_847 : vector<16xf32>
      %get3A_849 = arith.constant 3 : i32
      %get3A_850 = arith.index_cast %get3A_849 : i32 to index
      %get3A_851 = arith.constant 0 : index
      %get3A_852 = tpu.vector_load %arg7[%get3A_850, %get3A_851] {strides = array<i32>} : memref<32x128xf32, #tpu.memory_space<vmem>>, vector<1x16xf32>,
      %get3A_853 = vector.shape_cast %get3A_852 : vector<1x16xf32> to vector<16xf32>
      %max3A_854 = arith.maximumf %max3A_848, %get3A_853 : vector<16xf32>
      %get3A_855 = arith.constant 4 : i32
      %get3A_856 = arith.index_cast %get3A_855 : i32 to index
      %get3A_857 = arith.constant 0 : index
      %get3A_858 = tpu.vector_load %arg7[%get3A_856, %get3A_857] {strides = array<i32>} : memref<32x128xf32, #tpu.memory_space<vmem>>, vector<1x16xf32>,
      %get3A_859 = vector.shape_cast %get3A_858 : vector<1x16xf32> to vector<16xf32>
      %max3A_860 = arith.maximumf %max3A_854, %get3A_859 : vector<16xf32>
      %get3A_861 = arith.constant 5 : i32
      %get3A_862 = arith.index_cast %get3A_861 : i32 to index
      %get3A_863 = arith.constant 0 : index
      %get3A_864 = tpu.vector_load %arg7[%get3A_862, %get3A_863] {strides = array<i32>} : memref<32x128xf32, #tpu.memory_space<vmem>>, vector<1x16xf32>,
      %get3A_865 = vector.shape_cast %get3A_864 : vector<1x16xf32> to vector<16xf32>
      %max3A_866 = arith.maximumf %max3A_860, %get3A_865 : vector<16xf32>
      %get3A_867 = arith.constant 6 : i32
      %get3A_868 = arith.index_cast %get3A_867 : i32 to index
      %get3A_869 = arith.constant 0 : index
      %get3A_870 = tpu.vector_load %arg7[%get3A_868, %get3A_869] {strides = array<i32>} : memref<32x128xf32, #tpu.memory_space<vmem>>, vector<1x16xf32>,
      %get3A_871 = vector.shape_cast %get3A_870 : vector<1x16xf32> to vector<16xf32>
      %max3A_872 = arith.maximumf %max3A_866, %get3A_871 : vector<16xf32>
      %get3A_873 = arith.constant 7 : i32
      %get3A_874 = arith.index_cast %get3A_873 : i32 to index
      %get3A_875 = arith.constant 0 : index
      %get3A_876 = tpu.vector_load %arg7[%get3A_874, %get3A_875] {strides = array<i32>} : memref<32x128xf32, #tpu.memory_space<vmem>>, vector<1x16xf32>,
      %get3A_877 = vector.shape_cast %get3A_876 : vector<1x16xf32> to vector<16xf32>
      %max3A_878 = arith.maximumf %max3A_872, %get3A_877 : vector<16xf32>
      %get3A_879 = arith.constant 8 : i32
      %get3A_880 = arith.index_cast %get3A_879 : i32 to index
      %get3A_881 = arith.constant 0 : index
      %get3A_882 = tpu.vector_load %arg7[%get3A_880, %get3A_881] {strides = array<i32>} : memref<32x128xf32, #tpu.memory_space<vmem>>, vector<1x16xf32>,
      %get3A_883 = vector.shape_cast %get3A_882 : vector<1x16xf32> to vector<16xf32>
      %max3A_884 = arith.maximumf %max3A_878, %get3A_883 : vector<16xf32>
      %get3A_885 = arith.constant 9 : i32
      %get3A_886 = arith.index_cast %get3A_885 : i32 to index
      %get3A_887 = arith.constant 0 : index
      %get3A_888 = tpu.vector_load %arg7[%get3A_886, %get3A_887] {strides = array<i32>} : memref<32x128xf32, #tpu.memory_space<vmem>>, vector<1x16xf32>,
      %get3A_889 = vector.shape_cast %get3A_888 : vector<1x16xf32> to vector<16xf32>
      %max3A_890 = arith.maximumf %max3A_884, %get3A_889 : vector<16xf32>
      %get3A_891 = arith.constant 10 : i32
      %get3A_892 = arith.index_cast %get3A_891 : i32 to index
      %get3A_893 = arith.constant 0 : index
      %get3A_894 = tpu.vector_load %arg7[%get3A_892, %get3A_893] {strides = array<i32>} : memref<32x128xf32, #tpu.memory_space<vmem>>, vector<1x16xf32>,
      %get3A_895 = vector.shape_cast %get3A_894 : vector<1x16xf32> to vector<16xf32>
      %max3A_896 = arith.maximumf %max3A_890, %get3A_895 : vector<16xf32>
      %get3A_897 = arith.constant 11 : i32
      %get3A_898 = arith.index_cast %get3A_897 : i32 to index
      %get3A_899 = arith.constant 0 : index
      %get3A_900 = tpu.vector_load %arg7[%get3A_898, %get3A_899] {strides = array<i32>} : memref<32x128xf32, #tpu.memory_space<vmem>>, vector<1x16xf32>,
      %get3A_901 = vector.shape_cast %get3A_900 : vector<1x16xf32> to vector<16xf32>
      %max3A_902 = arith.maximumf %max3A_896, %get3A_901 : vector<16xf32>
      %get3A_903 = arith.constant 12 : i32
      %get3A_904 = arith.index_cast %get3A_903 : i32 to index
      %get3A_905 = arith.constant 0 : index
      %get3A_906 = tpu.vector_load %arg7[%get3A_904, %get3A_905] {strides = array<i32>} : memref<32x128xf32, #tpu.memory_space<vmem>>, vector<1x16xf32>,
      %get3A_907 = vector.shape_cast %get3A_906 : vector<1x16xf32> to vector<16xf32>
      %max3A_908 = arith.maximumf %max3A_902, %get3A_907 : vector<16xf32>
      %get3A_909 = arith.constant 13 : i32
      %get3A_910 = arith.index_cast %get3A_909 : i32 to index
      %get3A_911 = arith.constant 0 : index
      %get3A_912 = tpu.vector_load %arg7[%get3A_910, %get3A_911] {strides = array<i32>} : memref<32x128xf32, #tpu.memory_space<vmem>>, vector<1x16xf32>,
      %get3A_913 = vector.shape_cast %get3A_912 : vector<1x16xf32> to vector<16xf32>
      %max3A_914 = arith.maximumf %max3A_908, %get3A_913 : vector<16xf32>
      %get3A_915 = arith.constant 14 : i32
      %get3A_916 = arith.index_cast %get3A_915 : i32 to index
      %get3A_917 = arith.constant 0 : index
      %get3A_918 = tpu.vector_load %arg7[%get3A_916, %get3A_917] {strides = array<i32>} : memref<32x128xf32, #tpu.memory_space<vmem>>, vector<1x16xf32>,
      %get3A_919 = vector.shape_cast %get3A_918 : vector<1x16xf32> to vector<16xf32>
      %max3A_920 = arith.maximumf %max3A_914, %get3A_919 : vector<16xf32>
      %get3A_921 = arith.constant 15 : i32
      %get3A_922 = arith.index_cast %get3A_921 : i32 to index
      %get3A_923 = arith.constant 0 : index
      %get3A_924 = tpu.vector_load %arg7[%get3A_922, %get3A_923] {strides = array<i32>} : memref<32x128xf32, #tpu.memory_space<vmem>>, vector<1x16xf32>,
      %get3A_925 = vector.shape_cast %get3A_924 : vector<1x16xf32> to vector<16xf32>
      %max3A_926 = arith.maximumf %max3A_920, %get3A_925 : vector<16xf32>
      %get3A_927 = arith.constant 16 : i32
      %get3A_928 = arith.index_cast %get3A_927 : i32 to index
      %get3A_929 = arith.constant 0 : index
      %get3A_930 = tpu.vector_load %arg7[%get3A_928, %get3A_929] {strides = array<i32>} : memref<32x128xf32, #tpu.memory_space<vmem>>, vector<1x16xf32>,
      %get3A_931 = vector.shape_cast %get3A_930 : vector<1x16xf32> to vector<16xf32>
      %max3A_932 = arith.maximumf %max3A_926, %get3A_931 : vector<16xf32>
      %get3A_933 = arith.constant 17 : i32
      %get3A_934 = arith.index_cast %get3A_933 : i32 to index
      %get3A_935 = arith.constant 0 : index
      %get3A_936 = tpu.vector_load %arg7[%get3A_934, %get3A_935] {strides = array<i32>} : memref<32x128xf32, #tpu.memory_space<vmem>>, vector<1x16xf32>,
      %get3A_937 = vector.shape_cast %get3A_936 : vector<1x16xf32> to vector<16xf32>
      %max3A_938 = arith.maximumf %max3A_932, %get3A_937 : vector<16xf32>
      %get3A_939 = arith.constant 18 : i32
      %get3A_940 = arith.index_cast %get3A_939 : i32 to index
      %get3A_941 = arith.constant 0 : index
      %get3A_942 = tpu.vector_load %arg7[%get3A_940, %get3A_941] {strides = array<i32>} : memref<32x128xf32, #tpu.memory_space<vmem>>, vector<1x16xf32>,
      %get3A_943 = vector.shape_cast %get3A_942 : vector<1x16xf32> to vector<16xf32>
      %max3A_944 = arith.maximumf %max3A_938, %get3A_943 : vector<16xf32>
      %get3A_945 = arith.constant 19 : i32
      %get3A_946 = arith.index_cast %get3A_945 : i32 to index
      %get3A_947 = arith.constant 0 : index
      %get3A_948 = tpu.vector_load %arg7[%get3A_946, %get3A_947] {strides = array<i32>} : memref<32x128xf32, #tpu.memory_space<vmem>>, vector<1x16xf32>,
      %get3A_949 = vector.shape_cast %get3A_948 : vector<1x16xf32> to vector<16xf32>
      %max3A_950 = arith.maximumf %max3A_944, %get3A_949 : vector<16xf32>
      %get3A_951 = arith.constant 20 : i32
      %get3A_952 = arith.index_cast %get3A_951 : i32 to index
      %get3A_953 = arith.constant 0 : index
      %get3A_954 = tpu.vector_load %arg7[%get3A_952, %get3A_953] {strides = array<i32>} : memref<32x128xf32, #tpu.memory_space<vmem>>, vector<1x16xf32>,
      %get3A_955 = vector.shape_cast %get3A_954 : vector<1x16xf32> to vector<16xf32>
      %max3A_956 = arith.maximumf %max3A_950, %get3A_955 : vector<16xf32>
      %get3A_957 = arith.constant 21 : i32
      %get3A_958 = arith.index_cast %get3A_957 : i32 to index
      %get3A_959 = arith.constant 0 : index
      %get3A_960 = tpu.vector_load %arg7[%get3A_958, %get3A_959] {strides = array<i32>} : memref<32x128xf32, #tpu.memory_space<vmem>>, vector<1x16xf32>,
      %get3A_961 = vector.shape_cast %get3A_960 : vector<1x16xf32> to vector<16xf32>
      %max3A_962 = arith.maximumf %max3A_956, %get3A_961 : vector<16xf32>
      %get3A_963 = arith.constant 22 : i32
      %get3A_964 = arith.index_cast %get3A_963 : i32 to index
      %get3A_965 = arith.constant 0 : index
      %get3A_966 = tpu.vector_load %arg7[%get3A_964, %get3A_965] {strides = array<i32>} : memref<32x128xf32, #tpu.memory_space<vmem>>, vector<1x16xf32>,
      %get3A_967 = vector.shape_cast %get3A_966 : vector<1x16xf32> to vector<16xf32>
      %max3A_968 = arith.maximumf %max3A_962, %get3A_967 : vector<16xf32>
      %get3A_969 = arith.constant 23 : i32
      %get3A_970 = arith.index_cast %get3A_969 : i32 to index
      %get3A_971 = arith.constant 0 : index
      %get3A_972 = tpu.vector_load %arg7[%get3A_970, %get3A_971] {strides = array<i32>} : memref<32x128xf32, #tpu.memory_space<vmem>>, vector<1x16xf32>,
      %get3A_973 = vector.shape_cast %get3A_972 : vector<1x16xf32> to vector<16xf32>
      %max3A_974 = arith.maximumf %max3A_968, %get3A_973 : vector<16xf32>
      %get3A_975 = arith.constant 24 : i32
      %get3A_976 = arith.index_cast %get3A_975 : i32 to index
      %get3A_977 = arith.constant 0 : index
      %get3A_978 = tpu.vector_load %arg7[%get3A_976, %get3A_977] {strides = array<i32>} : memref<32x128xf32, #tpu.memory_space<vmem>>, vector<1x16xf32>,
      %get3A_979 = vector.shape_cast %get3A_978 : vector<1x16xf32> to vector<16xf32>
      %max3A_980 = arith.maximumf %max3A_974, %get3A_979 : vector<16xf32>
      %get3A_981 = arith.constant 25 : i32
      %get3A_982 = arith.index_cast %get3A_981 : i32 to index
      %get3A_983 = arith.constant 0 : index
      %get3A_984 = tpu.vector_load %arg7[%get3A_982, %get3A_983] {strides = array<i32>} : memref<32x128xf32, #tpu.memory_space<vmem>>, vector<1x16xf32>,
      %get3A_985 = vector.shape_cast %get3A_984 : vector<1x16xf32> to vector<16xf32>
      %max3A_986 = arith.maximumf %max3A_980, %get3A_985 : vector<16xf32>
      %get3A_987 = arith.constant 26 : i32
      %get3A_988 = arith.index_cast %get3A_987 : i32 to index
      %get3A_989 = arith.constant 0 : index
      %get3A_990 = tpu.vector_load %arg7[%get3A_988, %get3A_989] {strides = array<i32>} : memref<32x128xf32, #tpu.memory_space<vmem>>, vector<1x16xf32>,
      %get3A_991 = vector.shape_cast %get3A_990 : vector<1x16xf32> to vector<16xf32>
      %max3A_992 = arith.maximumf %max3A_986, %get3A_991 : vector<16xf32>
      %get3A_993 = arith.constant 27 : i32
      %get3A_994 = arith.index_cast %get3A_993 : i32 to index
      %get3A_995 = arith.constant 0 : index
      %get3A_996 = tpu.vector_load %arg7[%get3A_994, %get3A_995] {strides = array<i32>} : memref<32x128xf32, #tpu.memory_space<vmem>>, vector<1x16xf32>,
      %get3A_997 = vector.shape_cast %get3A_996 : vector<1x16xf32> to vector<16xf32>
      %max3A_998 = arith.maximumf %max3A_992, %get3A_997 : vector<16xf32>
      %get3A_999 = arith.constant 28 : i32
      %get3A_1000 = arith.index_cast %get3A_999 : i32 to index
      %get3A_1001 = arith.constant 0 : index
      %get3A_1002 = tpu.vector_load %arg7[%get3A_1000, %get3A_1001] {strides = array<i32>} : memref<32x128xf32, #tpu.memory_space<vmem>>, vector<1x16xf32>,
      %get3A_1003 = vector.shape_cast %get3A_1002 : vector<1x16xf32> to vector<16xf32>
      %max3A_1004 = arith.maximumf %max3A_998, %get3A_1003 : vector<16xf32>
      %get3A_1005 = arith.constant 29 : i32
      %get3A_1006 = arith.index_cast %get3A_1005 : i32 to index
      %get3A_1007 = arith.constant 0 : index
      %get3A_1008 = tpu.vector_load %arg7[%get3A_1006, %get3A_1007] {strides = array<i32>} : memref<32x128xf32, #tpu.memory_space<vmem>>, vector<1x16xf32>,
      %get3A_1009 = vector.shape_cast %get3A_1008 : vector<1x16xf32> to vector<16xf32>
      %max3A_1010 = arith.maximumf %max3A_1004, %get3A_1009 : vector<16xf32>
      %get3A_1011 = arith.constant 30 : i32
      %get3A_1012 = arith.index_cast %get3A_1011 : i32 to index
      %get3A_1013 = arith.constant 0 : index
      %get3A_1014 = tpu.vector_load %arg7[%get3A_1012, %get3A_1013] {strides = array<i32>} : memref<32x128xf32, #tpu.memory_space<vmem>>, vector<1x16xf32>,
      %get3A_1015 = vector.shape_cast %get3A_1014 : vector<1x16xf32> to vector<16xf32>
      %max3A_1016 = arith.maximumf %max3A_1010, %get3A_1015 : vector<16xf32>
      %get3A_1017 = arith.constant 31 : i32
      %get3A_1018 = arith.index_cast %get3A_1017 : i32 to index
      %get3A_1019 = arith.constant 0 : index
      %get3A_1020 = tpu.vector_load %arg7[%get3A_1018, %get3A_1019] {strides = array<i32>} : memref<32x128xf32, #tpu.memory_space<vmem>>, vector<1x16xf32>,
      %get3A_1021 = vector.shape_cast %get3A_1020 : vector<1x16xf32> to vector<16xf32>
      %max3A_1022 = arith.maximumf %max3A_1016, %get3A_1021 : vector<16xf32>
      %mul3A_1023 = arith.constant 64 : i32
      %mul3A_1024 = arith.muli %add3A_831, %mul3A_1023 : i32
      %add3A_1025 = arith.constant 0 : i32
      %add3A_1026 = arith.addi %mul3A_1024, %add3A_1025 : i32
      %swap3A_1027 = arith.index_cast %add3A_1026 : i32 to index
      %swap3A_1028 = tpu.vector_load %arg8[%swap3A_1027] {strides = array<i32>} : memref<16384xf32, #tpu.memory_space<vmem>>, vector<16xf32>,
      %swap3A_1029 = vector.shape_cast %swap3A_1028 : vector<16xf32> to vector<16xf32>
      %swap3A_1030 = vector.shape_cast %max3A_1022 : vector<16xf32> to vector<16xf32>
      tpu.vector_store %arg8[%swap3A_1027], %swap3A_1030 {strides = array<i32>} : memref<16384xf32, #tpu.memory_space<vmem>>, vector<16xf32>,
      %get3A_1031 = arith.constant 0 : i32
      %get3A_1032 = arith.index_cast %get3A_1031 : i32 to index
      %get3A_1033 = arith.constant 16 : index
      %get3A_1034 = tpu.vector_load %arg7[%get3A_1032, %get3A_1033] {strides = array<i32>} : memref<32x128xf32, #tpu.memory_space<vmem>>, vector<1x16xf32>,
      %get3A_1035 = vector.shape_cast %get3A_1034 : vector<1x16xf32> to vector<16xf32>
      %get3A_1036 = arith.constant 1 : i32
      %get3A_1037 = arith.index_cast %get3A_1036 : i32 to index
      %get3A_1038 = arith.constant 16 : index
      %get3A_1039 = tpu.vector_load %arg7[%get3A_1037, %get3A_1038] {strides = array<i32>} : memref<32x128xf32, #tpu.memory_space<vmem>>, vector<1x16xf32>,
      %get3A_1040 = vector.shape_cast %get3A_1039 : vector<1x16xf32> to vector<16xf32>
      %max3A_1041 = arith.maximumf %get3A_1035, %get3A_1040 : vector<16xf32>
      %get3A_1042 = arith.constant 2 : i32
      %get3A_1043 = arith.index_cast %get3A_1042 : i32 to index
      %get3A_1044 = arith.constant 16 : index
      %get3A_1045 = tpu.vector_load %arg7[%get3A_1043, %get3A_1044] {strides = array<i32>} : memref<32x128xf32, #tpu.memory_space<vmem>>, vector<1x16xf32>,
      %get3A_1046 = vector.shape_cast %get3A_1045 : vector<1x16xf32> to vector<16xf32>
      %max3A_1047 = arith.maximumf %max3A_1041, %get3A_1046 : vector<16xf32>
      %get3A_1048 = arith.constant 3 : i32
      %get3A_1049 = arith.index_cast %get3A_1048 : i32 to index
      %get3A_1050 = arith.constant 16 : index
      %get3A_1051 = tpu.vector_load %arg7[%get3A_1049, %get3A_1050] {strides = array<i32>} : memref<32x128xf32, #tpu.memory_space<vmem>>, vector<1x16xf32>,
      %get3A_1052 = vector.shape_cast %get3A_1051 : vector<1x16xf32> to vector<16xf32>
      %max3A_1053 = arith.maximumf %max3A_1047, %get3A_1052 : vector<16xf32>
      %get3A_1054 = arith.constant 4 : i32
      %get3A_1055 = arith.index_cast %get3A_1054 : i32 to index
      %get3A_1056 = arith.constant 16 : index
      %get3A_1057 = tpu.vector_load %arg7[%get3A_1055, %get3A_1056] {strides = array<i32>} : memref<32x128xf32, #tpu.memory_space<vmem>>, vector<1x16xf32>,
      %get3A_1058 = vector.shape_cast %get3A_1057 : vector<1x16xf32> to vector<16xf32>
      %max3A_1059 = arith.maximumf %max3A_1053, %get3A_1058 : vector<16xf32>
      %get3A_1060 = arith.constant 5 : i32
      %get3A_1061 = arith.index_cast %get3A_1060 : i32 to index
      %get3A_1062 = arith.constant 16 : index
      %get3A_1063 = tpu.vector_load %arg7[%get3A_1061, %get3A_1062] {strides = array<i32>} : memref<32x128xf32, #tpu.memory_space<vmem>>, vector<1x16xf32>,
      %get3A_1064 = vector.shape_cast %get3A_1063 : vector<1x16xf32> to vector<16xf32>
      %max3A_1065 = arith.maximumf %max3A_1059, %get3A_1064 : vector<16xf32>
      %get3A_1066 = arith.constant 6 : i32
      %get3A_1067 = arith.index_cast %get3A_1066 : i32 to index
      %get3A_1068 = arith.constant 16 : index
      %get3A_1069 = tpu.vector_load %arg7[%get3A_1067, %get3A_1068] {strides = array<i32>} : memref<32x128xf32, #tpu.memory_space<vmem>>, vector<1x16xf32>,
      %get3A_1070 = vector.shape_cast %get3A_1069 : vector<1x16xf32> to vector<16xf32>
      %max3A_1071 = arith.maximumf %max3A_1065, %get3A_1070 : vector<16xf32>
      %get3A_1072 = arith.constant 7 : i32
      %get3A_1073 = arith.index_cast %get3A_1072 : i32 to index
      %get3A_1074 = arith.constant 16 : index
      %get3A_1075 = tpu.vector_load %arg7[%get3A_1073, %get3A_1074] {strides = array<i32>} : memref<32x128xf32, #tpu.memory_space<vmem>>, vector<1x16xf32>,
      %get3A_1076 = vector.shape_cast %get3A_1075 : vector<1x16xf32> to vector<16xf32>
      %max3A_1077 = arith.maximumf %max3A_1071, %get3A_1076 : vector<16xf32>
      %get3A_1078 = arith.constant 8 : i32
      %get3A_1079 = arith.index_cast %get3A_1078 : i32 to index
      %get3A_1080 = arith.constant 16 : index
      %get3A_1081 = tpu.vector_load %arg7[%get3A_1079, %get3A_1080] {strides = array<i32>} : memref<32x128xf32, #tpu.memory_space<vmem>>, vector<1x16xf32>,
      %get3A_1082 = vector.shape_cast %get3A_1081 : vector<1x16xf32> to vector<16xf32>
      %max3A_1083 = arith.maximumf %max3A_1077, %get3A_1082 : vector<16xf32>
      %get3A_1084 = arith.constant 9 : i32
      %get3A_1085 = arith.index_cast %get3A_1084 : i32 to index
      %get3A_1086 = arith.constant 16 : index
      %get3A_1087 = tpu.vector_load %arg7[%get3A_1085, %get3A_1086] {strides = array<i32>} : memref<32x128xf32, #tpu.memory_space<vmem>>, vector<1x16xf32>,
      %get3A_1088 = vector.shape_cast %get3A_1087 : vector<1x16xf32> to vector<16xf32>
      %max3A_1089 = arith.maximumf %max3A_1083, %get3A_1088 : vector<16xf32>
      %get3A_1090 = arith.constant 10 : i32
      %get3A_1091 = arith.index_cast %get3A_1090 : i32 to index
      %get3A_1092 = arith.constant 16 : index
      %get3A_1093 = tpu.vector_load %arg7[%get3A_1091, %get3A_1092] {strides = array<i32>} : memref<32x128xf32, #tpu.memory_space<vmem>>, vector<1x16xf32>,
      %get3A_1094 = vector.shape_cast %get3A_1093 : vector<1x16xf32> to vector<16xf32>
      %max3A_1095 = arith.maximumf %max3A_1089, %get3A_1094 : vector<16xf32>
      %get3A_1096 = arith.constant 11 : i32
      %get3A_1097 = arith.index_cast %get3A_1096 : i32 to index
      %get3A_1098 = arith.constant 16 : index
      %get3A_1099 = tpu.vector_load %arg7[%get3A_1097, %get3A_1098] {strides = array<i32>} : memref<32x128xf32, #tpu.memory_space<vmem>>, vector<1x16xf32>,
      %get3A_1100 = vector.shape_cast %get3A_1099 : vector<1x16xf32> to vector<16xf32>
      %max3A_1101 = arith.maximumf %max3A_1095, %get3A_1100 : vector<16xf32>
      %get3A_1102 = arith.constant 12 : i32
      %get3A_1103 = arith.index_cast %get3A_1102 : i32 to index
      %get3A_1104 = arith.constant 16 : index
      %get3A_1105 = tpu.vector_load %arg7[%get3A_1103, %get3A_1104] {strides = array<i32>} : memref<32x128xf32, #tpu.memory_space<vmem>>, vector<1x16xf32>,
      %get3A_1106 = vector.shape_cast %get3A_1105 : vector<1x16xf32> to vector<16xf32>
      %max3A_1107 = arith.maximumf %max3A_1101, %get3A_1106 : vector<16xf32>
      %get3A_1108 = arith.constant 13 : i32
      %get3A_1109 = arith.index_cast %get3A_1108 : i32 to index
      %get3A_1110 = arith.constant 16 : index
      %get3A_1111 = tpu.vector_load %arg7[%get3A_1109, %get3A_1110] {strides = array<i32>} : memref<32x128xf32, #tpu.memory_space<vmem>>, vector<1x16xf32>,
      %get3A_1112 = vector.shape_cast %get3A_1111 : vector<1x16xf32> to vector<16xf32>
      %max3A_1113 = arith.maximumf %max3A_1107, %get3A_1112 : vector<16xf32>
      %get3A_1114 = arith.constant 14 : i32
      %get3A_1115 = arith.index_cast %get3A_1114 : i32 to index
      %get3A_1116 = arith.constant 16 : index
      %get3A_1117 = tpu.vector_load %arg7[%get3A_1115, %get3A_1116] {strides = array<i32>} : memref<32x128xf32, #tpu.memory_space<vmem>>, vector<1x16xf32>,
      %get3A_1118 = vector.shape_cast %get3A_1117 : vector<1x16xf32> to vector<16xf32>
      %max3A_1119 = arith.maximumf %max3A_1113, %get3A_1118 : vector<16xf32>
      %get3A_1120 = arith.constant 15 : i32
      %get3A_1121 = arith.index_cast %get3A_1120 : i32 to index
      %get3A_1122 = arith.constant 16 : index
      %get3A_1123 = tpu.vector_load %arg7[%get3A_1121, %get3A_1122] {strides = array<i32>} : memref<32x128xf32, #tpu.memory_space<vmem>>, vector<1x16xf32>,
      %get3A_1124 = vector.shape_cast %get3A_1123 : vector<1x16xf32> to vector<16xf32>
      %max3A_1125 = arith.maximumf %max3A_1119, %get3A_1124 : vector<16xf32>
      %get3A_1126 = arith.constant 16 : i32
      %get3A_1127 = arith.index_cast %get3A_1126 : i32 to index
      %get3A_1128 = arith.constant 16 : index
      %get3A_1129 = tpu.vector_load %arg7[%get3A_1127, %get3A_1128] {strides = array<i32>} : memref<32x128xf32, #tpu.memory_space<vmem>>, vector<1x16xf32>,
      %get3A_1130 = vector.shape_cast %get3A_1129 : vector<1x16xf32> to vector<16xf32>
      %max3A_1131 = arith.maximumf %max3A_1125, %get3A_1130 : vector<16xf32>
      %get3A_1132 = arith.constant 17 : i32
      %get3A_1133 = arith.index_cast %get3A_1132 : i32 to index
      %get3A_1134 = arith.constant 16 : index
      %get3A_1135 = tpu.vector_load %arg7[%get3A_1133, %get3A_1134] {strides = array<i32>} : memref<32x128xf32, #tpu.memory_space<vmem>>, vector<1x16xf32>,
      %get3A_1136 = vector.shape_cast %get3A_1135 : vector<1x16xf32> to vector<16xf32>
      %max3A_1137 = arith.maximumf %max3A_1131, %get3A_1136 : vector<16xf32>
      %get3A_1138 = arith.constant 18 : i32
      %get3A_1139 = arith.index_cast %get3A_1138 : i32 to index
      %get3A_1140 = arith.constant 16 : index
      %get3A_1141 = tpu.vector_load %arg7[%get3A_1139, %get3A_1140] {strides = array<i32>} : memref<32x128xf32, #tpu.memory_space<vmem>>, vector<1x16xf32>,
      %get3A_1142 = vector.shape_cast %get3A_1141 : vector<1x16xf32> to vector<16xf32>
      %max3A_1143 = arith.maximumf %max3A_1137, %get3A_1142 : vector<16xf32>
      %get3A_1144 = arith.constant 19 : i32
      %get3A_1145 = arith.index_cast %get3A_1144 : i32 to index
      %get3A_1146 = arith.constant 16 : index
      %get3A_1147 = tpu.vector_load %arg7[%get3A_1145, %get3A_1146] {strides = array<i32>} : memref<32x128xf32, #tpu.memory_space<vmem>>, vector<1x16xf32>,
      %get3A_1148 = vector.shape_cast %get3A_1147 : vector<1x16xf32> to vector<16xf32>
      %max3A_1149 = arith.maximumf %max3A_1143, %get3A_1148 : vector<16xf32>
      %get3A_1150 = arith.constant 20 : i32
      %get3A_1151 = arith.index_cast %get3A_1150 : i32 to index
      %get3A_1152 = arith.constant 16 : index
      %get3A_1153 = tpu.vector_load %arg7[%get3A_1151, %get3A_1152] {strides = array<i32>} : memref<32x128xf32, #tpu.memory_space<vmem>>, vector<1x16xf32>,
      %get3A_1154 = vector.shape_cast %get3A_1153 : vector<1x16xf32> to vector<16xf32>
      %max3A_1155 = arith.maximumf %max3A_1149, %get3A_1154 : vector<16xf32>
      %get3A_1156 = arith.constant 21 : i32
      %get3A_1157 = arith.index_cast %get3A_1156 : i32 to index
      %get3A_1158 = arith.constant 16 : index
      %get3A_1159 = tpu.vector_load %arg7[%get3A_1157, %get3A_1158] {strides = array<i32>} : memref<32x128xf32, #tpu.memory_space<vmem>>, vector<1x16xf32>,
      %get3A_1160 = vector.shape_cast %get3A_1159 : vector<1x16xf32> to vector<16xf32>
      %max3A_1161 = arith.maximumf %max3A_1155, %get3A_1160 : vector<16xf32>
      %get3A_1162 = arith.constant 22 : i32
      %get3A_1163 = arith.index_cast %get3A_1162 : i32 to index
      %get3A_1164 = arith.constant 16 : index
      %get3A_1165 = tpu.vector_load %arg7[%get3A_1163, %get3A_1164] {strides = array<i32>} : memref<32x128xf32, #tpu.memory_space<vmem>>, vector<1x16xf32>,
      %get3A_1166 = vector.shape_cast %get3A_1165 : vector<1x16xf32> to vector<16xf32>
      %max3A_1167 = arith.maximumf %max3A_1161, %get3A_1166 : vector<16xf32>
      %get3A_1168 = arith.constant 23 : i32
      %get3A_1169 = arith.index_cast %get3A_1168 : i32 to index
      %get3A_1170 = arith.constant 16 : index
      %get3A_1171 = tpu.vector_load %arg7[%get3A_1169, %get3A_1170] {strides = array<i32>} : memref<32x128xf32, #tpu.memory_space<vmem>>, vector<1x16xf32>,
      %get3A_1172 = vector.shape_cast %get3A_1171 : vector<1x16xf32> to vector<16xf32>
      %max3A_1173 = arith.maximumf %max3A_1167, %get3A_1172 : vector<16xf32>
      %get3A_1174 = arith.constant 24 : i32
      %get3A_1175 = arith.index_cast %get3A_1174 : i32 to index
      %get3A_1176 = arith.constant 16 : index
      %get3A_1177 = tpu.vector_load %arg7[%get3A_1175, %get3A_1176] {strides = array<i32>} : memref<32x128xf32, #tpu.memory_space<vmem>>, vector<1x16xf32>,
      %get3A_1178 = vector.shape_cast %get3A_1177 : vector<1x16xf32> to vector<16xf32>
      %max3A_1179 = arith.maximumf %max3A_1173, %get3A_1178 : vector<16xf32>
      %get3A_1180 = arith.constant 25 : i32
      %get3A_1181 = arith.index_cast %get3A_1180 : i32 to index
      %get3A_1182 = arith.constant 16 : index
      %get3A_1183 = tpu.vector_load %arg7[%get3A_1181, %get3A_1182] {strides = array<i32>} : memref<32x128xf32, #tpu.memory_space<vmem>>, vector<1x16xf32>,
      %get3A_1184 = vector.shape_cast %get3A_1183 : vector<1x16xf32> to vector<16xf32>
      %max3A_1185 = arith.maximumf %max3A_1179, %get3A_1184 : vector<16xf32>
      %get3A_1186 = arith.constant 26 : i32
      %get3A_1187 = arith.index_cast %get3A_1186 : i32 to index
      %get3A_1188 = arith.constant 16 : index
      %get3A_1189 = tpu.vector_load %arg7[%get3A_1187, %get3A_1188] {strides = array<i32>} : memref<32x128xf32, #tpu.memory_space<vmem>>, vector<1x16xf32>,
      %get3A_1190 = vector.shape_cast %get3A_1189 : vector<1x16xf32> to vector<16xf32>
      %max3A_1191 = arith.maximumf %max3A_1185, %get3A_1190 : vector<16xf32>
      %get3A_1192 = arith.constant 27 : i32
      %get3A_1193 = arith.index_cast %get3A_1192 : i32 to index
      %get3A_1194 = arith.constant 16 : index
      %get3A_1195 = tpu.vector_load %arg7[%get3A_1193, %get3A_1194] {strides = array<i32>} : memref<32x128xf32, #tpu.memory_space<vmem>>, vector<1x16xf32>,
      %get3A_1196 = vector.shape_cast %get3A_1195 : vector<1x16xf32> to vector<16xf32>
      %max3A_1197 = arith.maximumf %max3A_1191, %get3A_1196 : vector<16xf32>
      %get3A_1198 = arith.constant 28 : i32
      %get3A_1199 = arith.index_cast %get3A_1198 : i32 to index
      %get3A_1200 = arith.constant 16 : index
      %get3A_1201 = tpu.vector_load %arg7[%get3A_1199, %get3A_1200] {strides = array<i32>} : memref<32x128xf32, #tpu.memory_space<vmem>>, vector<1x16xf32>,
      %get3A_1202 = vector.shape_cast %get3A_1201 : vector<1x16xf32> to vector<16xf32>
      %max3A_1203 = arith.maximumf %max3A_1197, %get3A_1202 : vector<16xf32>
      %get3A_1204 = arith.constant 29 : i32
      %get3A_1205 = arith.index_cast %get3A_1204 : i32 to index
      %get3A_1206 = arith.constant 16 : index
      %get3A_1207 = tpu.vector_load %arg7[%get3A_1205, %get3A_1206] {strides = array<i32>} : memref<32x128xf32, #tpu.memory_space<vmem>>, vector<1x16xf32>,
      %get3A_1208 = vector.shape_cast %get3A_1207 : vector<1x16xf32> to vector<16xf32>
      %max3A_1209 = arith.maximumf %max3A_1203, %get3A_1208 : vector<16xf32>
      %get3A_1210 = arith.constant 30 : i32
      %get3A_1211 = arith.index_cast %get3A_1210 : i32 to index
      %get3A_1212 = arith.constant 16 : index
      %get3A_1213 = tpu.vector_load %arg7[%get3A_1211, %get3A_1212] {strides = array<i32>} : memref<32x128xf32, #tpu.memory_space<vmem>>, vector<1x16xf32>,
      %get3A_1214 = vector.shape_cast %get3A_1213 : vector<1x16xf32> to vector<16xf32>
      %max3A_1215 = arith.maximumf %max3A_1209, %get3A_1214 : vector<16xf32>
      %get3A_1216 = arith.constant 31 : i32
      %get3A_1217 = arith.index_cast %get3A_1216 : i32 to index
      %get3A_1218 = arith.constant 16 : index
      %get3A_1219 = tpu.vector_load %arg7[%get3A_1217, %get3A_1218] {strides = array<i32>} : memref<32x128xf32, #tpu.memory_space<vmem>>, vector<1x16xf32>,
      %get3A_1220 = vector.shape_cast %get3A_1219 : vector<1x16xf32> to vector<16xf32>
      %max3A_1221 = arith.maximumf %max3A_1215, %get3A_1220 : vector<16xf32>
      %mul3A_1222 = arith.constant 64 : i32
      %mul3A_1223 = arith.muli %add3A_831, %mul3A_1222 : i32
      %add3A_1224 = arith.constant 16 : i32
      %add3A_1225 = arith.addi %mul3A_1223, %add3A_1224 : i32
      %swap3A_1226 = arith.index_cast %add3A_1225 : i32 to index
      %swap3A_1227 = tpu.vector_load %arg8[%swap3A_1226] {strides = array<i32>} : memref<16384xf32, #tpu.memory_space<vmem>>, vector<16xf32>,
      %swap3A_1228 = vector.shape_cast %swap3A_1227 : vector<16xf32> to vector<16xf32>
      %swap3A_1229 = vector.shape_cast %max3A_1221 : vector<16xf32> to vector<16xf32>
      tpu.vector_store %arg8[%swap3A_1226], %swap3A_1229 {strides = array<i32>} : memref<16384xf32, #tpu.memory_space<vmem>>, vector<16xf32>,
      %get3A_1230 = arith.constant 0 : i32
      %get3A_1231 = arith.index_cast %get3A_1230 : i32 to index
      %get3A_1232 = arith.constant 32 : index
      %get3A_1233 = tpu.vector_load %arg7[%get3A_1231, %get3A_1232] {strides = array<i32>} : memref<32x128xf32, #tpu.memory_space<vmem>>, vector<1x16xf32>,
      %get3A_1234 = vector.shape_cast %get3A_1233 : vector<1x16xf32> to vector<16xf32>
      %get3A_1235 = arith.constant 1 : i32
      %get3A_1236 = arith.index_cast %get3A_1235 : i32 to index
      %get3A_1237 = arith.constant 32 : index
      %get3A_1238 = tpu.vector_load %arg7[%get3A_1236, %get3A_1237] {strides = array<i32>} : memref<32x128xf32, #tpu.memory_space<vmem>>, vector<1x16xf32>,
      %get3A_1239 = vector.shape_cast %get3A_1238 : vector<1x16xf32> to vector<16xf32>
      %max3A_1240 = arith.maximumf %get3A_1234, %get3A_1239 : vector<16xf32>
      %get3A_1241 = arith.constant 2 : i32
      %get3A_1242 = arith.index_cast %get3A_1241 : i32 to index
      %get3A_1243 = arith.constant 32 : index
      %get3A_1244 = tpu.vector_load %arg7[%get3A_1242, %get3A_1243] {strides = array<i32>} : memref<32x128xf32, #tpu.memory_space<vmem>>, vector<1x16xf32>,
      %get3A_1245 = vector.shape_cast %get3A_1244 : vector<1x16xf32> to vector<16xf32>
      %max3A_1246 = arith.maximumf %max3A_1240, %get3A_1245 : vector<16xf32>
      %get3A_1247 = arith.constant 3 : i32
      %get3A_1248 = arith.index_cast %get3A_1247 : i32 to index
      %get3A_1249 = arith.constant 32 : index
      %get3A_1250 = tpu.vector_load %arg7[%get3A_1248, %get3A_1249] {strides = array<i32>} : memref<32x128xf32, #tpu.memory_space<vmem>>, vector<1x16xf32>,
      %get3A_1251 = vector.shape_cast %get3A_1250 : vector<1x16xf32> to vector<16xf32>
      %max3A_1252 = arith.maximumf %max3A_1246, %get3A_1251 : vector<16xf32>
      %get3A_1253 = arith.constant 4 : i32
      %get3A_1254 = arith.index_cast %get3A_1253 : i32 to index
      %get3A_1255 = arith.constant 32 : index
      %get3A_1256 = tpu.vector_load %arg7[%get3A_1254, %get3A_1255] {strides = array<i32>} : memref<32x128xf32, #tpu.memory_space<vmem>>, vector<1x16xf32>,
      %get3A_1257 = vector.shape_cast %get3A_1256 : vector<1x16xf32> to vector<16xf32>
      %max3A_1258 = arith.maximumf %max3A_1252, %get3A_1257 : vector<16xf32>
      %get3A_1259 = arith.constant 5 : i32
      %get3A_1260 = arith.index_cast %get3A_1259 : i32 to index
      %get3A_1261 = arith.constant 32 : index
      %get3A_1262 = tpu.vector_load %arg7[%get3A_1260, %get3A_1261] {strides = array<i32>} : memref<32x128xf32, #tpu.memory_space<vmem>>, vector<1x16xf32>,
      %get3A_1263 = vector.shape_cast %get3A_1262 : vector<1x16xf32> to vector<16xf32>
      %max3A_1264 = arith.maximumf %max3A_1258, %get3A_1263 : vector<16xf32>
      %get3A_1265 = arith.constant 6 : i32
      %get3A_1266 = arith.index_cast %get3A_1265 : i32 to index
      %get3A_1267 = arith.constant 32 : index
      %get3A_1268 = tpu.vector_load %arg7[%get3A_1266, %get3A_1267] {strides = array<i32>} : memref<32x128xf32, #tpu.memory_space<vmem>>, vector<1x16xf32>,
      %get3A_1269 = vector.shape_cast %get3A_1268 : vector<1x16xf32> to vector<16xf32>
      %max3A_1270 = arith.maximumf %max3A_1264, %get3A_1269 : vector<16xf32>
      %get3A_1271 = arith.constant 7 : i32
      %get3A_1272 = arith.index_cast %get3A_1271 : i32 to index
      %get3A_1273 = arith.constant 32 : index
      %get3A_1274 = tpu.vector_load %arg7[%get3A_1272, %get3A_1273] {strides = array<i32>} : memref<32x128xf32, #tpu.memory_space<vmem>>, vector<1x16xf32>,
      %get3A_1275 = vector.shape_cast %get3A_1274 : vector<1x16xf32> to vector<16xf32>
      %max3A_1276 = arith.maximumf %max3A_1270, %get3A_1275 : vector<16xf32>
      %get3A_1277 = arith.constant 8 : i32
      %get3A_1278 = arith.index_cast %get3A_1277 : i32 to index
      %get3A_1279 = arith.constant 32 : index
      %get3A_1280 = tpu.vector_load %arg7[%get3A_1278, %get3A_1279] {strides = array<i32>} : memref<32x128xf32, #tpu.memory_space<vmem>>, vector<1x16xf32>,
      %get3A_1281 = vector.shape_cast %get3A_1280 : vector<1x16xf32> to vector<16xf32>
      %max3A_1282 = arith.maximumf %max3A_1276, %get3A_1281 : vector<16xf32>
      %get3A_1283 = arith.constant 9 : i32
      %get3A_1284 = arith.index_cast %get3A_1283 : i32 to index
      %get3A_1285 = arith.constant 32 : index
      %get3A_1286 = tpu.vector_load %arg7[%get3A_1284, %get3A_1285] {strides = array<i32>} : memref<32x128xf32, #tpu.memory_space<vmem>>, vector<1x16xf32>,
      %get3A_1287 = vector.shape_cast %get3A_1286 : vector<1x16xf32> to vector<16xf32>
      %max3A_1288 = arith.maximumf %max3A_1282, %get3A_1287 : vector<16xf32>
      %get3A_1289 = arith.constant 10 : i32
      %get3A_1290 = arith.index_cast %get3A_1289 : i32 to index
      %get3A_1291 = arith.constant 32 : index
      %get3A_1292 = tpu.vector_load %arg7[%get3A_1290, %get3A_1291] {strides = array<i32>} : memref<32x128xf32, #tpu.memory_space<vmem>>, vector<1x16xf32>,
      %get3A_1293 = vector.shape_cast %get3A_1292 : vector<1x16xf32> to vector<16xf32>
      %max3A_1294 = arith.maximumf %max3A_1288, %get3A_1293 : vector<16xf32>
      %get3A_1295 = arith.constant 11 : i32
      %get3A_1296 = arith.index_cast %get3A_1295 : i32 to index
      %get3A_1297 = arith.constant 32 : index
      %get3A_1298 = tpu.vector_load %arg7[%get3A_1296, %get3A_1297] {strides = array<i32>} : memref<32x128xf32, #tpu.memory_space<vmem>>, vector<1x16xf32>,
      %get3A_1299 = vector.shape_cast %get3A_1298 : vector<1x16xf32> to vector<16xf32>
      %max3A_1300 = arith.maximumf %max3A_1294, %get3A_1299 : vector<16xf32>
      %get3A_1301 = arith.constant 12 : i32
      %get3A_1302 = arith.index_cast %get3A_1301 : i32 to index
      %get3A_1303 = arith.constant 32 : index
      %get3A_1304 = tpu.vector_load %arg7[%get3A_1302, %get3A_1303] {strides = array<i32>} : memref<32x128xf32, #tpu.memory_space<vmem>>, vector<1x16xf32>,
      %get3A_1305 = vector.shape_cast %get3A_1304 : vector<1x16xf32> to vector<16xf32>
      %max3A_1306 = arith.maximumf %max3A_1300, %get3A_1305 : vector<16xf32>
      %get3A_1307 = arith.constant 13 : i32
      %get3A_1308 = arith.index_cast %get3A_1307 : i32 to index
      %get3A_1309 = arith.constant 32 : index
      %get3A_1310 = tpu.vector_load %arg7[%get3A_1308, %get3A_1309] {strides = array<i32>} : memref<32x128xf32, #tpu.memory_space<vmem>>, vector<1x16xf32>,
      %get3A_1311 = vector.shape_cast %get3A_1310 : vector<1x16xf32> to vector<16xf32>
      %max3A_1312 = arith.maximumf %max3A_1306, %get3A_1311 : vector<16xf32>
      %get3A_1313 = arith.constant 14 : i32
      %get3A_1314 = arith.index_cast %get3A_1313 : i32 to index
      %get3A_1315 = arith.constant 32 : index
      %get3A_1316 = tpu.vector_load %arg7[%get3A_1314, %get3A_1315] {strides = array<i32>} : memref<32x128xf32, #tpu.memory_space<vmem>>, vector<1x16xf32>,
      %get3A_1317 = vector.shape_cast %get3A_1316 : vector<1x16xf32> to vector<16xf32>
      %max3A_1318 = arith.maximumf %max3A_1312, %get3A_1317 : vector<16xf32>
      %get3A_1319 = arith.constant 15 : i32
      %get3A_1320 = arith.index_cast %get3A_1319 : i32 to index
      %get3A_1321 = arith.constant 32 : index
      %get3A_1322 = tpu.vector_load %arg7[%get3A_1320, %get3A_1321] {strides = array<i32>} : memref<32x128xf32, #tpu.memory_space<vmem>>, vector<1x16xf32>,
      %get3A_1323 = vector.shape_cast %get3A_1322 : vector<1x16xf32> to vector<16xf32>
      %max3A_1324 = arith.maximumf %max3A_1318, %get3A_1323 : vector<16xf32>
      %get3A_1325 = arith.constant 16 : i32
      %get3A_1326 = arith.index_cast %get3A_1325 : i32 to index
      %get3A_1327 = arith.constant 32 : index
      %get3A_1328 = tpu.vector_load %arg7[%get3A_1326, %get3A_1327] {strides = array<i32>} : memref<32x128xf32, #tpu.memory_space<vmem>>, vector<1x16xf32>,
      %get3A_1329 = vector.shape_cast %get3A_1328 : vector<1x16xf32> to vector<16xf32>
      %max3A_1330 = arith.maximumf %max3A_1324, %get3A_1329 : vector<16xf32>
      %get3A_1331 = arith.constant 17 : i32
      %get3A_1332 = arith.index_cast %get3A_1331 : i32 to index
      %get3A_1333 = arith.constant 32 : index
      %get3A_1334 = tpu.vector_load %arg7[%get3A_1332, %get3A_1333] {strides = array<i32>} : memref<32x128xf32, #tpu.memory_space<vmem>>, vector<1x16xf32>,
      %get3A_1335 = vector.shape_cast %get3A_1334 : vector<1x16xf32> to vector<16xf32>
      %max3A_1336 = arith.maximumf %max3A_1330, %get3A_1335 : vector<16xf32>
      %get3A_1337 = arith.constant 18 : i32
      %get3A_1338 = arith.index_cast %get3A_1337 : i32 to index
      %get3A_1339 = arith.constant 32 : index
      %get3A_1340 = tpu.vector_load %arg7[%get3A_1338, %get3A_1339] {strides = array<i32>} : memref<32x128xf32, #tpu.memory_space<vmem>>, vector<1x16xf32>,
      %get3A_1341 = vector.shape_cast %get3A_1340 : vector<1x16xf32> to vector<16xf32>
      %max3A_1342 = arith.maximumf %max3A_1336, %get3A_1341 : vector<16xf32>
      %get3A_1343 = arith.constant 19 : i32
      %get3A_1344 = arith.index_cast %get3A_1343 : i32 to index
      %get3A_1345 = arith.constant 32 : index
      %get3A_1346 = tpu.vector_load %arg7[%get3A_1344, %get3A_1345] {strides = array<i32>} : memref<32x128xf32, #tpu.memory_space<vmem>>, vector<1x16xf32>,
      %get3A_1347 = vector.shape_cast %get3A_1346 : vector<1x16xf32> to vector<16xf32>
      %max3A_1348 = arith.maximumf %max3A_1342, %get3A_1347 : vector<16xf32>
      %get3A_1349 = arith.constant 20 : i32
      %get3A_1350 = arith.index_cast %get3A_1349 : i32 to index
      %get3A_1351 = arith.constant 32 : index
      %get3A_1352 = tpu.vector_load %arg7[%get3A_1350, %get3A_1351] {strides = array<i32>} : memref<32x128xf32, #tpu.memory_space<vmem>>, vector<1x16xf32>,
      %get3A_1353 = vector.shape_cast %get3A_1352 : vector<1x16xf32> to vector<16xf32>
      %max3A_1354 = arith.maximumf %max3A_1348, %get3A_1353 : vector<16xf32>
      %get3A_1355 = arith.constant 21 : i32
      %get3A_1356 = arith.index_cast %get3A_1355 : i32 to index
      %get3A_1357 = arith.constant 32 : index
      %get3A_1358 = tpu.vector_load %arg7[%get3A_1356, %get3A_1357] {strides = array<i32>} : memref<32x128xf32, #tpu.memory_space<vmem>>, vector<1x16xf32>,
      %get3A_1359 = vector.shape_cast %get3A_1358 : vector<1x16xf32> to vector<16xf32>
      %max3A_1360 = arith.maximumf %max3A_1354, %get3A_1359 : vector<16xf32>
      %get3A_1361 = arith.constant 22 : i32
      %get3A_1362 = arith.index_cast %get3A_1361 : i32 to index
      %get3A_1363 = arith.constant 32 : index
      %get3A_1364 = tpu.vector_load %arg7[%get3A_1362, %get3A_1363] {strides = array<i32>} : memref<32x128xf32, #tpu.memory_space<vmem>>, vector<1x16xf32>,
      %get3A_1365 = vector.shape_cast %get3A_1364 : vector<1x16xf32> to vector<16xf32>
      %max3A_1366 = arith.maximumf %max3A_1360, %get3A_1365 : vector<16xf32>
      %get3A_1367 = arith.constant 23 : i32
      %get3A_1368 = arith.index_cast %get3A_1367 : i32 to index
      %get3A_1369 = arith.constant 32 : index
      %get3A_1370 = tpu.vector_load %arg7[%get3A_1368, %get3A_1369] {strides = array<i32>} : memref<32x128xf32, #tpu.memory_space<vmem>>, vector<1x16xf32>,
      %get3A_1371 = vector.shape_cast %get3A_1370 : vector<1x16xf32> to vector<16xf32>
      %max3A_1372 = arith.maximumf %max3A_1366, %get3A_1371 : vector<16xf32>
      %get3A_1373 = arith.constant 24 : i32
      %get3A_1374 = arith.index_cast %get3A_1373 : i32 to index
      %get3A_1375 = arith.constant 32 : index
      %get3A_1376 = tpu.vector_load %arg7[%get3A_1374, %get3A_1375] {strides = array<i32>} : memref<32x128xf32, #tpu.memory_space<vmem>>, vector<1x16xf32>,
      %get3A_1377 = vector.shape_cast %get3A_1376 : vector<1x16xf32> to vector<16xf32>
      %max3A_1378 = arith.maximumf %max3A_1372, %get3A_1377 : vector<16xf32>
      %get3A_1379 = arith.constant 25 : i32
      %get3A_1380 = arith.index_cast %get3A_1379 : i32 to index
      %get3A_1381 = arith.constant 32 : index
      %get3A_1382 = tpu.vector_load %arg7[%get3A_1380, %get3A_1381] {strides = array<i32>} : memref<32x128xf32, #tpu.memory_space<vmem>>, vector<1x16xf32>,
      %get3A_1383 = vector.shape_cast %get3A_1382 : vector<1x16xf32> to vector<16xf32>
      %max3A_1384 = arith.maximumf %max3A_1378, %get3A_1383 : vector<16xf32>
      %get3A_1385 = arith.constant 26 : i32
      %get3A_1386 = arith.index_cast %get3A_1385 : i32 to index
      %get3A_1387 = arith.constant 32 : index
      %get3A_1388 = tpu.vector_load %arg7[%get3A_1386, %get3A_1387] {strides = array<i32>} : memref<32x128xf32, #tpu.memory_space<vmem>>, vector<1x16xf32>,
      %get3A_1389 = vector.shape_cast %get3A_1388 : vector<1x16xf32> to vector<16xf32>
      %max3A_1390 = arith.maximumf %max3A_1384, %get3A_1389 : vector<16xf32>
      %get3A_1391 = arith.constant 27 : i32
      %get3A_1392 = arith.index_cast %get3A_1391 : i32 to index
      %get3A_1393 = arith.constant 32 : index
      %get3A_1394 = tpu.vector_load %arg7[%get3A_1392, %get3A_1393] {strides = array<i32>} : memref<32x128xf32, #tpu.memory_space<vmem>>, vector<1x16xf32>,
      %get3A_1395 = vector.shape_cast %get3A_1394 : vector<1x16xf32> to vector<16xf32>
      %max3A_1396 = arith.maximumf %max3A_1390, %get3A_1395 : vector<16xf32>
      %get3A_1397 = arith.constant 28 : i32
      %get3A_1398 = arith.index_cast %get3A_1397 : i32 to index
      %get3A_1399 = arith.constant 32 : index
      %get3A_1400 = tpu.vector_load %arg7[%get3A_1398, %get3A_1399] {strides = array<i32>} : memref<32x128xf32, #tpu.memory_space<vmem>>, vector<1x16xf32>,
      %get3A_1401 = vector.shape_cast %get3A_1400 : vector<1x16xf32> to vector<16xf32>
      %max3A_1402 = arith.maximumf %max3A_1396, %get3A_1401 : vector<16xf32>
      %get3A_1403 = arith.constant 29 : i32
      %get3A_1404 = arith.index_cast %get3A_1403 : i32 to index
      %get3A_1405 = arith.constant 32 : index
      %get3A_1406 = tpu.vector_load %arg7[%get3A_1404, %get3A_1405] {strides = array<i32>} : memref<32x128xf32, #tpu.memory_space<vmem>>, vector<1x16xf32>,
      %get3A_1407 = vector.shape_cast %get3A_1406 : vector<1x16xf32> to vector<16xf32>
      %max3A_1408 = arith.maximumf %max3A_1402, %get3A_1407 : vector<16xf32>
      %get3A_1409 = arith.constant 30 : i32
      %get3A_1410 = arith.index_cast %get3A_1409 : i32 to index
      %get3A_1411 = arith.constant 32 : index
      %get3A_1412 = tpu.vector_load %arg7[%get3A_1410, %get3A_1411] {strides = array<i32>} : memref<32x128xf32, #tpu.memory_space<vmem>>, vector<1x16xf32>,
      %get3A_1413 = vector.shape_cast %get3A_1412 : vector<1x16xf32> to vector<16xf32>
      %max3A_1414 = arith.maximumf %max3A_1408, %get3A_1413 : vector<16xf32>
      %get3A_1415 = arith.constant 31 : i32
      %get3A_1416 = arith.index_cast %get3A_1415 : i32 to index
      %get3A_1417 = arith.constant 32 : index
      %get3A_1418 = tpu.vector_load %arg7[%get3A_1416, %get3A_1417] {strides = array<i32>} : memref<32x128xf32, #tpu.memory_space<vmem>>, vector<1x16xf32>,
      %get3A_1419 = vector.shape_cast %get3A_1418 : vector<1x16xf32> to vector<16xf32>
      %max3A_1420 = arith.maximumf %max3A_1414, %get3A_1419 : vector<16xf32>
      %mul3A_1421 = arith.constant 64 : i32
      %mul3A_1422 = arith.muli %add3A_831, %mul3A_1421 : i32
      %add3A_1423 = arith.constant 32 : i32
      %add3A_1424 = arith.addi %mul3A_1422, %add3A_1423 : i32
      %swap3A_1425 = arith.index_cast %add3A_1424 : i32 to index
      %swap3A_1426 = tpu.vector_load %arg8[%swap3A_1425] {strides = array<i32>} : memref<16384xf32, #tpu.memory_space<vmem>>, vector<16xf32>,
      %swap3A_1427 = vector.shape_cast %swap3A_1426 : vector<16xf32> to vector<16xf32>
      %swap3A_1428 = vector.shape_cast %max3A_1420 : vector<16xf32> to vector<16xf32>
      tpu.vector_store %arg8[%swap3A_1425], %swap3A_1428 {strides = array<i32>} : memref<16384xf32, #tpu.memory_space<vmem>>, vector<16xf32>,
      %get3A_1429 = arith.constant 0 : i32
      %get3A_1430 = arith.index_cast %get3A_1429 : i32 to index
      %get3A_1431 = arith.constant 48 : index
      %get3A_1432 = tpu.vector_load %arg7[%get3A_1430, %get3A_1431] {strides = array<i32>} : memref<32x128xf32, #tpu.memory_space<vmem>>, vector<1x16xf32>,
      %get3A_1433 = vector.shape_cast %get3A_1432 : vector<1x16xf32> to vector<16xf32>
      %get3A_1434 = arith.constant 1 : i32
      %get3A_1435 = arith.index_cast %get3A_1434 : i32 to index
      %get3A_1436 = arith.constant 48 : index
      %get3A_1437 = tpu.vector_load %arg7[%get3A_1435, %get3A_1436] {strides = array<i32>} : memref<32x128xf32, #tpu.memory_space<vmem>>, vector<1x16xf32>,
      %get3A_1438 = vector.shape_cast %get3A_1437 : vector<1x16xf32> to vector<16xf32>
      %max3A_1439 = arith.maximumf %get3A_1433, %get3A_1438 : vector<16xf32>
      %get3A_1440 = arith.constant 2 : i32
      %get3A_1441 = arith.index_cast %get3A_1440 : i32 to index
      %get3A_1442 = arith.constant 48 : index
      %get3A_1443 = tpu.vector_load %arg7[%get3A_1441, %get3A_1442] {strides = array<i32>} : memref<32x128xf32, #tpu.memory_space<vmem>>, vector<1x16xf32>,
      %get3A_1444 = vector.shape_cast %get3A_1443 : vector<1x16xf32> to vector<16xf32>
      %max3A_1445 = arith.maximumf %max3A_1439, %get3A_1444 : vector<16xf32>
      %get3A_1446 = arith.constant 3 : i32
      %get3A_1447 = arith.index_cast %get3A_1446 : i32 to index
      %get3A_1448 = arith.constant 48 : index
      %get3A_1449 = tpu.vector_load %arg7[%get3A_1447, %get3A_1448] {strides = array<i32>} : memref<32x128xf32, #tpu.memory_space<vmem>>, vector<1x16xf32>,
      %get3A_1450 = vector.shape_cast %get3A_1449 : vector<1x16xf32> to vector<16xf32>
      %max3A_1451 = arith.maximumf %max3A_1445, %get3A_1450 : vector<16xf32>
      %get3A_1452 = arith.constant 4 : i32
      %get3A_1453 = arith.index_cast %get3A_1452 : i32 to index
      %get3A_1454 = arith.constant 48 : index
      %get3A_1455 = tpu.vector_load %arg7[%get3A_1453, %get3A_1454] {strides = array<i32>} : memref<32x128xf32, #tpu.memory_space<vmem>>, vector<1x16xf32>,
      %get3A_1456 = vector.shape_cast %get3A_1455 : vector<1x16xf32> to vector<16xf32>
      %max3A_1457 = arith.maximumf %max3A_1451, %get3A_1456 : vector<16xf32>
      %get3A_1458 = arith.constant 5 : i32
      %get3A_1459 = arith.index_cast %get3A_1458 : i32 to index
      %get3A_1460 = arith.constant 48 : index
      %get3A_1461 = tpu.vector_load %arg7[%get3A_1459, %get3A_1460] {strides = array<i32>} : memref<32x128xf32, #tpu.memory_space<vmem>>, vector<1x16xf32>,
      %get3A_1462 = vector.shape_cast %get3A_1461 : vector<1x16xf32> to vector<16xf32>
      %max3A_1463 = arith.maximumf %max3A_1457, %get3A_1462 : vector<16xf32>
      %get3A_1464 = arith.constant 6 : i32
      %get3A_1465 = arith.index_cast %get3A_1464 : i32 to index
      %get3A_1466 = arith.constant 48 : index
      %get3A_1467 = tpu.vector_load %arg7[%get3A_1465, %get3A_1466] {strides = array<i32>} : memref<32x128xf32, #tpu.memory_space<vmem>>, vector<1x16xf32>,
      %get3A_1468 = vector.shape_cast %get3A_1467 : vector<1x16xf32> to vector<16xf32>
      %max3A_1469 = arith.maximumf %max3A_1463, %get3A_1468 : vector<16xf32>
      %get3A_1470 = arith.constant 7 : i32
      %get3A_1471 = arith.index_cast %get3A_1470 : i32 to index
      %get3A_1472 = arith.constant 48 : index
      %get3A_1473 = tpu.vector_load %arg7[%get3A_1471, %get3A_1472] {strides = array<i32>} : memref<32x128xf32, #tpu.memory_space<vmem>>, vector<1x16xf32>,
      %get3A_1474 = vector.shape_cast %get3A_1473 : vector<1x16xf32> to vector<16xf32>
      %max3A_1475 = arith.maximumf %max3A_1469, %get3A_1474 : vector<16xf32>
      %get3A_1476 = arith.constant 8 : i32
      %get3A_1477 = arith.index_cast %get3A_1476 : i32 to index
      %get3A_1478 = arith.constant 48 : index
      %get3A_1479 = tpu.vector_load %arg7[%get3A_1477, %get3A_1478] {strides = array<i32>} : memref<32x128xf32, #tpu.memory_space<vmem>>, vector<1x16xf32>,
      %get3A_1480 = vector.shape_cast %get3A_1479 : vector<1x16xf32> to vector<16xf32>
      %max3A_1481 = arith.maximumf %max3A_1475, %get3A_1480 : vector<16xf32>
      %get3A_1482 = arith.constant 9 : i32
      %get3A_1483 = arith.index_cast %get3A_1482 : i32 to index
      %get3A_1484 = arith.constant 48 : index
      %get3A_1485 = tpu.vector_load %arg7[%get3A_1483, %get3A_1484] {strides = array<i32>} : memref<32x128xf32, #tpu.memory_space<vmem>>, vector<1x16xf32>,
      %get3A_1486 = vector.shape_cast %get3A_1485 : vector<1x16xf32> to vector<16xf32>
      %max3A_1487 = arith.maximumf %max3A_1481, %get3A_1486 : vector<16xf32>
      %get3A_1488 = arith.constant 10 : i32
      %get3A_1489 = arith.index_cast %get3A_1488 : i32 to index
      %get3A_1490 = arith.constant 48 : index
      %get3A_1491 = tpu.vector_load %arg7[%get3A_1489, %get3A_1490] {strides = array<i32>} : memref<32x128xf32, #tpu.memory_space<vmem>>, vector<1x16xf32>,
      %get3A_1492 = vector.shape_cast %get3A_1491 : vector<1x16xf32> to vector<16xf32>
      %max3A_1493 = arith.maximumf %max3A_1487, %get3A_1492 : vector<16xf32>
      %get3A_1494 = arith.constant 11 : i32
      %get3A_1495 = arith.index_cast %get3A_1494 : i32 to index
      %get3A_1496 = arith.constant 48 : index
      %get3A_1497 = tpu.vector_load %arg7[%get3A_1495, %get3A_1496] {strides = array<i32>} : memref<32x128xf32, #tpu.memory_space<vmem>>, vector<1x16xf32>,
      %get3A_1498 = vector.shape_cast %get3A_1497 : vector<1x16xf32> to vector<16xf32>
      %max3A_1499 = arith.maximumf %max3A_1493, %get3A_1498 : vector<16xf32>
      %get3A_1500 = arith.constant 12 : i32
      %get3A_1501 = arith.index_cast %get3A_1500 : i32 to index
      %get3A_1502 = arith.constant 48 : index
      %get3A_1503 = tpu.vector_load %arg7[%get3A_1501, %get3A_1502] {strides = array<i32>} : memref<32x128xf32, #tpu.memory_space<vmem>>, vector<1x16xf32>,
      %get3A_1504 = vector.shape_cast %get3A_1503 : vector<1x16xf32> to vector<16xf32>
      %max3A_1505 = arith.maximumf %max3A_1499, %get3A_1504 : vector<16xf32>
      %get3A_1506 = arith.constant 13 : i32
      %get3A_1507 = arith.index_cast %get3A_1506 : i32 to index
      %get3A_1508 = arith.constant 48 : index
      %get3A_1509 = tpu.vector_load %arg7[%get3A_1507, %get3A_1508] {strides = array<i32>} : memref<32x128xf32, #tpu.memory_space<vmem>>, vector<1x16xf32>,
      %get3A_1510 = vector.shape_cast %get3A_1509 : vector<1x16xf32> to vector<16xf32>
      %max3A_1511 = arith.maximumf %max3A_1505, %get3A_1510 : vector<16xf32>
      %get3A_1512 = arith.constant 14 : i32
      %get3A_1513 = arith.index_cast %get3A_1512 : i32 to index
      %get3A_1514 = arith.constant 48 : index
      %get3A_1515 = tpu.vector_load %arg7[%get3A_1513, %get3A_1514] {strides = array<i32>} : memref<32x128xf32, #tpu.memory_space<vmem>>, vector<1x16xf32>,
      %get3A_1516 = vector.shape_cast %get3A_1515 : vector<1x16xf32> to vector<16xf32>
      %max3A_1517 = arith.maximumf %max3A_1511, %get3A_1516 : vector<16xf32>
      %get3A_1518 = arith.constant 15 : i32
      %get3A_1519 = arith.index_cast %get3A_1518 : i32 to index
      %get3A_1520 = arith.constant 48 : index
      %get3A_1521 = tpu.vector_load %arg7[%get3A_1519, %get3A_1520] {strides = array<i32>} : memref<32x128xf32, #tpu.memory_space<vmem>>, vector<1x16xf32>,
      %get3A_1522 = vector.shape_cast %get3A_1521 : vector<1x16xf32> to vector<16xf32>
      %max3A_1523 = arith.maximumf %max3A_1517, %get3A_1522 : vector<16xf32>
      %get3A_1524 = arith.constant 16 : i32
      %get3A_1525 = arith.index_cast %get3A_1524 : i32 to index
      %get3A_1526 = arith.constant 48 : index
      %get3A_1527 = tpu.vector_load %arg7[%get3A_1525, %get3A_1526] {strides = array<i32>} : memref<32x128xf32, #tpu.memory_space<vmem>>, vector<1x16xf32>,
      %get3A_1528 = vector.shape_cast %get3A_1527 : vector<1x16xf32> to vector<16xf32>
      %max3A_1529 = arith.maximumf %max3A_1523, %get3A_1528 : vector<16xf32>
      %get3A_1530 = arith.constant 17 : i32
      %get3A_1531 = arith.index_cast %get3A_1530 : i32 to index
      %get3A_1532 = arith.constant 48 : index
      %get3A_1533 = tpu.vector_load %arg7[%get3A_1531, %get3A_1532] {strides = array<i32>} : memref<32x128xf32, #tpu.memory_space<vmem>>, vector<1x16xf32>,
      %get3A_1534 = vector.shape_cast %get3A_1533 : vector<1x16xf32> to vector<16xf32>
      %max3A_1535 = arith.maximumf %max3A_1529, %get3A_1534 : vector<16xf32>
      %get3A_1536 = arith.constant 18 : i32
      %get3A_1537 = arith.index_cast %get3A_1536 : i32 to index
      %get3A_1538 = arith.constant 48 : index
      %get3A_1539 = tpu.vector_load %arg7[%get3A_1537, %get3A_1538] {strides = array<i32>} : memref<32x128xf32, #tpu.memory_space<vmem>>, vector<1x16xf32>,
      %get3A_1540 = vector.shape_cast %get3A_1539 : vector<1x16xf32> to vector<16xf32>
      %max3A_1541 = arith.maximumf %max3A_1535, %get3A_1540 : vector<16xf32>
      %get3A_1542 = arith.constant 19 : i32
      %get3A_1543 = arith.index_cast %get3A_1542 : i32 to index
      %get3A_1544 = arith.constant 48 : index
      %get3A_1545 = tpu.vector_load %arg7[%get3A_1543, %get3A_1544] {strides = array<i32>} : memref<32x128xf32, #tpu.memory_space<vmem>>, vector<1x16xf32>,
      %get3A_1546 = vector.shape_cast %get3A_1545 : vector<1x16xf32> to vector<16xf32>
      %max3A_1547 = arith.maximumf %max3A_1541, %get3A_1546 : vector<16xf32>
      %get3A_1548 = arith.constant 20 : i32
      %get3A_1549 = arith.index_cast %get3A_1548 : i32 to index
      %get3A_1550 = arith.constant 48 : index
      %get3A_1551 = tpu.vector_load %arg7[%get3A_1549, %get3A_1550] {strides = array<i32>} : memref<32x128xf32, #tpu.memory_space<vmem>>, vector<1x16xf32>,
      %get3A_1552 = vector.shape_cast %get3A_1551 : vector<1x16xf32> to vector<16xf32>
      %max3A_1553 = arith.maximumf %max3A_1547, %get3A_1552 : vector<16xf32>
      %get3A_1554 = arith.constant 21 : i32
      %get3A_1555 = arith.index_cast %get3A_1554 : i32 to index
      %get3A_1556 = arith.constant 48 : index
      %get3A_1557 = tpu.vector_load %arg7[%get3A_1555, %get3A_1556] {strides = array<i32>} : memref<32x128xf32, #tpu.memory_space<vmem>>, vector<1x16xf32>,
      %get3A_1558 = vector.shape_cast %get3A_1557 : vector<1x16xf32> to vector<16xf32>
      %max3A_1559 = arith.maximumf %max3A_1553, %get3A_1558 : vector<16xf32>
      %get3A_1560 = arith.constant 22 : i32
      %get3A_1561 = arith.index_cast %get3A_1560 : i32 to index
      %get3A_1562 = arith.constant 48 : index
      %get3A_1563 = tpu.vector_load %arg7[%get3A_1561, %get3A_1562] {strides = array<i32>} : memref<32x128xf32, #tpu.memory_space<vmem>>, vector<1x16xf32>,
      %get3A_1564 = vector.shape_cast %get3A_1563 : vector<1x16xf32> to vector<16xf32>
      %max3A_1565 = arith.maximumf %max3A_1559, %get3A_1564 : vector<16xf32>
      %get3A_1566 = arith.constant 23 : i32
      %get3A_1567 = arith.index_cast %get3A_1566 : i32 to index
      %get3A_1568 = arith.constant 48 : index
      %get3A_1569 = tpu.vector_load %arg7[%get3A_1567, %get3A_1568] {strides = array<i32>} : memref<32x128xf32, #tpu.memory_space<vmem>>, vector<1x16xf32>,
      %get3A_1570 = vector.shape_cast %get3A_1569 : vector<1x16xf32> to vector<16xf32>
      %max3A_1571 = arith.maximumf %max3A_1565, %get3A_1570 : vector<16xf32>
      %get3A_1572 = arith.constant 24 : i32
      %get3A_1573 = arith.index_cast %get3A_1572 : i32 to index
      %get3A_1574 = arith.constant 48 : index
      %get3A_1575 = tpu.vector_load %arg7[%get3A_1573, %get3A_1574] {strides = array<i32>} : memref<32x128xf32, #tpu.memory_space<vmem>>, vector<1x16xf32>,
      %get3A_1576 = vector.shape_cast %get3A_1575 : vector<1x16xf32> to vector<16xf32>
      %max3A_1577 = arith.maximumf %max3A_1571, %get3A_1576 : vector<16xf32>
      %get3A_1578 = arith.constant 25 : i32
      %get3A_1579 = arith.index_cast %get3A_1578 : i32 to index
      %get3A_1580 = arith.constant 48 : index
      %get3A_1581 = tpu.vector_load %arg7[%get3A_1579, %get3A_1580] {strides = array<i32>} : memref<32x128xf32, #tpu.memory_space<vmem>>, vector<1x16xf32>,
      %get3A_1582 = vector.shape_cast %get3A_1581 : vector<1x16xf32> to vector<16xf32>
      %max3A_1583 = arith.maximumf %max3A_1577, %get3A_1582 : vector<16xf32>
      %get3A_1584 = arith.constant 26 : i32
      %get3A_1585 = arith.index_cast %get3A_1584 : i32 to index
      %get3A_1586 = arith.constant 48 : index
      %get3A_1587 = tpu.vector_load %arg7[%get3A_1585, %get3A_1586] {strides = array<i32>} : memref<32x128xf32, #tpu.memory_space<vmem>>, vector<1x16xf32>,
      %get3A_1588 = vector.shape_cast %get3A_1587 : vector<1x16xf32> to vector<16xf32>
      %max3A_1589 = arith.maximumf %max3A_1583, %get3A_1588 : vector<16xf32>
      %get3A_1590 = arith.constant 27 : i32
      %get3A_1591 = arith.index_cast %get3A_1590 : i32 to index
      %get3A_1592 = arith.constant 48 : index
      %get3A_1593 = tpu.vector_load %arg7[%get3A_1591, %get3A_1592] {strides = array<i32>} : memref<32x128xf32, #tpu.memory_space<vmem>>, vector<1x16xf32>,
      %get3A_1594 = vector.shape_cast %get3A_1593 : vector<1x16xf32> to vector<16xf32>
      %max3A_1595 = arith.maximumf %max3A_1589, %get3A_1594 : vector<16xf32>
      %get3A_1596 = arith.constant 28 : i32
      %get3A_1597 = arith.index_cast %get3A_1596 : i32 to index
      %get3A_1598 = arith.constant 48 : index
      %get3A_1599 = tpu.vector_load %arg7[%get3A_1597, %get3A_1598] {strides = array<i32>} : memref<32x128xf32, #tpu.memory_space<vmem>>, vector<1x16xf32>,
      %get3A_1600 = vector.shape_cast %get3A_1599 : vector<1x16xf32> to vector<16xf32>
      %max3A_1601 = arith.maximumf %max3A_1595, %get3A_1600 : vector<16xf32>
      %get3A_1602 = arith.constant 29 : i32
      %get3A_1603 = arith.index_cast %get3A_1602 : i32 to index
      %get3A_1604 = arith.constant 48 : index
      %get3A_1605 = tpu.vector_load %arg7[%get3A_1603, %get3A_1604] {strides = array<i32>} : memref<32x128xf32, #tpu.memory_space<vmem>>, vector<1x16xf32>,
      %get3A_1606 = vector.shape_cast %get3A_1605 : vector<1x16xf32> to vector<16xf32>
      %max3A_1607 = arith.maximumf %max3A_1601, %get3A_1606 : vector<16xf32>
      %get3A_1608 = arith.constant 30 : i32
      %get3A_1609 = arith.index_cast %get3A_1608 : i32 to index
      %get3A_1610 = arith.constant 48 : index
      %get3A_1611 = tpu.vector_load %arg7[%get3A_1609, %get3A_1610] {strides = array<i32>} : memref<32x128xf32, #tpu.memory_space<vmem>>, vector<1x16xf32>,
      %get3A_1612 = vector.shape_cast %get3A_1611 : vector<1x16xf32> to vector<16xf32>
      %max3A_1613 = arith.maximumf %max3A_1607, %get3A_1612 : vector<16xf32>
      %get3A_1614 = arith.constant 31 : i32
      %get3A_1615 = arith.index_cast %get3A_1614 : i32 to index
      %get3A_1616 = arith.constant 48 : index
      %get3A_1617 = tpu.vector_load %arg7[%get3A_1615, %get3A_1616] {strides = array<i32>} : memref<32x128xf32, #tpu.memory_space<vmem>>, vector<1x16xf32>,
      %get3A_1618 = vector.shape_cast %get3A_1617 : vector<1x16xf32> to vector<16xf32>
      %max3A_1619 = arith.maximumf %max3A_1613, %get3A_1618 : vector<16xf32>
      %mul3A_1620 = arith.constant 64 : i32
      %mul3A_1621 = arith.muli %add3A_831, %mul3A_1620 : i32
      %add3A_1622 = arith.constant 48 : i32
      %add3A_1623 = arith.addi %mul3A_1621, %add3A_1622 : i32
      %swap3A_1624 = arith.index_cast %add3A_1623 : i32 to index
      %swap3A_1625 = tpu.vector_load %arg8[%swap3A_1624] {strides = array<i32>} : memref<16384xf32, #tpu.memory_space<vmem>>, vector<16xf32>,
      %swap3A_1626 = vector.shape_cast %swap3A_1625 : vector<16xf32> to vector<16xf32>
      %swap3A_1627 = vector.shape_cast %max3A_1619 : vector<16xf32> to vector<16xf32>
      tpu.vector_store %arg8[%swap3A_1624], %swap3A_1627 {strides = array<i32>} : memref<16384xf32, #tpu.memory_space<vmem>>, vector<16xf32>,
      %add3A_1628 = arith.constant 3 : i32
      %add3A_1629 = arith.addi %mul3A_23, %add3A_1628 : i32
      %lt3A_1630 = arith.constant 256 : i32
      %lt3A_1631 = arith.cmpi slt, %add3A_1629, %lt3A_1630 : i32
      %convert_element_type3A_1632 = arith.extui %lt3A_1631 : i1 to i32
      %cond3A_1633 = arith.constant 0 : i32
      %cond3A_1634 = arith.cmpi ne, %convert_element_type3A_1632, %cond3A_1633 : i32
      scf.if %cond3A_1634 {
        %add3A_1635 = arith.constant 3 : i32
        %add3A_1636 = arith.addi %mul3A_23, %add3A_1635 : i32
        %mul3A_1637 = arith.constant 32 : i32
        %mul3A_1638 = arith.muli %add3A_1636, %mul3A_1637 : i32
        %dma_start3A_1639 = tpu.memref_slice %arg5[%mul3A_1638] : memref<8192xi32, #tpu.memory_space<vmem>> -> memref<32xi32, #tpu.memory_space<vmem>>
        %dma_start3A_1640 = arith.constant 0 : i32
        %dma_start3A_1641 = arith.constant 0 : i32
        %dma_start3A_1642 = tpu.memref_slice %arg2[%dma_start3A_1640, %dma_start3A_1641] : memref<32768x128xf32, #tpu.memory_space<hbm>> -> memref<32768x128xf32, #tpu.memory_space<hbm>>
        tpu.enqueue_indirect_dma source(%dma_start3A_1642 : memref<32768x128xf32, #tpu.memory_space<hbm>>) target(%arg7 : memref<32x128xf32, #tpu.memory_space<vmem>>) offsets(%dma_start3A_1639 : memref<32xi32, #tpu.memory_space<vmem>>) semaphore(%arg9 : memref<!tpu.dma_semaphore, #tpu.memory_space<semaphore_mem>>)
      } else {
      }
    }
    %scan3A_18 = arith.constant 128 : i32
    %mul3A_19 = arith.constant 64 : i32
    %mul3A_20 = arith.muli %mul3A_2, %mul3A_19 : i32
    "tpu.region"() ({
      %run_scoped3A = tpu.sem_alloc : memref<!tpu.dma_semaphore, #tpu.memory_space<semaphore_mem>>
      %dma_start3A_21 = tpu.memref_slice %arg4[%mul3A_20] : memref<524288xf32, #tpu.memory_space<hbm>> -> memref<16384xf32, #tpu.memory_space<hbm>>
      %dma_start3A_22 = tpu.memref_slice %arg4[%mul3A_20] : memref<524288xf32, #tpu.memory_space<hbm>> -> memref<16384xf32, #tpu.memory_space<hbm>>
      tpu.enqueue_dma source(%arg8 : memref<16384xf32, #tpu.memory_space<vmem>>) target(%dma_start3A_22 : memref<16384xf32, #tpu.memory_space<hbm>>) target_semaphore(%run_scoped3A : memref<!tpu.dma_semaphore, #tpu.memory_space<semaphore_mem>>)
      %dma_wait3A = tpu.memref_slice %arg4[%mul3A_20] : memref<524288xf32, #tpu.memory_space<hbm>> -> memref<16384xf32, #tpu.memory_space<hbm>>
      %dma_wait3A_23 = tpu.memref_slice %arg4[%mul3A_20] : memref<524288xf32, #tpu.memory_space<hbm>> -> memref<16384xf32, #tpu.memory_space<hbm>>
      tpu.wait_dma2 semaphore(%run_scoped3A : memref<!tpu.dma_semaphore, #tpu.memory_space<semaphore_mem>>) src(%arg8 : memref<16384xf32, #tpu.memory_space<vmem>>) dst(%dma_wait3A_23 : memref<16384xf32, #tpu.memory_space<hbm>>)
      tpu.yield
    }) : () -> ()
    return
  }
}

module attributes {stable_mosaic.version = 14 : i64} {
  func.func @_fps_body(%arg0: memref<4x3x64x128xf32, #tpu.memory_space<vmem>>, %arg1: memref<4x16x128xi32, #tpu.memory_space<vmem>>, %arg2: memref<4x3x16x128xf32, #tpu.memory_space<vmem>>) attributes {dimension_semantics = [], scalar_prefetch = 0 : i64, scratch_operands = 0 : i64, tpu.core_type = #tpu.core_type<tc>} {
    %iota3A = tpu.iota {dimensions = array<i32: 0>} : vector<64x128xi32>
    %iota3A_0 = tpu.iota {dimensions = array<i32: 1>} : vector<64x128xi32>
    %mul3A = arith.constant 128 : i32
    %mul3A_1 = vector.broadcast %mul3A : i32 to vector<64x128xi32>
    %mul3A_2 = arith.muli %iota3A, %mul3A_1 : vector<64x128xi32>
    %add3A = arith.addi %mul3A_2, %iota3A_0 : vector<64x128xi32>
    %iota3A_3 = tpu.iota {dimensions = array<i32: 0>} : vector<16x128xi32>
    %iota3A_4 = tpu.iota {dimensions = array<i32: 1>} : vector<16x128xi32>
    %mul3A_5 = arith.constant 128 : i32
    %mul3A_6 = vector.broadcast %mul3A_5 : i32 to vector<16x128xi32>
    %mul3A_7 = arith.muli %iota3A_3, %mul3A_6 : vector<16x128xi32>
    %add3A_8 = arith.addi %mul3A_7, %iota3A_4 : vector<16x128xi32>
    %broadcast_in_dim3A = arith.constant 1.000000e+10 : f32
    %broadcast_in_dim3A_9 = vector.broadcast %broadcast_in_dim3A : f32 to vector<64x128xf32>
    %broadcast_in_dim3A_10 = arith.constant 0 : i32
    %broadcast_in_dim3A_11 = vector.broadcast %broadcast_in_dim3A_10 : i32 to vector<1x1xi32>
    %get3A = arith.constant 0 : index
    %get3A_12 = arith.constant 0 : index
    %get3A_13 = arith.constant 0 : index
    %get3A_14 = arith.constant 0 : index
    %get3A_15 = vector.load %arg0[%get3A, %get3A_12, %get3A_13, %get3A_14] : memref<4x3x64x128xf32, #tpu.memory_space<vmem>>, vector<1x1x1x1xf32>
    %get3A_16 = vector.shape_cast %get3A_15 : vector<1x1x1x1xf32> to vector<1x1xf32>
    %get3A_17 = arith.constant 0 : index
    %get3A_18 = arith.constant 1 : index
    %get3A_19 = arith.constant 0 : index
    %get3A_20 = arith.constant 0 : index
    %get3A_21 = vector.load %arg0[%get3A_17, %get3A_18, %get3A_19, %get3A_20] : memref<4x3x64x128xf32, #tpu.memory_space<vmem>>, vector<1x1x1x1xf32>
    %get3A_22 = vector.shape_cast %get3A_21 : vector<1x1x1x1xf32> to vector<1x1xf32>
    %get3A_23 = arith.constant 0 : index
    %get3A_24 = arith.constant 2 : index
    %get3A_25 = arith.constant 0 : index
    %get3A_26 = arith.constant 0 : index
    %get3A_27 = vector.load %arg0[%get3A_23, %get3A_24, %get3A_25, %get3A_26] : memref<4x3x64x128xf32, #tpu.memory_space<vmem>>, vector<1x1x1x1xf32>
    %get3A_28 = vector.shape_cast %get3A_27 : vector<1x1x1x1xf32> to vector<1x1xf32>
    %get3A_29 = arith.constant 1 : index
    %get3A_30 = arith.constant 0 : index
    %get3A_31 = arith.constant 0 : index
    %get3A_32 = arith.constant 0 : index
    %get3A_33 = vector.load %arg0[%get3A_29, %get3A_30, %get3A_31, %get3A_32] : memref<4x3x64x128xf32, #tpu.memory_space<vmem>>, vector<1x1x1x1xf32>
    %get3A_34 = vector.shape_cast %get3A_33 : vector<1x1x1x1xf32> to vector<1x1xf32>
    %get3A_35 = arith.constant 1 : index
    %get3A_36 = arith.constant 1 : index
    %get3A_37 = arith.constant 0 : index
    %get3A_38 = arith.constant 0 : index
    %get3A_39 = vector.load %arg0[%get3A_35, %get3A_36, %get3A_37, %get3A_38] : memref<4x3x64x128xf32, #tpu.memory_space<vmem>>, vector<1x1x1x1xf32>
    %get3A_40 = vector.shape_cast %get3A_39 : vector<1x1x1x1xf32> to vector<1x1xf32>
    %get3A_41 = arith.constant 1 : index
    %get3A_42 = arith.constant 2 : index
    %get3A_43 = arith.constant 0 : index
    %get3A_44 = arith.constant 0 : index
    %get3A_45 = vector.load %arg0[%get3A_41, %get3A_42, %get3A_43, %get3A_44] : memref<4x3x64x128xf32, #tpu.memory_space<vmem>>, vector<1x1x1x1xf32>
    %get3A_46 = vector.shape_cast %get3A_45 : vector<1x1x1x1xf32> to vector<1x1xf32>
    %get3A_47 = arith.constant 2 : index
    %get3A_48 = arith.constant 0 : index
    %get3A_49 = arith.constant 0 : index
    %get3A_50 = arith.constant 0 : index
    %get3A_51 = vector.load %arg0[%get3A_47, %get3A_48, %get3A_49, %get3A_50] : memref<4x3x64x128xf32, #tpu.memory_space<vmem>>, vector<1x1x1x1xf32>
    %get3A_52 = vector.shape_cast %get3A_51 : vector<1x1x1x1xf32> to vector<1x1xf32>
    %get3A_53 = arith.constant 2 : index
    %get3A_54 = arith.constant 1 : index
    %get3A_55 = arith.constant 0 : index
    %get3A_56 = arith.constant 0 : index
    %get3A_57 = vector.load %arg0[%get3A_53, %get3A_54, %get3A_55, %get3A_56] : memref<4x3x64x128xf32, #tpu.memory_space<vmem>>, vector<1x1x1x1xf32>
    %get3A_58 = vector.shape_cast %get3A_57 : vector<1x1x1x1xf32> to vector<1x1xf32>
    %get3A_59 = arith.constant 2 : index
    %get3A_60 = arith.constant 2 : index
    %get3A_61 = arith.constant 0 : index
    %get3A_62 = arith.constant 0 : index
    %get3A_63 = vector.load %arg0[%get3A_59, %get3A_60, %get3A_61, %get3A_62] : memref<4x3x64x128xf32, #tpu.memory_space<vmem>>, vector<1x1x1x1xf32>
    %get3A_64 = vector.shape_cast %get3A_63 : vector<1x1x1x1xf32> to vector<1x1xf32>
    %get3A_65 = arith.constant 3 : index
    %get3A_66 = arith.constant 0 : index
    %get3A_67 = arith.constant 0 : index
    %get3A_68 = arith.constant 0 : index
    %get3A_69 = vector.load %arg0[%get3A_65, %get3A_66, %get3A_67, %get3A_68] : memref<4x3x64x128xf32, #tpu.memory_space<vmem>>, vector<1x1x1x1xf32>
    %get3A_70 = vector.shape_cast %get3A_69 : vector<1x1x1x1xf32> to vector<1x1xf32>
    %get3A_71 = arith.constant 3 : index
    %get3A_72 = arith.constant 1 : index
    %get3A_73 = arith.constant 0 : index
    %get3A_74 = arith.constant 0 : index
    %get3A_75 = vector.load %arg0[%get3A_71, %get3A_72, %get3A_73, %get3A_74] : memref<4x3x64x128xf32, #tpu.memory_space<vmem>>, vector<1x1x1x1xf32>
    %get3A_76 = vector.shape_cast %get3A_75 : vector<1x1x1x1xf32> to vector<1x1xf32>
    %get3A_77 = arith.constant 3 : index
    %get3A_78 = arith.constant 2 : index
    %get3A_79 = arith.constant 0 : index
    %get3A_80 = arith.constant 0 : index
    %get3A_81 = vector.load %arg0[%get3A_77, %get3A_78, %get3A_79, %get3A_80] : memref<4x3x64x128xf32, #tpu.memory_space<vmem>>, vector<1x1x1x1xf32>
    %get3A_82 = vector.shape_cast %get3A_81 : vector<1x1x1x1xf32> to vector<1x1xf32>
    %scan3A = arith.constant 0 : i32
    %scan3A_83 = arith.constant 2048 : i32
    %scan3A_84 = arith.addi %scan3A, %scan3A_83 : i32
    %scan3A_85 = arith.constant 1 : i32
    %scan3A_86:20 = scf.for %scan3A_88 = %scan3A to %scan3A_84 step %scan3A_85 iter_args(%scan3A_89 = %broadcast_in_dim3A_9, %scan3A_90 = %broadcast_in_dim3A_9, %scan3A_91 = %broadcast_in_dim3A_9, %scan3A_92 = %broadcast_in_dim3A_9, %scan3A_93 = %broadcast_in_dim3A_11, %scan3A_94 = %get3A_16, %scan3A_95 = %get3A_22, %scan3A_96 = %get3A_28, %scan3A_97 = %broadcast_in_dim3A_11, %scan3A_98 = %get3A_34, %scan3A_99 = %get3A_40, %scan3A_100 = %get3A_46, %scan3A_101 = %broadcast_in_dim3A_11, %scan3A_102 = %get3A_52, %scan3A_103 = %get3A_58, %scan3A_104 = %get3A_64, %scan3A_105 = %broadcast_in_dim3A_11, %scan3A_106 = %get3A_70, %scan3A_107 = %get3A_76, %scan3A_108 = %get3A_82) -> (vector<64x128xf32>, vector<64x128xf32>, vector<64x128xf32>, vector<64x128xf32>, vector<1x1xi32>, vector<1x1xf32>, vector<1x1xf32>, vector<1x1xf32>, vector<1x1xi32>, vector<1x1xf32>, vector<1x1xf32>, vector<1x1xf32>, vector<1x1xi32>, vector<1x1xf32>, vector<1x1xf32>, vector<1x1xf32>, vector<1x1xi32>, vector<1x1xf32>, vector<1x1xf32>, vector<1x1xf32>)  : i32 {
      %eq3A = vector.broadcast %scan3A_88 : i32 to vector<16x128xi32>
      %eq3A_109 = arith.cmpi eq, %add3A_8, %eq3A : vector<16x128xi32>
      %add3A_110 = arith.constant 0 : i32
      %add3A_111 = vector.broadcast %add3A_110 : i32 to vector<1x1xi32>
      %add3A_112 = arith.addi %scan3A_93, %add3A_111 : vector<1x1xi32>
      %get3A_113 = arith.constant 0 : index
      %get3A_114 = arith.constant 0 : index
      %get3A_115 = arith.constant 0 : index
      %get3A_116 = vector.load %arg1[%get3A_113, %get3A_114, %get3A_115] : memref<4x16x128xi32, #tpu.memory_space<vmem>>, vector<1x16x128xi32>
      %get3A_117 = vector.shape_cast %get3A_116 : vector<1x16x128xi32> to vector<16x128xi32>
      %broadcast_in_dim3A_118 = vector.shape_cast %add3A_112 : vector<1x1xi32> to vector<1x1xi32>
      %broadcast_in_dim3A_119 = vector.broadcast %broadcast_in_dim3A_118 : vector<1x1xi32> to vector<16x128xi32>
      %select_n3A = arith.select %eq3A_109, %broadcast_in_dim3A_119, %get3A_117 : vector<16x128xi1>, vector<16x128xi32>
      %swap3A = arith.constant 0 : index
      %swap3A_120 = arith.constant 0 : index
      %swap3A_121 = arith.constant 0 : index
      %swap3A_122 = vector.load %arg1[%swap3A, %swap3A_120, %swap3A_121] : memref<4x16x128xi32, #tpu.memory_space<vmem>>, vector<1x16x128xi32>
      %swap3A_123 = vector.shape_cast %swap3A_122 : vector<1x16x128xi32> to vector<16x128xi32>
      %swap3A_124 = vector.shape_cast %select_n3A : vector<16x128xi32> to vector<1x16x128xi32>
      tpu.vector_store %arg1[%swap3A, %swap3A_120, %swap3A_121], %swap3A_124 {strides = array<i32>} : memref<4x16x128xi32, #tpu.memory_space<vmem>>, vector<1x16x128xi32>,
      %get3A_125 = arith.constant 0 : index
      %get3A_126 = arith.constant 0 : index
      %get3A_127 = arith.constant 0 : index
      %get3A_128 = arith.constant 0 : index
      %get3A_129 = vector.load %arg2[%get3A_125, %get3A_126, %get3A_127, %get3A_128] : memref<4x3x16x128xf32, #tpu.memory_space<vmem>>, vector<1x1x16x128xf32>
      %get3A_130 = vector.shape_cast %get3A_129 : vector<1x1x16x128xf32> to vector<16x128xf32>
      %broadcast_in_dim3A_131 = vector.shape_cast %scan3A_94 : vector<1x1xf32> to vector<1x1xf32>
      %broadcast_in_dim3A_132 = vector.broadcast %broadcast_in_dim3A_131 : vector<1x1xf32> to vector<16x128xf32>
      %select_n3A_133 = arith.select %eq3A_109, %broadcast_in_dim3A_132, %get3A_130 : vector<16x128xi1>, vector<16x128xf32>
      %swap3A_134 = arith.constant 0 : index
      %swap3A_135 = arith.constant 0 : index
      %swap3A_136 = arith.constant 0 : index
      %swap3A_137 = arith.constant 0 : index
      %swap3A_138 = vector.load %arg2[%swap3A_134, %swap3A_135, %swap3A_136, %swap3A_137] : memref<4x3x16x128xf32, #tpu.memory_space<vmem>>, vector<1x1x16x128xf32>
      %swap3A_139 = vector.shape_cast %swap3A_138 : vector<1x1x16x128xf32> to vector<16x128xf32>
      %swap3A_140 = vector.shape_cast %select_n3A_133 : vector<16x128xf32> to vector<1x1x16x128xf32>
      tpu.vector_store %arg2[%swap3A_134, %swap3A_135, %swap3A_136, %swap3A_137], %swap3A_140 {strides = array<i32>} : memref<4x3x16x128xf32, #tpu.memory_space<vmem>>, vector<1x1x16x128xf32>,
      %get3A_141 = arith.constant 0 : index
      %get3A_142 = arith.constant 1 : index
      %get3A_143 = arith.constant 0 : index
      %get3A_144 = arith.constant 0 : index
      %get3A_145 = vector.load %arg2[%get3A_141, %get3A_142, %get3A_143, %get3A_144] : memref<4x3x16x128xf32, #tpu.memory_space<vmem>>, vector<1x1x16x128xf32>
      %get3A_146 = vector.shape_cast %get3A_145 : vector<1x1x16x128xf32> to vector<16x128xf32>
      %broadcast_in_dim3A_147 = vector.shape_cast %scan3A_95 : vector<1x1xf32> to vector<1x1xf32>
      %broadcast_in_dim3A_148 = vector.broadcast %broadcast_in_dim3A_147 : vector<1x1xf32> to vector<16x128xf32>
      %select_n3A_149 = arith.select %eq3A_109, %broadcast_in_dim3A_148, %get3A_146 : vector<16x128xi1>, vector<16x128xf32>
      %swap3A_150 = arith.constant 0 : index
      %swap3A_151 = arith.constant 1 : index
      %swap3A_152 = arith.constant 0 : index
      %swap3A_153 = arith.constant 0 : index
      %swap3A_154 = vector.load %arg2[%swap3A_150, %swap3A_151, %swap3A_152, %swap3A_153] : memref<4x3x16x128xf32, #tpu.memory_space<vmem>>, vector<1x1x16x128xf32>
      %swap3A_155 = vector.shape_cast %swap3A_154 : vector<1x1x16x128xf32> to vector<16x128xf32>
      %swap3A_156 = vector.shape_cast %select_n3A_149 : vector<16x128xf32> to vector<1x1x16x128xf32>
      tpu.vector_store %arg2[%swap3A_150, %swap3A_151, %swap3A_152, %swap3A_153], %swap3A_156 {strides = array<i32>} : memref<4x3x16x128xf32, #tpu.memory_space<vmem>>, vector<1x1x16x128xf32>,
      %get3A_157 = arith.constant 0 : index
      %get3A_158 = arith.constant 2 : index
      %get3A_159 = arith.constant 0 : index
      %get3A_160 = arith.constant 0 : index
      %get3A_161 = vector.load %arg2[%get3A_157, %get3A_158, %get3A_159, %get3A_160] : memref<4x3x16x128xf32, #tpu.memory_space<vmem>>, vector<1x1x16x128xf32>
      %get3A_162 = vector.shape_cast %get3A_161 : vector<1x1x16x128xf32> to vector<16x128xf32>
      %broadcast_in_dim3A_163 = vector.shape_cast %scan3A_96 : vector<1x1xf32> to vector<1x1xf32>
      %broadcast_in_dim3A_164 = vector.broadcast %broadcast_in_dim3A_163 : vector<1x1xf32> to vector<16x128xf32>
      %select_n3A_165 = arith.select %eq3A_109, %broadcast_in_dim3A_164, %get3A_162 : vector<16x128xi1>, vector<16x128xf32>
      %swap3A_166 = arith.constant 0 : index
      %swap3A_167 = arith.constant 2 : index
      %swap3A_168 = arith.constant 0 : index
      %swap3A_169 = arith.constant 0 : index
      %swap3A_170 = vector.load %arg2[%swap3A_166, %swap3A_167, %swap3A_168, %swap3A_169] : memref<4x3x16x128xf32, #tpu.memory_space<vmem>>, vector<1x1x16x128xf32>
      %swap3A_171 = vector.shape_cast %swap3A_170 : vector<1x1x16x128xf32> to vector<16x128xf32>
      %swap3A_172 = vector.shape_cast %select_n3A_165 : vector<16x128xf32> to vector<1x1x16x128xf32>
      tpu.vector_store %arg2[%swap3A_166, %swap3A_167, %swap3A_168, %swap3A_169], %swap3A_172 {strides = array<i32>} : memref<4x3x16x128xf32, #tpu.memory_space<vmem>>, vector<1x1x16x128xf32>,
      %get3A_173 = arith.constant 0 : index
      %get3A_174 = arith.constant 0 : index
      %get3A_175 = arith.constant 0 : index
      %get3A_176 = arith.constant 0 : index
      %get3A_177 = vector.load %arg0[%get3A_173, %get3A_174, %get3A_175, %get3A_176] : memref<4x3x64x128xf32, #tpu.memory_space<vmem>>, vector<1x1x64x128xf32>
      %get3A_178 = vector.shape_cast %get3A_177 : vector<1x1x64x128xf32> to vector<64x128xf32>
      %get3A_179 = arith.constant 0 : index
      %get3A_180 = arith.constant 1 : index
      %get3A_181 = arith.constant 0 : index
      %get3A_182 = arith.constant 0 : index
      %get3A_183 = vector.load %arg0[%get3A_179, %get3A_180, %get3A_181, %get3A_182] : memref<4x3x64x128xf32, #tpu.memory_space<vmem>>, vector<1x1x64x128xf32>
      %get3A_184 = vector.shape_cast %get3A_183 : vector<1x1x64x128xf32> to vector<64x128xf32>
      %get3A_185 = arith.constant 0 : index
      %get3A_186 = arith.constant 2 : index
      %get3A_187 = arith.constant 0 : index
      %get3A_188 = arith.constant 0 : index
      %get3A_189 = vector.load %arg0[%get3A_185, %get3A_186, %get3A_187, %get3A_188] : memref<4x3x64x128xf32, #tpu.memory_space<vmem>>, vector<1x1x64x128xf32>
      %get3A_190 = vector.shape_cast %get3A_189 : vector<1x1x64x128xf32> to vector<64x128xf32>
      %sub3A = vector.broadcast %scan3A_94 : vector<1x1xf32> to vector<64x128xf32>
      %sub3A_191 = arith.subf %get3A_178, %sub3A : vector<64x128xf32>
      %sub3A_192 = vector.broadcast %scan3A_95 : vector<1x1xf32> to vector<64x128xf32>
      %sub3A_193 = arith.subf %get3A_184, %sub3A_192 : vector<64x128xf32>
      %sub3A_194 = vector.broadcast %scan3A_96 : vector<1x1xf32> to vector<64x128xf32>
      %sub3A_195 = arith.subf %get3A_190, %sub3A_194 : vector<64x128xf32>
      %mul3A_196 = arith.mulf %sub3A_191, %sub3A_191 : vector<64x128xf32>
      %mul3A_197 = arith.mulf %sub3A_193, %sub3A_193 : vector<64x128xf32>
      %add3A_198 = arith.addf %mul3A_196, %mul3A_197 : vector<64x128xf32>
      %mul3A_199 = arith.mulf %sub3A_195, %sub3A_195 : vector<64x128xf32>
      %add3A_200 = arith.addf %add3A_198, %mul3A_199 : vector<64x128xf32>
      %min3A = arith.minimumf %scan3A_89, %add3A_200 : vector<64x128xf32>
      %slice3A = vector.extract_strided_slice %min3A {offsets = [0, 0], sizes = [32, 128], strides = [1, 1]} : vector<64x128xf32> to vector<32x128xf32>
      %slice3A_201 = vector.extract_strided_slice %add3A {offsets = [0, 0], sizes = [32, 128], strides = [1, 1]} : vector<64x128xi32> to vector<32x128xi32>
      %slice3A_202 = vector.extract_strided_slice %get3A_178 {offsets = [0, 0], sizes = [32, 128], strides = [1, 1]} : vector<64x128xf32> to vector<32x128xf32>
      %slice3A_203 = vector.extract_strided_slice %get3A_184 {offsets = [0, 0], sizes = [32, 128], strides = [1, 1]} : vector<64x128xf32> to vector<32x128xf32>
      %slice3A_204 = vector.extract_strided_slice %get3A_190 {offsets = [0, 0], sizes = [32, 128], strides = [1, 1]} : vector<64x128xf32> to vector<32x128xf32>
      %slice3A_205 = vector.extract_strided_slice %min3A {offsets = [32, 0], sizes = [32, 128], strides = [1, 1]} : vector<64x128xf32> to vector<32x128xf32>
      %slice3A_206 = vector.extract_strided_slice %add3A {offsets = [32, 0], sizes = [32, 128], strides = [1, 1]} : vector<64x128xi32> to vector<32x128xi32>
      %slice3A_207 = vector.extract_strided_slice %get3A_178 {offsets = [32, 0], sizes = [32, 128], strides = [1, 1]} : vector<64x128xf32> to vector<32x128xf32>
      %slice3A_208 = vector.extract_strided_slice %get3A_184 {offsets = [32, 0], sizes = [32, 128], strides = [1, 1]} : vector<64x128xf32> to vector<32x128xf32>
      %slice3A_209 = vector.extract_strided_slice %get3A_190 {offsets = [32, 0], sizes = [32, 128], strides = [1, 1]} : vector<64x128xf32> to vector<32x128xf32>
      %gt3A = arith.cmpf ogt, %slice3A, %slice3A_205 : vector<32x128xf32>
      %eq3A_210 = arith.cmpf oeq, %slice3A, %slice3A_205 : vector<32x128xf32>
      %lt3A = arith.cmpi slt, %slice3A_201, %slice3A_206 : vector<32x128xi32>
      %and3A = arith.andi %eq3A_210, %lt3A : vector<32x128xi1>
      %or3A = arith.ori %gt3A, %and3A : vector<32x128xi1>
      %select_n3A_211 = arith.select %or3A, %slice3A, %slice3A_205 : vector<32x128xi1>, vector<32x128xf32>
      %select_n3A_212 = arith.select %or3A, %slice3A_201, %slice3A_206 : vector<32x128xi1>, vector<32x128xi32>
      %select_n3A_213 = arith.select %or3A, %slice3A_202, %slice3A_207 : vector<32x128xi1>, vector<32x128xf32>
      %select_n3A_214 = arith.select %or3A, %slice3A_203, %slice3A_208 : vector<32x128xi1>, vector<32x128xf32>
      %select_n3A_215 = arith.select %or3A, %slice3A_204, %slice3A_209 : vector<32x128xi1>, vector<32x128xf32>
      %slice3A_216 = vector.extract_strided_slice %select_n3A_211 {offsets = [0, 0], sizes = [16, 128], strides = [1, 1]} : vector<32x128xf32> to vector<16x128xf32>
      %slice3A_217 = vector.extract_strided_slice %select_n3A_212 {offsets = [0, 0], sizes = [16, 128], strides = [1, 1]} : vector<32x128xi32> to vector<16x128xi32>
      %slice3A_218 = vector.extract_strided_slice %select_n3A_213 {offsets = [0, 0], sizes = [16, 128], strides = [1, 1]} : vector<32x128xf32> to vector<16x128xf32>
      %slice3A_219 = vector.extract_strided_slice %select_n3A_214 {offsets = [0, 0], sizes = [16, 128], strides = [1, 1]} : vector<32x128xf32> to vector<16x128xf32>
      %slice3A_220 = vector.extract_strided_slice %select_n3A_215 {offsets = [0, 0], sizes = [16, 128], strides = [1, 1]} : vector<32x128xf32> to vector<16x128xf32>
      %slice3A_221 = vector.extract_strided_slice %select_n3A_211 {offsets = [16, 0], sizes = [16, 128], strides = [1, 1]} : vector<32x128xf32> to vector<16x128xf32>
      %slice3A_222 = vector.extract_strided_slice %select_n3A_212 {offsets = [16, 0], sizes = [16, 128], strides = [1, 1]} : vector<32x128xi32> to vector<16x128xi32>
      %slice3A_223 = vector.extract_strided_slice %select_n3A_213 {offsets = [16, 0], sizes = [16, 128], strides = [1, 1]} : vector<32x128xf32> to vector<16x128xf32>
      %slice3A_224 = vector.extract_strided_slice %select_n3A_214 {offsets = [16, 0], sizes = [16, 128], strides = [1, 1]} : vector<32x128xf32> to vector<16x128xf32>
      %slice3A_225 = vector.extract_strided_slice %select_n3A_215 {offsets = [16, 0], sizes = [16, 128], strides = [1, 1]} : vector<32x128xf32> to vector<16x128xf32>
      %gt3A_226 = arith.cmpf ogt, %slice3A_216, %slice3A_221 : vector<16x128xf32>
      %eq3A_227 = arith.cmpf oeq, %slice3A_216, %slice3A_221 : vector<16x128xf32>
      %lt3A_228 = arith.cmpi slt, %slice3A_217, %slice3A_222 : vector<16x128xi32>
      %and3A_229 = arith.andi %eq3A_227, %lt3A_228 : vector<16x128xi1>
      %or3A_230 = arith.ori %gt3A_226, %and3A_229 : vector<16x128xi1>
      %select_n3A_231 = arith.select %or3A_230, %slice3A_216, %slice3A_221 : vector<16x128xi1>, vector<16x128xf32>
      %select_n3A_232 = arith.select %or3A_230, %slice3A_217, %slice3A_222 : vector<16x128xi1>, vector<16x128xi32>
      %select_n3A_233 = arith.select %or3A_230, %slice3A_218, %slice3A_223 : vector<16x128xi1>, vector<16x128xf32>
      %select_n3A_234 = arith.select %or3A_230, %slice3A_219, %slice3A_224 : vector<16x128xi1>, vector<16x128xf32>
      %select_n3A_235 = arith.select %or3A_230, %slice3A_220, %slice3A_225 : vector<16x128xi1>, vector<16x128xf32>
      %slice3A_236 = vector.extract_strided_slice %select_n3A_231 {offsets = [0, 0], sizes = [8, 128], strides = [1, 1]} : vector<16x128xf32> to vector<8x128xf32>
      %slice3A_237 = vector.extract_strided_slice %select_n3A_232 {offsets = [0, 0], sizes = [8, 128], strides = [1, 1]} : vector<16x128xi32> to vector<8x128xi32>
      %slice3A_238 = vector.extract_strided_slice %select_n3A_233 {offsets = [0, 0], sizes = [8, 128], strides = [1, 1]} : vector<16x128xf32> to vector<8x128xf32>
      %slice3A_239 = vector.extract_strided_slice %select_n3A_234 {offsets = [0, 0], sizes = [8, 128], strides = [1, 1]} : vector<16x128xf32> to vector<8x128xf32>
      %slice3A_240 = vector.extract_strided_slice %select_n3A_235 {offsets = [0, 0], sizes = [8, 128], strides = [1, 1]} : vector<16x128xf32> to vector<8x128xf32>
      %slice3A_241 = vector.extract_strided_slice %select_n3A_231 {offsets = [8, 0], sizes = [8, 128], strides = [1, 1]} : vector<16x128xf32> to vector<8x128xf32>
      %slice3A_242 = vector.extract_strided_slice %select_n3A_232 {offsets = [8, 0], sizes = [8, 128], strides = [1, 1]} : vector<16x128xi32> to vector<8x128xi32>
      %slice3A_243 = vector.extract_strided_slice %select_n3A_233 {offsets = [8, 0], sizes = [8, 128], strides = [1, 1]} : vector<16x128xf32> to vector<8x128xf32>
      %slice3A_244 = vector.extract_strided_slice %select_n3A_234 {offsets = [8, 0], sizes = [8, 128], strides = [1, 1]} : vector<16x128xf32> to vector<8x128xf32>
      %slice3A_245 = vector.extract_strided_slice %select_n3A_235 {offsets = [8, 0], sizes = [8, 128], strides = [1, 1]} : vector<16x128xf32> to vector<8x128xf32>
      %gt3A_246 = arith.cmpf ogt, %slice3A_236, %slice3A_241 : vector<8x128xf32>
      %eq3A_247 = arith.cmpf oeq, %slice3A_236, %slice3A_241 : vector<8x128xf32>
      %lt3A_248 = arith.cmpi slt, %slice3A_237, %slice3A_242 : vector<8x128xi32>
      %and3A_249 = arith.andi %eq3A_247, %lt3A_248 : vector<8x128xi1>
      %or3A_250 = arith.ori %gt3A_246, %and3A_249 : vector<8x128xi1>
      %select_n3A_251 = arith.select %or3A_250, %slice3A_236, %slice3A_241 : vector<8x128xi1>, vector<8x128xf32>
      %select_n3A_252 = arith.select %or3A_250, %slice3A_237, %slice3A_242 : vector<8x128xi1>, vector<8x128xi32>
      %select_n3A_253 = arith.select %or3A_250, %slice3A_238, %slice3A_243 : vector<8x128xi1>, vector<8x128xf32>
      %select_n3A_254 = arith.select %or3A_250, %slice3A_239, %slice3A_244 : vector<8x128xi1>, vector<8x128xf32>
      %select_n3A_255 = arith.select %or3A_250, %slice3A_240, %slice3A_245 : vector<8x128xi1>, vector<8x128xf32>
      %slice3A_256 = vector.extract_strided_slice %select_n3A_251 {offsets = [0, 0], sizes = [4, 128], strides = [1, 1]} : vector<8x128xf32> to vector<4x128xf32>
      %slice3A_257 = vector.extract_strided_slice %select_n3A_252 {offsets = [0, 0], sizes = [4, 128], strides = [1, 1]} : vector<8x128xi32> to vector<4x128xi32>
      %slice3A_258 = vector.extract_strided_slice %select_n3A_253 {offsets = [0, 0], sizes = [4, 128], strides = [1, 1]} : vector<8x128xf32> to vector<4x128xf32>
      %slice3A_259 = vector.extract_strided_slice %select_n3A_254 {offsets = [0, 0], sizes = [4, 128], strides = [1, 1]} : vector<8x128xf32> to vector<4x128xf32>
      %slice3A_260 = vector.extract_strided_slice %select_n3A_255 {offsets = [0, 0], sizes = [4, 128], strides = [1, 1]} : vector<8x128xf32> to vector<4x128xf32>
      %slice3A_261 = vector.extract_strided_slice %select_n3A_251 {offsets = [4, 0], sizes = [4, 128], strides = [1, 1]} : vector<8x128xf32> to vector<4x128xf32>
      %slice3A_262 = vector.extract_strided_slice %select_n3A_252 {offsets = [4, 0], sizes = [4, 128], strides = [1, 1]} : vector<8x128xi32> to vector<4x128xi32>
      %slice3A_263 = vector.extract_strided_slice %select_n3A_253 {offsets = [4, 0], sizes = [4, 128], strides = [1, 1]} : vector<8x128xf32> to vector<4x128xf32>
      %slice3A_264 = vector.extract_strided_slice %select_n3A_254 {offsets = [4, 0], sizes = [4, 128], strides = [1, 1]} : vector<8x128xf32> to vector<4x128xf32>
      %slice3A_265 = vector.extract_strided_slice %select_n3A_255 {offsets = [4, 0], sizes = [4, 128], strides = [1, 1]} : vector<8x128xf32> to vector<4x128xf32>
      %gt3A_266 = arith.cmpf ogt, %slice3A_256, %slice3A_261 : vector<4x128xf32>
      %eq3A_267 = arith.cmpf oeq, %slice3A_256, %slice3A_261 : vector<4x128xf32>
      %lt3A_268 = arith.cmpi slt, %slice3A_257, %slice3A_262 : vector<4x128xi32>
      %and3A_269 = arith.andi %eq3A_267, %lt3A_268 : vector<4x128xi1>
      %or3A_270 = arith.ori %gt3A_266, %and3A_269 : vector<4x128xi1>
      %select_n3A_271 = arith.select %or3A_270, %slice3A_256, %slice3A_261 : vector<4x128xi1>, vector<4x128xf32>
      %select_n3A_272 = arith.select %or3A_270, %slice3A_257, %slice3A_262 : vector<4x128xi1>, vector<4x128xi32>
      %select_n3A_273 = arith.select %or3A_270, %slice3A_258, %slice3A_263 : vector<4x128xi1>, vector<4x128xf32>
      %select_n3A_274 = arith.select %or3A_270, %slice3A_259, %slice3A_264 : vector<4x128xi1>, vector<4x128xf32>
      %select_n3A_275 = arith.select %or3A_270, %slice3A_260, %slice3A_265 : vector<4x128xi1>, vector<4x128xf32>
      %slice3A_276 = vector.extract_strided_slice %select_n3A_271 {offsets = [0, 0], sizes = [2, 128], strides = [1, 1]} : vector<4x128xf32> to vector<2x128xf32>
      %slice3A_277 = vector.extract_strided_slice %select_n3A_272 {offsets = [0, 0], sizes = [2, 128], strides = [1, 1]} : vector<4x128xi32> to vector<2x128xi32>
      %slice3A_278 = vector.extract_strided_slice %select_n3A_273 {offsets = [0, 0], sizes = [2, 128], strides = [1, 1]} : vector<4x128xf32> to vector<2x128xf32>
      %slice3A_279 = vector.extract_strided_slice %select_n3A_274 {offsets = [0, 0], sizes = [2, 128], strides = [1, 1]} : vector<4x128xf32> to vector<2x128xf32>
      %slice3A_280 = vector.extract_strided_slice %select_n3A_275 {offsets = [0, 0], sizes = [2, 128], strides = [1, 1]} : vector<4x128xf32> to vector<2x128xf32>
      %slice3A_281 = vector.extract_strided_slice %select_n3A_271 {offsets = [2, 0], sizes = [2, 128], strides = [1, 1]} : vector<4x128xf32> to vector<2x128xf32>
      %slice3A_282 = vector.extract_strided_slice %select_n3A_272 {offsets = [2, 0], sizes = [2, 128], strides = [1, 1]} : vector<4x128xi32> to vector<2x128xi32>
      %slice3A_283 = vector.extract_strided_slice %select_n3A_273 {offsets = [2, 0], sizes = [2, 128], strides = [1, 1]} : vector<4x128xf32> to vector<2x128xf32>
      %slice3A_284 = vector.extract_strided_slice %select_n3A_274 {offsets = [2, 0], sizes = [2, 128], strides = [1, 1]} : vector<4x128xf32> to vector<2x128xf32>
      %slice3A_285 = vector.extract_strided_slice %select_n3A_275 {offsets = [2, 0], sizes = [2, 128], strides = [1, 1]} : vector<4x128xf32> to vector<2x128xf32>
      %gt3A_286 = arith.cmpf ogt, %slice3A_276, %slice3A_281 : vector<2x128xf32>
      %eq3A_287 = arith.cmpf oeq, %slice3A_276, %slice3A_281 : vector<2x128xf32>
      %lt3A_288 = arith.cmpi slt, %slice3A_277, %slice3A_282 : vector<2x128xi32>
      %and3A_289 = arith.andi %eq3A_287, %lt3A_288 : vector<2x128xi1>
      %or3A_290 = arith.ori %gt3A_286, %and3A_289 : vector<2x128xi1>
      %select_n3A_291 = arith.select %or3A_290, %slice3A_276, %slice3A_281 : vector<2x128xi1>, vector<2x128xf32>
      %select_n3A_292 = arith.select %or3A_290, %slice3A_277, %slice3A_282 : vector<2x128xi1>, vector<2x128xi32>
      %select_n3A_293 = arith.select %or3A_290, %slice3A_278, %slice3A_283 : vector<2x128xi1>, vector<2x128xf32>
      %select_n3A_294 = arith.select %or3A_290, %slice3A_279, %slice3A_284 : vector<2x128xi1>, vector<2x128xf32>
      %select_n3A_295 = arith.select %or3A_290, %slice3A_280, %slice3A_285 : vector<2x128xi1>, vector<2x128xf32>
      %slice3A_296 = vector.extract_strided_slice %select_n3A_291 {offsets = [0, 0], sizes = [1, 128], strides = [1, 1]} : vector<2x128xf32> to vector<1x128xf32>
      %slice3A_297 = vector.extract_strided_slice %select_n3A_292 {offsets = [0, 0], sizes = [1, 128], strides = [1, 1]} : vector<2x128xi32> to vector<1x128xi32>
      %slice3A_298 = vector.extract_strided_slice %select_n3A_293 {offsets = [0, 0], sizes = [1, 128], strides = [1, 1]} : vector<2x128xf32> to vector<1x128xf32>
      %slice3A_299 = vector.extract_strided_slice %select_n3A_294 {offsets = [0, 0], sizes = [1, 128], strides = [1, 1]} : vector<2x128xf32> to vector<1x128xf32>
      %slice3A_300 = vector.extract_strided_slice %select_n3A_295 {offsets = [0, 0], sizes = [1, 128], strides = [1, 1]} : vector<2x128xf32> to vector<1x128xf32>
      %slice3A_301 = vector.extract_strided_slice %select_n3A_291 {offsets = [1, 0], sizes = [1, 128], strides = [1, 1]} : vector<2x128xf32> to vector<1x128xf32>
      %slice3A_302 = vector.extract_strided_slice %select_n3A_292 {offsets = [1, 0], sizes = [1, 128], strides = [1, 1]} : vector<2x128xi32> to vector<1x128xi32>
      %slice3A_303 = vector.extract_strided_slice %select_n3A_293 {offsets = [1, 0], sizes = [1, 128], strides = [1, 1]} : vector<2x128xf32> to vector<1x128xf32>
      %slice3A_304 = vector.extract_strided_slice %select_n3A_294 {offsets = [1, 0], sizes = [1, 128], strides = [1, 1]} : vector<2x128xf32> to vector<1x128xf32>
      %slice3A_305 = vector.extract_strided_slice %select_n3A_295 {offsets = [1, 0], sizes = [1, 128], strides = [1, 1]} : vector<2x128xf32> to vector<1x128xf32>
      %gt3A_306 = arith.cmpf ogt, %slice3A_296, %slice3A_301 : vector<1x128xf32>
      %eq3A_307 = arith.cmpf oeq, %slice3A_296, %slice3A_301 : vector<1x128xf32>
      %lt3A_308 = arith.cmpi slt, %slice3A_297, %slice3A_302 : vector<1x128xi32>
      %and3A_309 = arith.andi %eq3A_307, %lt3A_308 : vector<1x128xi1>
      %or3A_310 = arith.ori %gt3A_306, %and3A_309 : vector<1x128xi1>
      %select_n3A_311 = arith.select %or3A_310, %slice3A_296, %slice3A_301 : vector<1x128xi1>, vector<1x128xf32>
      %select_n3A_312 = arith.select %or3A_310, %slice3A_297, %slice3A_302 : vector<1x128xi1>, vector<1x128xi32>
      %select_n3A_313 = arith.select %or3A_310, %slice3A_298, %slice3A_303 : vector<1x128xi1>, vector<1x128xf32>
      %select_n3A_314 = arith.select %or3A_310, %slice3A_299, %slice3A_304 : vector<1x128xi1>, vector<1x128xf32>
      %select_n3A_315 = arith.select %or3A_310, %slice3A_300, %slice3A_305 : vector<1x128xi1>, vector<1x128xf32>
      %slice3A_316 = vector.extract_strided_slice %select_n3A_311 {offsets = [0, 0], sizes = [1, 64], strides = [1, 1]} : vector<1x128xf32> to vector<1x64xf32>
      %slice3A_317 = vector.extract_strided_slice %select_n3A_312 {offsets = [0, 0], sizes = [1, 64], strides = [1, 1]} : vector<1x128xi32> to vector<1x64xi32>
      %slice3A_318 = vector.extract_strided_slice %select_n3A_313 {offsets = [0, 0], sizes = [1, 64], strides = [1, 1]} : vector<1x128xf32> to vector<1x64xf32>
      %slice3A_319 = vector.extract_strided_slice %select_n3A_314 {offsets = [0, 0], sizes = [1, 64], strides = [1, 1]} : vector<1x128xf32> to vector<1x64xf32>
      %slice3A_320 = vector.extract_strided_slice %select_n3A_315 {offsets = [0, 0], sizes = [1, 64], strides = [1, 1]} : vector<1x128xf32> to vector<1x64xf32>
      %slice3A_321 = vector.extract_strided_slice %select_n3A_311 {offsets = [0, 64], sizes = [1, 64], strides = [1, 1]} : vector<1x128xf32> to vector<1x64xf32>
      %slice3A_322 = vector.extract_strided_slice %select_n3A_312 {offsets = [0, 64], sizes = [1, 64], strides = [1, 1]} : vector<1x128xi32> to vector<1x64xi32>
      %slice3A_323 = vector.extract_strided_slice %select_n3A_313 {offsets = [0, 64], sizes = [1, 64], strides = [1, 1]} : vector<1x128xf32> to vector<1x64xf32>
      %slice3A_324 = vector.extract_strided_slice %select_n3A_314 {offsets = [0, 64], sizes = [1, 64], strides = [1, 1]} : vector<1x128xf32> to vector<1x64xf32>
      %slice3A_325 = vector.extract_strided_slice %select_n3A_315 {offsets = [0, 64], sizes = [1, 64], strides = [1, 1]} : vector<1x128xf32> to vector<1x64xf32>
      %gt3A_326 = arith.cmpf ogt, %slice3A_316, %slice3A_321 : vector<1x64xf32>
      %eq3A_327 = arith.cmpf oeq, %slice3A_316, %slice3A_321 : vector<1x64xf32>
      %lt3A_328 = arith.cmpi slt, %slice3A_317, %slice3A_322 : vector<1x64xi32>
      %and3A_329 = arith.andi %eq3A_327, %lt3A_328 : vector<1x64xi1>
      %or3A_330 = arith.ori %gt3A_326, %and3A_329 : vector<1x64xi1>
      %select_n3A_331 = arith.select %or3A_330, %slice3A_316, %slice3A_321 : vector<1x64xi1>, vector<1x64xf32>
      %select_n3A_332 = arith.select %or3A_330, %slice3A_317, %slice3A_322 : vector<1x64xi1>, vector<1x64xi32>
      %select_n3A_333 = arith.select %or3A_330, %slice3A_318, %slice3A_323 : vector<1x64xi1>, vector<1x64xf32>
      %select_n3A_334 = arith.select %or3A_330, %slice3A_319, %slice3A_324 : vector<1x64xi1>, vector<1x64xf32>
      %select_n3A_335 = arith.select %or3A_330, %slice3A_320, %slice3A_325 : vector<1x64xi1>, vector<1x64xf32>
      %slice3A_336 = vector.extract_strided_slice %select_n3A_331 {offsets = [0, 0], sizes = [1, 32], strides = [1, 1]} : vector<1x64xf32> to vector<1x32xf32>
      %slice3A_337 = vector.extract_strided_slice %select_n3A_332 {offsets = [0, 0], sizes = [1, 32], strides = [1, 1]} : vector<1x64xi32> to vector<1x32xi32>
      %slice3A_338 = vector.extract_strided_slice %select_n3A_333 {offsets = [0, 0], sizes = [1, 32], strides = [1, 1]} : vector<1x64xf32> to vector<1x32xf32>
      %slice3A_339 = vector.extract_strided_slice %select_n3A_334 {offsets = [0, 0], sizes = [1, 32], strides = [1, 1]} : vector<1x64xf32> to vector<1x32xf32>
      %slice3A_340 = vector.extract_strided_slice %select_n3A_335 {offsets = [0, 0], sizes = [1, 32], strides = [1, 1]} : vector<1x64xf32> to vector<1x32xf32>
      %slice3A_341 = vector.extract_strided_slice %select_n3A_331 {offsets = [0, 32], sizes = [1, 32], strides = [1, 1]} : vector<1x64xf32> to vector<1x32xf32>
      %slice3A_342 = vector.extract_strided_slice %select_n3A_332 {offsets = [0, 32], sizes = [1, 32], strides = [1, 1]} : vector<1x64xi32> to vector<1x32xi32>
      %slice3A_343 = vector.extract_strided_slice %select_n3A_333 {offsets = [0, 32], sizes = [1, 32], strides = [1, 1]} : vector<1x64xf32> to vector<1x32xf32>
      %slice3A_344 = vector.extract_strided_slice %select_n3A_334 {offsets = [0, 32], sizes = [1, 32], strides = [1, 1]} : vector<1x64xf32> to vector<1x32xf32>
      %slice3A_345 = vector.extract_strided_slice %select_n3A_335 {offsets = [0, 32], sizes = [1, 32], strides = [1, 1]} : vector<1x64xf32> to vector<1x32xf32>
      %gt3A_346 = arith.cmpf ogt, %slice3A_336, %slice3A_341 : vector<1x32xf32>
      %eq3A_347 = arith.cmpf oeq, %slice3A_336, %slice3A_341 : vector<1x32xf32>
      %lt3A_348 = arith.cmpi slt, %slice3A_337, %slice3A_342 : vector<1x32xi32>
      %and3A_349 = arith.andi %eq3A_347, %lt3A_348 : vector<1x32xi1>
      %or3A_350 = arith.ori %gt3A_346, %and3A_349 : vector<1x32xi1>
      %select_n3A_351 = arith.select %or3A_350, %slice3A_336, %slice3A_341 : vector<1x32xi1>, vector<1x32xf32>
      %select_n3A_352 = arith.select %or3A_350, %slice3A_337, %slice3A_342 : vector<1x32xi1>, vector<1x32xi32>
      %select_n3A_353 = arith.select %or3A_350, %slice3A_338, %slice3A_343 : vector<1x32xi1>, vector<1x32xf32>
      %select_n3A_354 = arith.select %or3A_350, %slice3A_339, %slice3A_344 : vector<1x32xi1>, vector<1x32xf32>
      %select_n3A_355 = arith.select %or3A_350, %slice3A_340, %slice3A_345 : vector<1x32xi1>, vector<1x32xf32>
      %slice3A_356 = vector.extract_strided_slice %select_n3A_351 {offsets = [0, 0], sizes = [1, 16], strides = [1, 1]} : vector<1x32xf32> to vector<1x16xf32>
      %slice3A_357 = vector.extract_strided_slice %select_n3A_352 {offsets = [0, 0], sizes = [1, 16], strides = [1, 1]} : vector<1x32xi32> to vector<1x16xi32>
      %slice3A_358 = vector.extract_strided_slice %select_n3A_353 {offsets = [0, 0], sizes = [1, 16], strides = [1, 1]} : vector<1x32xf32> to vector<1x16xf32>
      %slice3A_359 = vector.extract_strided_slice %select_n3A_354 {offsets = [0, 0], sizes = [1, 16], strides = [1, 1]} : vector<1x32xf32> to vector<1x16xf32>
      %slice3A_360 = vector.extract_strided_slice %select_n3A_355 {offsets = [0, 0], sizes = [1, 16], strides = [1, 1]} : vector<1x32xf32> to vector<1x16xf32>
      %slice3A_361 = vector.extract_strided_slice %select_n3A_351 {offsets = [0, 16], sizes = [1, 16], strides = [1, 1]} : vector<1x32xf32> to vector<1x16xf32>
      %slice3A_362 = vector.extract_strided_slice %select_n3A_352 {offsets = [0, 16], sizes = [1, 16], strides = [1, 1]} : vector<1x32xi32> to vector<1x16xi32>
      %slice3A_363 = vector.extract_strided_slice %select_n3A_353 {offsets = [0, 16], sizes = [1, 16], strides = [1, 1]} : vector<1x32xf32> to vector<1x16xf32>
      %slice3A_364 = vector.extract_strided_slice %select_n3A_354 {offsets = [0, 16], sizes = [1, 16], strides = [1, 1]} : vector<1x32xf32> to vector<1x16xf32>
      %slice3A_365 = vector.extract_strided_slice %select_n3A_355 {offsets = [0, 16], sizes = [1, 16], strides = [1, 1]} : vector<1x32xf32> to vector<1x16xf32>
      %gt3A_366 = arith.cmpf ogt, %slice3A_356, %slice3A_361 : vector<1x16xf32>
      %eq3A_367 = arith.cmpf oeq, %slice3A_356, %slice3A_361 : vector<1x16xf32>
      %lt3A_368 = arith.cmpi slt, %slice3A_357, %slice3A_362 : vector<1x16xi32>
      %and3A_369 = arith.andi %eq3A_367, %lt3A_368 : vector<1x16xi1>
      %or3A_370 = arith.ori %gt3A_366, %and3A_369 : vector<1x16xi1>
      %select_n3A_371 = arith.select %or3A_370, %slice3A_356, %slice3A_361 : vector<1x16xi1>, vector<1x16xf32>
      %select_n3A_372 = arith.select %or3A_370, %slice3A_357, %slice3A_362 : vector<1x16xi1>, vector<1x16xi32>
      %select_n3A_373 = arith.select %or3A_370, %slice3A_358, %slice3A_363 : vector<1x16xi1>, vector<1x16xf32>
      %select_n3A_374 = arith.select %or3A_370, %slice3A_359, %slice3A_364 : vector<1x16xi1>, vector<1x16xf32>
      %select_n3A_375 = arith.select %or3A_370, %slice3A_360, %slice3A_365 : vector<1x16xi1>, vector<1x16xf32>
      %slice3A_376 = vector.extract_strided_slice %select_n3A_371 {offsets = [0, 0], sizes = [1, 8], strides = [1, 1]} : vector<1x16xf32> to vector<1x8xf32>
      %slice3A_377 = vector.extract_strided_slice %select_n3A_372 {offsets = [0, 0], sizes = [1, 8], strides = [1, 1]} : vector<1x16xi32> to vector<1x8xi32>
      %slice3A_378 = vector.extract_strided_slice %select_n3A_373 {offsets = [0, 0], sizes = [1, 8], strides = [1, 1]} : vector<1x16xf32> to vector<1x8xf32>
      %slice3A_379 = vector.extract_strided_slice %select_n3A_374 {offsets = [0, 0], sizes = [1, 8], strides = [1, 1]} : vector<1x16xf32> to vector<1x8xf32>
      %slice3A_380 = vector.extract_strided_slice %select_n3A_375 {offsets = [0, 0], sizes = [1, 8], strides = [1, 1]} : vector<1x16xf32> to vector<1x8xf32>
      %slice3A_381 = vector.extract_strided_slice %select_n3A_371 {offsets = [0, 8], sizes = [1, 8], strides = [1, 1]} : vector<1x16xf32> to vector<1x8xf32>
      %slice3A_382 = vector.extract_strided_slice %select_n3A_372 {offsets = [0, 8], sizes = [1, 8], strides = [1, 1]} : vector<1x16xi32> to vector<1x8xi32>
      %slice3A_383 = vector.extract_strided_slice %select_n3A_373 {offsets = [0, 8], sizes = [1, 8], strides = [1, 1]} : vector<1x16xf32> to vector<1x8xf32>
      %slice3A_384 = vector.extract_strided_slice %select_n3A_374 {offsets = [0, 8], sizes = [1, 8], strides = [1, 1]} : vector<1x16xf32> to vector<1x8xf32>
      %slice3A_385 = vector.extract_strided_slice %select_n3A_375 {offsets = [0, 8], sizes = [1, 8], strides = [1, 1]} : vector<1x16xf32> to vector<1x8xf32>
      %gt3A_386 = arith.cmpf ogt, %slice3A_376, %slice3A_381 : vector<1x8xf32>
      %eq3A_387 = arith.cmpf oeq, %slice3A_376, %slice3A_381 : vector<1x8xf32>
      %lt3A_388 = arith.cmpi slt, %slice3A_377, %slice3A_382 : vector<1x8xi32>
      %and3A_389 = arith.andi %eq3A_387, %lt3A_388 : vector<1x8xi1>
      %or3A_390 = arith.ori %gt3A_386, %and3A_389 : vector<1x8xi1>
      %select_n3A_391 = arith.select %or3A_390, %slice3A_376, %slice3A_381 : vector<1x8xi1>, vector<1x8xf32>
      %select_n3A_392 = arith.select %or3A_390, %slice3A_377, %slice3A_382 : vector<1x8xi1>, vector<1x8xi32>
      %select_n3A_393 = arith.select %or3A_390, %slice3A_378, %slice3A_383 : vector<1x8xi1>, vector<1x8xf32>
      %select_n3A_394 = arith.select %or3A_390, %slice3A_379, %slice3A_384 : vector<1x8xi1>, vector<1x8xf32>
      %select_n3A_395 = arith.select %or3A_390, %slice3A_380, %slice3A_385 : vector<1x8xi1>, vector<1x8xf32>
      %slice3A_396 = vector.extract_strided_slice %select_n3A_391 {offsets = [0, 0], sizes = [1, 4], strides = [1, 1]} : vector<1x8xf32> to vector<1x4xf32>
      %slice3A_397 = vector.extract_strided_slice %select_n3A_392 {offsets = [0, 0], sizes = [1, 4], strides = [1, 1]} : vector<1x8xi32> to vector<1x4xi32>
      %slice3A_398 = vector.extract_strided_slice %select_n3A_393 {offsets = [0, 0], sizes = [1, 4], strides = [1, 1]} : vector<1x8xf32> to vector<1x4xf32>
      %slice3A_399 = vector.extract_strided_slice %select_n3A_394 {offsets = [0, 0], sizes = [1, 4], strides = [1, 1]} : vector<1x8xf32> to vector<1x4xf32>
      %slice3A_400 = vector.extract_strided_slice %select_n3A_395 {offsets = [0, 0], sizes = [1, 4], strides = [1, 1]} : vector<1x8xf32> to vector<1x4xf32>
      %slice3A_401 = vector.extract_strided_slice %select_n3A_391 {offsets = [0, 4], sizes = [1, 4], strides = [1, 1]} : vector<1x8xf32> to vector<1x4xf32>
      %slice3A_402 = vector.extract_strided_slice %select_n3A_392 {offsets = [0, 4], sizes = [1, 4], strides = [1, 1]} : vector<1x8xi32> to vector<1x4xi32>
      %slice3A_403 = vector.extract_strided_slice %select_n3A_393 {offsets = [0, 4], sizes = [1, 4], strides = [1, 1]} : vector<1x8xf32> to vector<1x4xf32>
      %slice3A_404 = vector.extract_strided_slice %select_n3A_394 {offsets = [0, 4], sizes = [1, 4], strides = [1, 1]} : vector<1x8xf32> to vector<1x4xf32>
      %slice3A_405 = vector.extract_strided_slice %select_n3A_395 {offsets = [0, 4], sizes = [1, 4], strides = [1, 1]} : vector<1x8xf32> to vector<1x4xf32>
      %gt3A_406 = arith.cmpf ogt, %slice3A_396, %slice3A_401 : vector<1x4xf32>
      %eq3A_407 = arith.cmpf oeq, %slice3A_396, %slice3A_401 : vector<1x4xf32>
      %lt3A_408 = arith.cmpi slt, %slice3A_397, %slice3A_402 : vector<1x4xi32>
      %and3A_409 = arith.andi %eq3A_407, %lt3A_408 : vector<1x4xi1>
      %or3A_410 = arith.ori %gt3A_406, %and3A_409 : vector<1x4xi1>
      %select_n3A_411 = arith.select %or3A_410, %slice3A_396, %slice3A_401 : vector<1x4xi1>, vector<1x4xf32>
      %select_n3A_412 = arith.select %or3A_410, %slice3A_397, %slice3A_402 : vector<1x4xi1>, vector<1x4xi32>
      %select_n3A_413 = arith.select %or3A_410, %slice3A_398, %slice3A_403 : vector<1x4xi1>, vector<1x4xf32>
      %select_n3A_414 = arith.select %or3A_410, %slice3A_399, %slice3A_404 : vector<1x4xi1>, vector<1x4xf32>
      %select_n3A_415 = arith.select %or3A_410, %slice3A_400, %slice3A_405 : vector<1x4xi1>, vector<1x4xf32>
      %slice3A_416 = vector.extract_strided_slice %select_n3A_411 {offsets = [0, 0], sizes = [1, 2], strides = [1, 1]} : vector<1x4xf32> to vector<1x2xf32>
      %slice3A_417 = vector.extract_strided_slice %select_n3A_412 {offsets = [0, 0], sizes = [1, 2], strides = [1, 1]} : vector<1x4xi32> to vector<1x2xi32>
      %slice3A_418 = vector.extract_strided_slice %select_n3A_413 {offsets = [0, 0], sizes = [1, 2], strides = [1, 1]} : vector<1x4xf32> to vector<1x2xf32>
      %slice3A_419 = vector.extract_strided_slice %select_n3A_414 {offsets = [0, 0], sizes = [1, 2], strides = [1, 1]} : vector<1x4xf32> to vector<1x2xf32>
      %slice3A_420 = vector.extract_strided_slice %select_n3A_415 {offsets = [0, 0], sizes = [1, 2], strides = [1, 1]} : vector<1x4xf32> to vector<1x2xf32>
      %slice3A_421 = vector.extract_strided_slice %select_n3A_411 {offsets = [0, 2], sizes = [1, 2], strides = [1, 1]} : vector<1x4xf32> to vector<1x2xf32>
      %slice3A_422 = vector.extract_strided_slice %select_n3A_412 {offsets = [0, 2], sizes = [1, 2], strides = [1, 1]} : vector<1x4xi32> to vector<1x2xi32>
      %slice3A_423 = vector.extract_strided_slice %select_n3A_413 {offsets = [0, 2], sizes = [1, 2], strides = [1, 1]} : vector<1x4xf32> to vector<1x2xf32>
      %slice3A_424 = vector.extract_strided_slice %select_n3A_414 {offsets = [0, 2], sizes = [1, 2], strides = [1, 1]} : vector<1x4xf32> to vector<1x2xf32>
      %slice3A_425 = vector.extract_strided_slice %select_n3A_415 {offsets = [0, 2], sizes = [1, 2], strides = [1, 1]} : vector<1x4xf32> to vector<1x2xf32>
      %gt3A_426 = arith.cmpf ogt, %slice3A_416, %slice3A_421 : vector<1x2xf32>
      %eq3A_427 = arith.cmpf oeq, %slice3A_416, %slice3A_421 : vector<1x2xf32>
      %lt3A_428 = arith.cmpi slt, %slice3A_417, %slice3A_422 : vector<1x2xi32>
      %and3A_429 = arith.andi %eq3A_427, %lt3A_428 : vector<1x2xi1>
      %or3A_430 = arith.ori %gt3A_426, %and3A_429 : vector<1x2xi1>
      %select_n3A_431 = arith.select %or3A_430, %slice3A_416, %slice3A_421 : vector<1x2xi1>, vector<1x2xf32>
      %select_n3A_432 = arith.select %or3A_430, %slice3A_417, %slice3A_422 : vector<1x2xi1>, vector<1x2xi32>
      %select_n3A_433 = arith.select %or3A_430, %slice3A_418, %slice3A_423 : vector<1x2xi1>, vector<1x2xf32>
      %select_n3A_434 = arith.select %or3A_430, %slice3A_419, %slice3A_424 : vector<1x2xi1>, vector<1x2xf32>
      %select_n3A_435 = arith.select %or3A_430, %slice3A_420, %slice3A_425 : vector<1x2xi1>, vector<1x2xf32>
      %slice3A_436 = vector.extract_strided_slice %select_n3A_431 {offsets = [0, 0], sizes = [1, 1], strides = [1, 1]} : vector<1x2xf32> to vector<1x1xf32>
      %slice3A_437 = vector.extract_strided_slice %select_n3A_432 {offsets = [0, 0], sizes = [1, 1], strides = [1, 1]} : vector<1x2xi32> to vector<1x1xi32>
      %slice3A_438 = vector.extract_strided_slice %select_n3A_433 {offsets = [0, 0], sizes = [1, 1], strides = [1, 1]} : vector<1x2xf32> to vector<1x1xf32>
      %slice3A_439 = vector.extract_strided_slice %select_n3A_434 {offsets = [0, 0], sizes = [1, 1], strides = [1, 1]} : vector<1x2xf32> to vector<1x1xf32>
      %slice3A_440 = vector.extract_strided_slice %select_n3A_435 {offsets = [0, 0], sizes = [1, 1], strides = [1, 1]} : vector<1x2xf32> to vector<1x1xf32>
      %slice3A_441 = vector.extract_strided_slice %select_n3A_431 {offsets = [0, 1], sizes = [1, 1], strides = [1, 1]} : vector<1x2xf32> to vector<1x1xf32>
      %slice3A_442 = vector.extract_strided_slice %select_n3A_432 {offsets = [0, 1], sizes = [1, 1], strides = [1, 1]} : vector<1x2xi32> to vector<1x1xi32>
      %slice3A_443 = vector.extract_strided_slice %select_n3A_433 {offsets = [0, 1], sizes = [1, 1], strides = [1, 1]} : vector<1x2xf32> to vector<1x1xf32>
      %slice3A_444 = vector.extract_strided_slice %select_n3A_434 {offsets = [0, 1], sizes = [1, 1], strides = [1, 1]} : vector<1x2xf32> to vector<1x1xf32>
      %slice3A_445 = vector.extract_strided_slice %select_n3A_435 {offsets = [0, 1], sizes = [1, 1], strides = [1, 1]} : vector<1x2xf32> to vector<1x1xf32>
      %gt3A_446 = arith.cmpf ogt, %slice3A_436, %slice3A_441 : vector<1x1xf32>
      %eq3A_447 = arith.cmpf oeq, %slice3A_436, %slice3A_441 : vector<1x1xf32>
      %lt3A_448 = arith.cmpi slt, %slice3A_437, %slice3A_442 : vector<1x1xi32>
      %and3A_449 = arith.andi %eq3A_447, %lt3A_448 : vector<1x1xi1>
      %or3A_450 = arith.ori %gt3A_446, %and3A_449 : vector<1x1xi1>
      %select_n3A_451 = arith.select %or3A_450, %slice3A_437, %slice3A_442 : vector<1x1xi1>, vector<1x1xi32>
      %select_n3A_452 = arith.select %or3A_450, %slice3A_438, %slice3A_443 : vector<1x1xi1>, vector<1x1xf32>
      %select_n3A_453 = arith.select %or3A_450, %slice3A_439, %slice3A_444 : vector<1x1xi1>, vector<1x1xf32>
      %select_n3A_454 = arith.select %or3A_450, %slice3A_440, %slice3A_445 : vector<1x1xi1>, vector<1x1xf32>
      %add3A_455 = arith.constant 8192 : i32
      %add3A_456 = vector.broadcast %add3A_455 : i32 to vector<1x1xi32>
      %add3A_457 = arith.addi %scan3A_97, %add3A_456 : vector<1x1xi32>
      %get3A_458 = arith.constant 1 : index
      %get3A_459 = arith.constant 0 : index
      %get3A_460 = arith.constant 0 : index
      %get3A_461 = vector.load %arg1[%get3A_458, %get3A_459, %get3A_460] : memref<4x16x128xi32, #tpu.memory_space<vmem>>, vector<1x16x128xi32>
      %get3A_462 = vector.shape_cast %get3A_461 : vector<1x16x128xi32> to vector<16x128xi32>
      %broadcast_in_dim3A_463 = vector.shape_cast %add3A_457 : vector<1x1xi32> to vector<1x1xi32>
      %broadcast_in_dim3A_464 = vector.broadcast %broadcast_in_dim3A_463 : vector<1x1xi32> to vector<16x128xi32>
      %select_n3A_465 = arith.select %eq3A_109, %broadcast_in_dim3A_464, %get3A_462 : vector<16x128xi1>, vector<16x128xi32>
      %swap3A_466 = arith.constant 1 : index
      %swap3A_467 = arith.constant 0 : index
      %swap3A_468 = arith.constant 0 : index
      %swap3A_469 = vector.load %arg1[%swap3A_466, %swap3A_467, %swap3A_468] : memref<4x16x128xi32, #tpu.memory_space<vmem>>, vector<1x16x128xi32>
      %swap3A_470 = vector.shape_cast %swap3A_469 : vector<1x16x128xi32> to vector<16x128xi32>
      %swap3A_471 = vector.shape_cast %select_n3A_465 : vector<16x128xi32> to vector<1x16x128xi32>
      tpu.vector_store %arg1[%swap3A_466, %swap3A_467, %swap3A_468], %swap3A_471 {strides = array<i32>} : memref<4x16x128xi32, #tpu.memory_space<vmem>>, vector<1x16x128xi32>,
      %get3A_472 = arith.constant 1 : index
      %get3A_473 = arith.constant 0 : index
      %get3A_474 = arith.constant 0 : index
      %get3A_475 = arith.constant 0 : index
      %get3A_476 = vector.load %arg2[%get3A_472, %get3A_473, %get3A_474, %get3A_475] : memref<4x3x16x128xf32, #tpu.memory_space<vmem>>, vector<1x1x16x128xf32>
      %get3A_477 = vector.shape_cast %get3A_476 : vector<1x1x16x128xf32> to vector<16x128xf32>
      %broadcast_in_dim3A_478 = vector.shape_cast %scan3A_98 : vector<1x1xf32> to vector<1x1xf32>
      %broadcast_in_dim3A_479 = vector.broadcast %broadcast_in_dim3A_478 : vector<1x1xf32> to vector<16x128xf32>
      %select_n3A_480 = arith.select %eq3A_109, %broadcast_in_dim3A_479, %get3A_477 : vector<16x128xi1>, vector<16x128xf32>
      %swap3A_481 = arith.constant 1 : index
      %swap3A_482 = arith.constant 0 : index
      %swap3A_483 = arith.constant 0 : index
      %swap3A_484 = arith.constant 0 : index
      %swap3A_485 = vector.load %arg2[%swap3A_481, %swap3A_482, %swap3A_483, %swap3A_484] : memref<4x3x16x128xf32, #tpu.memory_space<vmem>>, vector<1x1x16x128xf32>
      %swap3A_486 = vector.shape_cast %swap3A_485 : vector<1x1x16x128xf32> to vector<16x128xf32>
      %swap3A_487 = vector.shape_cast %select_n3A_480 : vector<16x128xf32> to vector<1x1x16x128xf32>
      tpu.vector_store %arg2[%swap3A_481, %swap3A_482, %swap3A_483, %swap3A_484], %swap3A_487 {strides = array<i32>} : memref<4x3x16x128xf32, #tpu.memory_space<vmem>>, vector<1x1x16x128xf32>,
      %get3A_488 = arith.constant 1 : index
      %get3A_489 = arith.constant 1 : index
      %get3A_490 = arith.constant 0 : index
      %get3A_491 = arith.constant 0 : index
      %get3A_492 = vector.load %arg2[%get3A_488, %get3A_489, %get3A_490, %get3A_491] : memref<4x3x16x128xf32, #tpu.memory_space<vmem>>, vector<1x1x16x128xf32>
      %get3A_493 = vector.shape_cast %get3A_492 : vector<1x1x16x128xf32> to vector<16x128xf32>
      %broadcast_in_dim3A_494 = vector.shape_cast %scan3A_99 : vector<1x1xf32> to vector<1x1xf32>
      %broadcast_in_dim3A_495 = vector.broadcast %broadcast_in_dim3A_494 : vector<1x1xf32> to vector<16x128xf32>
      %select_n3A_496 = arith.select %eq3A_109, %broadcast_in_dim3A_495, %get3A_493 : vector<16x128xi1>, vector<16x128xf32>
      %swap3A_497 = arith.constant 1 : index
      %swap3A_498 = arith.constant 1 : index
      %swap3A_499 = arith.constant 0 : index
      %swap3A_500 = arith.constant 0 : index
      %swap3A_501 = vector.load %arg2[%swap3A_497, %swap3A_498, %swap3A_499, %swap3A_500] : memref<4x3x16x128xf32, #tpu.memory_space<vmem>>, vector<1x1x16x128xf32>
      %swap3A_502 = vector.shape_cast %swap3A_501 : vector<1x1x16x128xf32> to vector<16x128xf32>
      %swap3A_503 = vector.shape_cast %select_n3A_496 : vector<16x128xf32> to vector<1x1x16x128xf32>
      tpu.vector_store %arg2[%swap3A_497, %swap3A_498, %swap3A_499, %swap3A_500], %swap3A_503 {strides = array<i32>} : memref<4x3x16x128xf32, #tpu.memory_space<vmem>>, vector<1x1x16x128xf32>,
      %get3A_504 = arith.constant 1 : index
      %get3A_505 = arith.constant 2 : index
      %get3A_506 = arith.constant 0 : index
      %get3A_507 = arith.constant 0 : index
      %get3A_508 = vector.load %arg2[%get3A_504, %get3A_505, %get3A_506, %get3A_507] : memref<4x3x16x128xf32, #tpu.memory_space<vmem>>, vector<1x1x16x128xf32>
      %get3A_509 = vector.shape_cast %get3A_508 : vector<1x1x16x128xf32> to vector<16x128xf32>
      %broadcast_in_dim3A_510 = vector.shape_cast %scan3A_100 : vector<1x1xf32> to vector<1x1xf32>
      %broadcast_in_dim3A_511 = vector.broadcast %broadcast_in_dim3A_510 : vector<1x1xf32> to vector<16x128xf32>
      %select_n3A_512 = arith.select %eq3A_109, %broadcast_in_dim3A_511, %get3A_509 : vector<16x128xi1>, vector<16x128xf32>
      %swap3A_513 = arith.constant 1 : index
      %swap3A_514 = arith.constant 2 : index
      %swap3A_515 = arith.constant 0 : index
      %swap3A_516 = arith.constant 0 : index
      %swap3A_517 = vector.load %arg2[%swap3A_513, %swap3A_514, %swap3A_515, %swap3A_516] : memref<4x3x16x128xf32, #tpu.memory_space<vmem>>, vector<1x1x16x128xf32>
      %swap3A_518 = vector.shape_cast %swap3A_517 : vector<1x1x16x128xf32> to vector<16x128xf32>
      %swap3A_519 = vector.shape_cast %select_n3A_512 : vector<16x128xf32> to vector<1x1x16x128xf32>
      tpu.vector_store %arg2[%swap3A_513, %swap3A_514, %swap3A_515, %swap3A_516], %swap3A_519 {strides = array<i32>} : memref<4x3x16x128xf32, #tpu.memory_space<vmem>>, vector<1x1x16x128xf32>,
      %get3A_520 = arith.constant 1 : index
      %get3A_521 = arith.constant 0 : index
      %get3A_522 = arith.constant 0 : index
      %get3A_523 = arith.constant 0 : index
      %get3A_524 = vector.load %arg0[%get3A_520, %get3A_521, %get3A_522, %get3A_523] : memref<4x3x64x128xf32, #tpu.memory_space<vmem>>, vector<1x1x64x128xf32>
      %get3A_525 = vector.shape_cast %get3A_524 : vector<1x1x64x128xf32> to vector<64x128xf32>
      %get3A_526 = arith.constant 1 : index
      %get3A_527 = arith.constant 1 : index
      %get3A_528 = arith.constant 0 : index
      %get3A_529 = arith.constant 0 : index
      %get3A_530 = vector.load %arg0[%get3A_526, %get3A_527, %get3A_528, %get3A_529] : memref<4x3x64x128xf32, #tpu.memory_space<vmem>>, vector<1x1x64x128xf32>
      %get3A_531 = vector.shape_cast %get3A_530 : vector<1x1x64x128xf32> to vector<64x128xf32>
      %get3A_532 = arith.constant 1 : index
      %get3A_533 = arith.constant 2 : index
      %get3A_534 = arith.constant 0 : index
      %get3A_535 = arith.constant 0 : index
      %get3A_536 = vector.load %arg0[%get3A_532, %get3A_533, %get3A_534, %get3A_535] : memref<4x3x64x128xf32, #tpu.memory_space<vmem>>, vector<1x1x64x128xf32>
      %get3A_537 = vector.shape_cast %get3A_536 : vector<1x1x64x128xf32> to vector<64x128xf32>
      %sub3A_538 = vector.broadcast %scan3A_98 : vector<1x1xf32> to vector<64x128xf32>
      %sub3A_539 = arith.subf %get3A_525, %sub3A_538 : vector<64x128xf32>
      %sub3A_540 = vector.broadcast %scan3A_99 : vector<1x1xf32> to vector<64x128xf32>
      %sub3A_541 = arith.subf %get3A_531, %sub3A_540 : vector<64x128xf32>
      %sub3A_542 = vector.broadcast %scan3A_100 : vector<1x1xf32> to vector<64x128xf32>
      %sub3A_543 = arith.subf %get3A_537, %sub3A_542 : vector<64x128xf32>
      %mul3A_544 = arith.mulf %sub3A_539, %sub3A_539 : vector<64x128xf32>
      %mul3A_545 = arith.mulf %sub3A_541, %sub3A_541 : vector<64x128xf32>
      %add3A_546 = arith.addf %mul3A_544, %mul3A_545 : vector<64x128xf32>
      %mul3A_547 = arith.mulf %sub3A_543, %sub3A_543 : vector<64x128xf32>
      %add3A_548 = arith.addf %add3A_546, %mul3A_547 : vector<64x128xf32>
      %min3A_549 = arith.minimumf %scan3A_90, %add3A_548 : vector<64x128xf32>
      %slice3A_550 = vector.extract_strided_slice %min3A_549 {offsets = [0, 0], sizes = [32, 128], strides = [1, 1]} : vector<64x128xf32> to vector<32x128xf32>
      %slice3A_551 = vector.extract_strided_slice %add3A {offsets = [0, 0], sizes = [32, 128], strides = [1, 1]} : vector<64x128xi32> to vector<32x128xi32>
      %slice3A_552 = vector.extract_strided_slice %get3A_525 {offsets = [0, 0], sizes = [32, 128], strides = [1, 1]} : vector<64x128xf32> to vector<32x128xf32>
      %slice3A_553 = vector.extract_strided_slice %get3A_531 {offsets = [0, 0], sizes = [32, 128], strides = [1, 1]} : vector<64x128xf32> to vector<32x128xf32>
      %slice3A_554 = vector.extract_strided_slice %get3A_537 {offsets = [0, 0], sizes = [32, 128], strides = [1, 1]} : vector<64x128xf32> to vector<32x128xf32>
      %slice3A_555 = vector.extract_strided_slice %min3A_549 {offsets = [32, 0], sizes = [32, 128], strides = [1, 1]} : vector<64x128xf32> to vector<32x128xf32>
      %slice3A_556 = vector.extract_strided_slice %add3A {offsets = [32, 0], sizes = [32, 128], strides = [1, 1]} : vector<64x128xi32> to vector<32x128xi32>
      %slice3A_557 = vector.extract_strided_slice %get3A_525 {offsets = [32, 0], sizes = [32, 128], strides = [1, 1]} : vector<64x128xf32> to vector<32x128xf32>
      %slice3A_558 = vector.extract_strided_slice %get3A_531 {offsets = [32, 0], sizes = [32, 128], strides = [1, 1]} : vector<64x128xf32> to vector<32x128xf32>
      %slice3A_559 = vector.extract_strided_slice %get3A_537 {offsets = [32, 0], sizes = [32, 128], strides = [1, 1]} : vector<64x128xf32> to vector<32x128xf32>
      %gt3A_560 = arith.cmpf ogt, %slice3A_550, %slice3A_555 : vector<32x128xf32>
      %eq3A_561 = arith.cmpf oeq, %slice3A_550, %slice3A_555 : vector<32x128xf32>
      %lt3A_562 = arith.cmpi slt, %slice3A_551, %slice3A_556 : vector<32x128xi32>
      %and3A_563 = arith.andi %eq3A_561, %lt3A_562 : vector<32x128xi1>
      %or3A_564 = arith.ori %gt3A_560, %and3A_563 : vector<32x128xi1>
      %select_n3A_565 = arith.select %or3A_564, %slice3A_550, %slice3A_555 : vector<32x128xi1>, vector<32x128xf32>
      %select_n3A_566 = arith.select %or3A_564, %slice3A_551, %slice3A_556 : vector<32x128xi1>, vector<32x128xi32>
      %select_n3A_567 = arith.select %or3A_564, %slice3A_552, %slice3A_557 : vector<32x128xi1>, vector<32x128xf32>
      %select_n3A_568 = arith.select %or3A_564, %slice3A_553, %slice3A_558 : vector<32x128xi1>, vector<32x128xf32>
      %select_n3A_569 = arith.select %or3A_564, %slice3A_554, %slice3A_559 : vector<32x128xi1>, vector<32x128xf32>
      %slice3A_570 = vector.extract_strided_slice %select_n3A_565 {offsets = [0, 0], sizes = [16, 128], strides = [1, 1]} : vector<32x128xf32> to vector<16x128xf32>
      %slice3A_571 = vector.extract_strided_slice %select_n3A_566 {offsets = [0, 0], sizes = [16, 128], strides = [1, 1]} : vector<32x128xi32> to vector<16x128xi32>
      %slice3A_572 = vector.extract_strided_slice %select_n3A_567 {offsets = [0, 0], sizes = [16, 128], strides = [1, 1]} : vector<32x128xf32> to vector<16x128xf32>
      %slice3A_573 = vector.extract_strided_slice %select_n3A_568 {offsets = [0, 0], sizes = [16, 128], strides = [1, 1]} : vector<32x128xf32> to vector<16x128xf32>
      %slice3A_574 = vector.extract_strided_slice %select_n3A_569 {offsets = [0, 0], sizes = [16, 128], strides = [1, 1]} : vector<32x128xf32> to vector<16x128xf32>
      %slice3A_575 = vector.extract_strided_slice %select_n3A_565 {offsets = [16, 0], sizes = [16, 128], strides = [1, 1]} : vector<32x128xf32> to vector<16x128xf32>
      %slice3A_576 = vector.extract_strided_slice %select_n3A_566 {offsets = [16, 0], sizes = [16, 128], strides = [1, 1]} : vector<32x128xi32> to vector<16x128xi32>
      %slice3A_577 = vector.extract_strided_slice %select_n3A_567 {offsets = [16, 0], sizes = [16, 128], strides = [1, 1]} : vector<32x128xf32> to vector<16x128xf32>
      %slice3A_578 = vector.extract_strided_slice %select_n3A_568 {offsets = [16, 0], sizes = [16, 128], strides = [1, 1]} : vector<32x128xf32> to vector<16x128xf32>
      %slice3A_579 = vector.extract_strided_slice %select_n3A_569 {offsets = [16, 0], sizes = [16, 128], strides = [1, 1]} : vector<32x128xf32> to vector<16x128xf32>
      %gt3A_580 = arith.cmpf ogt, %slice3A_570, %slice3A_575 : vector<16x128xf32>
      %eq3A_581 = arith.cmpf oeq, %slice3A_570, %slice3A_575 : vector<16x128xf32>
      %lt3A_582 = arith.cmpi slt, %slice3A_571, %slice3A_576 : vector<16x128xi32>
      %and3A_583 = arith.andi %eq3A_581, %lt3A_582 : vector<16x128xi1>
      %or3A_584 = arith.ori %gt3A_580, %and3A_583 : vector<16x128xi1>
      %select_n3A_585 = arith.select %or3A_584, %slice3A_570, %slice3A_575 : vector<16x128xi1>, vector<16x128xf32>
      %select_n3A_586 = arith.select %or3A_584, %slice3A_571, %slice3A_576 : vector<16x128xi1>, vector<16x128xi32>
      %select_n3A_587 = arith.select %or3A_584, %slice3A_572, %slice3A_577 : vector<16x128xi1>, vector<16x128xf32>
      %select_n3A_588 = arith.select %or3A_584, %slice3A_573, %slice3A_578 : vector<16x128xi1>, vector<16x128xf32>
      %select_n3A_589 = arith.select %or3A_584, %slice3A_574, %slice3A_579 : vector<16x128xi1>, vector<16x128xf32>
      %slice3A_590 = vector.extract_strided_slice %select_n3A_585 {offsets = [0, 0], sizes = [8, 128], strides = [1, 1]} : vector<16x128xf32> to vector<8x128xf32>
      %slice3A_591 = vector.extract_strided_slice %select_n3A_586 {offsets = [0, 0], sizes = [8, 128], strides = [1, 1]} : vector<16x128xi32> to vector<8x128xi32>
      %slice3A_592 = vector.extract_strided_slice %select_n3A_587 {offsets = [0, 0], sizes = [8, 128], strides = [1, 1]} : vector<16x128xf32> to vector<8x128xf32>
      %slice3A_593 = vector.extract_strided_slice %select_n3A_588 {offsets = [0, 0], sizes = [8, 128], strides = [1, 1]} : vector<16x128xf32> to vector<8x128xf32>
      %slice3A_594 = vector.extract_strided_slice %select_n3A_589 {offsets = [0, 0], sizes = [8, 128], strides = [1, 1]} : vector<16x128xf32> to vector<8x128xf32>
      %slice3A_595 = vector.extract_strided_slice %select_n3A_585 {offsets = [8, 0], sizes = [8, 128], strides = [1, 1]} : vector<16x128xf32> to vector<8x128xf32>
      %slice3A_596 = vector.extract_strided_slice %select_n3A_586 {offsets = [8, 0], sizes = [8, 128], strides = [1, 1]} : vector<16x128xi32> to vector<8x128xi32>
      %slice3A_597 = vector.extract_strided_slice %select_n3A_587 {offsets = [8, 0], sizes = [8, 128], strides = [1, 1]} : vector<16x128xf32> to vector<8x128xf32>
      %slice3A_598 = vector.extract_strided_slice %select_n3A_588 {offsets = [8, 0], sizes = [8, 128], strides = [1, 1]} : vector<16x128xf32> to vector<8x128xf32>
      %slice3A_599 = vector.extract_strided_slice %select_n3A_589 {offsets = [8, 0], sizes = [8, 128], strides = [1, 1]} : vector<16x128xf32> to vector<8x128xf32>
      %gt3A_600 = arith.cmpf ogt, %slice3A_590, %slice3A_595 : vector<8x128xf32>
      %eq3A_601 = arith.cmpf oeq, %slice3A_590, %slice3A_595 : vector<8x128xf32>
      %lt3A_602 = arith.cmpi slt, %slice3A_591, %slice3A_596 : vector<8x128xi32>
      %and3A_603 = arith.andi %eq3A_601, %lt3A_602 : vector<8x128xi1>
      %or3A_604 = arith.ori %gt3A_600, %and3A_603 : vector<8x128xi1>
      %select_n3A_605 = arith.select %or3A_604, %slice3A_590, %slice3A_595 : vector<8x128xi1>, vector<8x128xf32>
      %select_n3A_606 = arith.select %or3A_604, %slice3A_591, %slice3A_596 : vector<8x128xi1>, vector<8x128xi32>
      %select_n3A_607 = arith.select %or3A_604, %slice3A_592, %slice3A_597 : vector<8x128xi1>, vector<8x128xf32>
      %select_n3A_608 = arith.select %or3A_604, %slice3A_593, %slice3A_598 : vector<8x128xi1>, vector<8x128xf32>
      %select_n3A_609 = arith.select %or3A_604, %slice3A_594, %slice3A_599 : vector<8x128xi1>, vector<8x128xf32>
      %slice3A_610 = vector.extract_strided_slice %select_n3A_605 {offsets = [0, 0], sizes = [4, 128], strides = [1, 1]} : vector<8x128xf32> to vector<4x128xf32>
      %slice3A_611 = vector.extract_strided_slice %select_n3A_606 {offsets = [0, 0], sizes = [4, 128], strides = [1, 1]} : vector<8x128xi32> to vector<4x128xi32>
      %slice3A_612 = vector.extract_strided_slice %select_n3A_607 {offsets = [0, 0], sizes = [4, 128], strides = [1, 1]} : vector<8x128xf32> to vector<4x128xf32>
      %slice3A_613 = vector.extract_strided_slice %select_n3A_608 {offsets = [0, 0], sizes = [4, 128], strides = [1, 1]} : vector<8x128xf32> to vector<4x128xf32>
      %slice3A_614 = vector.extract_strided_slice %select_n3A_609 {offsets = [0, 0], sizes = [4, 128], strides = [1, 1]} : vector<8x128xf32> to vector<4x128xf32>
      %slice3A_615 = vector.extract_strided_slice %select_n3A_605 {offsets = [4, 0], sizes = [4, 128], strides = [1, 1]} : vector<8x128xf32> to vector<4x128xf32>
      %slice3A_616 = vector.extract_strided_slice %select_n3A_606 {offsets = [4, 0], sizes = [4, 128], strides = [1, 1]} : vector<8x128xi32> to vector<4x128xi32>
      %slice3A_617 = vector.extract_strided_slice %select_n3A_607 {offsets = [4, 0], sizes = [4, 128], strides = [1, 1]} : vector<8x128xf32> to vector<4x128xf32>
      %slice3A_618 = vector.extract_strided_slice %select_n3A_608 {offsets = [4, 0], sizes = [4, 128], strides = [1, 1]} : vector<8x128xf32> to vector<4x128xf32>
      %slice3A_619 = vector.extract_strided_slice %select_n3A_609 {offsets = [4, 0], sizes = [4, 128], strides = [1, 1]} : vector<8x128xf32> to vector<4x128xf32>
      %gt3A_620 = arith.cmpf ogt, %slice3A_610, %slice3A_615 : vector<4x128xf32>
      %eq3A_621 = arith.cmpf oeq, %slice3A_610, %slice3A_615 : vector<4x128xf32>
      %lt3A_622 = arith.cmpi slt, %slice3A_611, %slice3A_616 : vector<4x128xi32>
      %and3A_623 = arith.andi %eq3A_621, %lt3A_622 : vector<4x128xi1>
      %or3A_624 = arith.ori %gt3A_620, %and3A_623 : vector<4x128xi1>
      %select_n3A_625 = arith.select %or3A_624, %slice3A_610, %slice3A_615 : vector<4x128xi1>, vector<4x128xf32>
      %select_n3A_626 = arith.select %or3A_624, %slice3A_611, %slice3A_616 : vector<4x128xi1>, vector<4x128xi32>
      %select_n3A_627 = arith.select %or3A_624, %slice3A_612, %slice3A_617 : vector<4x128xi1>, vector<4x128xf32>
      %select_n3A_628 = arith.select %or3A_624, %slice3A_613, %slice3A_618 : vector<4x128xi1>, vector<4x128xf32>
      %select_n3A_629 = arith.select %or3A_624, %slice3A_614, %slice3A_619 : vector<4x128xi1>, vector<4x128xf32>
      %slice3A_630 = vector.extract_strided_slice %select_n3A_625 {offsets = [0, 0], sizes = [2, 128], strides = [1, 1]} : vector<4x128xf32> to vector<2x128xf32>
      %slice3A_631 = vector.extract_strided_slice %select_n3A_626 {offsets = [0, 0], sizes = [2, 128], strides = [1, 1]} : vector<4x128xi32> to vector<2x128xi32>
      %slice3A_632 = vector.extract_strided_slice %select_n3A_627 {offsets = [0, 0], sizes = [2, 128], strides = [1, 1]} : vector<4x128xf32> to vector<2x128xf32>
      %slice3A_633 = vector.extract_strided_slice %select_n3A_628 {offsets = [0, 0], sizes = [2, 128], strides = [1, 1]} : vector<4x128xf32> to vector<2x128xf32>
      %slice3A_634 = vector.extract_strided_slice %select_n3A_629 {offsets = [0, 0], sizes = [2, 128], strides = [1, 1]} : vector<4x128xf32> to vector<2x128xf32>
      %slice3A_635 = vector.extract_strided_slice %select_n3A_625 {offsets = [2, 0], sizes = [2, 128], strides = [1, 1]} : vector<4x128xf32> to vector<2x128xf32>
      %slice3A_636 = vector.extract_strided_slice %select_n3A_626 {offsets = [2, 0], sizes = [2, 128], strides = [1, 1]} : vector<4x128xi32> to vector<2x128xi32>
      %slice3A_637 = vector.extract_strided_slice %select_n3A_627 {offsets = [2, 0], sizes = [2, 128], strides = [1, 1]} : vector<4x128xf32> to vector<2x128xf32>
      %slice3A_638 = vector.extract_strided_slice %select_n3A_628 {offsets = [2, 0], sizes = [2, 128], strides = [1, 1]} : vector<4x128xf32> to vector<2x128xf32>
      %slice3A_639 = vector.extract_strided_slice %select_n3A_629 {offsets = [2, 0], sizes = [2, 128], strides = [1, 1]} : vector<4x128xf32> to vector<2x128xf32>
      %gt3A_640 = arith.cmpf ogt, %slice3A_630, %slice3A_635 : vector<2x128xf32>
      %eq3A_641 = arith.cmpf oeq, %slice3A_630, %slice3A_635 : vector<2x128xf32>
      %lt3A_642 = arith.cmpi slt, %slice3A_631, %slice3A_636 : vector<2x128xi32>
      %and3A_643 = arith.andi %eq3A_641, %lt3A_642 : vector<2x128xi1>
      %or3A_644 = arith.ori %gt3A_640, %and3A_643 : vector<2x128xi1>
      %select_n3A_645 = arith.select %or3A_644, %slice3A_630, %slice3A_635 : vector<2x128xi1>, vector<2x128xf32>
      %select_n3A_646 = arith.select %or3A_644, %slice3A_631, %slice3A_636 : vector<2x128xi1>, vector<2x128xi32>
      %select_n3A_647 = arith.select %or3A_644, %slice3A_632, %slice3A_637 : vector<2x128xi1>, vector<2x128xf32>
      %select_n3A_648 = arith.select %or3A_644, %slice3A_633, %slice3A_638 : vector<2x128xi1>, vector<2x128xf32>
      %select_n3A_649 = arith.select %or3A_644, %slice3A_634, %slice3A_639 : vector<2x128xi1>, vector<2x128xf32>
      %slice3A_650 = vector.extract_strided_slice %select_n3A_645 {offsets = [0, 0], sizes = [1, 128], strides = [1, 1]} : vector<2x128xf32> to vector<1x128xf32>
      %slice3A_651 = vector.extract_strided_slice %select_n3A_646 {offsets = [0, 0], sizes = [1, 128], strides = [1, 1]} : vector<2x128xi32> to vector<1x128xi32>
      %slice3A_652 = vector.extract_strided_slice %select_n3A_647 {offsets = [0, 0], sizes = [1, 128], strides = [1, 1]} : vector<2x128xf32> to vector<1x128xf32>
      %slice3A_653 = vector.extract_strided_slice %select_n3A_648 {offsets = [0, 0], sizes = [1, 128], strides = [1, 1]} : vector<2x128xf32> to vector<1x128xf32>
      %slice3A_654 = vector.extract_strided_slice %select_n3A_649 {offsets = [0, 0], sizes = [1, 128], strides = [1, 1]} : vector<2x128xf32> to vector<1x128xf32>
      %slice3A_655 = vector.extract_strided_slice %select_n3A_645 {offsets = [1, 0], sizes = [1, 128], strides = [1, 1]} : vector<2x128xf32> to vector<1x128xf32>
      %slice3A_656 = vector.extract_strided_slice %select_n3A_646 {offsets = [1, 0], sizes = [1, 128], strides = [1, 1]} : vector<2x128xi32> to vector<1x128xi32>
      %slice3A_657 = vector.extract_strided_slice %select_n3A_647 {offsets = [1, 0], sizes = [1, 128], strides = [1, 1]} : vector<2x128xf32> to vector<1x128xf32>
      %slice3A_658 = vector.extract_strided_slice %select_n3A_648 {offsets = [1, 0], sizes = [1, 128], strides = [1, 1]} : vector<2x128xf32> to vector<1x128xf32>
      %slice3A_659 = vector.extract_strided_slice %select_n3A_649 {offsets = [1, 0], sizes = [1, 128], strides = [1, 1]} : vector<2x128xf32> to vector<1x128xf32>
      %gt3A_660 = arith.cmpf ogt, %slice3A_650, %slice3A_655 : vector<1x128xf32>
      %eq3A_661 = arith.cmpf oeq, %slice3A_650, %slice3A_655 : vector<1x128xf32>
      %lt3A_662 = arith.cmpi slt, %slice3A_651, %slice3A_656 : vector<1x128xi32>
      %and3A_663 = arith.andi %eq3A_661, %lt3A_662 : vector<1x128xi1>
      %or3A_664 = arith.ori %gt3A_660, %and3A_663 : vector<1x128xi1>
      %select_n3A_665 = arith.select %or3A_664, %slice3A_650, %slice3A_655 : vector<1x128xi1>, vector<1x128xf32>
      %select_n3A_666 = arith.select %or3A_664, %slice3A_651, %slice3A_656 : vector<1x128xi1>, vector<1x128xi32>
      %select_n3A_667 = arith.select %or3A_664, %slice3A_652, %slice3A_657 : vector<1x128xi1>, vector<1x128xf32>
      %select_n3A_668 = arith.select %or3A_664, %slice3A_653, %slice3A_658 : vector<1x128xi1>, vector<1x128xf32>
      %select_n3A_669 = arith.select %or3A_664, %slice3A_654, %slice3A_659 : vector<1x128xi1>, vector<1x128xf32>
      %slice3A_670 = vector.extract_strided_slice %select_n3A_665 {offsets = [0, 0], sizes = [1, 64], strides = [1, 1]} : vector<1x128xf32> to vector<1x64xf32>
      %slice3A_671 = vector.extract_strided_slice %select_n3A_666 {offsets = [0, 0], sizes = [1, 64], strides = [1, 1]} : vector<1x128xi32> to vector<1x64xi32>
      %slice3A_672 = vector.extract_strided_slice %select_n3A_667 {offsets = [0, 0], sizes = [1, 64], strides = [1, 1]} : vector<1x128xf32> to vector<1x64xf32>
      %slice3A_673 = vector.extract_strided_slice %select_n3A_668 {offsets = [0, 0], sizes = [1, 64], strides = [1, 1]} : vector<1x128xf32> to vector<1x64xf32>
      %slice3A_674 = vector.extract_strided_slice %select_n3A_669 {offsets = [0, 0], sizes = [1, 64], strides = [1, 1]} : vector<1x128xf32> to vector<1x64xf32>
      %slice3A_675 = vector.extract_strided_slice %select_n3A_665 {offsets = [0, 64], sizes = [1, 64], strides = [1, 1]} : vector<1x128xf32> to vector<1x64xf32>
      %slice3A_676 = vector.extract_strided_slice %select_n3A_666 {offsets = [0, 64], sizes = [1, 64], strides = [1, 1]} : vector<1x128xi32> to vector<1x64xi32>
      %slice3A_677 = vector.extract_strided_slice %select_n3A_667 {offsets = [0, 64], sizes = [1, 64], strides = [1, 1]} : vector<1x128xf32> to vector<1x64xf32>
      %slice3A_678 = vector.extract_strided_slice %select_n3A_668 {offsets = [0, 64], sizes = [1, 64], strides = [1, 1]} : vector<1x128xf32> to vector<1x64xf32>
      %slice3A_679 = vector.extract_strided_slice %select_n3A_669 {offsets = [0, 64], sizes = [1, 64], strides = [1, 1]} : vector<1x128xf32> to vector<1x64xf32>
      %gt3A_680 = arith.cmpf ogt, %slice3A_670, %slice3A_675 : vector<1x64xf32>
      %eq3A_681 = arith.cmpf oeq, %slice3A_670, %slice3A_675 : vector<1x64xf32>
      %lt3A_682 = arith.cmpi slt, %slice3A_671, %slice3A_676 : vector<1x64xi32>
      %and3A_683 = arith.andi %eq3A_681, %lt3A_682 : vector<1x64xi1>
      %or3A_684 = arith.ori %gt3A_680, %and3A_683 : vector<1x64xi1>
      %select_n3A_685 = arith.select %or3A_684, %slice3A_670, %slice3A_675 : vector<1x64xi1>, vector<1x64xf32>
      %select_n3A_686 = arith.select %or3A_684, %slice3A_671, %slice3A_676 : vector<1x64xi1>, vector<1x64xi32>
      %select_n3A_687 = arith.select %or3A_684, %slice3A_672, %slice3A_677 : vector<1x64xi1>, vector<1x64xf32>
      %select_n3A_688 = arith.select %or3A_684, %slice3A_673, %slice3A_678 : vector<1x64xi1>, vector<1x64xf32>
      %select_n3A_689 = arith.select %or3A_684, %slice3A_674, %slice3A_679 : vector<1x64xi1>, vector<1x64xf32>
      %slice3A_690 = vector.extract_strided_slice %select_n3A_685 {offsets = [0, 0], sizes = [1, 32], strides = [1, 1]} : vector<1x64xf32> to vector<1x32xf32>
      %slice3A_691 = vector.extract_strided_slice %select_n3A_686 {offsets = [0, 0], sizes = [1, 32], strides = [1, 1]} : vector<1x64xi32> to vector<1x32xi32>
      %slice3A_692 = vector.extract_strided_slice %select_n3A_687 {offsets = [0, 0], sizes = [1, 32], strides = [1, 1]} : vector<1x64xf32> to vector<1x32xf32>
      %slice3A_693 = vector.extract_strided_slice %select_n3A_688 {offsets = [0, 0], sizes = [1, 32], strides = [1, 1]} : vector<1x64xf32> to vector<1x32xf32>
      %slice3A_694 = vector.extract_strided_slice %select_n3A_689 {offsets = [0, 0], sizes = [1, 32], strides = [1, 1]} : vector<1x64xf32> to vector<1x32xf32>
      %slice3A_695 = vector.extract_strided_slice %select_n3A_685 {offsets = [0, 32], sizes = [1, 32], strides = [1, 1]} : vector<1x64xf32> to vector<1x32xf32>
      %slice3A_696 = vector.extract_strided_slice %select_n3A_686 {offsets = [0, 32], sizes = [1, 32], strides = [1, 1]} : vector<1x64xi32> to vector<1x32xi32>
      %slice3A_697 = vector.extract_strided_slice %select_n3A_687 {offsets = [0, 32], sizes = [1, 32], strides = [1, 1]} : vector<1x64xf32> to vector<1x32xf32>
      %slice3A_698 = vector.extract_strided_slice %select_n3A_688 {offsets = [0, 32], sizes = [1, 32], strides = [1, 1]} : vector<1x64xf32> to vector<1x32xf32>
      %slice3A_699 = vector.extract_strided_slice %select_n3A_689 {offsets = [0, 32], sizes = [1, 32], strides = [1, 1]} : vector<1x64xf32> to vector<1x32xf32>
      %gt3A_700 = arith.cmpf ogt, %slice3A_690, %slice3A_695 : vector<1x32xf32>
      %eq3A_701 = arith.cmpf oeq, %slice3A_690, %slice3A_695 : vector<1x32xf32>
      %lt3A_702 = arith.cmpi slt, %slice3A_691, %slice3A_696 : vector<1x32xi32>
      %and3A_703 = arith.andi %eq3A_701, %lt3A_702 : vector<1x32xi1>
      %or3A_704 = arith.ori %gt3A_700, %and3A_703 : vector<1x32xi1>
      %select_n3A_705 = arith.select %or3A_704, %slice3A_690, %slice3A_695 : vector<1x32xi1>, vector<1x32xf32>
      %select_n3A_706 = arith.select %or3A_704, %slice3A_691, %slice3A_696 : vector<1x32xi1>, vector<1x32xi32>
      %select_n3A_707 = arith.select %or3A_704, %slice3A_692, %slice3A_697 : vector<1x32xi1>, vector<1x32xf32>
      %select_n3A_708 = arith.select %or3A_704, %slice3A_693, %slice3A_698 : vector<1x32xi1>, vector<1x32xf32>
      %select_n3A_709 = arith.select %or3A_704, %slice3A_694, %slice3A_699 : vector<1x32xi1>, vector<1x32xf32>
      %slice3A_710 = vector.extract_strided_slice %select_n3A_705 {offsets = [0, 0], sizes = [1, 16], strides = [1, 1]} : vector<1x32xf32> to vector<1x16xf32>
      %slice3A_711 = vector.extract_strided_slice %select_n3A_706 {offsets = [0, 0], sizes = [1, 16], strides = [1, 1]} : vector<1x32xi32> to vector<1x16xi32>
      %slice3A_712 = vector.extract_strided_slice %select_n3A_707 {offsets = [0, 0], sizes = [1, 16], strides = [1, 1]} : vector<1x32xf32> to vector<1x16xf32>
      %slice3A_713 = vector.extract_strided_slice %select_n3A_708 {offsets = [0, 0], sizes = [1, 16], strides = [1, 1]} : vector<1x32xf32> to vector<1x16xf32>
      %slice3A_714 = vector.extract_strided_slice %select_n3A_709 {offsets = [0, 0], sizes = [1, 16], strides = [1, 1]} : vector<1x32xf32> to vector<1x16xf32>
      %slice3A_715 = vector.extract_strided_slice %select_n3A_705 {offsets = [0, 16], sizes = [1, 16], strides = [1, 1]} : vector<1x32xf32> to vector<1x16xf32>
      %slice3A_716 = vector.extract_strided_slice %select_n3A_706 {offsets = [0, 16], sizes = [1, 16], strides = [1, 1]} : vector<1x32xi32> to vector<1x16xi32>
      %slice3A_717 = vector.extract_strided_slice %select_n3A_707 {offsets = [0, 16], sizes = [1, 16], strides = [1, 1]} : vector<1x32xf32> to vector<1x16xf32>
      %slice3A_718 = vector.extract_strided_slice %select_n3A_708 {offsets = [0, 16], sizes = [1, 16], strides = [1, 1]} : vector<1x32xf32> to vector<1x16xf32>
      %slice3A_719 = vector.extract_strided_slice %select_n3A_709 {offsets = [0, 16], sizes = [1, 16], strides = [1, 1]} : vector<1x32xf32> to vector<1x16xf32>
      %gt3A_720 = arith.cmpf ogt, %slice3A_710, %slice3A_715 : vector<1x16xf32>
      %eq3A_721 = arith.cmpf oeq, %slice3A_710, %slice3A_715 : vector<1x16xf32>
      %lt3A_722 = arith.cmpi slt, %slice3A_711, %slice3A_716 : vector<1x16xi32>
      %and3A_723 = arith.andi %eq3A_721, %lt3A_722 : vector<1x16xi1>
      %or3A_724 = arith.ori %gt3A_720, %and3A_723 : vector<1x16xi1>
      %select_n3A_725 = arith.select %or3A_724, %slice3A_710, %slice3A_715 : vector<1x16xi1>, vector<1x16xf32>
      %select_n3A_726 = arith.select %or3A_724, %slice3A_711, %slice3A_716 : vector<1x16xi1>, vector<1x16xi32>
      %select_n3A_727 = arith.select %or3A_724, %slice3A_712, %slice3A_717 : vector<1x16xi1>, vector<1x16xf32>
      %select_n3A_728 = arith.select %or3A_724, %slice3A_713, %slice3A_718 : vector<1x16xi1>, vector<1x16xf32>
      %select_n3A_729 = arith.select %or3A_724, %slice3A_714, %slice3A_719 : vector<1x16xi1>, vector<1x16xf32>
      %slice3A_730 = vector.extract_strided_slice %select_n3A_725 {offsets = [0, 0], sizes = [1, 8], strides = [1, 1]} : vector<1x16xf32> to vector<1x8xf32>
      %slice3A_731 = vector.extract_strided_slice %select_n3A_726 {offsets = [0, 0], sizes = [1, 8], strides = [1, 1]} : vector<1x16xi32> to vector<1x8xi32>
      %slice3A_732 = vector.extract_strided_slice %select_n3A_727 {offsets = [0, 0], sizes = [1, 8], strides = [1, 1]} : vector<1x16xf32> to vector<1x8xf32>
      %slice3A_733 = vector.extract_strided_slice %select_n3A_728 {offsets = [0, 0], sizes = [1, 8], strides = [1, 1]} : vector<1x16xf32> to vector<1x8xf32>
      %slice3A_734 = vector.extract_strided_slice %select_n3A_729 {offsets = [0, 0], sizes = [1, 8], strides = [1, 1]} : vector<1x16xf32> to vector<1x8xf32>
      %slice3A_735 = vector.extract_strided_slice %select_n3A_725 {offsets = [0, 8], sizes = [1, 8], strides = [1, 1]} : vector<1x16xf32> to vector<1x8xf32>
      %slice3A_736 = vector.extract_strided_slice %select_n3A_726 {offsets = [0, 8], sizes = [1, 8], strides = [1, 1]} : vector<1x16xi32> to vector<1x8xi32>
      %slice3A_737 = vector.extract_strided_slice %select_n3A_727 {offsets = [0, 8], sizes = [1, 8], strides = [1, 1]} : vector<1x16xf32> to vector<1x8xf32>
      %slice3A_738 = vector.extract_strided_slice %select_n3A_728 {offsets = [0, 8], sizes = [1, 8], strides = [1, 1]} : vector<1x16xf32> to vector<1x8xf32>
      %slice3A_739 = vector.extract_strided_slice %select_n3A_729 {offsets = [0, 8], sizes = [1, 8], strides = [1, 1]} : vector<1x16xf32> to vector<1x8xf32>
      %gt3A_740 = arith.cmpf ogt, %slice3A_730, %slice3A_735 : vector<1x8xf32>
      %eq3A_741 = arith.cmpf oeq, %slice3A_730, %slice3A_735 : vector<1x8xf32>
      %lt3A_742 = arith.cmpi slt, %slice3A_731, %slice3A_736 : vector<1x8xi32>
      %and3A_743 = arith.andi %eq3A_741, %lt3A_742 : vector<1x8xi1>
      %or3A_744 = arith.ori %gt3A_740, %and3A_743 : vector<1x8xi1>
      %select_n3A_745 = arith.select %or3A_744, %slice3A_730, %slice3A_735 : vector<1x8xi1>, vector<1x8xf32>
      %select_n3A_746 = arith.select %or3A_744, %slice3A_731, %slice3A_736 : vector<1x8xi1>, vector<1x8xi32>
      %select_n3A_747 = arith.select %or3A_744, %slice3A_732, %slice3A_737 : vector<1x8xi1>, vector<1x8xf32>
      %select_n3A_748 = arith.select %or3A_744, %slice3A_733, %slice3A_738 : vector<1x8xi1>, vector<1x8xf32>
      %select_n3A_749 = arith.select %or3A_744, %slice3A_734, %slice3A_739 : vector<1x8xi1>, vector<1x8xf32>
      %slice3A_750 = vector.extract_strided_slice %select_n3A_745 {offsets = [0, 0], sizes = [1, 4], strides = [1, 1]} : vector<1x8xf32> to vector<1x4xf32>
      %slice3A_751 = vector.extract_strided_slice %select_n3A_746 {offsets = [0, 0], sizes = [1, 4], strides = [1, 1]} : vector<1x8xi32> to vector<1x4xi32>
      %slice3A_752 = vector.extract_strided_slice %select_n3A_747 {offsets = [0, 0], sizes = [1, 4], strides = [1, 1]} : vector<1x8xf32> to vector<1x4xf32>
      %slice3A_753 = vector.extract_strided_slice %select_n3A_748 {offsets = [0, 0], sizes = [1, 4], strides = [1, 1]} : vector<1x8xf32> to vector<1x4xf32>
      %slice3A_754 = vector.extract_strided_slice %select_n3A_749 {offsets = [0, 0], sizes = [1, 4], strides = [1, 1]} : vector<1x8xf32> to vector<1x4xf32>
      %slice3A_755 = vector.extract_strided_slice %select_n3A_745 {offsets = [0, 4], sizes = [1, 4], strides = [1, 1]} : vector<1x8xf32> to vector<1x4xf32>
      %slice3A_756 = vector.extract_strided_slice %select_n3A_746 {offsets = [0, 4], sizes = [1, 4], strides = [1, 1]} : vector<1x8xi32> to vector<1x4xi32>
      %slice3A_757 = vector.extract_strided_slice %select_n3A_747 {offsets = [0, 4], sizes = [1, 4], strides = [1, 1]} : vector<1x8xf32> to vector<1x4xf32>
      %slice3A_758 = vector.extract_strided_slice %select_n3A_748 {offsets = [0, 4], sizes = [1, 4], strides = [1, 1]} : vector<1x8xf32> to vector<1x4xf32>
      %slice3A_759 = vector.extract_strided_slice %select_n3A_749 {offsets = [0, 4], sizes = [1, 4], strides = [1, 1]} : vector<1x8xf32> to vector<1x4xf32>
      %gt3A_760 = arith.cmpf ogt, %slice3A_750, %slice3A_755 : vector<1x4xf32>
      %eq3A_761 = arith.cmpf oeq, %slice3A_750, %slice3A_755 : vector<1x4xf32>
      %lt3A_762 = arith.cmpi slt, %slice3A_751, %slice3A_756 : vector<1x4xi32>
      %and3A_763 = arith.andi %eq3A_761, %lt3A_762 : vector<1x4xi1>
      %or3A_764 = arith.ori %gt3A_760, %and3A_763 : vector<1x4xi1>
      %select_n3A_765 = arith.select %or3A_764, %slice3A_750, %slice3A_755 : vector<1x4xi1>, vector<1x4xf32>
      %select_n3A_766 = arith.select %or3A_764, %slice3A_751, %slice3A_756 : vector<1x4xi1>, vector<1x4xi32>
      %select_n3A_767 = arith.select %or3A_764, %slice3A_752, %slice3A_757 : vector<1x4xi1>, vector<1x4xf32>
      %select_n3A_768 = arith.select %or3A_764, %slice3A_753, %slice3A_758 : vector<1x4xi1>, vector<1x4xf32>
      %select_n3A_769 = arith.select %or3A_764, %slice3A_754, %slice3A_759 : vector<1x4xi1>, vector<1x4xf32>
      %slice3A_770 = vector.extract_strided_slice %select_n3A_765 {offsets = [0, 0], sizes = [1, 2], strides = [1, 1]} : vector<1x4xf32> to vector<1x2xf32>
      %slice3A_771 = vector.extract_strided_slice %select_n3A_766 {offsets = [0, 0], sizes = [1, 2], strides = [1, 1]} : vector<1x4xi32> to vector<1x2xi32>
      %slice3A_772 = vector.extract_strided_slice %select_n3A_767 {offsets = [0, 0], sizes = [1, 2], strides = [1, 1]} : vector<1x4xf32> to vector<1x2xf32>
      %slice3A_773 = vector.extract_strided_slice %select_n3A_768 {offsets = [0, 0], sizes = [1, 2], strides = [1, 1]} : vector<1x4xf32> to vector<1x2xf32>
      %slice3A_774 = vector.extract_strided_slice %select_n3A_769 {offsets = [0, 0], sizes = [1, 2], strides = [1, 1]} : vector<1x4xf32> to vector<1x2xf32>
      %slice3A_775 = vector.extract_strided_slice %select_n3A_765 {offsets = [0, 2], sizes = [1, 2], strides = [1, 1]} : vector<1x4xf32> to vector<1x2xf32>
      %slice3A_776 = vector.extract_strided_slice %select_n3A_766 {offsets = [0, 2], sizes = [1, 2], strides = [1, 1]} : vector<1x4xi32> to vector<1x2xi32>
      %slice3A_777 = vector.extract_strided_slice %select_n3A_767 {offsets = [0, 2], sizes = [1, 2], strides = [1, 1]} : vector<1x4xf32> to vector<1x2xf32>
      %slice3A_778 = vector.extract_strided_slice %select_n3A_768 {offsets = [0, 2], sizes = [1, 2], strides = [1, 1]} : vector<1x4xf32> to vector<1x2xf32>
      %slice3A_779 = vector.extract_strided_slice %select_n3A_769 {offsets = [0, 2], sizes = [1, 2], strides = [1, 1]} : vector<1x4xf32> to vector<1x2xf32>
      %gt3A_780 = arith.cmpf ogt, %slice3A_770, %slice3A_775 : vector<1x2xf32>
      %eq3A_781 = arith.cmpf oeq, %slice3A_770, %slice3A_775 : vector<1x2xf32>
      %lt3A_782 = arith.cmpi slt, %slice3A_771, %slice3A_776 : vector<1x2xi32>
      %and3A_783 = arith.andi %eq3A_781, %lt3A_782 : vector<1x2xi1>
      %or3A_784 = arith.ori %gt3A_780, %and3A_783 : vector<1x2xi1>
      %select_n3A_785 = arith.select %or3A_784, %slice3A_770, %slice3A_775 : vector<1x2xi1>, vector<1x2xf32>
      %select_n3A_786 = arith.select %or3A_784, %slice3A_771, %slice3A_776 : vector<1x2xi1>, vector<1x2xi32>
      %select_n3A_787 = arith.select %or3A_784, %slice3A_772, %slice3A_777 : vector<1x2xi1>, vector<1x2xf32>
      %select_n3A_788 = arith.select %or3A_784, %slice3A_773, %slice3A_778 : vector<1x2xi1>, vector<1x2xf32>
      %select_n3A_789 = arith.select %or3A_784, %slice3A_774, %slice3A_779 : vector<1x2xi1>, vector<1x2xf32>
      %slice3A_790 = vector.extract_strided_slice %select_n3A_785 {offsets = [0, 0], sizes = [1, 1], strides = [1, 1]} : vector<1x2xf32> to vector<1x1xf32>
      %slice3A_791 = vector.extract_strided_slice %select_n3A_786 {offsets = [0, 0], sizes = [1, 1], strides = [1, 1]} : vector<1x2xi32> to vector<1x1xi32>
      %slice3A_792 = vector.extract_strided_slice %select_n3A_787 {offsets = [0, 0], sizes = [1, 1], strides = [1, 1]} : vector<1x2xf32> to vector<1x1xf32>
      %slice3A_793 = vector.extract_strided_slice %select_n3A_788 {offsets = [0, 0], sizes = [1, 1], strides = [1, 1]} : vector<1x2xf32> to vector<1x1xf32>
      %slice3A_794 = vector.extract_strided_slice %select_n3A_789 {offsets = [0, 0], sizes = [1, 1], strides = [1, 1]} : vector<1x2xf32> to vector<1x1xf32>
      %slice3A_795 = vector.extract_strided_slice %select_n3A_785 {offsets = [0, 1], sizes = [1, 1], strides = [1, 1]} : vector<1x2xf32> to vector<1x1xf32>
      %slice3A_796 = vector.extract_strided_slice %select_n3A_786 {offsets = [0, 1], sizes = [1, 1], strides = [1, 1]} : vector<1x2xi32> to vector<1x1xi32>
      %slice3A_797 = vector.extract_strided_slice %select_n3A_787 {offsets = [0, 1], sizes = [1, 1], strides = [1, 1]} : vector<1x2xf32> to vector<1x1xf32>
      %slice3A_798 = vector.extract_strided_slice %select_n3A_788 {offsets = [0, 1], sizes = [1, 1], strides = [1, 1]} : vector<1x2xf32> to vector<1x1xf32>
      %slice3A_799 = vector.extract_strided_slice %select_n3A_789 {offsets = [0, 1], sizes = [1, 1], strides = [1, 1]} : vector<1x2xf32> to vector<1x1xf32>
      %gt3A_800 = arith.cmpf ogt, %slice3A_790, %slice3A_795 : vector<1x1xf32>
      %eq3A_801 = arith.cmpf oeq, %slice3A_790, %slice3A_795 : vector<1x1xf32>
      %lt3A_802 = arith.cmpi slt, %slice3A_791, %slice3A_796 : vector<1x1xi32>
      %and3A_803 = arith.andi %eq3A_801, %lt3A_802 : vector<1x1xi1>
      %or3A_804 = arith.ori %gt3A_800, %and3A_803 : vector<1x1xi1>
      %select_n3A_805 = arith.select %or3A_804, %slice3A_791, %slice3A_796 : vector<1x1xi1>, vector<1x1xi32>
      %select_n3A_806 = arith.select %or3A_804, %slice3A_792, %slice3A_797 : vector<1x1xi1>, vector<1x1xf32>
      %select_n3A_807 = arith.select %or3A_804, %slice3A_793, %slice3A_798 : vector<1x1xi1>, vector<1x1xf32>
      %select_n3A_808 = arith.select %or3A_804, %slice3A_794, %slice3A_799 : vector<1x1xi1>, vector<1x1xf32>
      %add3A_809 = arith.constant 16384 : i32
      %add3A_810 = vector.broadcast %add3A_809 : i32 to vector<1x1xi32>
      %add3A_811 = arith.addi %scan3A_101, %add3A_810 : vector<1x1xi32>
      %get3A_812 = arith.constant 2 : index
      %get3A_813 = arith.constant 0 : index
      %get3A_814 = arith.constant 0 : index
      %get3A_815 = vector.load %arg1[%get3A_812, %get3A_813, %get3A_814] : memref<4x16x128xi32, #tpu.memory_space<vmem>>, vector<1x16x128xi32>
      %get3A_816 = vector.shape_cast %get3A_815 : vector<1x16x128xi32> to vector<16x128xi32>
      %broadcast_in_dim3A_817 = vector.shape_cast %add3A_811 : vector<1x1xi32> to vector<1x1xi32>
      %broadcast_in_dim3A_818 = vector.broadcast %broadcast_in_dim3A_817 : vector<1x1xi32> to vector<16x128xi32>
      %select_n3A_819 = arith.select %eq3A_109, %broadcast_in_dim3A_818, %get3A_816 : vector<16x128xi1>, vector<16x128xi32>
      %swap3A_820 = arith.constant 2 : index
      %swap3A_821 = arith.constant 0 : index
      %swap3A_822 = arith.constant 0 : index
      %swap3A_823 = vector.load %arg1[%swap3A_820, %swap3A_821, %swap3A_822] : memref<4x16x128xi32, #tpu.memory_space<vmem>>, vector<1x16x128xi32>
      %swap3A_824 = vector.shape_cast %swap3A_823 : vector<1x16x128xi32> to vector<16x128xi32>
      %swap3A_825 = vector.shape_cast %select_n3A_819 : vector<16x128xi32> to vector<1x16x128xi32>
      tpu.vector_store %arg1[%swap3A_820, %swap3A_821, %swap3A_822], %swap3A_825 {strides = array<i32>} : memref<4x16x128xi32, #tpu.memory_space<vmem>>, vector<1x16x128xi32>,
      %get3A_826 = arith.constant 2 : index
      %get3A_827 = arith.constant 0 : index
      %get3A_828 = arith.constant 0 : index
      %get3A_829 = arith.constant 0 : index
      %get3A_830 = vector.load %arg2[%get3A_826, %get3A_827, %get3A_828, %get3A_829] : memref<4x3x16x128xf32, #tpu.memory_space<vmem>>, vector<1x1x16x128xf32>
      %get3A_831 = vector.shape_cast %get3A_830 : vector<1x1x16x128xf32> to vector<16x128xf32>
      %broadcast_in_dim3A_832 = vector.shape_cast %scan3A_102 : vector<1x1xf32> to vector<1x1xf32>
      %broadcast_in_dim3A_833 = vector.broadcast %broadcast_in_dim3A_832 : vector<1x1xf32> to vector<16x128xf32>
      %select_n3A_834 = arith.select %eq3A_109, %broadcast_in_dim3A_833, %get3A_831 : vector<16x128xi1>, vector<16x128xf32>
      %swap3A_835 = arith.constant 2 : index
      %swap3A_836 = arith.constant 0 : index
      %swap3A_837 = arith.constant 0 : index
      %swap3A_838 = arith.constant 0 : index
      %swap3A_839 = vector.load %arg2[%swap3A_835, %swap3A_836, %swap3A_837, %swap3A_838] : memref<4x3x16x128xf32, #tpu.memory_space<vmem>>, vector<1x1x16x128xf32>
      %swap3A_840 = vector.shape_cast %swap3A_839 : vector<1x1x16x128xf32> to vector<16x128xf32>
      %swap3A_841 = vector.shape_cast %select_n3A_834 : vector<16x128xf32> to vector<1x1x16x128xf32>
      tpu.vector_store %arg2[%swap3A_835, %swap3A_836, %swap3A_837, %swap3A_838], %swap3A_841 {strides = array<i32>} : memref<4x3x16x128xf32, #tpu.memory_space<vmem>>, vector<1x1x16x128xf32>,
      %get3A_842 = arith.constant 2 : index
      %get3A_843 = arith.constant 1 : index
      %get3A_844 = arith.constant 0 : index
      %get3A_845 = arith.constant 0 : index
      %get3A_846 = vector.load %arg2[%get3A_842, %get3A_843, %get3A_844, %get3A_845] : memref<4x3x16x128xf32, #tpu.memory_space<vmem>>, vector<1x1x16x128xf32>
      %get3A_847 = vector.shape_cast %get3A_846 : vector<1x1x16x128xf32> to vector<16x128xf32>
      %broadcast_in_dim3A_848 = vector.shape_cast %scan3A_103 : vector<1x1xf32> to vector<1x1xf32>
      %broadcast_in_dim3A_849 = vector.broadcast %broadcast_in_dim3A_848 : vector<1x1xf32> to vector<16x128xf32>
      %select_n3A_850 = arith.select %eq3A_109, %broadcast_in_dim3A_849, %get3A_847 : vector<16x128xi1>, vector<16x128xf32>
      %swap3A_851 = arith.constant 2 : index
      %swap3A_852 = arith.constant 1 : index
      %swap3A_853 = arith.constant 0 : index
      %swap3A_854 = arith.constant 0 : index
      %swap3A_855 = vector.load %arg2[%swap3A_851, %swap3A_852, %swap3A_853, %swap3A_854] : memref<4x3x16x128xf32, #tpu.memory_space<vmem>>, vector<1x1x16x128xf32>
      %swap3A_856 = vector.shape_cast %swap3A_855 : vector<1x1x16x128xf32> to vector<16x128xf32>
      %swap3A_857 = vector.shape_cast %select_n3A_850 : vector<16x128xf32> to vector<1x1x16x128xf32>
      tpu.vector_store %arg2[%swap3A_851, %swap3A_852, %swap3A_853, %swap3A_854], %swap3A_857 {strides = array<i32>} : memref<4x3x16x128xf32, #tpu.memory_space<vmem>>, vector<1x1x16x128xf32>,
      %get3A_858 = arith.constant 2 : index
      %get3A_859 = arith.constant 2 : index
      %get3A_860 = arith.constant 0 : index
      %get3A_861 = arith.constant 0 : index
      %get3A_862 = vector.load %arg2[%get3A_858, %get3A_859, %get3A_860, %get3A_861] : memref<4x3x16x128xf32, #tpu.memory_space<vmem>>, vector<1x1x16x128xf32>
      %get3A_863 = vector.shape_cast %get3A_862 : vector<1x1x16x128xf32> to vector<16x128xf32>
      %broadcast_in_dim3A_864 = vector.shape_cast %scan3A_104 : vector<1x1xf32> to vector<1x1xf32>
      %broadcast_in_dim3A_865 = vector.broadcast %broadcast_in_dim3A_864 : vector<1x1xf32> to vector<16x128xf32>
      %select_n3A_866 = arith.select %eq3A_109, %broadcast_in_dim3A_865, %get3A_863 : vector<16x128xi1>, vector<16x128xf32>
      %swap3A_867 = arith.constant 2 : index
      %swap3A_868 = arith.constant 2 : index
      %swap3A_869 = arith.constant 0 : index
      %swap3A_870 = arith.constant 0 : index
      %swap3A_871 = vector.load %arg2[%swap3A_867, %swap3A_868, %swap3A_869, %swap3A_870] : memref<4x3x16x128xf32, #tpu.memory_space<vmem>>, vector<1x1x16x128xf32>
      %swap3A_872 = vector.shape_cast %swap3A_871 : vector<1x1x16x128xf32> to vector<16x128xf32>
      %swap3A_873 = vector.shape_cast %select_n3A_866 : vector<16x128xf32> to vector<1x1x16x128xf32>
      tpu.vector_store %arg2[%swap3A_867, %swap3A_868, %swap3A_869, %swap3A_870], %swap3A_873 {strides = array<i32>} : memref<4x3x16x128xf32, #tpu.memory_space<vmem>>, vector<1x1x16x128xf32>,
      %get3A_874 = arith.constant 2 : index
      %get3A_875 = arith.constant 0 : index
      %get3A_876 = arith.constant 0 : index
      %get3A_877 = arith.constant 0 : index
      %get3A_878 = vector.load %arg0[%get3A_874, %get3A_875, %get3A_876, %get3A_877] : memref<4x3x64x128xf32, #tpu.memory_space<vmem>>, vector<1x1x64x128xf32>
      %get3A_879 = vector.shape_cast %get3A_878 : vector<1x1x64x128xf32> to vector<64x128xf32>
      %get3A_880 = arith.constant 2 : index
      %get3A_881 = arith.constant 1 : index
      %get3A_882 = arith.constant 0 : index
      %get3A_883 = arith.constant 0 : index
      %get3A_884 = vector.load %arg0[%get3A_880, %get3A_881, %get3A_882, %get3A_883] : memref<4x3x64x128xf32, #tpu.memory_space<vmem>>, vector<1x1x64x128xf32>
      %get3A_885 = vector.shape_cast %get3A_884 : vector<1x1x64x128xf32> to vector<64x128xf32>
      %get3A_886 = arith.constant 2 : index
      %get3A_887 = arith.constant 2 : index
      %get3A_888 = arith.constant 0 : index
      %get3A_889 = arith.constant 0 : index
      %get3A_890 = vector.load %arg0[%get3A_886, %get3A_887, %get3A_888, %get3A_889] : memref<4x3x64x128xf32, #tpu.memory_space<vmem>>, vector<1x1x64x128xf32>
      %get3A_891 = vector.shape_cast %get3A_890 : vector<1x1x64x128xf32> to vector<64x128xf32>
      %sub3A_892 = vector.broadcast %scan3A_102 : vector<1x1xf32> to vector<64x128xf32>
      %sub3A_893 = arith.subf %get3A_879, %sub3A_892 : vector<64x128xf32>
      %sub3A_894 = vector.broadcast %scan3A_103 : vector<1x1xf32> to vector<64x128xf32>
      %sub3A_895 = arith.subf %get3A_885, %sub3A_894 : vector<64x128xf32>
      %sub3A_896 = vector.broadcast %scan3A_104 : vector<1x1xf32> to vector<64x128xf32>
      %sub3A_897 = arith.subf %get3A_891, %sub3A_896 : vector<64x128xf32>
      %mul3A_898 = arith.mulf %sub3A_893, %sub3A_893 : vector<64x128xf32>
      %mul3A_899 = arith.mulf %sub3A_895, %sub3A_895 : vector<64x128xf32>
      %add3A_900 = arith.addf %mul3A_898, %mul3A_899 : vector<64x128xf32>
      %mul3A_901 = arith.mulf %sub3A_897, %sub3A_897 : vector<64x128xf32>
      %add3A_902 = arith.addf %add3A_900, %mul3A_901 : vector<64x128xf32>
      %min3A_903 = arith.minimumf %scan3A_91, %add3A_902 : vector<64x128xf32>
      %slice3A_904 = vector.extract_strided_slice %min3A_903 {offsets = [0, 0], sizes = [32, 128], strides = [1, 1]} : vector<64x128xf32> to vector<32x128xf32>
      %slice3A_905 = vector.extract_strided_slice %add3A {offsets = [0, 0], sizes = [32, 128], strides = [1, 1]} : vector<64x128xi32> to vector<32x128xi32>
      %slice3A_906 = vector.extract_strided_slice %get3A_879 {offsets = [0, 0], sizes = [32, 128], strides = [1, 1]} : vector<64x128xf32> to vector<32x128xf32>
      %slice3A_907 = vector.extract_strided_slice %get3A_885 {offsets = [0, 0], sizes = [32, 128], strides = [1, 1]} : vector<64x128xf32> to vector<32x128xf32>
      %slice3A_908 = vector.extract_strided_slice %get3A_891 {offsets = [0, 0], sizes = [32, 128], strides = [1, 1]} : vector<64x128xf32> to vector<32x128xf32>
      %slice3A_909 = vector.extract_strided_slice %min3A_903 {offsets = [32, 0], sizes = [32, 128], strides = [1, 1]} : vector<64x128xf32> to vector<32x128xf32>
      %slice3A_910 = vector.extract_strided_slice %add3A {offsets = [32, 0], sizes = [32, 128], strides = [1, 1]} : vector<64x128xi32> to vector<32x128xi32>
      %slice3A_911 = vector.extract_strided_slice %get3A_879 {offsets = [32, 0], sizes = [32, 128], strides = [1, 1]} : vector<64x128xf32> to vector<32x128xf32>
      %slice3A_912 = vector.extract_strided_slice %get3A_885 {offsets = [32, 0], sizes = [32, 128], strides = [1, 1]} : vector<64x128xf32> to vector<32x128xf32>
      %slice3A_913 = vector.extract_strided_slice %get3A_891 {offsets = [32, 0], sizes = [32, 128], strides = [1, 1]} : vector<64x128xf32> to vector<32x128xf32>
      %gt3A_914 = arith.cmpf ogt, %slice3A_904, %slice3A_909 : vector<32x128xf32>
      %eq3A_915 = arith.cmpf oeq, %slice3A_904, %slice3A_909 : vector<32x128xf32>
      %lt3A_916 = arith.cmpi slt, %slice3A_905, %slice3A_910 : vector<32x128xi32>
      %and3A_917 = arith.andi %eq3A_915, %lt3A_916 : vector<32x128xi1>
      %or3A_918 = arith.ori %gt3A_914, %and3A_917 : vector<32x128xi1>
      %select_n3A_919 = arith.select %or3A_918, %slice3A_904, %slice3A_909 : vector<32x128xi1>, vector<32x128xf32>
      %select_n3A_920 = arith.select %or3A_918, %slice3A_905, %slice3A_910 : vector<32x128xi1>, vector<32x128xi32>
      %select_n3A_921 = arith.select %or3A_918, %slice3A_906, %slice3A_911 : vector<32x128xi1>, vector<32x128xf32>
      %select_n3A_922 = arith.select %or3A_918, %slice3A_907, %slice3A_912 : vector<32x128xi1>, vector<32x128xf32>
      %select_n3A_923 = arith.select %or3A_918, %slice3A_908, %slice3A_913 : vector<32x128xi1>, vector<32x128xf32>
      %slice3A_924 = vector.extract_strided_slice %select_n3A_919 {offsets = [0, 0], sizes = [16, 128], strides = [1, 1]} : vector<32x128xf32> to vector<16x128xf32>
      %slice3A_925 = vector.extract_strided_slice %select_n3A_920 {offsets = [0, 0], sizes = [16, 128], strides = [1, 1]} : vector<32x128xi32> to vector<16x128xi32>
      %slice3A_926 = vector.extract_strided_slice %select_n3A_921 {offsets = [0, 0], sizes = [16, 128], strides = [1, 1]} : vector<32x128xf32> to vector<16x128xf32>
      %slice3A_927 = vector.extract_strided_slice %select_n3A_922 {offsets = [0, 0], sizes = [16, 128], strides = [1, 1]} : vector<32x128xf32> to vector<16x128xf32>
      %slice3A_928 = vector.extract_strided_slice %select_n3A_923 {offsets = [0, 0], sizes = [16, 128], strides = [1, 1]} : vector<32x128xf32> to vector<16x128xf32>
      %slice3A_929 = vector.extract_strided_slice %select_n3A_919 {offsets = [16, 0], sizes = [16, 128], strides = [1, 1]} : vector<32x128xf32> to vector<16x128xf32>
      %slice3A_930 = vector.extract_strided_slice %select_n3A_920 {offsets = [16, 0], sizes = [16, 128], strides = [1, 1]} : vector<32x128xi32> to vector<16x128xi32>
      %slice3A_931 = vector.extract_strided_slice %select_n3A_921 {offsets = [16, 0], sizes = [16, 128], strides = [1, 1]} : vector<32x128xf32> to vector<16x128xf32>
      %slice3A_932 = vector.extract_strided_slice %select_n3A_922 {offsets = [16, 0], sizes = [16, 128], strides = [1, 1]} : vector<32x128xf32> to vector<16x128xf32>
      %slice3A_933 = vector.extract_strided_slice %select_n3A_923 {offsets = [16, 0], sizes = [16, 128], strides = [1, 1]} : vector<32x128xf32> to vector<16x128xf32>
      %gt3A_934 = arith.cmpf ogt, %slice3A_924, %slice3A_929 : vector<16x128xf32>
      %eq3A_935 = arith.cmpf oeq, %slice3A_924, %slice3A_929 : vector<16x128xf32>
      %lt3A_936 = arith.cmpi slt, %slice3A_925, %slice3A_930 : vector<16x128xi32>
      %and3A_937 = arith.andi %eq3A_935, %lt3A_936 : vector<16x128xi1>
      %or3A_938 = arith.ori %gt3A_934, %and3A_937 : vector<16x128xi1>
      %select_n3A_939 = arith.select %or3A_938, %slice3A_924, %slice3A_929 : vector<16x128xi1>, vector<16x128xf32>
      %select_n3A_940 = arith.select %or3A_938, %slice3A_925, %slice3A_930 : vector<16x128xi1>, vector<16x128xi32>
      %select_n3A_941 = arith.select %or3A_938, %slice3A_926, %slice3A_931 : vector<16x128xi1>, vector<16x128xf32>
      %select_n3A_942 = arith.select %or3A_938, %slice3A_927, %slice3A_932 : vector<16x128xi1>, vector<16x128xf32>
      %select_n3A_943 = arith.select %or3A_938, %slice3A_928, %slice3A_933 : vector<16x128xi1>, vector<16x128xf32>
      %slice3A_944 = vector.extract_strided_slice %select_n3A_939 {offsets = [0, 0], sizes = [8, 128], strides = [1, 1]} : vector<16x128xf32> to vector<8x128xf32>
      %slice3A_945 = vector.extract_strided_slice %select_n3A_940 {offsets = [0, 0], sizes = [8, 128], strides = [1, 1]} : vector<16x128xi32> to vector<8x128xi32>
      %slice3A_946 = vector.extract_strided_slice %select_n3A_941 {offsets = [0, 0], sizes = [8, 128], strides = [1, 1]} : vector<16x128xf32> to vector<8x128xf32>
      %slice3A_947 = vector.extract_strided_slice %select_n3A_942 {offsets = [0, 0], sizes = [8, 128], strides = [1, 1]} : vector<16x128xf32> to vector<8x128xf32>
      %slice3A_948 = vector.extract_strided_slice %select_n3A_943 {offsets = [0, 0], sizes = [8, 128], strides = [1, 1]} : vector<16x128xf32> to vector<8x128xf32>
      %slice3A_949 = vector.extract_strided_slice %select_n3A_939 {offsets = [8, 0], sizes = [8, 128], strides = [1, 1]} : vector<16x128xf32> to vector<8x128xf32>
      %slice3A_950 = vector.extract_strided_slice %select_n3A_940 {offsets = [8, 0], sizes = [8, 128], strides = [1, 1]} : vector<16x128xi32> to vector<8x128xi32>
      %slice3A_951 = vector.extract_strided_slice %select_n3A_941 {offsets = [8, 0], sizes = [8, 128], strides = [1, 1]} : vector<16x128xf32> to vector<8x128xf32>
      %slice3A_952 = vector.extract_strided_slice %select_n3A_942 {offsets = [8, 0], sizes = [8, 128], strides = [1, 1]} : vector<16x128xf32> to vector<8x128xf32>
      %slice3A_953 = vector.extract_strided_slice %select_n3A_943 {offsets = [8, 0], sizes = [8, 128], strides = [1, 1]} : vector<16x128xf32> to vector<8x128xf32>
      %gt3A_954 = arith.cmpf ogt, %slice3A_944, %slice3A_949 : vector<8x128xf32>
      %eq3A_955 = arith.cmpf oeq, %slice3A_944, %slice3A_949 : vector<8x128xf32>
      %lt3A_956 = arith.cmpi slt, %slice3A_945, %slice3A_950 : vector<8x128xi32>
      %and3A_957 = arith.andi %eq3A_955, %lt3A_956 : vector<8x128xi1>
      %or3A_958 = arith.ori %gt3A_954, %and3A_957 : vector<8x128xi1>
      %select_n3A_959 = arith.select %or3A_958, %slice3A_944, %slice3A_949 : vector<8x128xi1>, vector<8x128xf32>
      %select_n3A_960 = arith.select %or3A_958, %slice3A_945, %slice3A_950 : vector<8x128xi1>, vector<8x128xi32>
      %select_n3A_961 = arith.select %or3A_958, %slice3A_946, %slice3A_951 : vector<8x128xi1>, vector<8x128xf32>
      %select_n3A_962 = arith.select %or3A_958, %slice3A_947, %slice3A_952 : vector<8x128xi1>, vector<8x128xf32>
      %select_n3A_963 = arith.select %or3A_958, %slice3A_948, %slice3A_953 : vector<8x128xi1>, vector<8x128xf32>
      %slice3A_964 = vector.extract_strided_slice %select_n3A_959 {offsets = [0, 0], sizes = [4, 128], strides = [1, 1]} : vector<8x128xf32> to vector<4x128xf32>
      %slice3A_965 = vector.extract_strided_slice %select_n3A_960 {offsets = [0, 0], sizes = [4, 128], strides = [1, 1]} : vector<8x128xi32> to vector<4x128xi32>
      %slice3A_966 = vector.extract_strided_slice %select_n3A_961 {offsets = [0, 0], sizes = [4, 128], strides = [1, 1]} : vector<8x128xf32> to vector<4x128xf32>
      %slice3A_967 = vector.extract_strided_slice %select_n3A_962 {offsets = [0, 0], sizes = [4, 128], strides = [1, 1]} : vector<8x128xf32> to vector<4x128xf32>
      %slice3A_968 = vector.extract_strided_slice %select_n3A_963 {offsets = [0, 0], sizes = [4, 128], strides = [1, 1]} : vector<8x128xf32> to vector<4x128xf32>
      %slice3A_969 = vector.extract_strided_slice %select_n3A_959 {offsets = [4, 0], sizes = [4, 128], strides = [1, 1]} : vector<8x128xf32> to vector<4x128xf32>
      %slice3A_970 = vector.extract_strided_slice %select_n3A_960 {offsets = [4, 0], sizes = [4, 128], strides = [1, 1]} : vector<8x128xi32> to vector<4x128xi32>
      %slice3A_971 = vector.extract_strided_slice %select_n3A_961 {offsets = [4, 0], sizes = [4, 128], strides = [1, 1]} : vector<8x128xf32> to vector<4x128xf32>
      %slice3A_972 = vector.extract_strided_slice %select_n3A_962 {offsets = [4, 0], sizes = [4, 128], strides = [1, 1]} : vector<8x128xf32> to vector<4x128xf32>
      %slice3A_973 = vector.extract_strided_slice %select_n3A_963 {offsets = [4, 0], sizes = [4, 128], strides = [1, 1]} : vector<8x128xf32> to vector<4x128xf32>
      %gt3A_974 = arith.cmpf ogt, %slice3A_964, %slice3A_969 : vector<4x128xf32>
      %eq3A_975 = arith.cmpf oeq, %slice3A_964, %slice3A_969 : vector<4x128xf32>
      %lt3A_976 = arith.cmpi slt, %slice3A_965, %slice3A_970 : vector<4x128xi32>
      %and3A_977 = arith.andi %eq3A_975, %lt3A_976 : vector<4x128xi1>
      %or3A_978 = arith.ori %gt3A_974, %and3A_977 : vector<4x128xi1>
      %select_n3A_979 = arith.select %or3A_978, %slice3A_964, %slice3A_969 : vector<4x128xi1>, vector<4x128xf32>
      %select_n3A_980 = arith.select %or3A_978, %slice3A_965, %slice3A_970 : vector<4x128xi1>, vector<4x128xi32>
      %select_n3A_981 = arith.select %or3A_978, %slice3A_966, %slice3A_971 : vector<4x128xi1>, vector<4x128xf32>
      %select_n3A_982 = arith.select %or3A_978, %slice3A_967, %slice3A_972 : vector<4x128xi1>, vector<4x128xf32>
      %select_n3A_983 = arith.select %or3A_978, %slice3A_968, %slice3A_973 : vector<4x128xi1>, vector<4x128xf32>
      %slice3A_984 = vector.extract_strided_slice %select_n3A_979 {offsets = [0, 0], sizes = [2, 128], strides = [1, 1]} : vector<4x128xf32> to vector<2x128xf32>
      %slice3A_985 = vector.extract_strided_slice %select_n3A_980 {offsets = [0, 0], sizes = [2, 128], strides = [1, 1]} : vector<4x128xi32> to vector<2x128xi32>
      %slice3A_986 = vector.extract_strided_slice %select_n3A_981 {offsets = [0, 0], sizes = [2, 128], strides = [1, 1]} : vector<4x128xf32> to vector<2x128xf32>
      %slice3A_987 = vector.extract_strided_slice %select_n3A_982 {offsets = [0, 0], sizes = [2, 128], strides = [1, 1]} : vector<4x128xf32> to vector<2x128xf32>
      %slice3A_988 = vector.extract_strided_slice %select_n3A_983 {offsets = [0, 0], sizes = [2, 128], strides = [1, 1]} : vector<4x128xf32> to vector<2x128xf32>
      %slice3A_989 = vector.extract_strided_slice %select_n3A_979 {offsets = [2, 0], sizes = [2, 128], strides = [1, 1]} : vector<4x128xf32> to vector<2x128xf32>
      %slice3A_990 = vector.extract_strided_slice %select_n3A_980 {offsets = [2, 0], sizes = [2, 128], strides = [1, 1]} : vector<4x128xi32> to vector<2x128xi32>
      %slice3A_991 = vector.extract_strided_slice %select_n3A_981 {offsets = [2, 0], sizes = [2, 128], strides = [1, 1]} : vector<4x128xf32> to vector<2x128xf32>
      %slice3A_992 = vector.extract_strided_slice %select_n3A_982 {offsets = [2, 0], sizes = [2, 128], strides = [1, 1]} : vector<4x128xf32> to vector<2x128xf32>
      %slice3A_993 = vector.extract_strided_slice %select_n3A_983 {offsets = [2, 0], sizes = [2, 128], strides = [1, 1]} : vector<4x128xf32> to vector<2x128xf32>
      %gt3A_994 = arith.cmpf ogt, %slice3A_984, %slice3A_989 : vector<2x128xf32>
      %eq3A_995 = arith.cmpf oeq, %slice3A_984, %slice3A_989 : vector<2x128xf32>
      %lt3A_996 = arith.cmpi slt, %slice3A_985, %slice3A_990 : vector<2x128xi32>
      %and3A_997 = arith.andi %eq3A_995, %lt3A_996 : vector<2x128xi1>
      %or3A_998 = arith.ori %gt3A_994, %and3A_997 : vector<2x128xi1>
      %select_n3A_999 = arith.select %or3A_998, %slice3A_984, %slice3A_989 : vector<2x128xi1>, vector<2x128xf32>
      %select_n3A_1000 = arith.select %or3A_998, %slice3A_985, %slice3A_990 : vector<2x128xi1>, vector<2x128xi32>
      %select_n3A_1001 = arith.select %or3A_998, %slice3A_986, %slice3A_991 : vector<2x128xi1>, vector<2x128xf32>
      %select_n3A_1002 = arith.select %or3A_998, %slice3A_987, %slice3A_992 : vector<2x128xi1>, vector<2x128xf32>
      %select_n3A_1003 = arith.select %or3A_998, %slice3A_988, %slice3A_993 : vector<2x128xi1>, vector<2x128xf32>
      %slice3A_1004 = vector.extract_strided_slice %select_n3A_999 {offsets = [0, 0], sizes = [1, 128], strides = [1, 1]} : vector<2x128xf32> to vector<1x128xf32>
      %slice3A_1005 = vector.extract_strided_slice %select_n3A_1000 {offsets = [0, 0], sizes = [1, 128], strides = [1, 1]} : vector<2x128xi32> to vector<1x128xi32>
      %slice3A_1006 = vector.extract_strided_slice %select_n3A_1001 {offsets = [0, 0], sizes = [1, 128], strides = [1, 1]} : vector<2x128xf32> to vector<1x128xf32>
      %slice3A_1007 = vector.extract_strided_slice %select_n3A_1002 {offsets = [0, 0], sizes = [1, 128], strides = [1, 1]} : vector<2x128xf32> to vector<1x128xf32>
      %slice3A_1008 = vector.extract_strided_slice %select_n3A_1003 {offsets = [0, 0], sizes = [1, 128], strides = [1, 1]} : vector<2x128xf32> to vector<1x128xf32>
      %slice3A_1009 = vector.extract_strided_slice %select_n3A_999 {offsets = [1, 0], sizes = [1, 128], strides = [1, 1]} : vector<2x128xf32> to vector<1x128xf32>
      %slice3A_1010 = vector.extract_strided_slice %select_n3A_1000 {offsets = [1, 0], sizes = [1, 128], strides = [1, 1]} : vector<2x128xi32> to vector<1x128xi32>
      %slice3A_1011 = vector.extract_strided_slice %select_n3A_1001 {offsets = [1, 0], sizes = [1, 128], strides = [1, 1]} : vector<2x128xf32> to vector<1x128xf32>
      %slice3A_1012 = vector.extract_strided_slice %select_n3A_1002 {offsets = [1, 0], sizes = [1, 128], strides = [1, 1]} : vector<2x128xf32> to vector<1x128xf32>
      %slice3A_1013 = vector.extract_strided_slice %select_n3A_1003 {offsets = [1, 0], sizes = [1, 128], strides = [1, 1]} : vector<2x128xf32> to vector<1x128xf32>
      %gt3A_1014 = arith.cmpf ogt, %slice3A_1004, %slice3A_1009 : vector<1x128xf32>
      %eq3A_1015 = arith.cmpf oeq, %slice3A_1004, %slice3A_1009 : vector<1x128xf32>
      %lt3A_1016 = arith.cmpi slt, %slice3A_1005, %slice3A_1010 : vector<1x128xi32>
      %and3A_1017 = arith.andi %eq3A_1015, %lt3A_1016 : vector<1x128xi1>
      %or3A_1018 = arith.ori %gt3A_1014, %and3A_1017 : vector<1x128xi1>
      %select_n3A_1019 = arith.select %or3A_1018, %slice3A_1004, %slice3A_1009 : vector<1x128xi1>, vector<1x128xf32>
      %select_n3A_1020 = arith.select %or3A_1018, %slice3A_1005, %slice3A_1010 : vector<1x128xi1>, vector<1x128xi32>
      %select_n3A_1021 = arith.select %or3A_1018, %slice3A_1006, %slice3A_1011 : vector<1x128xi1>, vector<1x128xf32>
      %select_n3A_1022 = arith.select %or3A_1018, %slice3A_1007, %slice3A_1012 : vector<1x128xi1>, vector<1x128xf32>
      %select_n3A_1023 = arith.select %or3A_1018, %slice3A_1008, %slice3A_1013 : vector<1x128xi1>, vector<1x128xf32>
      %slice3A_1024 = vector.extract_strided_slice %select_n3A_1019 {offsets = [0, 0], sizes = [1, 64], strides = [1, 1]} : vector<1x128xf32> to vector<1x64xf32>
      %slice3A_1025 = vector.extract_strided_slice %select_n3A_1020 {offsets = [0, 0], sizes = [1, 64], strides = [1, 1]} : vector<1x128xi32> to vector<1x64xi32>
      %slice3A_1026 = vector.extract_strided_slice %select_n3A_1021 {offsets = [0, 0], sizes = [1, 64], strides = [1, 1]} : vector<1x128xf32> to vector<1x64xf32>
      %slice3A_1027 = vector.extract_strided_slice %select_n3A_1022 {offsets = [0, 0], sizes = [1, 64], strides = [1, 1]} : vector<1x128xf32> to vector<1x64xf32>
      %slice3A_1028 = vector.extract_strided_slice %select_n3A_1023 {offsets = [0, 0], sizes = [1, 64], strides = [1, 1]} : vector<1x128xf32> to vector<1x64xf32>
      %slice3A_1029 = vector.extract_strided_slice %select_n3A_1019 {offsets = [0, 64], sizes = [1, 64], strides = [1, 1]} : vector<1x128xf32> to vector<1x64xf32>
      %slice3A_1030 = vector.extract_strided_slice %select_n3A_1020 {offsets = [0, 64], sizes = [1, 64], strides = [1, 1]} : vector<1x128xi32> to vector<1x64xi32>
      %slice3A_1031 = vector.extract_strided_slice %select_n3A_1021 {offsets = [0, 64], sizes = [1, 64], strides = [1, 1]} : vector<1x128xf32> to vector<1x64xf32>
      %slice3A_1032 = vector.extract_strided_slice %select_n3A_1022 {offsets = [0, 64], sizes = [1, 64], strides = [1, 1]} : vector<1x128xf32> to vector<1x64xf32>
      %slice3A_1033 = vector.extract_strided_slice %select_n3A_1023 {offsets = [0, 64], sizes = [1, 64], strides = [1, 1]} : vector<1x128xf32> to vector<1x64xf32>
      %gt3A_1034 = arith.cmpf ogt, %slice3A_1024, %slice3A_1029 : vector<1x64xf32>
      %eq3A_1035 = arith.cmpf oeq, %slice3A_1024, %slice3A_1029 : vector<1x64xf32>
      %lt3A_1036 = arith.cmpi slt, %slice3A_1025, %slice3A_1030 : vector<1x64xi32>
      %and3A_1037 = arith.andi %eq3A_1035, %lt3A_1036 : vector<1x64xi1>
      %or3A_1038 = arith.ori %gt3A_1034, %and3A_1037 : vector<1x64xi1>
      %select_n3A_1039 = arith.select %or3A_1038, %slice3A_1024, %slice3A_1029 : vector<1x64xi1>, vector<1x64xf32>
      %select_n3A_1040 = arith.select %or3A_1038, %slice3A_1025, %slice3A_1030 : vector<1x64xi1>, vector<1x64xi32>
      %select_n3A_1041 = arith.select %or3A_1038, %slice3A_1026, %slice3A_1031 : vector<1x64xi1>, vector<1x64xf32>
      %select_n3A_1042 = arith.select %or3A_1038, %slice3A_1027, %slice3A_1032 : vector<1x64xi1>, vector<1x64xf32>
      %select_n3A_1043 = arith.select %or3A_1038, %slice3A_1028, %slice3A_1033 : vector<1x64xi1>, vector<1x64xf32>
      %slice3A_1044 = vector.extract_strided_slice %select_n3A_1039 {offsets = [0, 0], sizes = [1, 32], strides = [1, 1]} : vector<1x64xf32> to vector<1x32xf32>
      %slice3A_1045 = vector.extract_strided_slice %select_n3A_1040 {offsets = [0, 0], sizes = [1, 32], strides = [1, 1]} : vector<1x64xi32> to vector<1x32xi32>
      %slice3A_1046 = vector.extract_strided_slice %select_n3A_1041 {offsets = [0, 0], sizes = [1, 32], strides = [1, 1]} : vector<1x64xf32> to vector<1x32xf32>
      %slice3A_1047 = vector.extract_strided_slice %select_n3A_1042 {offsets = [0, 0], sizes = [1, 32], strides = [1, 1]} : vector<1x64xf32> to vector<1x32xf32>
      %slice3A_1048 = vector.extract_strided_slice %select_n3A_1043 {offsets = [0, 0], sizes = [1, 32], strides = [1, 1]} : vector<1x64xf32> to vector<1x32xf32>
      %slice3A_1049 = vector.extract_strided_slice %select_n3A_1039 {offsets = [0, 32], sizes = [1, 32], strides = [1, 1]} : vector<1x64xf32> to vector<1x32xf32>
      %slice3A_1050 = vector.extract_strided_slice %select_n3A_1040 {offsets = [0, 32], sizes = [1, 32], strides = [1, 1]} : vector<1x64xi32> to vector<1x32xi32>
      %slice3A_1051 = vector.extract_strided_slice %select_n3A_1041 {offsets = [0, 32], sizes = [1, 32], strides = [1, 1]} : vector<1x64xf32> to vector<1x32xf32>
      %slice3A_1052 = vector.extract_strided_slice %select_n3A_1042 {offsets = [0, 32], sizes = [1, 32], strides = [1, 1]} : vector<1x64xf32> to vector<1x32xf32>
      %slice3A_1053 = vector.extract_strided_slice %select_n3A_1043 {offsets = [0, 32], sizes = [1, 32], strides = [1, 1]} : vector<1x64xf32> to vector<1x32xf32>
      %gt3A_1054 = arith.cmpf ogt, %slice3A_1044, %slice3A_1049 : vector<1x32xf32>
      %eq3A_1055 = arith.cmpf oeq, %slice3A_1044, %slice3A_1049 : vector<1x32xf32>
      %lt3A_1056 = arith.cmpi slt, %slice3A_1045, %slice3A_1050 : vector<1x32xi32>
      %and3A_1057 = arith.andi %eq3A_1055, %lt3A_1056 : vector<1x32xi1>
      %or3A_1058 = arith.ori %gt3A_1054, %and3A_1057 : vector<1x32xi1>
      %select_n3A_1059 = arith.select %or3A_1058, %slice3A_1044, %slice3A_1049 : vector<1x32xi1>, vector<1x32xf32>
      %select_n3A_1060 = arith.select %or3A_1058, %slice3A_1045, %slice3A_1050 : vector<1x32xi1>, vector<1x32xi32>
      %select_n3A_1061 = arith.select %or3A_1058, %slice3A_1046, %slice3A_1051 : vector<1x32xi1>, vector<1x32xf32>
      %select_n3A_1062 = arith.select %or3A_1058, %slice3A_1047, %slice3A_1052 : vector<1x32xi1>, vector<1x32xf32>
      %select_n3A_1063 = arith.select %or3A_1058, %slice3A_1048, %slice3A_1053 : vector<1x32xi1>, vector<1x32xf32>
      %slice3A_1064 = vector.extract_strided_slice %select_n3A_1059 {offsets = [0, 0], sizes = [1, 16], strides = [1, 1]} : vector<1x32xf32> to vector<1x16xf32>
      %slice3A_1065 = vector.extract_strided_slice %select_n3A_1060 {offsets = [0, 0], sizes = [1, 16], strides = [1, 1]} : vector<1x32xi32> to vector<1x16xi32>
      %slice3A_1066 = vector.extract_strided_slice %select_n3A_1061 {offsets = [0, 0], sizes = [1, 16], strides = [1, 1]} : vector<1x32xf32> to vector<1x16xf32>
      %slice3A_1067 = vector.extract_strided_slice %select_n3A_1062 {offsets = [0, 0], sizes = [1, 16], strides = [1, 1]} : vector<1x32xf32> to vector<1x16xf32>
      %slice3A_1068 = vector.extract_strided_slice %select_n3A_1063 {offsets = [0, 0], sizes = [1, 16], strides = [1, 1]} : vector<1x32xf32> to vector<1x16xf32>
      %slice3A_1069 = vector.extract_strided_slice %select_n3A_1059 {offsets = [0, 16], sizes = [1, 16], strides = [1, 1]} : vector<1x32xf32> to vector<1x16xf32>
      %slice3A_1070 = vector.extract_strided_slice %select_n3A_1060 {offsets = [0, 16], sizes = [1, 16], strides = [1, 1]} : vector<1x32xi32> to vector<1x16xi32>
      %slice3A_1071 = vector.extract_strided_slice %select_n3A_1061 {offsets = [0, 16], sizes = [1, 16], strides = [1, 1]} : vector<1x32xf32> to vector<1x16xf32>
      %slice3A_1072 = vector.extract_strided_slice %select_n3A_1062 {offsets = [0, 16], sizes = [1, 16], strides = [1, 1]} : vector<1x32xf32> to vector<1x16xf32>
      %slice3A_1073 = vector.extract_strided_slice %select_n3A_1063 {offsets = [0, 16], sizes = [1, 16], strides = [1, 1]} : vector<1x32xf32> to vector<1x16xf32>
      %gt3A_1074 = arith.cmpf ogt, %slice3A_1064, %slice3A_1069 : vector<1x16xf32>
      %eq3A_1075 = arith.cmpf oeq, %slice3A_1064, %slice3A_1069 : vector<1x16xf32>
      %lt3A_1076 = arith.cmpi slt, %slice3A_1065, %slice3A_1070 : vector<1x16xi32>
      %and3A_1077 = arith.andi %eq3A_1075, %lt3A_1076 : vector<1x16xi1>
      %or3A_1078 = arith.ori %gt3A_1074, %and3A_1077 : vector<1x16xi1>
      %select_n3A_1079 = arith.select %or3A_1078, %slice3A_1064, %slice3A_1069 : vector<1x16xi1>, vector<1x16xf32>
      %select_n3A_1080 = arith.select %or3A_1078, %slice3A_1065, %slice3A_1070 : vector<1x16xi1>, vector<1x16xi32>
      %select_n3A_1081 = arith.select %or3A_1078, %slice3A_1066, %slice3A_1071 : vector<1x16xi1>, vector<1x16xf32>
      %select_n3A_1082 = arith.select %or3A_1078, %slice3A_1067, %slice3A_1072 : vector<1x16xi1>, vector<1x16xf32>
      %select_n3A_1083 = arith.select %or3A_1078, %slice3A_1068, %slice3A_1073 : vector<1x16xi1>, vector<1x16xf32>
      %slice3A_1084 = vector.extract_strided_slice %select_n3A_1079 {offsets = [0, 0], sizes = [1, 8], strides = [1, 1]} : vector<1x16xf32> to vector<1x8xf32>
      %slice3A_1085 = vector.extract_strided_slice %select_n3A_1080 {offsets = [0, 0], sizes = [1, 8], strides = [1, 1]} : vector<1x16xi32> to vector<1x8xi32>
      %slice3A_1086 = vector.extract_strided_slice %select_n3A_1081 {offsets = [0, 0], sizes = [1, 8], strides = [1, 1]} : vector<1x16xf32> to vector<1x8xf32>
      %slice3A_1087 = vector.extract_strided_slice %select_n3A_1082 {offsets = [0, 0], sizes = [1, 8], strides = [1, 1]} : vector<1x16xf32> to vector<1x8xf32>
      %slice3A_1088 = vector.extract_strided_slice %select_n3A_1083 {offsets = [0, 0], sizes = [1, 8], strides = [1, 1]} : vector<1x16xf32> to vector<1x8xf32>
      %slice3A_1089 = vector.extract_strided_slice %select_n3A_1079 {offsets = [0, 8], sizes = [1, 8], strides = [1, 1]} : vector<1x16xf32> to vector<1x8xf32>
      %slice3A_1090 = vector.extract_strided_slice %select_n3A_1080 {offsets = [0, 8], sizes = [1, 8], strides = [1, 1]} : vector<1x16xi32> to vector<1x8xi32>
      %slice3A_1091 = vector.extract_strided_slice %select_n3A_1081 {offsets = [0, 8], sizes = [1, 8], strides = [1, 1]} : vector<1x16xf32> to vector<1x8xf32>
      %slice3A_1092 = vector.extract_strided_slice %select_n3A_1082 {offsets = [0, 8], sizes = [1, 8], strides = [1, 1]} : vector<1x16xf32> to vector<1x8xf32>
      %slice3A_1093 = vector.extract_strided_slice %select_n3A_1083 {offsets = [0, 8], sizes = [1, 8], strides = [1, 1]} : vector<1x16xf32> to vector<1x8xf32>
      %gt3A_1094 = arith.cmpf ogt, %slice3A_1084, %slice3A_1089 : vector<1x8xf32>
      %eq3A_1095 = arith.cmpf oeq, %slice3A_1084, %slice3A_1089 : vector<1x8xf32>
      %lt3A_1096 = arith.cmpi slt, %slice3A_1085, %slice3A_1090 : vector<1x8xi32>
      %and3A_1097 = arith.andi %eq3A_1095, %lt3A_1096 : vector<1x8xi1>
      %or3A_1098 = arith.ori %gt3A_1094, %and3A_1097 : vector<1x8xi1>
      %select_n3A_1099 = arith.select %or3A_1098, %slice3A_1084, %slice3A_1089 : vector<1x8xi1>, vector<1x8xf32>
      %select_n3A_1100 = arith.select %or3A_1098, %slice3A_1085, %slice3A_1090 : vector<1x8xi1>, vector<1x8xi32>
      %select_n3A_1101 = arith.select %or3A_1098, %slice3A_1086, %slice3A_1091 : vector<1x8xi1>, vector<1x8xf32>
      %select_n3A_1102 = arith.select %or3A_1098, %slice3A_1087, %slice3A_1092 : vector<1x8xi1>, vector<1x8xf32>
      %select_n3A_1103 = arith.select %or3A_1098, %slice3A_1088, %slice3A_1093 : vector<1x8xi1>, vector<1x8xf32>
      %slice3A_1104 = vector.extract_strided_slice %select_n3A_1099 {offsets = [0, 0], sizes = [1, 4], strides = [1, 1]} : vector<1x8xf32> to vector<1x4xf32>
      %slice3A_1105 = vector.extract_strided_slice %select_n3A_1100 {offsets = [0, 0], sizes = [1, 4], strides = [1, 1]} : vector<1x8xi32> to vector<1x4xi32>
      %slice3A_1106 = vector.extract_strided_slice %select_n3A_1101 {offsets = [0, 0], sizes = [1, 4], strides = [1, 1]} : vector<1x8xf32> to vector<1x4xf32>
      %slice3A_1107 = vector.extract_strided_slice %select_n3A_1102 {offsets = [0, 0], sizes = [1, 4], strides = [1, 1]} : vector<1x8xf32> to vector<1x4xf32>
      %slice3A_1108 = vector.extract_strided_slice %select_n3A_1103 {offsets = [0, 0], sizes = [1, 4], strides = [1, 1]} : vector<1x8xf32> to vector<1x4xf32>
      %slice3A_1109 = vector.extract_strided_slice %select_n3A_1099 {offsets = [0, 4], sizes = [1, 4], strides = [1, 1]} : vector<1x8xf32> to vector<1x4xf32>
      %slice3A_1110 = vector.extract_strided_slice %select_n3A_1100 {offsets = [0, 4], sizes = [1, 4], strides = [1, 1]} : vector<1x8xi32> to vector<1x4xi32>
      %slice3A_1111 = vector.extract_strided_slice %select_n3A_1101 {offsets = [0, 4], sizes = [1, 4], strides = [1, 1]} : vector<1x8xf32> to vector<1x4xf32>
      %slice3A_1112 = vector.extract_strided_slice %select_n3A_1102 {offsets = [0, 4], sizes = [1, 4], strides = [1, 1]} : vector<1x8xf32> to vector<1x4xf32>
      %slice3A_1113 = vector.extract_strided_slice %select_n3A_1103 {offsets = [0, 4], sizes = [1, 4], strides = [1, 1]} : vector<1x8xf32> to vector<1x4xf32>
      %gt3A_1114 = arith.cmpf ogt, %slice3A_1104, %slice3A_1109 : vector<1x4xf32>
      %eq3A_1115 = arith.cmpf oeq, %slice3A_1104, %slice3A_1109 : vector<1x4xf32>
      %lt3A_1116 = arith.cmpi slt, %slice3A_1105, %slice3A_1110 : vector<1x4xi32>
      %and3A_1117 = arith.andi %eq3A_1115, %lt3A_1116 : vector<1x4xi1>
      %or3A_1118 = arith.ori %gt3A_1114, %and3A_1117 : vector<1x4xi1>
      %select_n3A_1119 = arith.select %or3A_1118, %slice3A_1104, %slice3A_1109 : vector<1x4xi1>, vector<1x4xf32>
      %select_n3A_1120 = arith.select %or3A_1118, %slice3A_1105, %slice3A_1110 : vector<1x4xi1>, vector<1x4xi32>
      %select_n3A_1121 = arith.select %or3A_1118, %slice3A_1106, %slice3A_1111 : vector<1x4xi1>, vector<1x4xf32>
      %select_n3A_1122 = arith.select %or3A_1118, %slice3A_1107, %slice3A_1112 : vector<1x4xi1>, vector<1x4xf32>
      %select_n3A_1123 = arith.select %or3A_1118, %slice3A_1108, %slice3A_1113 : vector<1x4xi1>, vector<1x4xf32>
      %slice3A_1124 = vector.extract_strided_slice %select_n3A_1119 {offsets = [0, 0], sizes = [1, 2], strides = [1, 1]} : vector<1x4xf32> to vector<1x2xf32>
      %slice3A_1125 = vector.extract_strided_slice %select_n3A_1120 {offsets = [0, 0], sizes = [1, 2], strides = [1, 1]} : vector<1x4xi32> to vector<1x2xi32>
      %slice3A_1126 = vector.extract_strided_slice %select_n3A_1121 {offsets = [0, 0], sizes = [1, 2], strides = [1, 1]} : vector<1x4xf32> to vector<1x2xf32>
      %slice3A_1127 = vector.extract_strided_slice %select_n3A_1122 {offsets = [0, 0], sizes = [1, 2], strides = [1, 1]} : vector<1x4xf32> to vector<1x2xf32>
      %slice3A_1128 = vector.extract_strided_slice %select_n3A_1123 {offsets = [0, 0], sizes = [1, 2], strides = [1, 1]} : vector<1x4xf32> to vector<1x2xf32>
      %slice3A_1129 = vector.extract_strided_slice %select_n3A_1119 {offsets = [0, 2], sizes = [1, 2], strides = [1, 1]} : vector<1x4xf32> to vector<1x2xf32>
      %slice3A_1130 = vector.extract_strided_slice %select_n3A_1120 {offsets = [0, 2], sizes = [1, 2], strides = [1, 1]} : vector<1x4xi32> to vector<1x2xi32>
      %slice3A_1131 = vector.extract_strided_slice %select_n3A_1121 {offsets = [0, 2], sizes = [1, 2], strides = [1, 1]} : vector<1x4xf32> to vector<1x2xf32>
      %slice3A_1132 = vector.extract_strided_slice %select_n3A_1122 {offsets = [0, 2], sizes = [1, 2], strides = [1, 1]} : vector<1x4xf32> to vector<1x2xf32>
      %slice3A_1133 = vector.extract_strided_slice %select_n3A_1123 {offsets = [0, 2], sizes = [1, 2], strides = [1, 1]} : vector<1x4xf32> to vector<1x2xf32>
      %gt3A_1134 = arith.cmpf ogt, %slice3A_1124, %slice3A_1129 : vector<1x2xf32>
      %eq3A_1135 = arith.cmpf oeq, %slice3A_1124, %slice3A_1129 : vector<1x2xf32>
      %lt3A_1136 = arith.cmpi slt, %slice3A_1125, %slice3A_1130 : vector<1x2xi32>
      %and3A_1137 = arith.andi %eq3A_1135, %lt3A_1136 : vector<1x2xi1>
      %or3A_1138 = arith.ori %gt3A_1134, %and3A_1137 : vector<1x2xi1>
      %select_n3A_1139 = arith.select %or3A_1138, %slice3A_1124, %slice3A_1129 : vector<1x2xi1>, vector<1x2xf32>
      %select_n3A_1140 = arith.select %or3A_1138, %slice3A_1125, %slice3A_1130 : vector<1x2xi1>, vector<1x2xi32>
      %select_n3A_1141 = arith.select %or3A_1138, %slice3A_1126, %slice3A_1131 : vector<1x2xi1>, vector<1x2xf32>
      %select_n3A_1142 = arith.select %or3A_1138, %slice3A_1127, %slice3A_1132 : vector<1x2xi1>, vector<1x2xf32>
      %select_n3A_1143 = arith.select %or3A_1138, %slice3A_1128, %slice3A_1133 : vector<1x2xi1>, vector<1x2xf32>
      %slice3A_1144 = vector.extract_strided_slice %select_n3A_1139 {offsets = [0, 0], sizes = [1, 1], strides = [1, 1]} : vector<1x2xf32> to vector<1x1xf32>
      %slice3A_1145 = vector.extract_strided_slice %select_n3A_1140 {offsets = [0, 0], sizes = [1, 1], strides = [1, 1]} : vector<1x2xi32> to vector<1x1xi32>
      %slice3A_1146 = vector.extract_strided_slice %select_n3A_1141 {offsets = [0, 0], sizes = [1, 1], strides = [1, 1]} : vector<1x2xf32> to vector<1x1xf32>
      %slice3A_1147 = vector.extract_strided_slice %select_n3A_1142 {offsets = [0, 0], sizes = [1, 1], strides = [1, 1]} : vector<1x2xf32> to vector<1x1xf32>
      %slice3A_1148 = vector.extract_strided_slice %select_n3A_1143 {offsets = [0, 0], sizes = [1, 1], strides = [1, 1]} : vector<1x2xf32> to vector<1x1xf32>
      %slice3A_1149 = vector.extract_strided_slice %select_n3A_1139 {offsets = [0, 1], sizes = [1, 1], strides = [1, 1]} : vector<1x2xf32> to vector<1x1xf32>
      %slice3A_1150 = vector.extract_strided_slice %select_n3A_1140 {offsets = [0, 1], sizes = [1, 1], strides = [1, 1]} : vector<1x2xi32> to vector<1x1xi32>
      %slice3A_1151 = vector.extract_strided_slice %select_n3A_1141 {offsets = [0, 1], sizes = [1, 1], strides = [1, 1]} : vector<1x2xf32> to vector<1x1xf32>
      %slice3A_1152 = vector.extract_strided_slice %select_n3A_1142 {offsets = [0, 1], sizes = [1, 1], strides = [1, 1]} : vector<1x2xf32> to vector<1x1xf32>
      %slice3A_1153 = vector.extract_strided_slice %select_n3A_1143 {offsets = [0, 1], sizes = [1, 1], strides = [1, 1]} : vector<1x2xf32> to vector<1x1xf32>
      %gt3A_1154 = arith.cmpf ogt, %slice3A_1144, %slice3A_1149 : vector<1x1xf32>
      %eq3A_1155 = arith.cmpf oeq, %slice3A_1144, %slice3A_1149 : vector<1x1xf32>
      %lt3A_1156 = arith.cmpi slt, %slice3A_1145, %slice3A_1150 : vector<1x1xi32>
      %and3A_1157 = arith.andi %eq3A_1155, %lt3A_1156 : vector<1x1xi1>
      %or3A_1158 = arith.ori %gt3A_1154, %and3A_1157 : vector<1x1xi1>
      %select_n3A_1159 = arith.select %or3A_1158, %slice3A_1145, %slice3A_1150 : vector<1x1xi1>, vector<1x1xi32>
      %select_n3A_1160 = arith.select %or3A_1158, %slice3A_1146, %slice3A_1151 : vector<1x1xi1>, vector<1x1xf32>
      %select_n3A_1161 = arith.select %or3A_1158, %slice3A_1147, %slice3A_1152 : vector<1x1xi1>, vector<1x1xf32>
      %select_n3A_1162 = arith.select %or3A_1158, %slice3A_1148, %slice3A_1153 : vector<1x1xi1>, vector<1x1xf32>
      %add3A_1163 = arith.constant 24576 : i32
      %add3A_1164 = vector.broadcast %add3A_1163 : i32 to vector<1x1xi32>
      %add3A_1165 = arith.addi %scan3A_105, %add3A_1164 : vector<1x1xi32>
      %get3A_1166 = arith.constant 3 : index
      %get3A_1167 = arith.constant 0 : index
      %get3A_1168 = arith.constant 0 : index
      %get3A_1169 = vector.load %arg1[%get3A_1166, %get3A_1167, %get3A_1168] : memref<4x16x128xi32, #tpu.memory_space<vmem>>, vector<1x16x128xi32>
      %get3A_1170 = vector.shape_cast %get3A_1169 : vector<1x16x128xi32> to vector<16x128xi32>
      %broadcast_in_dim3A_1171 = vector.shape_cast %add3A_1165 : vector<1x1xi32> to vector<1x1xi32>
      %broadcast_in_dim3A_1172 = vector.broadcast %broadcast_in_dim3A_1171 : vector<1x1xi32> to vector<16x128xi32>
      %select_n3A_1173 = arith.select %eq3A_109, %broadcast_in_dim3A_1172, %get3A_1170 : vector<16x128xi1>, vector<16x128xi32>
      %swap3A_1174 = arith.constant 3 : index
      %swap3A_1175 = arith.constant 0 : index
      %swap3A_1176 = arith.constant 0 : index
      %swap3A_1177 = vector.load %arg1[%swap3A_1174, %swap3A_1175, %swap3A_1176] : memref<4x16x128xi32, #tpu.memory_space<vmem>>, vector<1x16x128xi32>
      %swap3A_1178 = vector.shape_cast %swap3A_1177 : vector<1x16x128xi32> to vector<16x128xi32>
      %swap3A_1179 = vector.shape_cast %select_n3A_1173 : vector<16x128xi32> to vector<1x16x128xi32>
      tpu.vector_store %arg1[%swap3A_1174, %swap3A_1175, %swap3A_1176], %swap3A_1179 {strides = array<i32>} : memref<4x16x128xi32, #tpu.memory_space<vmem>>, vector<1x16x128xi32>,
      %get3A_1180 = arith.constant 3 : index
      %get3A_1181 = arith.constant 0 : index
      %get3A_1182 = arith.constant 0 : index
      %get3A_1183 = arith.constant 0 : index
      %get3A_1184 = vector.load %arg2[%get3A_1180, %get3A_1181, %get3A_1182, %get3A_1183] : memref<4x3x16x128xf32, #tpu.memory_space<vmem>>, vector<1x1x16x128xf32>
      %get3A_1185 = vector.shape_cast %get3A_1184 : vector<1x1x16x128xf32> to vector<16x128xf32>
      %broadcast_in_dim3A_1186 = vector.shape_cast %scan3A_106 : vector<1x1xf32> to vector<1x1xf32>
      %broadcast_in_dim3A_1187 = vector.broadcast %broadcast_in_dim3A_1186 : vector<1x1xf32> to vector<16x128xf32>
      %select_n3A_1188 = arith.select %eq3A_109, %broadcast_in_dim3A_1187, %get3A_1185 : vector<16x128xi1>, vector<16x128xf32>
      %swap3A_1189 = arith.constant 3 : index
      %swap3A_1190 = arith.constant 0 : index
      %swap3A_1191 = arith.constant 0 : index
      %swap3A_1192 = arith.constant 0 : index
      %swap3A_1193 = vector.load %arg2[%swap3A_1189, %swap3A_1190, %swap3A_1191, %swap3A_1192] : memref<4x3x16x128xf32, #tpu.memory_space<vmem>>, vector<1x1x16x128xf32>
      %swap3A_1194 = vector.shape_cast %swap3A_1193 : vector<1x1x16x128xf32> to vector<16x128xf32>
      %swap3A_1195 = vector.shape_cast %select_n3A_1188 : vector<16x128xf32> to vector<1x1x16x128xf32>
      tpu.vector_store %arg2[%swap3A_1189, %swap3A_1190, %swap3A_1191, %swap3A_1192], %swap3A_1195 {strides = array<i32>} : memref<4x3x16x128xf32, #tpu.memory_space<vmem>>, vector<1x1x16x128xf32>,
      %get3A_1196 = arith.constant 3 : index
      %get3A_1197 = arith.constant 1 : index
      %get3A_1198 = arith.constant 0 : index
      %get3A_1199 = arith.constant 0 : index
      %get3A_1200 = vector.load %arg2[%get3A_1196, %get3A_1197, %get3A_1198, %get3A_1199] : memref<4x3x16x128xf32, #tpu.memory_space<vmem>>, vector<1x1x16x128xf32>
      %get3A_1201 = vector.shape_cast %get3A_1200 : vector<1x1x16x128xf32> to vector<16x128xf32>
      %broadcast_in_dim3A_1202 = vector.shape_cast %scan3A_107 : vector<1x1xf32> to vector<1x1xf32>
      %broadcast_in_dim3A_1203 = vector.broadcast %broadcast_in_dim3A_1202 : vector<1x1xf32> to vector<16x128xf32>
      %select_n3A_1204 = arith.select %eq3A_109, %broadcast_in_dim3A_1203, %get3A_1201 : vector<16x128xi1>, vector<16x128xf32>
      %swap3A_1205 = arith.constant 3 : index
      %swap3A_1206 = arith.constant 1 : index
      %swap3A_1207 = arith.constant 0 : index
      %swap3A_1208 = arith.constant 0 : index
      %swap3A_1209 = vector.load %arg2[%swap3A_1205, %swap3A_1206, %swap3A_1207, %swap3A_1208] : memref<4x3x16x128xf32, #tpu.memory_space<vmem>>, vector<1x1x16x128xf32>
      %swap3A_1210 = vector.shape_cast %swap3A_1209 : vector<1x1x16x128xf32> to vector<16x128xf32>
      %swap3A_1211 = vector.shape_cast %select_n3A_1204 : vector<16x128xf32> to vector<1x1x16x128xf32>
      tpu.vector_store %arg2[%swap3A_1205, %swap3A_1206, %swap3A_1207, %swap3A_1208], %swap3A_1211 {strides = array<i32>} : memref<4x3x16x128xf32, #tpu.memory_space<vmem>>, vector<1x1x16x128xf32>,
      %get3A_1212 = arith.constant 3 : index
      %get3A_1213 = arith.constant 2 : index
      %get3A_1214 = arith.constant 0 : index
      %get3A_1215 = arith.constant 0 : index
      %get3A_1216 = vector.load %arg2[%get3A_1212, %get3A_1213, %get3A_1214, %get3A_1215] : memref<4x3x16x128xf32, #tpu.memory_space<vmem>>, vector<1x1x16x128xf32>
      %get3A_1217 = vector.shape_cast %get3A_1216 : vector<1x1x16x128xf32> to vector<16x128xf32>
      %broadcast_in_dim3A_1218 = vector.shape_cast %scan3A_108 : vector<1x1xf32> to vector<1x1xf32>
      %broadcast_in_dim3A_1219 = vector.broadcast %broadcast_in_dim3A_1218 : vector<1x1xf32> to vector<16x128xf32>
      %select_n3A_1220 = arith.select %eq3A_109, %broadcast_in_dim3A_1219, %get3A_1217 : vector<16x128xi1>, vector<16x128xf32>
      %swap3A_1221 = arith.constant 3 : index
      %swap3A_1222 = arith.constant 2 : index
      %swap3A_1223 = arith.constant 0 : index
      %swap3A_1224 = arith.constant 0 : index
      %swap3A_1225 = vector.load %arg2[%swap3A_1221, %swap3A_1222, %swap3A_1223, %swap3A_1224] : memref<4x3x16x128xf32, #tpu.memory_space<vmem>>, vector<1x1x16x128xf32>
      %swap3A_1226 = vector.shape_cast %swap3A_1225 : vector<1x1x16x128xf32> to vector<16x128xf32>
      %swap3A_1227 = vector.shape_cast %select_n3A_1220 : vector<16x128xf32> to vector<1x1x16x128xf32>
      tpu.vector_store %arg2[%swap3A_1221, %swap3A_1222, %swap3A_1223, %swap3A_1224], %swap3A_1227 {strides = array<i32>} : memref<4x3x16x128xf32, #tpu.memory_space<vmem>>, vector<1x1x16x128xf32>,
      %get3A_1228 = arith.constant 3 : index
      %get3A_1229 = arith.constant 0 : index
      %get3A_1230 = arith.constant 0 : index
      %get3A_1231 = arith.constant 0 : index
      %get3A_1232 = vector.load %arg0[%get3A_1228, %get3A_1229, %get3A_1230, %get3A_1231] : memref<4x3x64x128xf32, #tpu.memory_space<vmem>>, vector<1x1x64x128xf32>
      %get3A_1233 = vector.shape_cast %get3A_1232 : vector<1x1x64x128xf32> to vector<64x128xf32>
      %get3A_1234 = arith.constant 3 : index
      %get3A_1235 = arith.constant 1 : index
      %get3A_1236 = arith.constant 0 : index
      %get3A_1237 = arith.constant 0 : index
      %get3A_1238 = vector.load %arg0[%get3A_1234, %get3A_1235, %get3A_1236, %get3A_1237] : memref<4x3x64x128xf32, #tpu.memory_space<vmem>>, vector<1x1x64x128xf32>
      %get3A_1239 = vector.shape_cast %get3A_1238 : vector<1x1x64x128xf32> to vector<64x128xf32>
      %get3A_1240 = arith.constant 3 : index
      %get3A_1241 = arith.constant 2 : index
      %get3A_1242 = arith.constant 0 : index
      %get3A_1243 = arith.constant 0 : index
      %get3A_1244 = vector.load %arg0[%get3A_1240, %get3A_1241, %get3A_1242, %get3A_1243] : memref<4x3x64x128xf32, #tpu.memory_space<vmem>>, vector<1x1x64x128xf32>
      %get3A_1245 = vector.shape_cast %get3A_1244 : vector<1x1x64x128xf32> to vector<64x128xf32>
      %sub3A_1246 = vector.broadcast %scan3A_106 : vector<1x1xf32> to vector<64x128xf32>
      %sub3A_1247 = arith.subf %get3A_1233, %sub3A_1246 : vector<64x128xf32>
      %sub3A_1248 = vector.broadcast %scan3A_107 : vector<1x1xf32> to vector<64x128xf32>
      %sub3A_1249 = arith.subf %get3A_1239, %sub3A_1248 : vector<64x128xf32>
      %sub3A_1250 = vector.broadcast %scan3A_108 : vector<1x1xf32> to vector<64x128xf32>
      %sub3A_1251 = arith.subf %get3A_1245, %sub3A_1250 : vector<64x128xf32>
      %mul3A_1252 = arith.mulf %sub3A_1247, %sub3A_1247 : vector<64x128xf32>
      %mul3A_1253 = arith.mulf %sub3A_1249, %sub3A_1249 : vector<64x128xf32>
      %add3A_1254 = arith.addf %mul3A_1252, %mul3A_1253 : vector<64x128xf32>
      %mul3A_1255 = arith.mulf %sub3A_1251, %sub3A_1251 : vector<64x128xf32>
      %add3A_1256 = arith.addf %add3A_1254, %mul3A_1255 : vector<64x128xf32>
      %min3A_1257 = arith.minimumf %scan3A_92, %add3A_1256 : vector<64x128xf32>
      %slice3A_1258 = vector.extract_strided_slice %min3A_1257 {offsets = [0, 0], sizes = [32, 128], strides = [1, 1]} : vector<64x128xf32> to vector<32x128xf32>
      %slice3A_1259 = vector.extract_strided_slice %add3A {offsets = [0, 0], sizes = [32, 128], strides = [1, 1]} : vector<64x128xi32> to vector<32x128xi32>
      %slice3A_1260 = vector.extract_strided_slice %get3A_1233 {offsets = [0, 0], sizes = [32, 128], strides = [1, 1]} : vector<64x128xf32> to vector<32x128xf32>
      %slice3A_1261 = vector.extract_strided_slice %get3A_1239 {offsets = [0, 0], sizes = [32, 128], strides = [1, 1]} : vector<64x128xf32> to vector<32x128xf32>
      %slice3A_1262 = vector.extract_strided_slice %get3A_1245 {offsets = [0, 0], sizes = [32, 128], strides = [1, 1]} : vector<64x128xf32> to vector<32x128xf32>
      %slice3A_1263 = vector.extract_strided_slice %min3A_1257 {offsets = [32, 0], sizes = [32, 128], strides = [1, 1]} : vector<64x128xf32> to vector<32x128xf32>
      %slice3A_1264 = vector.extract_strided_slice %add3A {offsets = [32, 0], sizes = [32, 128], strides = [1, 1]} : vector<64x128xi32> to vector<32x128xi32>
      %slice3A_1265 = vector.extract_strided_slice %get3A_1233 {offsets = [32, 0], sizes = [32, 128], strides = [1, 1]} : vector<64x128xf32> to vector<32x128xf32>
      %slice3A_1266 = vector.extract_strided_slice %get3A_1239 {offsets = [32, 0], sizes = [32, 128], strides = [1, 1]} : vector<64x128xf32> to vector<32x128xf32>
      %slice3A_1267 = vector.extract_strided_slice %get3A_1245 {offsets = [32, 0], sizes = [32, 128], strides = [1, 1]} : vector<64x128xf32> to vector<32x128xf32>
      %gt3A_1268 = arith.cmpf ogt, %slice3A_1258, %slice3A_1263 : vector<32x128xf32>
      %eq3A_1269 = arith.cmpf oeq, %slice3A_1258, %slice3A_1263 : vector<32x128xf32>
      %lt3A_1270 = arith.cmpi slt, %slice3A_1259, %slice3A_1264 : vector<32x128xi32>
      %and3A_1271 = arith.andi %eq3A_1269, %lt3A_1270 : vector<32x128xi1>
      %or3A_1272 = arith.ori %gt3A_1268, %and3A_1271 : vector<32x128xi1>
      %select_n3A_1273 = arith.select %or3A_1272, %slice3A_1258, %slice3A_1263 : vector<32x128xi1>, vector<32x128xf32>
      %select_n3A_1274 = arith.select %or3A_1272, %slice3A_1259, %slice3A_1264 : vector<32x128xi1>, vector<32x128xi32>
      %select_n3A_1275 = arith.select %or3A_1272, %slice3A_1260, %slice3A_1265 : vector<32x128xi1>, vector<32x128xf32>
      %select_n3A_1276 = arith.select %or3A_1272, %slice3A_1261, %slice3A_1266 : vector<32x128xi1>, vector<32x128xf32>
      %select_n3A_1277 = arith.select %or3A_1272, %slice3A_1262, %slice3A_1267 : vector<32x128xi1>, vector<32x128xf32>
      %slice3A_1278 = vector.extract_strided_slice %select_n3A_1273 {offsets = [0, 0], sizes = [16, 128], strides = [1, 1]} : vector<32x128xf32> to vector<16x128xf32>
      %slice3A_1279 = vector.extract_strided_slice %select_n3A_1274 {offsets = [0, 0], sizes = [16, 128], strides = [1, 1]} : vector<32x128xi32> to vector<16x128xi32>
      %slice3A_1280 = vector.extract_strided_slice %select_n3A_1275 {offsets = [0, 0], sizes = [16, 128], strides = [1, 1]} : vector<32x128xf32> to vector<16x128xf32>
      %slice3A_1281 = vector.extract_strided_slice %select_n3A_1276 {offsets = [0, 0], sizes = [16, 128], strides = [1, 1]} : vector<32x128xf32> to vector<16x128xf32>
      %slice3A_1282 = vector.extract_strided_slice %select_n3A_1277 {offsets = [0, 0], sizes = [16, 128], strides = [1, 1]} : vector<32x128xf32> to vector<16x128xf32>
      %slice3A_1283 = vector.extract_strided_slice %select_n3A_1273 {offsets = [16, 0], sizes = [16, 128], strides = [1, 1]} : vector<32x128xf32> to vector<16x128xf32>
      %slice3A_1284 = vector.extract_strided_slice %select_n3A_1274 {offsets = [16, 0], sizes = [16, 128], strides = [1, 1]} : vector<32x128xi32> to vector<16x128xi32>
      %slice3A_1285 = vector.extract_strided_slice %select_n3A_1275 {offsets = [16, 0], sizes = [16, 128], strides = [1, 1]} : vector<32x128xf32> to vector<16x128xf32>
      %slice3A_1286 = vector.extract_strided_slice %select_n3A_1276 {offsets = [16, 0], sizes = [16, 128], strides = [1, 1]} : vector<32x128xf32> to vector<16x128xf32>
      %slice3A_1287 = vector.extract_strided_slice %select_n3A_1277 {offsets = [16, 0], sizes = [16, 128], strides = [1, 1]} : vector<32x128xf32> to vector<16x128xf32>
      %gt3A_1288 = arith.cmpf ogt, %slice3A_1278, %slice3A_1283 : vector<16x128xf32>
      %eq3A_1289 = arith.cmpf oeq, %slice3A_1278, %slice3A_1283 : vector<16x128xf32>
      %lt3A_1290 = arith.cmpi slt, %slice3A_1279, %slice3A_1284 : vector<16x128xi32>
      %and3A_1291 = arith.andi %eq3A_1289, %lt3A_1290 : vector<16x128xi1>
      %or3A_1292 = arith.ori %gt3A_1288, %and3A_1291 : vector<16x128xi1>
      %select_n3A_1293 = arith.select %or3A_1292, %slice3A_1278, %slice3A_1283 : vector<16x128xi1>, vector<16x128xf32>
      %select_n3A_1294 = arith.select %or3A_1292, %slice3A_1279, %slice3A_1284 : vector<16x128xi1>, vector<16x128xi32>
      %select_n3A_1295 = arith.select %or3A_1292, %slice3A_1280, %slice3A_1285 : vector<16x128xi1>, vector<16x128xf32>
      %select_n3A_1296 = arith.select %or3A_1292, %slice3A_1281, %slice3A_1286 : vector<16x128xi1>, vector<16x128xf32>
      %select_n3A_1297 = arith.select %or3A_1292, %slice3A_1282, %slice3A_1287 : vector<16x128xi1>, vector<16x128xf32>
      %slice3A_1298 = vector.extract_strided_slice %select_n3A_1293 {offsets = [0, 0], sizes = [8, 128], strides = [1, 1]} : vector<16x128xf32> to vector<8x128xf32>
      %slice3A_1299 = vector.extract_strided_slice %select_n3A_1294 {offsets = [0, 0], sizes = [8, 128], strides = [1, 1]} : vector<16x128xi32> to vector<8x128xi32>
      %slice3A_1300 = vector.extract_strided_slice %select_n3A_1295 {offsets = [0, 0], sizes = [8, 128], strides = [1, 1]} : vector<16x128xf32> to vector<8x128xf32>
      %slice3A_1301 = vector.extract_strided_slice %select_n3A_1296 {offsets = [0, 0], sizes = [8, 128], strides = [1, 1]} : vector<16x128xf32> to vector<8x128xf32>
      %slice3A_1302 = vector.extract_strided_slice %select_n3A_1297 {offsets = [0, 0], sizes = [8, 128], strides = [1, 1]} : vector<16x128xf32> to vector<8x128xf32>
      %slice3A_1303 = vector.extract_strided_slice %select_n3A_1293 {offsets = [8, 0], sizes = [8, 128], strides = [1, 1]} : vector<16x128xf32> to vector<8x128xf32>
      %slice3A_1304 = vector.extract_strided_slice %select_n3A_1294 {offsets = [8, 0], sizes = [8, 128], strides = [1, 1]} : vector<16x128xi32> to vector<8x128xi32>
      %slice3A_1305 = vector.extract_strided_slice %select_n3A_1295 {offsets = [8, 0], sizes = [8, 128], strides = [1, 1]} : vector<16x128xf32> to vector<8x128xf32>
      %slice3A_1306 = vector.extract_strided_slice %select_n3A_1296 {offsets = [8, 0], sizes = [8, 128], strides = [1, 1]} : vector<16x128xf32> to vector<8x128xf32>
      %slice3A_1307 = vector.extract_strided_slice %select_n3A_1297 {offsets = [8, 0], sizes = [8, 128], strides = [1, 1]} : vector<16x128xf32> to vector<8x128xf32>
      %gt3A_1308 = arith.cmpf ogt, %slice3A_1298, %slice3A_1303 : vector<8x128xf32>
      %eq3A_1309 = arith.cmpf oeq, %slice3A_1298, %slice3A_1303 : vector<8x128xf32>
      %lt3A_1310 = arith.cmpi slt, %slice3A_1299, %slice3A_1304 : vector<8x128xi32>
      %and3A_1311 = arith.andi %eq3A_1309, %lt3A_1310 : vector<8x128xi1>
      %or3A_1312 = arith.ori %gt3A_1308, %and3A_1311 : vector<8x128xi1>
      %select_n3A_1313 = arith.select %or3A_1312, %slice3A_1298, %slice3A_1303 : vector<8x128xi1>, vector<8x128xf32>
      %select_n3A_1314 = arith.select %or3A_1312, %slice3A_1299, %slice3A_1304 : vector<8x128xi1>, vector<8x128xi32>
      %select_n3A_1315 = arith.select %or3A_1312, %slice3A_1300, %slice3A_1305 : vector<8x128xi1>, vector<8x128xf32>
      %select_n3A_1316 = arith.select %or3A_1312, %slice3A_1301, %slice3A_1306 : vector<8x128xi1>, vector<8x128xf32>
      %select_n3A_1317 = arith.select %or3A_1312, %slice3A_1302, %slice3A_1307 : vector<8x128xi1>, vector<8x128xf32>
      %slice3A_1318 = vector.extract_strided_slice %select_n3A_1313 {offsets = [0, 0], sizes = [4, 128], strides = [1, 1]} : vector<8x128xf32> to vector<4x128xf32>
      %slice3A_1319 = vector.extract_strided_slice %select_n3A_1314 {offsets = [0, 0], sizes = [4, 128], strides = [1, 1]} : vector<8x128xi32> to vector<4x128xi32>
      %slice3A_1320 = vector.extract_strided_slice %select_n3A_1315 {offsets = [0, 0], sizes = [4, 128], strides = [1, 1]} : vector<8x128xf32> to vector<4x128xf32>
      %slice3A_1321 = vector.extract_strided_slice %select_n3A_1316 {offsets = [0, 0], sizes = [4, 128], strides = [1, 1]} : vector<8x128xf32> to vector<4x128xf32>
      %slice3A_1322 = vector.extract_strided_slice %select_n3A_1317 {offsets = [0, 0], sizes = [4, 128], strides = [1, 1]} : vector<8x128xf32> to vector<4x128xf32>
      %slice3A_1323 = vector.extract_strided_slice %select_n3A_1313 {offsets = [4, 0], sizes = [4, 128], strides = [1, 1]} : vector<8x128xf32> to vector<4x128xf32>
      %slice3A_1324 = vector.extract_strided_slice %select_n3A_1314 {offsets = [4, 0], sizes = [4, 128], strides = [1, 1]} : vector<8x128xi32> to vector<4x128xi32>
      %slice3A_1325 = vector.extract_strided_slice %select_n3A_1315 {offsets = [4, 0], sizes = [4, 128], strides = [1, 1]} : vector<8x128xf32> to vector<4x128xf32>
      %slice3A_1326 = vector.extract_strided_slice %select_n3A_1316 {offsets = [4, 0], sizes = [4, 128], strides = [1, 1]} : vector<8x128xf32> to vector<4x128xf32>
      %slice3A_1327 = vector.extract_strided_slice %select_n3A_1317 {offsets = [4, 0], sizes = [4, 128], strides = [1, 1]} : vector<8x128xf32> to vector<4x128xf32>
      %gt3A_1328 = arith.cmpf ogt, %slice3A_1318, %slice3A_1323 : vector<4x128xf32>
      %eq3A_1329 = arith.cmpf oeq, %slice3A_1318, %slice3A_1323 : vector<4x128xf32>
      %lt3A_1330 = arith.cmpi slt, %slice3A_1319, %slice3A_1324 : vector<4x128xi32>
      %and3A_1331 = arith.andi %eq3A_1329, %lt3A_1330 : vector<4x128xi1>
      %or3A_1332 = arith.ori %gt3A_1328, %and3A_1331 : vector<4x128xi1>
      %select_n3A_1333 = arith.select %or3A_1332, %slice3A_1318, %slice3A_1323 : vector<4x128xi1>, vector<4x128xf32>
      %select_n3A_1334 = arith.select %or3A_1332, %slice3A_1319, %slice3A_1324 : vector<4x128xi1>, vector<4x128xi32>
      %select_n3A_1335 = arith.select %or3A_1332, %slice3A_1320, %slice3A_1325 : vector<4x128xi1>, vector<4x128xf32>
      %select_n3A_1336 = arith.select %or3A_1332, %slice3A_1321, %slice3A_1326 : vector<4x128xi1>, vector<4x128xf32>
      %select_n3A_1337 = arith.select %or3A_1332, %slice3A_1322, %slice3A_1327 : vector<4x128xi1>, vector<4x128xf32>
      %slice3A_1338 = vector.extract_strided_slice %select_n3A_1333 {offsets = [0, 0], sizes = [2, 128], strides = [1, 1]} : vector<4x128xf32> to vector<2x128xf32>
      %slice3A_1339 = vector.extract_strided_slice %select_n3A_1334 {offsets = [0, 0], sizes = [2, 128], strides = [1, 1]} : vector<4x128xi32> to vector<2x128xi32>
      %slice3A_1340 = vector.extract_strided_slice %select_n3A_1335 {offsets = [0, 0], sizes = [2, 128], strides = [1, 1]} : vector<4x128xf32> to vector<2x128xf32>
      %slice3A_1341 = vector.extract_strided_slice %select_n3A_1336 {offsets = [0, 0], sizes = [2, 128], strides = [1, 1]} : vector<4x128xf32> to vector<2x128xf32>
      %slice3A_1342 = vector.extract_strided_slice %select_n3A_1337 {offsets = [0, 0], sizes = [2, 128], strides = [1, 1]} : vector<4x128xf32> to vector<2x128xf32>
      %slice3A_1343 = vector.extract_strided_slice %select_n3A_1333 {offsets = [2, 0], sizes = [2, 128], strides = [1, 1]} : vector<4x128xf32> to vector<2x128xf32>
      %slice3A_1344 = vector.extract_strided_slice %select_n3A_1334 {offsets = [2, 0], sizes = [2, 128], strides = [1, 1]} : vector<4x128xi32> to vector<2x128xi32>
      %slice3A_1345 = vector.extract_strided_slice %select_n3A_1335 {offsets = [2, 0], sizes = [2, 128], strides = [1, 1]} : vector<4x128xf32> to vector<2x128xf32>
      %slice3A_1346 = vector.extract_strided_slice %select_n3A_1336 {offsets = [2, 0], sizes = [2, 128], strides = [1, 1]} : vector<4x128xf32> to vector<2x128xf32>
      %slice3A_1347 = vector.extract_strided_slice %select_n3A_1337 {offsets = [2, 0], sizes = [2, 128], strides = [1, 1]} : vector<4x128xf32> to vector<2x128xf32>
      %gt3A_1348 = arith.cmpf ogt, %slice3A_1338, %slice3A_1343 : vector<2x128xf32>
      %eq3A_1349 = arith.cmpf oeq, %slice3A_1338, %slice3A_1343 : vector<2x128xf32>
      %lt3A_1350 = arith.cmpi slt, %slice3A_1339, %slice3A_1344 : vector<2x128xi32>
      %and3A_1351 = arith.andi %eq3A_1349, %lt3A_1350 : vector<2x128xi1>
      %or3A_1352 = arith.ori %gt3A_1348, %and3A_1351 : vector<2x128xi1>
      %select_n3A_1353 = arith.select %or3A_1352, %slice3A_1338, %slice3A_1343 : vector<2x128xi1>, vector<2x128xf32>
      %select_n3A_1354 = arith.select %or3A_1352, %slice3A_1339, %slice3A_1344 : vector<2x128xi1>, vector<2x128xi32>
      %select_n3A_1355 = arith.select %or3A_1352, %slice3A_1340, %slice3A_1345 : vector<2x128xi1>, vector<2x128xf32>
      %select_n3A_1356 = arith.select %or3A_1352, %slice3A_1341, %slice3A_1346 : vector<2x128xi1>, vector<2x128xf32>
      %select_n3A_1357 = arith.select %or3A_1352, %slice3A_1342, %slice3A_1347 : vector<2x128xi1>, vector<2x128xf32>
      %slice3A_1358 = vector.extract_strided_slice %select_n3A_1353 {offsets = [0, 0], sizes = [1, 128], strides = [1, 1]} : vector<2x128xf32> to vector<1x128xf32>
      %slice3A_1359 = vector.extract_strided_slice %select_n3A_1354 {offsets = [0, 0], sizes = [1, 128], strides = [1, 1]} : vector<2x128xi32> to vector<1x128xi32>
      %slice3A_1360 = vector.extract_strided_slice %select_n3A_1355 {offsets = [0, 0], sizes = [1, 128], strides = [1, 1]} : vector<2x128xf32> to vector<1x128xf32>
      %slice3A_1361 = vector.extract_strided_slice %select_n3A_1356 {offsets = [0, 0], sizes = [1, 128], strides = [1, 1]} : vector<2x128xf32> to vector<1x128xf32>
      %slice3A_1362 = vector.extract_strided_slice %select_n3A_1357 {offsets = [0, 0], sizes = [1, 128], strides = [1, 1]} : vector<2x128xf32> to vector<1x128xf32>
      %slice3A_1363 = vector.extract_strided_slice %select_n3A_1353 {offsets = [1, 0], sizes = [1, 128], strides = [1, 1]} : vector<2x128xf32> to vector<1x128xf32>
      %slice3A_1364 = vector.extract_strided_slice %select_n3A_1354 {offsets = [1, 0], sizes = [1, 128], strides = [1, 1]} : vector<2x128xi32> to vector<1x128xi32>
      %slice3A_1365 = vector.extract_strided_slice %select_n3A_1355 {offsets = [1, 0], sizes = [1, 128], strides = [1, 1]} : vector<2x128xf32> to vector<1x128xf32>
      %slice3A_1366 = vector.extract_strided_slice %select_n3A_1356 {offsets = [1, 0], sizes = [1, 128], strides = [1, 1]} : vector<2x128xf32> to vector<1x128xf32>
      %slice3A_1367 = vector.extract_strided_slice %select_n3A_1357 {offsets = [1, 0], sizes = [1, 128], strides = [1, 1]} : vector<2x128xf32> to vector<1x128xf32>
      %gt3A_1368 = arith.cmpf ogt, %slice3A_1358, %slice3A_1363 : vector<1x128xf32>
      %eq3A_1369 = arith.cmpf oeq, %slice3A_1358, %slice3A_1363 : vector<1x128xf32>
      %lt3A_1370 = arith.cmpi slt, %slice3A_1359, %slice3A_1364 : vector<1x128xi32>
      %and3A_1371 = arith.andi %eq3A_1369, %lt3A_1370 : vector<1x128xi1>
      %or3A_1372 = arith.ori %gt3A_1368, %and3A_1371 : vector<1x128xi1>
      %select_n3A_1373 = arith.select %or3A_1372, %slice3A_1358, %slice3A_1363 : vector<1x128xi1>, vector<1x128xf32>
      %select_n3A_1374 = arith.select %or3A_1372, %slice3A_1359, %slice3A_1364 : vector<1x128xi1>, vector<1x128xi32>
      %select_n3A_1375 = arith.select %or3A_1372, %slice3A_1360, %slice3A_1365 : vector<1x128xi1>, vector<1x128xf32>
      %select_n3A_1376 = arith.select %or3A_1372, %slice3A_1361, %slice3A_1366 : vector<1x128xi1>, vector<1x128xf32>
      %select_n3A_1377 = arith.select %or3A_1372, %slice3A_1362, %slice3A_1367 : vector<1x128xi1>, vector<1x128xf32>
      %slice3A_1378 = vector.extract_strided_slice %select_n3A_1373 {offsets = [0, 0], sizes = [1, 64], strides = [1, 1]} : vector<1x128xf32> to vector<1x64xf32>
      %slice3A_1379 = vector.extract_strided_slice %select_n3A_1374 {offsets = [0, 0], sizes = [1, 64], strides = [1, 1]} : vector<1x128xi32> to vector<1x64xi32>
      %slice3A_1380 = vector.extract_strided_slice %select_n3A_1375 {offsets = [0, 0], sizes = [1, 64], strides = [1, 1]} : vector<1x128xf32> to vector<1x64xf32>
      %slice3A_1381 = vector.extract_strided_slice %select_n3A_1376 {offsets = [0, 0], sizes = [1, 64], strides = [1, 1]} : vector<1x128xf32> to vector<1x64xf32>
      %slice3A_1382 = vector.extract_strided_slice %select_n3A_1377 {offsets = [0, 0], sizes = [1, 64], strides = [1, 1]} : vector<1x128xf32> to vector<1x64xf32>
      %slice3A_1383 = vector.extract_strided_slice %select_n3A_1373 {offsets = [0, 64], sizes = [1, 64], strides = [1, 1]} : vector<1x128xf32> to vector<1x64xf32>
      %slice3A_1384 = vector.extract_strided_slice %select_n3A_1374 {offsets = [0, 64], sizes = [1, 64], strides = [1, 1]} : vector<1x128xi32> to vector<1x64xi32>
      %slice3A_1385 = vector.extract_strided_slice %select_n3A_1375 {offsets = [0, 64], sizes = [1, 64], strides = [1, 1]} : vector<1x128xf32> to vector<1x64xf32>
      %slice3A_1386 = vector.extract_strided_slice %select_n3A_1376 {offsets = [0, 64], sizes = [1, 64], strides = [1, 1]} : vector<1x128xf32> to vector<1x64xf32>
      %slice3A_1387 = vector.extract_strided_slice %select_n3A_1377 {offsets = [0, 64], sizes = [1, 64], strides = [1, 1]} : vector<1x128xf32> to vector<1x64xf32>
      %gt3A_1388 = arith.cmpf ogt, %slice3A_1378, %slice3A_1383 : vector<1x64xf32>
      %eq3A_1389 = arith.cmpf oeq, %slice3A_1378, %slice3A_1383 : vector<1x64xf32>
      %lt3A_1390 = arith.cmpi slt, %slice3A_1379, %slice3A_1384 : vector<1x64xi32>
      %and3A_1391 = arith.andi %eq3A_1389, %lt3A_1390 : vector<1x64xi1>
      %or3A_1392 = arith.ori %gt3A_1388, %and3A_1391 : vector<1x64xi1>
      %select_n3A_1393 = arith.select %or3A_1392, %slice3A_1378, %slice3A_1383 : vector<1x64xi1>, vector<1x64xf32>
      %select_n3A_1394 = arith.select %or3A_1392, %slice3A_1379, %slice3A_1384 : vector<1x64xi1>, vector<1x64xi32>
      %select_n3A_1395 = arith.select %or3A_1392, %slice3A_1380, %slice3A_1385 : vector<1x64xi1>, vector<1x64xf32>
      %select_n3A_1396 = arith.select %or3A_1392, %slice3A_1381, %slice3A_1386 : vector<1x64xi1>, vector<1x64xf32>
      %select_n3A_1397 = arith.select %or3A_1392, %slice3A_1382, %slice3A_1387 : vector<1x64xi1>, vector<1x64xf32>
      %slice3A_1398 = vector.extract_strided_slice %select_n3A_1393 {offsets = [0, 0], sizes = [1, 32], strides = [1, 1]} : vector<1x64xf32> to vector<1x32xf32>
      %slice3A_1399 = vector.extract_strided_slice %select_n3A_1394 {offsets = [0, 0], sizes = [1, 32], strides = [1, 1]} : vector<1x64xi32> to vector<1x32xi32>
      %slice3A_1400 = vector.extract_strided_slice %select_n3A_1395 {offsets = [0, 0], sizes = [1, 32], strides = [1, 1]} : vector<1x64xf32> to vector<1x32xf32>
      %slice3A_1401 = vector.extract_strided_slice %select_n3A_1396 {offsets = [0, 0], sizes = [1, 32], strides = [1, 1]} : vector<1x64xf32> to vector<1x32xf32>
      %slice3A_1402 = vector.extract_strided_slice %select_n3A_1397 {offsets = [0, 0], sizes = [1, 32], strides = [1, 1]} : vector<1x64xf32> to vector<1x32xf32>
      %slice3A_1403 = vector.extract_strided_slice %select_n3A_1393 {offsets = [0, 32], sizes = [1, 32], strides = [1, 1]} : vector<1x64xf32> to vector<1x32xf32>
      %slice3A_1404 = vector.extract_strided_slice %select_n3A_1394 {offsets = [0, 32], sizes = [1, 32], strides = [1, 1]} : vector<1x64xi32> to vector<1x32xi32>
      %slice3A_1405 = vector.extract_strided_slice %select_n3A_1395 {offsets = [0, 32], sizes = [1, 32], strides = [1, 1]} : vector<1x64xf32> to vector<1x32xf32>
      %slice3A_1406 = vector.extract_strided_slice %select_n3A_1396 {offsets = [0, 32], sizes = [1, 32], strides = [1, 1]} : vector<1x64xf32> to vector<1x32xf32>
      %slice3A_1407 = vector.extract_strided_slice %select_n3A_1397 {offsets = [0, 32], sizes = [1, 32], strides = [1, 1]} : vector<1x64xf32> to vector<1x32xf32>
      %gt3A_1408 = arith.cmpf ogt, %slice3A_1398, %slice3A_1403 : vector<1x32xf32>
      %eq3A_1409 = arith.cmpf oeq, %slice3A_1398, %slice3A_1403 : vector<1x32xf32>
      %lt3A_1410 = arith.cmpi slt, %slice3A_1399, %slice3A_1404 : vector<1x32xi32>
      %and3A_1411 = arith.andi %eq3A_1409, %lt3A_1410 : vector<1x32xi1>
      %or3A_1412 = arith.ori %gt3A_1408, %and3A_1411 : vector<1x32xi1>
      %select_n3A_1413 = arith.select %or3A_1412, %slice3A_1398, %slice3A_1403 : vector<1x32xi1>, vector<1x32xf32>
      %select_n3A_1414 = arith.select %or3A_1412, %slice3A_1399, %slice3A_1404 : vector<1x32xi1>, vector<1x32xi32>
      %select_n3A_1415 = arith.select %or3A_1412, %slice3A_1400, %slice3A_1405 : vector<1x32xi1>, vector<1x32xf32>
      %select_n3A_1416 = arith.select %or3A_1412, %slice3A_1401, %slice3A_1406 : vector<1x32xi1>, vector<1x32xf32>
      %select_n3A_1417 = arith.select %or3A_1412, %slice3A_1402, %slice3A_1407 : vector<1x32xi1>, vector<1x32xf32>
      %slice3A_1418 = vector.extract_strided_slice %select_n3A_1413 {offsets = [0, 0], sizes = [1, 16], strides = [1, 1]} : vector<1x32xf32> to vector<1x16xf32>
      %slice3A_1419 = vector.extract_strided_slice %select_n3A_1414 {offsets = [0, 0], sizes = [1, 16], strides = [1, 1]} : vector<1x32xi32> to vector<1x16xi32>
      %slice3A_1420 = vector.extract_strided_slice %select_n3A_1415 {offsets = [0, 0], sizes = [1, 16], strides = [1, 1]} : vector<1x32xf32> to vector<1x16xf32>
      %slice3A_1421 = vector.extract_strided_slice %select_n3A_1416 {offsets = [0, 0], sizes = [1, 16], strides = [1, 1]} : vector<1x32xf32> to vector<1x16xf32>
      %slice3A_1422 = vector.extract_strided_slice %select_n3A_1417 {offsets = [0, 0], sizes = [1, 16], strides = [1, 1]} : vector<1x32xf32> to vector<1x16xf32>
      %slice3A_1423 = vector.extract_strided_slice %select_n3A_1413 {offsets = [0, 16], sizes = [1, 16], strides = [1, 1]} : vector<1x32xf32> to vector<1x16xf32>
      %slice3A_1424 = vector.extract_strided_slice %select_n3A_1414 {offsets = [0, 16], sizes = [1, 16], strides = [1, 1]} : vector<1x32xi32> to vector<1x16xi32>
      %slice3A_1425 = vector.extract_strided_slice %select_n3A_1415 {offsets = [0, 16], sizes = [1, 16], strides = [1, 1]} : vector<1x32xf32> to vector<1x16xf32>
      %slice3A_1426 = vector.extract_strided_slice %select_n3A_1416 {offsets = [0, 16], sizes = [1, 16], strides = [1, 1]} : vector<1x32xf32> to vector<1x16xf32>
      %slice3A_1427 = vector.extract_strided_slice %select_n3A_1417 {offsets = [0, 16], sizes = [1, 16], strides = [1, 1]} : vector<1x32xf32> to vector<1x16xf32>
      %gt3A_1428 = arith.cmpf ogt, %slice3A_1418, %slice3A_1423 : vector<1x16xf32>
      %eq3A_1429 = arith.cmpf oeq, %slice3A_1418, %slice3A_1423 : vector<1x16xf32>
      %lt3A_1430 = arith.cmpi slt, %slice3A_1419, %slice3A_1424 : vector<1x16xi32>
      %and3A_1431 = arith.andi %eq3A_1429, %lt3A_1430 : vector<1x16xi1>
      %or3A_1432 = arith.ori %gt3A_1428, %and3A_1431 : vector<1x16xi1>
      %select_n3A_1433 = arith.select %or3A_1432, %slice3A_1418, %slice3A_1423 : vector<1x16xi1>, vector<1x16xf32>
      %select_n3A_1434 = arith.select %or3A_1432, %slice3A_1419, %slice3A_1424 : vector<1x16xi1>, vector<1x16xi32>
      %select_n3A_1435 = arith.select %or3A_1432, %slice3A_1420, %slice3A_1425 : vector<1x16xi1>, vector<1x16xf32>
      %select_n3A_1436 = arith.select %or3A_1432, %slice3A_1421, %slice3A_1426 : vector<1x16xi1>, vector<1x16xf32>
      %select_n3A_1437 = arith.select %or3A_1432, %slice3A_1422, %slice3A_1427 : vector<1x16xi1>, vector<1x16xf32>
      %slice3A_1438 = vector.extract_strided_slice %select_n3A_1433 {offsets = [0, 0], sizes = [1, 8], strides = [1, 1]} : vector<1x16xf32> to vector<1x8xf32>
      %slice3A_1439 = vector.extract_strided_slice %select_n3A_1434 {offsets = [0, 0], sizes = [1, 8], strides = [1, 1]} : vector<1x16xi32> to vector<1x8xi32>
      %slice3A_1440 = vector.extract_strided_slice %select_n3A_1435 {offsets = [0, 0], sizes = [1, 8], strides = [1, 1]} : vector<1x16xf32> to vector<1x8xf32>
      %slice3A_1441 = vector.extract_strided_slice %select_n3A_1436 {offsets = [0, 0], sizes = [1, 8], strides = [1, 1]} : vector<1x16xf32> to vector<1x8xf32>
      %slice3A_1442 = vector.extract_strided_slice %select_n3A_1437 {offsets = [0, 0], sizes = [1, 8], strides = [1, 1]} : vector<1x16xf32> to vector<1x8xf32>
      %slice3A_1443 = vector.extract_strided_slice %select_n3A_1433 {offsets = [0, 8], sizes = [1, 8], strides = [1, 1]} : vector<1x16xf32> to vector<1x8xf32>
      %slice3A_1444 = vector.extract_strided_slice %select_n3A_1434 {offsets = [0, 8], sizes = [1, 8], strides = [1, 1]} : vector<1x16xi32> to vector<1x8xi32>
      %slice3A_1445 = vector.extract_strided_slice %select_n3A_1435 {offsets = [0, 8], sizes = [1, 8], strides = [1, 1]} : vector<1x16xf32> to vector<1x8xf32>
      %slice3A_1446 = vector.extract_strided_slice %select_n3A_1436 {offsets = [0, 8], sizes = [1, 8], strides = [1, 1]} : vector<1x16xf32> to vector<1x8xf32>
      %slice3A_1447 = vector.extract_strided_slice %select_n3A_1437 {offsets = [0, 8], sizes = [1, 8], strides = [1, 1]} : vector<1x16xf32> to vector<1x8xf32>
      %gt3A_1448 = arith.cmpf ogt, %slice3A_1438, %slice3A_1443 : vector<1x8xf32>
      %eq3A_1449 = arith.cmpf oeq, %slice3A_1438, %slice3A_1443 : vector<1x8xf32>
      %lt3A_1450 = arith.cmpi slt, %slice3A_1439, %slice3A_1444 : vector<1x8xi32>
      %and3A_1451 = arith.andi %eq3A_1449, %lt3A_1450 : vector<1x8xi1>
      %or3A_1452 = arith.ori %gt3A_1448, %and3A_1451 : vector<1x8xi1>
      %select_n3A_1453 = arith.select %or3A_1452, %slice3A_1438, %slice3A_1443 : vector<1x8xi1>, vector<1x8xf32>
      %select_n3A_1454 = arith.select %or3A_1452, %slice3A_1439, %slice3A_1444 : vector<1x8xi1>, vector<1x8xi32>
      %select_n3A_1455 = arith.select %or3A_1452, %slice3A_1440, %slice3A_1445 : vector<1x8xi1>, vector<1x8xf32>
      %select_n3A_1456 = arith.select %or3A_1452, %slice3A_1441, %slice3A_1446 : vector<1x8xi1>, vector<1x8xf32>
      %select_n3A_1457 = arith.select %or3A_1452, %slice3A_1442, %slice3A_1447 : vector<1x8xi1>, vector<1x8xf32>
      %slice3A_1458 = vector.extract_strided_slice %select_n3A_1453 {offsets = [0, 0], sizes = [1, 4], strides = [1, 1]} : vector<1x8xf32> to vector<1x4xf32>
      %slice3A_1459 = vector.extract_strided_slice %select_n3A_1454 {offsets = [0, 0], sizes = [1, 4], strides = [1, 1]} : vector<1x8xi32> to vector<1x4xi32>
      %slice3A_1460 = vector.extract_strided_slice %select_n3A_1455 {offsets = [0, 0], sizes = [1, 4], strides = [1, 1]} : vector<1x8xf32> to vector<1x4xf32>
      %slice3A_1461 = vector.extract_strided_slice %select_n3A_1456 {offsets = [0, 0], sizes = [1, 4], strides = [1, 1]} : vector<1x8xf32> to vector<1x4xf32>
      %slice3A_1462 = vector.extract_strided_slice %select_n3A_1457 {offsets = [0, 0], sizes = [1, 4], strides = [1, 1]} : vector<1x8xf32> to vector<1x4xf32>
      %slice3A_1463 = vector.extract_strided_slice %select_n3A_1453 {offsets = [0, 4], sizes = [1, 4], strides = [1, 1]} : vector<1x8xf32> to vector<1x4xf32>
      %slice3A_1464 = vector.extract_strided_slice %select_n3A_1454 {offsets = [0, 4], sizes = [1, 4], strides = [1, 1]} : vector<1x8xi32> to vector<1x4xi32>
      %slice3A_1465 = vector.extract_strided_slice %select_n3A_1455 {offsets = [0, 4], sizes = [1, 4], strides = [1, 1]} : vector<1x8xf32> to vector<1x4xf32>
      %slice3A_1466 = vector.extract_strided_slice %select_n3A_1456 {offsets = [0, 4], sizes = [1, 4], strides = [1, 1]} : vector<1x8xf32> to vector<1x4xf32>
      %slice3A_1467 = vector.extract_strided_slice %select_n3A_1457 {offsets = [0, 4], sizes = [1, 4], strides = [1, 1]} : vector<1x8xf32> to vector<1x4xf32>
      %gt3A_1468 = arith.cmpf ogt, %slice3A_1458, %slice3A_1463 : vector<1x4xf32>
      %eq3A_1469 = arith.cmpf oeq, %slice3A_1458, %slice3A_1463 : vector<1x4xf32>
      %lt3A_1470 = arith.cmpi slt, %slice3A_1459, %slice3A_1464 : vector<1x4xi32>
      %and3A_1471 = arith.andi %eq3A_1469, %lt3A_1470 : vector<1x4xi1>
      %or3A_1472 = arith.ori %gt3A_1468, %and3A_1471 : vector<1x4xi1>
      %select_n3A_1473 = arith.select %or3A_1472, %slice3A_1458, %slice3A_1463 : vector<1x4xi1>, vector<1x4xf32>
      %select_n3A_1474 = arith.select %or3A_1472, %slice3A_1459, %slice3A_1464 : vector<1x4xi1>, vector<1x4xi32>
      %select_n3A_1475 = arith.select %or3A_1472, %slice3A_1460, %slice3A_1465 : vector<1x4xi1>, vector<1x4xf32>
      %select_n3A_1476 = arith.select %or3A_1472, %slice3A_1461, %slice3A_1466 : vector<1x4xi1>, vector<1x4xf32>
      %select_n3A_1477 = arith.select %or3A_1472, %slice3A_1462, %slice3A_1467 : vector<1x4xi1>, vector<1x4xf32>
      %slice3A_1478 = vector.extract_strided_slice %select_n3A_1473 {offsets = [0, 0], sizes = [1, 2], strides = [1, 1]} : vector<1x4xf32> to vector<1x2xf32>
      %slice3A_1479 = vector.extract_strided_slice %select_n3A_1474 {offsets = [0, 0], sizes = [1, 2], strides = [1, 1]} : vector<1x4xi32> to vector<1x2xi32>
      %slice3A_1480 = vector.extract_strided_slice %select_n3A_1475 {offsets = [0, 0], sizes = [1, 2], strides = [1, 1]} : vector<1x4xf32> to vector<1x2xf32>
      %slice3A_1481 = vector.extract_strided_slice %select_n3A_1476 {offsets = [0, 0], sizes = [1, 2], strides = [1, 1]} : vector<1x4xf32> to vector<1x2xf32>
      %slice3A_1482 = vector.extract_strided_slice %select_n3A_1477 {offsets = [0, 0], sizes = [1, 2], strides = [1, 1]} : vector<1x4xf32> to vector<1x2xf32>
      %slice3A_1483 = vector.extract_strided_slice %select_n3A_1473 {offsets = [0, 2], sizes = [1, 2], strides = [1, 1]} : vector<1x4xf32> to vector<1x2xf32>
      %slice3A_1484 = vector.extract_strided_slice %select_n3A_1474 {offsets = [0, 2], sizes = [1, 2], strides = [1, 1]} : vector<1x4xi32> to vector<1x2xi32>
      %slice3A_1485 = vector.extract_strided_slice %select_n3A_1475 {offsets = [0, 2], sizes = [1, 2], strides = [1, 1]} : vector<1x4xf32> to vector<1x2xf32>
      %slice3A_1486 = vector.extract_strided_slice %select_n3A_1476 {offsets = [0, 2], sizes = [1, 2], strides = [1, 1]} : vector<1x4xf32> to vector<1x2xf32>
      %slice3A_1487 = vector.extract_strided_slice %select_n3A_1477 {offsets = [0, 2], sizes = [1, 2], strides = [1, 1]} : vector<1x4xf32> to vector<1x2xf32>
      %gt3A_1488 = arith.cmpf ogt, %slice3A_1478, %slice3A_1483 : vector<1x2xf32>
      %eq3A_1489 = arith.cmpf oeq, %slice3A_1478, %slice3A_1483 : vector<1x2xf32>
      %lt3A_1490 = arith.cmpi slt, %slice3A_1479, %slice3A_1484 : vector<1x2xi32>
      %and3A_1491 = arith.andi %eq3A_1489, %lt3A_1490 : vector<1x2xi1>
      %or3A_1492 = arith.ori %gt3A_1488, %and3A_1491 : vector<1x2xi1>
      %select_n3A_1493 = arith.select %or3A_1492, %slice3A_1478, %slice3A_1483 : vector<1x2xi1>, vector<1x2xf32>
      %select_n3A_1494 = arith.select %or3A_1492, %slice3A_1479, %slice3A_1484 : vector<1x2xi1>, vector<1x2xi32>
      %select_n3A_1495 = arith.select %or3A_1492, %slice3A_1480, %slice3A_1485 : vector<1x2xi1>, vector<1x2xf32>
      %select_n3A_1496 = arith.select %or3A_1492, %slice3A_1481, %slice3A_1486 : vector<1x2xi1>, vector<1x2xf32>
      %select_n3A_1497 = arith.select %or3A_1492, %slice3A_1482, %slice3A_1487 : vector<1x2xi1>, vector<1x2xf32>
      %slice3A_1498 = vector.extract_strided_slice %select_n3A_1493 {offsets = [0, 0], sizes = [1, 1], strides = [1, 1]} : vector<1x2xf32> to vector<1x1xf32>
      %slice3A_1499 = vector.extract_strided_slice %select_n3A_1494 {offsets = [0, 0], sizes = [1, 1], strides = [1, 1]} : vector<1x2xi32> to vector<1x1xi32>
      %slice3A_1500 = vector.extract_strided_slice %select_n3A_1495 {offsets = [0, 0], sizes = [1, 1], strides = [1, 1]} : vector<1x2xf32> to vector<1x1xf32>
      %slice3A_1501 = vector.extract_strided_slice %select_n3A_1496 {offsets = [0, 0], sizes = [1, 1], strides = [1, 1]} : vector<1x2xf32> to vector<1x1xf32>
      %slice3A_1502 = vector.extract_strided_slice %select_n3A_1497 {offsets = [0, 0], sizes = [1, 1], strides = [1, 1]} : vector<1x2xf32> to vector<1x1xf32>
      %slice3A_1503 = vector.extract_strided_slice %select_n3A_1493 {offsets = [0, 1], sizes = [1, 1], strides = [1, 1]} : vector<1x2xf32> to vector<1x1xf32>
      %slice3A_1504 = vector.extract_strided_slice %select_n3A_1494 {offsets = [0, 1], sizes = [1, 1], strides = [1, 1]} : vector<1x2xi32> to vector<1x1xi32>
      %slice3A_1505 = vector.extract_strided_slice %select_n3A_1495 {offsets = [0, 1], sizes = [1, 1], strides = [1, 1]} : vector<1x2xf32> to vector<1x1xf32>
      %slice3A_1506 = vector.extract_strided_slice %select_n3A_1496 {offsets = [0, 1], sizes = [1, 1], strides = [1, 1]} : vector<1x2xf32> to vector<1x1xf32>
      %slice3A_1507 = vector.extract_strided_slice %select_n3A_1497 {offsets = [0, 1], sizes = [1, 1], strides = [1, 1]} : vector<1x2xf32> to vector<1x1xf32>
      %gt3A_1508 = arith.cmpf ogt, %slice3A_1498, %slice3A_1503 : vector<1x1xf32>
      %eq3A_1509 = arith.cmpf oeq, %slice3A_1498, %slice3A_1503 : vector<1x1xf32>
      %lt3A_1510 = arith.cmpi slt, %slice3A_1499, %slice3A_1504 : vector<1x1xi32>
      %and3A_1511 = arith.andi %eq3A_1509, %lt3A_1510 : vector<1x1xi1>
      %or3A_1512 = arith.ori %gt3A_1508, %and3A_1511 : vector<1x1xi1>
      %select_n3A_1513 = arith.select %or3A_1512, %slice3A_1499, %slice3A_1504 : vector<1x1xi1>, vector<1x1xi32>
      %select_n3A_1514 = arith.select %or3A_1512, %slice3A_1500, %slice3A_1505 : vector<1x1xi1>, vector<1x1xf32>
      %select_n3A_1515 = arith.select %or3A_1512, %slice3A_1501, %slice3A_1506 : vector<1x1xi1>, vector<1x1xf32>
      %select_n3A_1516 = arith.select %or3A_1512, %slice3A_1502, %slice3A_1507 : vector<1x1xi1>, vector<1x1xf32>
      scf.yield %min3A, %min3A_549, %min3A_903, %min3A_1257, %select_n3A_451, %select_n3A_452, %select_n3A_453, %select_n3A_454, %select_n3A_805, %select_n3A_806, %select_n3A_807, %select_n3A_808, %select_n3A_1159, %select_n3A_1160, %select_n3A_1161, %select_n3A_1162, %select_n3A_1513, %select_n3A_1514, %select_n3A_1515, %select_n3A_1516 : vector<64x128xf32>, vector<64x128xf32>, vector<64x128xf32>, vector<64x128xf32>, vector<1x1xi32>, vector<1x1xf32>, vector<1x1xf32>, vector<1x1xf32>, vector<1x1xi32>, vector<1x1xf32>, vector<1x1xf32>, vector<1x1xf32>, vector<1x1xi32>, vector<1x1xf32>, vector<1x1xf32>, vector<1x1xf32>, vector<1x1xi32>, vector<1x1xf32>, vector<1x1xf32>, vector<1x1xf32>
    }
    %scan3A_87 = arith.constant 2048 : i32
    return
  }
}

module attributes {stable_mosaic.version = 14 : i64} {
  func.func @_knn_body(%arg0: i32, %arg1: i32, %arg2: memref<1x3x256xf32, #tpu.memory_space<vmem>>, %arg3: memref<1x3x8192xf32, #tpu.memory_space<vmem>>, %arg4: memref<1x256x32xi32, #tpu.memory_space<vmem>>, %arg5: memref<256x8192xf32, #tpu.memory_space<vmem>>) attributes {dimension_semantics = [#tpu.dimension_semantics<arbitrary>, #tpu.dimension_semantics<arbitrary>], iteration_bounds = array<i64: 4, 8>, scalar_prefetch = 0 : i64, scratch_operands = 1 : i64, tpu.core_type = #tpu.core_type<tc>, window_params = [{transform_indices = @transform_0, window_bounds = array<i64: 1, 3, 256>}, {transform_indices = @transform_1, window_bounds = array<i64: 1, 3, 8192>}, {transform_indices = @transform_2, window_bounds = array<i64: 1, 256, 32>}]} {
    %get3A = arith.constant 0 : index
    %get3A_0 = arith.constant 0 : index
    %get3A_1 = arith.constant 0 : index
    %get3A_2 = vector.load %arg2[%get3A, %get3A_0, %get3A_1] : memref<1x3x256xf32, #tpu.memory_space<vmem>>, vector<1x3x256xf32>
    %get3A_3 = vector.shape_cast %get3A_2 : vector<1x3x256xf32> to vector<3x256xf32>
    %get3A_4 = arith.constant 0 : index
    %get3A_5 = arith.constant 0 : index
    %get3A_6 = arith.constant 0 : index
    %get3A_7 = vector.load %arg3[%get3A_4, %get3A_5, %get3A_6] : memref<1x3x8192xf32, #tpu.memory_space<vmem>>, vector<1x3x8192xf32>
    %get3A_8 = vector.shape_cast %get3A_7 : vector<1x3x8192xf32> to vector<3x8192xf32>
    %dot_general3A = arith.constant dense<0.000000e+00> : vector<256x8192xf32>
    %dot_general3A_9 = tpu.matmul %get3A_3, %get3A_8, %dot_general3A {dimension_numbers = #tpu.dot_dimension_numbers<[0], [0], [1], [1], [0, 1, 1, 1], [], []>, transpose_lhs_hint = false} : vector<3x256xf32>, vector<3x8192xf32>, vector<256x8192xf32> -> vector<256x8192xf32>
    %mul3A = arith.mulf %get3A_3, %get3A_3 : vector<3x256xf32>
    %reduce_sum3A = arith.constant dense<0.000000e+00> : vector<256xf32>
    %reduce_sum3A_10 = vector.multi_reduction <add>, %mul3A, %reduce_sum3A [0] : vector<3x256xf32> to vector<256xf32>
    %broadcast_in_dim3A = vector.shape_cast %reduce_sum3A_10 : vector<256xf32> to vector<256x1xf32>
    %mul3A_11 = arith.mulf %get3A_8, %get3A_8 : vector<3x8192xf32>
    %reduce_sum3A_12 = arith.constant dense<0.000000e+00> : vector<8192xf32>
    %reduce_sum3A_13 = vector.multi_reduction <add>, %mul3A_11, %reduce_sum3A_12 [0] : vector<3x8192xf32> to vector<8192xf32>
    %broadcast_in_dim3A_14 = vector.shape_cast %reduce_sum3A_13 : vector<8192xf32> to vector<1x8192xf32>
    %mul3A_15 = arith.constant -2.000000e+00 : f32
    %mul3A_16 = vector.broadcast %mul3A_15 : f32 to vector<256x8192xf32>
    %mul3A_17 = arith.mulf %mul3A_16, %dot_general3A_9 : vector<256x8192xf32>
    %add3A = vector.broadcast %broadcast_in_dim3A : vector<256x1xf32> to vector<256x8192xf32>
    %add3A_18 = arith.addf %mul3A_17, %add3A : vector<256x8192xf32>
    %add3A_19 = vector.broadcast %broadcast_in_dim3A_14 : vector<1x8192xf32> to vector<256x8192xf32>
    %add3A_20 = arith.addf %add3A_18, %add3A_19 : vector<256x8192xf32>
    %swap3A = arith.constant 0 : index
    %swap3A_21 = arith.constant 0 : index
    %swap3A_22 = vector.load %arg5[%swap3A, %swap3A_21] : memref<256x8192xf32, #tpu.memory_space<vmem>>, vector<256x8192xf32>
    tpu.vector_store %arg5[%swap3A, %swap3A_21], %add3A_20 {strides = array<i32>} : memref<256x8192xf32, #tpu.memory_space<vmem>>, vector<256x8192xf32>,
    %iota3A = tpu.iota {dimensions = array<i32: 1>} : vector<256x8192xi32>
    %iota3A_23 = tpu.iota {dimensions = array<i32: 1>} : vector<256x32xi32>
    %broadcast_in_dim3A_24 = arith.constant 0 : i32
    %broadcast_in_dim3A_25 = vector.broadcast %broadcast_in_dim3A_24 : i32 to vector<256x32xi32>
    %scan3A = arith.constant 3.000000e+38 : f32
    %scan3A_26 = arith.constant 0 : i32
    %scan3A_27 = arith.constant 32 : i32
    %scan3A_28 = arith.addi %scan3A_26, %scan3A_27 : i32
    %scan3A_29 = arith.constant 1 : i32
    %scan3A_30 = scf.for %scan3A_42 = %scan3A_26 to %scan3A_28 step %scan3A_29 iter_args(%scan3A_43 = %broadcast_in_dim3A_25) -> (vector<256x32xi32>)  : i32 {
      %get3A_44 = arith.constant 0 : index
      %get3A_45 = arith.constant 0 : index
      %get3A_46 = vector.load %arg5[%get3A_44, %get3A_45] : memref<256x8192xf32, #tpu.memory_space<vmem>>, vector<256x8192xf32>
      %reduce_min3A = arith.constant dense<0x7F800000> : vector<256xf32>
      %reduce_min3A_47 = vector.multi_reduction <minimumf>, %get3A_46, %reduce_min3A [1] : vector<256x8192xf32> to vector<256xf32>
      %broadcast_in_dim3A_48 = vector.shape_cast %reduce_min3A_47 : vector<256xf32> to vector<256x1xf32>
      %eq3A = vector.broadcast %broadcast_in_dim3A_48 : vector<256x1xf32> to vector<256x8192xf32>
      %eq3A_49 = arith.cmpf oeq, %get3A_46, %eq3A : vector<256x8192xf32>
      %jit3A = arith.constant 8192 : i32
      %broadcast_in_dim3A_50 = vector.broadcast %jit3A : i32 to vector<256x8192xi32>
      %select_n3A = arith.select %eq3A_49, %iota3A, %broadcast_in_dim3A_50 : vector<256x8192xi1>, vector<256x8192xi32>
      %reduce_min3A_51 = arith.constant dense<2147483647> : vector<256xi32>
      %reduce_min3A_52 = vector.multi_reduction <minsi>, %select_n3A, %reduce_min3A_51 [1] : vector<256x8192xi32> to vector<256xi32>
      %broadcast_in_dim3A_53 = vector.shape_cast %reduce_min3A_52 : vector<256xi32> to vector<256x1xi32>
      %eq3A_54 = vector.broadcast %scan3A_42 : i32 to vector<256x32xi32>
      %eq3A_55 = arith.cmpi eq, %iota3A_23, %eq3A_54 : vector<256x32xi32>
      %broadcast_in_dim3A_56 = vector.shape_cast %broadcast_in_dim3A_53 : vector<256x1xi32> to vector<256x1xi32>
      %broadcast_in_dim3A_57 = vector.broadcast %broadcast_in_dim3A_56 : vector<256x1xi32> to vector<256x32xi32>
      %select_n3A_58 = arith.select %eq3A_55, %broadcast_in_dim3A_57, %scan3A_43 : vector<256x32xi1>, vector<256x32xi32>
      %broadcast_in_dim3A_59 = vector.broadcast %scan3A : f32 to vector<256x8192xf32>
      %select_n3A_60 = arith.select %eq3A_49, %broadcast_in_dim3A_59, %get3A_46 : vector<256x8192xi1>, vector<256x8192xf32>
      %swap3A_61 = arith.constant 0 : index
      %swap3A_62 = arith.constant 0 : index
      %swap3A_63 = vector.load %arg5[%swap3A_61, %swap3A_62] : memref<256x8192xf32, #tpu.memory_space<vmem>>, vector<256x8192xf32>
      tpu.vector_store %arg5[%swap3A_61, %swap3A_62], %select_n3A_60 {strides = array<i32>} : memref<256x8192xf32, #tpu.memory_space<vmem>>, vector<256x8192xf32>,
      scf.yield %select_n3A_58 : vector<256x32xi32>
    }
    %scan3A_31 = arith.constant 32 : i32
    %mul3A_32 = arith.constant 8192 : i32
    %mul3A_33 = arith.muli %arg0, %mul3A_32 : i32
    %add3A_34 = vector.broadcast %mul3A_33 : i32 to vector<256x32xi32>
    %add3A_35 = arith.addi %scan3A_30, %add3A_34 : vector<256x32xi32>
    %swap3A_36 = arith.constant 0 : index
    %swap3A_37 = arith.constant 0 : index
    %swap3A_38 = arith.constant 0 : index
    %swap3A_39 = vector.load %arg4[%swap3A_36, %swap3A_37, %swap3A_38] : memref<1x256x32xi32, #tpu.memory_space<vmem>>, vector<1x256x32xi32>
    %swap3A_40 = vector.shape_cast %swap3A_39 : vector<1x256x32xi32> to vector<256x32xi32>
    %swap3A_41 = vector.shape_cast %add3A_35 : vector<256x32xi32> to vector<1x256x32xi32>
    tpu.vector_store %arg4[%swap3A_36, %swap3A_37, %swap3A_38], %swap3A_41 {strides = array<i32>} : memref<1x256x32xi32, #tpu.memory_space<vmem>>, vector<1x256x32xi32>,
    return
  }
  func.func @transform_0(%arg0: i32, %arg1: i32) -> (i32, i32, i32) {
    %c0_i32 = arith.constant 0 : i32
    %c0_i32_0 = arith.constant 0 : i32
    return %arg0, %c0_i32, %arg1 : i32, i32, i32
  }
  func.func @transform_1(%arg0: i32, %arg1: i32) -> (i32, i32, i32) {
    %c0_i32 = arith.constant 0 : i32
    %c0_i32_0 = arith.constant 0 : i32
    %c0_i32_1 = arith.constant 0 : i32
    return %arg0, %c0_i32, %c0_i32_0 : i32, i32, i32
  }
  func.func @transform_2(%arg0: i32, %arg1: i32) -> (i32, i32, i32) {
    %c0_i32 = arith.constant 0 : i32
    %c0_i32_0 = arith.constant 0 : i32
    return %arg0, %arg1, %c0_i32 : i32, i32, i32
  }
}

module attributes {stable_mosaic.version = 14 : i64} {
  func.func @_d1_body(%arg0: i32, %arg1: memref<2048x64xf32, #tpu.memory_space<vmem>>, %arg2: memref<64x64xf32, #tpu.memory_space<vmem>>, %arg3: memref<1x64xf32, #tpu.memory_space<vmem>>, %arg4: memref<2048x128xf32, #tpu.memory_space<vmem>>, %arg5: memref<1x64xf32, #tpu.memory_space<vmem>>, %arg6: memref<64x64xf32, #tpu.memory_space<vmem>>) attributes {dimension_semantics = [#tpu.dimension_semantics<arbitrary>], iteration_bounds = array<i64: 16>, scalar_prefetch = 0 : i64, scratch_operands = 0 : i64, tpu.core_type = #tpu.core_type<tc>, window_params = [{transform_indices = @transform_0, window_bounds = array<i64: 2048, 64>}, {pipeline_mode = #tpu.pipeline_mode<synchronous>, transform_indices = @transform_1, window_bounds = array<i64: 64, 64>}, {pipeline_mode = #tpu.pipeline_mode<synchronous>, transform_indices = @transform_2, window_bounds = array<i64: 1, 64>}, {transform_indices = @transform_3, window_bounds = array<i64: 2048, 128>}, {pipeline_mode = #tpu.pipeline_mode<synchronous>, transform_indices = @transform_4, window_bounds = array<i64: 1, 64>}, {pipeline_mode = #tpu.pipeline_mode<synchronous>, transform_indices = @transform_5, window_bounds = array<i64: 64, 64>}]} {
    %get3A = arith.constant 0 : index
    %get3A_0 = arith.constant 0 : index
    %get3A_1 = vector.load %arg1[%get3A, %get3A_0] : memref<2048x64xf32, #tpu.memory_space<vmem>>, vector<2048x64xf32>
    %get3A_2 = arith.constant 0 : index
    %get3A_3 = arith.constant 0 : index
    %get3A_4 = vector.load %arg2[%get3A_2, %get3A_3] : memref<64x64xf32, #tpu.memory_space<vmem>>, vector<64x64xf32>
    %dot_general3A = arith.constant dense<0.000000e+00> : vector<2048x64xf32>
    %dot_general3A_5 = tpu.matmul %get3A_1, %get3A_4, %dot_general3A {dimension_numbers = #tpu.dot_dimension_numbers<[1], [0], [0], [1], [0, 0, 1, 1], [], []>, transpose_lhs_hint = false} : vector<2048x64xf32>, vector<64x64xf32>, vector<2048x64xf32> -> vector<2048x64xf32>
    %get3A_6 = arith.constant 0 : index
    %get3A_7 = arith.constant 0 : index
    %get3A_8 = vector.load %arg3[%get3A_6, %get3A_7] : memref<1x64xf32, #tpu.memory_space<vmem>>, vector<1x64xf32>
    %add3A = vector.broadcast %get3A_8 : vector<1x64xf32> to vector<2048x64xf32>
    %add3A_9 = arith.addf %dot_general3A_5, %add3A : vector<2048x64xf32>
    %broadcast_in_dim3A = arith.constant 0.000000e+00 : f32
    %broadcast_in_dim3A_10 = vector.broadcast %broadcast_in_dim3A : f32 to vector<2048x64xf32>
    %concatenate3A = tpu.concatenate %add3A_9, %broadcast_in_dim3A_10 in 1 : vector<2048x64xf32>, vector<2048x64xf32> -> vector<2048x128xf32>
    %swap3A = arith.constant 0 : index
    %swap3A_11 = arith.constant 0 : index
    %swap3A_12 = vector.load %arg4[%swap3A, %swap3A_11] : memref<2048x128xf32, #tpu.memory_space<vmem>>, vector<2048x128xf32>
    tpu.vector_store %arg4[%swap3A, %swap3A_11], %concatenate3A {strides = array<i32>} : memref<2048x128xf32, #tpu.memory_space<vmem>>, vector<2048x128xf32>,
    %eq3A = arith.constant 0 : i32
    %eq3A_13 = arith.cmpi eq, %arg0, %eq3A : i32
    %convert_element_type3A = arith.extui %eq3A_13 : i1 to i32
    %cond3A = arith.constant 0 : i32
    %cond3A_14 = arith.cmpi ne, %convert_element_type3A, %cond3A : i32
    scf.if %cond3A_14 {
      %broadcast_in_dim3A_33 = arith.constant 0.000000e+00 : f32
      %broadcast_in_dim3A_34 = vector.broadcast %broadcast_in_dim3A_33 : f32 to vector<1x64xf32>
      %swap3A_35 = arith.constant 0 : index
      %swap3A_36 = arith.constant 0 : index
      %swap3A_37 = vector.load %arg5[%swap3A_35, %swap3A_36] : memref<1x64xf32, #tpu.memory_space<vmem>>, vector<1x64xf32>
      tpu.vector_store %arg5[%swap3A_35, %swap3A_36], %broadcast_in_dim3A_34 {strides = array<i32>} : memref<1x64xf32, #tpu.memory_space<vmem>>, vector<1x64xf32>,
      %broadcast_in_dim3A_38 = arith.constant 0.000000e+00 : f32
      %broadcast_in_dim3A_39 = vector.broadcast %broadcast_in_dim3A_38 : f32 to vector<64x64xf32>
      %swap3A_40 = arith.constant 0 : index
      %swap3A_41 = arith.constant 0 : index
      %swap3A_42 = vector.load %arg6[%swap3A_40, %swap3A_41] : memref<64x64xf32, #tpu.memory_space<vmem>>, vector<64x64xf32>
      tpu.vector_store %arg6[%swap3A_40, %swap3A_41], %broadcast_in_dim3A_39 {strides = array<i32>} : memref<64x64xf32, #tpu.memory_space<vmem>>, vector<64x64xf32>,
    } else {
    }
    %get3A_15 = arith.constant 0 : index
    %get3A_16 = arith.constant 0 : index
    %get3A_17 = vector.load %arg5[%get3A_15, %get3A_16] : memref<1x64xf32, #tpu.memory_space<vmem>>, vector<1x64xf32>
    %reduce_sum3A = arith.constant dense<0.000000e+00> : vector<64xf32>
    %reduce_sum3A_18 = vector.multi_reduction <add>, %add3A_9, %reduce_sum3A [0] : vector<2048x64xf32> to vector<64xf32>
    %broadcast_in_dim3A_19 = vector.shape_cast %reduce_sum3A_18 : vector<64xf32> to vector<1x64xf32>
    %add3A_20 = arith.addf %get3A_17, %broadcast_in_dim3A_19 : vector<1x64xf32>
    %swap3A_21 = arith.constant 0 : index
    %swap3A_22 = arith.constant 0 : index
    %swap3A_23 = vector.load %arg5[%swap3A_21, %swap3A_22] : memref<1x64xf32, #tpu.memory_space<vmem>>, vector<1x64xf32>
    tpu.vector_store %arg5[%swap3A_21, %swap3A_22], %add3A_20 {strides = array<i32>} : memref<1x64xf32, #tpu.memory_space<vmem>>, vector<1x64xf32>,
    %get3A_24 = arith.constant 0 : index
    %get3A_25 = arith.constant 0 : index
    %get3A_26 = vector.load %arg6[%get3A_24, %get3A_25] : memref<64x64xf32, #tpu.memory_space<vmem>>, vector<64x64xf32>
    %dot_general3A_27 = arith.constant dense<0.000000e+00> : vector<64x64xf32>
    %dot_general3A_28 = tpu.matmul %add3A_9, %add3A_9, %dot_general3A_27 {dimension_numbers = #tpu.dot_dimension_numbers<[0], [0], [1], [1], [0, 1, 1, 1], [], []>, transpose_lhs_hint = false} : vector<2048x64xf32>, vector<2048x64xf32>, vector<64x64xf32> -> vector<64x64xf32>
    %add3A_29 = arith.addf %get3A_26, %dot_general3A_28 : vector<64x64xf32>
    %swap3A_30 = arith.constant 0 : index
    %swap3A_31 = arith.constant 0 : index
    %swap3A_32 = vector.load %arg6[%swap3A_30, %swap3A_31] : memref<64x64xf32, #tpu.memory_space<vmem>>, vector<64x64xf32>
    tpu.vector_store %arg6[%swap3A_30, %swap3A_31], %add3A_29 {strides = array<i32>} : memref<64x64xf32, #tpu.memory_space<vmem>>, vector<64x64xf32>,
    return
  }
  func.func @transform_0(%arg0: i32) -> (i32, i32) {
    %c0_i32 = arith.constant 0 : i32
    %c0_i32_0 = arith.constant 0 : i32
    return %arg0, %c0_i32 : i32, i32
  }
  func.func @transform_1(%arg0: i32) -> (i32, i32) {
    %c0_i32 = arith.constant 0 : i32
    %c0_i32_0 = arith.constant 0 : i32
    %c0_i32_1 = arith.constant 0 : i32
    return %c0_i32, %c0_i32_0 : i32, i32
  }
  func.func @transform_2(%arg0: i32) -> (i32, i32) {
    %c0_i32 = arith.constant 0 : i32
    %c0_i32_0 = arith.constant 0 : i32
    %c0_i32_1 = arith.constant 0 : i32
    return %c0_i32, %c0_i32_0 : i32, i32
  }
  func.func @transform_3(%arg0: i32) -> (i32, i32) {
    %c0_i32 = arith.constant 0 : i32
    %c0_i32_0 = arith.constant 0 : i32
    return %arg0, %c0_i32 : i32, i32
  }
  func.func @transform_4(%arg0: i32) -> (i32, i32) {
    %c0_i32 = arith.constant 0 : i32
    %c0_i32_0 = arith.constant 0 : i32
    %c0_i32_1 = arith.constant 0 : i32
    return %c0_i32, %c0_i32_0 : i32, i32
  }
  func.func @transform_5(%arg0: i32) -> (i32, i32) {
    %c0_i32 = arith.constant 0 : i32
    %c0_i32_0 = arith.constant 0 : i32
    %c0_i32_1 = arith.constant 0 : i32
    return %c0_i32, %c0_i32_0 : i32, i32
  }
}

module attributes {stable_mosaic.version = 14 : i64} {
  func.func @_d2_body(%arg0: i32, %arg1: memref<2048x128xf32, #tpu.memory_space<vmem>>, %arg2: memref<64x64xf32, #tpu.memory_space<vmem>>, %arg3: memref<1x64xf32, #tpu.memory_space<vmem>>, %arg4: memref<1x64xf32, #tpu.memory_space<vmem>>, %arg5: memref<1x64xf32, #tpu.memory_space<vmem>>, %arg6: memref<1x64xf32, #tpu.memory_space<vmem>>, %arg7: memref<64x64xf32, #tpu.memory_space<vmem>>, %arg8: memref<1x64xf32, #tpu.memory_space<vmem>>, %arg9: memref<64x64xf32, #tpu.memory_space<vmem>>) attributes {dimension_semantics = [#tpu.dimension_semantics<arbitrary>], iteration_bounds = array<i64: 16>, scalar_prefetch = 0 : i64, scratch_operands = 0 : i64, tpu.core_type = #tpu.core_type<tc>, window_params = [{transform_indices = @transform_0, window_bounds = array<i64: 2048, 128>}, {pipeline_mode = #tpu.pipeline_mode<synchronous>, transform_indices = @transform_1, window_bounds = array<i64: 64, 64>}, {pipeline_mode = #tpu.pipeline_mode<synchronous>, transform_indices = @transform_2, window_bounds = array<i64: 1, 64>}, {pipeline_mode = #tpu.pipeline_mode<synchronous>, transform_indices = @transform_3, window_bounds = array<i64: 1, 64>}, {pipeline_mode = #tpu.pipeline_mode<synchronous>, transform_indices = @transform_4, window_bounds = array<i64: 1, 64>}, {pipeline_mode = #tpu.pipeline_mode<synchronous>, transform_indices = @transform_5, window_bounds = array<i64: 1, 64>}, {pipeline_mode = #tpu.pipeline_mode<synchronous>, transform_indices = @transform_6, window_bounds = array<i64: 64, 64>}, {pipeline_mode = #tpu.pipeline_mode<synchronous>, transform_indices = @transform_7, window_bounds = array<i64: 1, 64>}, {pipeline_mode = #tpu.pipeline_mode<synchronous>, transform_indices = @transform_8, window_bounds = array<i64: 64, 64>}]} {
    %get3A = arith.constant 0 : index
    %get3A_0 = arith.constant 0 : index
    %get3A_1 = vector.load %arg2[%get3A, %get3A_0] : memref<64x64xf32, #tpu.memory_space<vmem>>, vector<64x64xf32>
    %get3A_2 = arith.constant 0 : index
    %get3A_3 = arith.constant 0 : index
    %get3A_4 = vector.load %arg3[%get3A_2, %get3A_3] : memref<1x64xf32, #tpu.memory_space<vmem>>, vector<1x64xf32>
    %get3A_5 = arith.constant 0 : index
    %get3A_6 = arith.constant 0 : index
    %get3A_7 = vector.load %arg4[%get3A_5, %get3A_6] : memref<1x64xf32, #tpu.memory_space<vmem>>, vector<1x64xf32>
    %get3A_8 = arith.constant 0 : index
    %get3A_9 = arith.constant 0 : index
    %get3A_10 = vector.load %arg5[%get3A_8, %get3A_9] : memref<1x64xf32, #tpu.memory_space<vmem>>, vector<1x64xf32>
    %get3A_11 = arith.constant 0 : index
    %get3A_12 = arith.constant 0 : index
    %get3A_13 = vector.load %arg6[%get3A_11, %get3A_12] : memref<1x64xf32, #tpu.memory_space<vmem>>, vector<1x64xf32>
    %get3A_14 = arith.constant 0 : index
    %get3A_15 = arith.constant 0 : index
    %get3A_16 = vector.load %arg7[%get3A_14, %get3A_15] : memref<64x64xf32, #tpu.memory_space<vmem>>, vector<64x64xf32>
    %dot_general3A = arith.constant dense<0.000000e+00> : vector<1x64xf32>
    %dot_general3A_17 = tpu.matmul %get3A_13, %get3A_1, %dot_general3A {dimension_numbers = #tpu.dot_dimension_numbers<[1], [1], [0], [0], [0, 0, 1, 0], [], []>, transpose_lhs_hint = false} : vector<1x64xf32>, vector<64x64xf32>, vector<1x64xf32> -> vector<1x64xf32>
    %mul3A = arith.constant 3.05175781E-5 : f32
    %mul3A_18 = vector.broadcast %mul3A : f32 to vector<1x64xf32>
    %mul3A_19 = arith.mulf %dot_general3A_17, %mul3A_18 : vector<1x64xf32>
    %add3A = arith.addf %mul3A_19, %get3A_4 : vector<1x64xf32>
    %dot_general3A_20 = arith.constant dense<0.000000e+00> : vector<64x64xf32>
    %dot_general3A_21 = tpu.matmul %get3A_1, %get3A_16, %dot_general3A_20 {dimension_numbers = #tpu.dot_dimension_numbers<[1], [0], [0], [1], [0, 0, 1, 1], [], []>, transpose_lhs_hint = false} : vector<64x64xf32>, vector<64x64xf32>, vector<64x64xf32> -> vector<64x64xf32>
    %mul3A_22 = arith.mulf %dot_general3A_21, %get3A_1 : vector<64x64xf32>
    %reduce_sum3A = arith.constant dense<0.000000e+00> : vector<64xf32>
    %reduce_sum3A_23 = vector.multi_reduction <add>, %mul3A_22, %reduce_sum3A [1] : vector<64x64xf32> to vector<64xf32>
    %broadcast_in_dim3A = vector.shape_cast %reduce_sum3A_23 : vector<64xf32> to vector<1x64xf32>
    %mul3A_24 = arith.constant 3.05175781E-5 : f32
    %mul3A_25 = vector.broadcast %mul3A_24 : f32 to vector<1x64xf32>
    %mul3A_26 = arith.mulf %broadcast_in_dim3A, %mul3A_25 : vector<1x64xf32>
    %mul3A_27 = arith.constant 2.000000e+00 : f32
    %mul3A_28 = vector.broadcast %mul3A_27 : f32 to vector<1x64xf32>
    %mul3A_29 = arith.mulf %mul3A_28, %get3A_4 : vector<1x64xf32>
    %mul3A_30 = arith.mulf %mul3A_29, %mul3A_19 : vector<1x64xf32>
    %add3A_31 = arith.addf %mul3A_26, %mul3A_30 : vector<1x64xf32>
    %mul3A_32 = arith.mulf %get3A_4, %get3A_4 : vector<1x64xf32>
    %add3A_33 = arith.addf %add3A_31, %mul3A_32 : vector<1x64xf32>
    %mul3A_34 = arith.mulf %add3A, %add3A : vector<1x64xf32>
    %sub3A = arith.subf %add3A_33, %mul3A_34 : vector<1x64xf32>
    %add3A_35 = arith.constant 9.99999974E-6 : f32
    %add3A_36 = vector.broadcast %add3A_35 : f32 to vector<1x64xf32>
    %add3A_37 = arith.addf %sub3A, %add3A_36 : vector<1x64xf32>
    %rsqrt3A = math.rsqrt %add3A_37 : vector<1x64xf32>
    %mul3A_38 = arith.mulf %get3A_7, %rsqrt3A : vector<1x64xf32>
    %mul3A_39 = arith.mulf %add3A, %mul3A_38 : vector<1x64xf32>
    %sub3A_40 = arith.subf %get3A_10, %mul3A_39 : vector<1x64xf32>
    %get3A_41 = arith.constant 0 : index
    %get3A_42 = arith.constant 0 : index
    %get3A_43 = vector.load %arg1[%get3A_41, %get3A_42] : memref<2048x128xf32, #tpu.memory_space<vmem>>, vector<2048x64xf32>
    %get3A_44 = arith.constant 0 : index
    %get3A_45 = arith.constant 0 : index
    %get3A_46 = vector.load %arg2[%get3A_44, %get3A_45] : memref<64x64xf32, #tpu.memory_space<vmem>>, vector<64x64xf32>
    %dot_general3A_47 = arith.constant dense<0.000000e+00> : vector<2048x64xf32>
    %dot_general3A_48 = tpu.matmul %get3A_43, %get3A_46, %dot_general3A_47 {dimension_numbers = #tpu.dot_dimension_numbers<[1], [1], [0], [0], [0, 0, 1, 0], [], []>, transpose_lhs_hint = false} : vector<2048x64xf32>, vector<64x64xf32>, vector<2048x64xf32> -> vector<2048x64xf32>
    %mul3A_49 = vector.broadcast %mul3A_38 : vector<1x64xf32> to vector<2048x64xf32>
    %mul3A_50 = arith.mulf %dot_general3A_48, %mul3A_49 : vector<2048x64xf32>
    %get3A_51 = arith.constant 0 : index
    %get3A_52 = arith.constant 0 : index
    %get3A_53 = vector.load %arg3[%get3A_51, %get3A_52] : memref<1x64xf32, #tpu.memory_space<vmem>>, vector<1x64xf32>
    %mul3A_54 = arith.mulf %get3A_53, %mul3A_38 : vector<1x64xf32>
    %add3A_55 = arith.addf %mul3A_54, %sub3A_40 : vector<1x64xf32>
    %add3A_56 = vector.broadcast %add3A_55 : vector<1x64xf32> to vector<2048x64xf32>
    %add3A_57 = arith.addf %mul3A_50, %add3A_56 : vector<2048x64xf32>
    %max3A = arith.constant 0.000000e+00 : f32
    %max3A_58 = vector.broadcast %max3A : f32 to vector<2048x64xf32>
    %max3A_59 = arith.maximumf %add3A_57, %max3A_58 : vector<2048x64xf32>
    %eq3A = arith.constant 0 : i32
    %eq3A_60 = arith.cmpi eq, %arg0, %eq3A : i32
    %convert_element_type3A = arith.extui %eq3A_60 : i1 to i32
    %cond3A = arith.constant 0 : i32
    %cond3A_61 = arith.cmpi ne, %convert_element_type3A, %cond3A : i32
    scf.if %cond3A_61 {
      %broadcast_in_dim3A_80 = arith.constant 0.000000e+00 : f32
      %broadcast_in_dim3A_81 = vector.broadcast %broadcast_in_dim3A_80 : f32 to vector<1x64xf32>
      %swap3A_82 = arith.constant 0 : index
      %swap3A_83 = arith.constant 0 : index
      %swap3A_84 = vector.load %arg8[%swap3A_82, %swap3A_83] : memref<1x64xf32, #tpu.memory_space<vmem>>, vector<1x64xf32>
      tpu.vector_store %arg8[%swap3A_82, %swap3A_83], %broadcast_in_dim3A_81 {strides = array<i32>} : memref<1x64xf32, #tpu.memory_space<vmem>>, vector<1x64xf32>,
      %broadcast_in_dim3A_85 = arith.constant 0.000000e+00 : f32
      %broadcast_in_dim3A_86 = vector.broadcast %broadcast_in_dim3A_85 : f32 to vector<64x64xf32>
      %swap3A_87 = arith.constant 0 : index
      %swap3A_88 = arith.constant 0 : index
      %swap3A_89 = vector.load %arg9[%swap3A_87, %swap3A_88] : memref<64x64xf32, #tpu.memory_space<vmem>>, vector<64x64xf32>
      tpu.vector_store %arg9[%swap3A_87, %swap3A_88], %broadcast_in_dim3A_86 {strides = array<i32>} : memref<64x64xf32, #tpu.memory_space<vmem>>, vector<64x64xf32>,
    } else {
    }
    %get3A_62 = arith.constant 0 : index
    %get3A_63 = arith.constant 0 : index
    %get3A_64 = vector.load %arg8[%get3A_62, %get3A_63] : memref<1x64xf32, #tpu.memory_space<vmem>>, vector<1x64xf32>
    %reduce_sum3A_65 = arith.constant dense<0.000000e+00> : vector<64xf32>
    %reduce_sum3A_66 = vector.multi_reduction <add>, %max3A_59, %reduce_sum3A_65 [0] : vector<2048x64xf32> to vector<64xf32>
    %broadcast_in_dim3A_67 = vector.shape_cast %reduce_sum3A_66 : vector<64xf32> to vector<1x64xf32>
    %add3A_68 = arith.addf %get3A_64, %broadcast_in_dim3A_67 : vector<1x64xf32>
    %swap3A = arith.constant 0 : index
    %swap3A_69 = arith.constant 0 : index
    %swap3A_70 = vector.load %arg8[%swap3A, %swap3A_69] : memref<1x64xf32, #tpu.memory_space<vmem>>, vector<1x64xf32>
    tpu.vector_store %arg8[%swap3A, %swap3A_69], %add3A_68 {strides = array<i32>} : memref<1x64xf32, #tpu.memory_space<vmem>>, vector<1x64xf32>,
    %get3A_71 = arith.constant 0 : index
    %get3A_72 = arith.constant 0 : index
    %get3A_73 = vector.load %arg9[%get3A_71, %get3A_72] : memref<64x64xf32, #tpu.memory_space<vmem>>, vector<64x64xf32>
    %dot_general3A_74 = arith.constant dense<0.000000e+00> : vector<64x64xf32>
    %dot_general3A_75 = tpu.matmul %max3A_59, %max3A_59, %dot_general3A_74 {dimension_numbers = #tpu.dot_dimension_numbers<[0], [0], [1], [1], [0, 1, 1, 1], [], []>, transpose_lhs_hint = false} : vector<2048x64xf32>, vector<2048x64xf32>, vector<64x64xf32> -> vector<64x64xf32>
    %add3A_76 = arith.addf %get3A_73, %dot_general3A_75 : vector<64x64xf32>
    %swap3A_77 = arith.constant 0 : index
    %swap3A_78 = arith.constant 0 : index
    %swap3A_79 = vector.load %arg9[%swap3A_77, %swap3A_78] : memref<64x64xf32, #tpu.memory_space<vmem>>, vector<64x64xf32>
    tpu.vector_store %arg9[%swap3A_77, %swap3A_78], %add3A_76 {strides = array<i32>} : memref<64x64xf32, #tpu.memory_space<vmem>>, vector<64x64xf32>,
    return
  }
  func.func @transform_0(%arg0: i32) -> (i32, i32) {
    %c0_i32 = arith.constant 0 : i32
    %c0_i32_0 = arith.constant 0 : i32
    return %arg0, %c0_i32 : i32, i32
  }
  func.func @transform_1(%arg0: i32) -> (i32, i32) {
    %c0_i32 = arith.constant 0 : i32
    %c0_i32_0 = arith.constant 0 : i32
    %c0_i32_1 = arith.constant 0 : i32
    return %c0_i32, %c0_i32_0 : i32, i32
  }
  func.func @transform_2(%arg0: i32) -> (i32, i32) {
    %c0_i32 = arith.constant 0 : i32
    %c0_i32_0 = arith.constant 0 : i32
    %c0_i32_1 = arith.constant 0 : i32
    return %c0_i32, %c0_i32_0 : i32, i32
  }
  func.func @transform_3(%arg0: i32) -> (i32, i32) {
    %c0_i32 = arith.constant 0 : i32
    %c0_i32_0 = arith.constant 0 : i32
    %c0_i32_1 = arith.constant 0 : i32
    return %c0_i32, %c0_i32_0 : i32, i32
  }
  func.func @transform_4(%arg0: i32) -> (i32, i32) {
    %c0_i32 = arith.constant 0 : i32
    %c0_i32_0 = arith.constant 0 : i32
    %c0_i32_1 = arith.constant 0 : i32
    return %c0_i32, %c0_i32_0 : i32, i32
  }
  func.func @transform_5(%arg0: i32) -> (i32, i32) {
    %c0_i32 = arith.constant 0 : i32
    %c0_i32_0 = arith.constant 0 : i32
    %c0_i32_1 = arith.constant 0 : i32
    return %c0_i32, %c0_i32_0 : i32, i32
  }
  func.func @transform_6(%arg0: i32) -> (i32, i32) {
    %c0_i32 = arith.constant 0 : i32
    %c0_i32_0 = arith.constant 0 : i32
    %c0_i32_1 = arith.constant 0 : i32
    return %c0_i32, %c0_i32_0 : i32, i32
  }
  func.func @transform_7(%arg0: i32) -> (i32, i32) {
    %c0_i32 = arith.constant 0 : i32
    %c0_i32_0 = arith.constant 0 : i32
    %c0_i32_1 = arith.constant 0 : i32
    return %c0_i32, %c0_i32_0 : i32, i32
  }
  func.func @transform_8(%arg0: i32) -> (i32, i32) {
    %c0_i32 = arith.constant 0 : i32
    %c0_i32_0 = arith.constant 0 : i32
    %c0_i32_1 = arith.constant 0 : i32
    return %c0_i32, %c0_i32_0 : i32, i32
  }
}

module attributes {stable_mosaic.version = 14 : i64} {
  func.func @_d3_body(%arg0: i32, %arg1: memref<2048x128xf32, #tpu.memory_space<vmem>>, %arg2: memref<64x64xf32, #tpu.memory_space<vmem>>, %arg3: memref<1x64xf32, #tpu.memory_space<vmem>>, %arg4: memref<1x64xf32, #tpu.memory_space<vmem>>, %arg5: memref<1x64xf32, #tpu.memory_space<vmem>>, %arg6: memref<64x64xf32, #tpu.memory_space<vmem>>, %arg7: memref<1x64xf32, #tpu.memory_space<vmem>>, %arg8: memref<1x64xf32, #tpu.memory_space<vmem>>, %arg9: memref<1x64xf32, #tpu.memory_space<vmem>>, %arg10: memref<1x64xf32, #tpu.memory_space<vmem>>, %arg11: memref<64x64xf32, #tpu.memory_space<vmem>>, %arg12: memref<1x64xf32, #tpu.memory_space<vmem>>, %arg13: memref<64x64xf32, #tpu.memory_space<vmem>>, %arg14: memref<2048x128xf32, #tpu.memory_space<vmem>>) attributes {dimension_semantics = [#tpu.dimension_semantics<arbitrary>], iteration_bounds = array<i64: 16>, scalar_prefetch = 0 : i64, scratch_operands = 0 : i64, tpu.core_type = #tpu.core_type<tc>, window_params = [{transform_indices = @transform_0, window_bounds = array<i64: 2048, 128>}, {pipeline_mode = #tpu.pipeline_mode<synchronous>, transform_indices = @transform_1, window_bounds = array<i64: 64, 64>}, {pipeline_mode = #tpu.pipeline_mode<synchronous>, transform_indices = @transform_2, window_bounds = array<i64: 1, 64>}, {pipeline_mode = #tpu.pipeline_mode<synchronous>, transform_indices = @transform_3, window_bounds = array<i64: 1, 64>}, {pipeline_mode = #tpu.pipeline_mode<synchronous>, transform_indices = @transform_4, window_bounds = array<i64: 1, 64>}, {pipeline_mode = #tpu.pipeline_mode<synchronous>, transform_indices = @transform_5, window_bounds = array<i64: 64, 64>}, {pipeline_mode = #tpu.pipeline_mode<synchronous>, transform_indices = @transform_6, window_bounds = array<i64: 1, 64>}, {pipeline_mode = #tpu.pipeline_mode<synchronous>, transform_indices = @transform_7, window_bounds = array<i64: 1, 64>}, {pipeline_mode = #tpu.pipeline_mode<synchronous>, transform_indices = @transform_8, window_bounds = array<i64: 1, 64>}, {pipeline_mode = #tpu.pipeline_mode<synchronous>, transform_indices = @transform_9, window_bounds = array<i64: 1, 64>}, {pipeline_mode = #tpu.pipeline_mode<synchronous>, transform_indices = @transform_10, window_bounds = array<i64: 64, 64>}, {pipeline_mode = #tpu.pipeline_mode<synchronous>, transform_indices = @transform_11, window_bounds = array<i64: 1, 64>}, {pipeline_mode = #tpu.pipeline_mode<synchronous>, transform_indices = @transform_12, window_bounds = array<i64: 64, 64>}, {transform_indices = @transform_13, window_bounds = array<i64: 2048, 128>}]} {
    %get3A = arith.constant 0 : index
    %get3A_0 = arith.constant 0 : index
    %get3A_1 = vector.load %arg2[%get3A, %get3A_0] : memref<64x64xf32, #tpu.memory_space<vmem>>, vector<64x64xf32>
    %get3A_2 = arith.constant 0 : index
    %get3A_3 = arith.constant 0 : index
    %get3A_4 = vector.load %arg3[%get3A_2, %get3A_3] : memref<1x64xf32, #tpu.memory_space<vmem>>, vector<1x64xf32>
    %get3A_5 = arith.constant 0 : index
    %get3A_6 = arith.constant 0 : index
    %get3A_7 = vector.load %arg4[%get3A_5, %get3A_6] : memref<1x64xf32, #tpu.memory_space<vmem>>, vector<1x64xf32>
    %get3A_8 = arith.constant 0 : index
    %get3A_9 = arith.constant 0 : index
    %get3A_10 = vector.load %arg5[%get3A_8, %get3A_9] : memref<1x64xf32, #tpu.memory_space<vmem>>, vector<1x64xf32>
    %get3A_11 = arith.constant 0 : index
    %get3A_12 = arith.constant 0 : index
    %get3A_13 = vector.load %arg10[%get3A_11, %get3A_12] : memref<1x64xf32, #tpu.memory_space<vmem>>, vector<1x64xf32>
    %get3A_14 = arith.constant 0 : index
    %get3A_15 = arith.constant 0 : index
    %get3A_16 = vector.load %arg11[%get3A_14, %get3A_15] : memref<64x64xf32, #tpu.memory_space<vmem>>, vector<64x64xf32>
    %dot_general3A = arith.constant dense<0.000000e+00> : vector<1x64xf32>
    %dot_general3A_17 = tpu.matmul %get3A_13, %get3A_1, %dot_general3A {dimension_numbers = #tpu.dot_dimension_numbers<[1], [1], [0], [0], [0, 0, 1, 0], [], []>, transpose_lhs_hint = false} : vector<1x64xf32>, vector<64x64xf32>, vector<1x64xf32> -> vector<1x64xf32>
    %mul3A = arith.constant 3.05175781E-5 : f32
    %mul3A_18 = vector.broadcast %mul3A : f32 to vector<1x64xf32>
    %mul3A_19 = arith.mulf %dot_general3A_17, %mul3A_18 : vector<1x64xf32>
    %add3A = arith.addf %mul3A_19, %get3A_4 : vector<1x64xf32>
    %dot_general3A_20 = arith.constant dense<0.000000e+00> : vector<64x64xf32>
    %dot_general3A_21 = tpu.matmul %get3A_1, %get3A_16, %dot_general3A_20 {dimension_numbers = #tpu.dot_dimension_numbers<[1], [0], [0], [1], [0, 0, 1, 1], [], []>, transpose_lhs_hint = false} : vector<64x64xf32>, vector<64x64xf32>, vector<64x64xf32> -> vector<64x64xf32>
    %mul3A_22 = arith.mulf %dot_general3A_21, %get3A_1 : vector<64x64xf32>
    %reduce_sum3A = arith.constant dense<0.000000e+00> : vector<64xf32>
    %reduce_sum3A_23 = vector.multi_reduction <add>, %mul3A_22, %reduce_sum3A [1] : vector<64x64xf32> to vector<64xf32>
    %broadcast_in_dim3A = vector.shape_cast %reduce_sum3A_23 : vector<64xf32> to vector<1x64xf32>
    %mul3A_24 = arith.constant 3.05175781E-5 : f32
    %mul3A_25 = vector.broadcast %mul3A_24 : f32 to vector<1x64xf32>
    %mul3A_26 = arith.mulf %broadcast_in_dim3A, %mul3A_25 : vector<1x64xf32>
    %mul3A_27 = arith.constant 2.000000e+00 : f32
    %mul3A_28 = vector.broadcast %mul3A_27 : f32 to vector<1x64xf32>
    %mul3A_29 = arith.mulf %mul3A_28, %get3A_4 : vector<1x64xf32>
    %mul3A_30 = arith.mulf %mul3A_29, %mul3A_19 : vector<1x64xf32>
    %add3A_31 = arith.addf %mul3A_26, %mul3A_30 : vector<1x64xf32>
    %mul3A_32 = arith.mulf %get3A_4, %get3A_4 : vector<1x64xf32>
    %add3A_33 = arith.addf %add3A_31, %mul3A_32 : vector<1x64xf32>
    %mul3A_34 = arith.mulf %add3A, %add3A : vector<1x64xf32>
    %sub3A = arith.subf %add3A_33, %mul3A_34 : vector<1x64xf32>
    %add3A_35 = arith.constant 9.99999974E-6 : f32
    %add3A_36 = vector.broadcast %add3A_35 : f32 to vector<1x64xf32>
    %add3A_37 = arith.addf %sub3A, %add3A_36 : vector<1x64xf32>
    %rsqrt3A = math.rsqrt %add3A_37 : vector<1x64xf32>
    %mul3A_38 = arith.mulf %get3A_7, %rsqrt3A : vector<1x64xf32>
    %mul3A_39 = arith.mulf %add3A, %mul3A_38 : vector<1x64xf32>
    %sub3A_40 = arith.subf %get3A_10, %mul3A_39 : vector<1x64xf32>
    %get3A_41 = arith.constant 0 : index
    %get3A_42 = arith.constant 0 : index
    %get3A_43 = vector.load %arg6[%get3A_41, %get3A_42] : memref<64x64xf32, #tpu.memory_space<vmem>>, vector<64x64xf32>
    %get3A_44 = arith.constant 0 : index
    %get3A_45 = arith.constant 0 : index
    %get3A_46 = vector.load %arg7[%get3A_44, %get3A_45] : memref<1x64xf32, #tpu.memory_space<vmem>>, vector<1x64xf32>
    %get3A_47 = arith.constant 0 : index
    %get3A_48 = arith.constant 0 : index
    %get3A_49 = vector.load %arg8[%get3A_47, %get3A_48] : memref<1x64xf32, #tpu.memory_space<vmem>>, vector<1x64xf32>
    %get3A_50 = arith.constant 0 : index
    %get3A_51 = arith.constant 0 : index
    %get3A_52 = vector.load %arg9[%get3A_50, %get3A_51] : memref<1x64xf32, #tpu.memory_space<vmem>>, vector<1x64xf32>
    %get3A_53 = arith.constant 0 : index
    %get3A_54 = arith.constant 0 : index
    %get3A_55 = vector.load %arg12[%get3A_53, %get3A_54] : memref<1x64xf32, #tpu.memory_space<vmem>>, vector<1x64xf32>
    %get3A_56 = arith.constant 0 : index
    %get3A_57 = arith.constant 0 : index
    %get3A_58 = vector.load %arg13[%get3A_56, %get3A_57] : memref<64x64xf32, #tpu.memory_space<vmem>>, vector<64x64xf32>
    %dot_general3A_59 = arith.constant dense<0.000000e+00> : vector<1x64xf32>
    %dot_general3A_60 = tpu.matmul %get3A_55, %get3A_43, %dot_general3A_59 {dimension_numbers = #tpu.dot_dimension_numbers<[1], [1], [0], [0], [0, 0, 1, 0], [], []>, transpose_lhs_hint = false} : vector<1x64xf32>, vector<64x64xf32>, vector<1x64xf32> -> vector<1x64xf32>
    %mul3A_61 = arith.constant 3.05175781E-5 : f32
    %mul3A_62 = vector.broadcast %mul3A_61 : f32 to vector<1x64xf32>
    %mul3A_63 = arith.mulf %dot_general3A_60, %mul3A_62 : vector<1x64xf32>
    %add3A_64 = arith.addf %mul3A_63, %get3A_46 : vector<1x64xf32>
    %dot_general3A_65 = arith.constant dense<0.000000e+00> : vector<64x64xf32>
    %dot_general3A_66 = tpu.matmul %get3A_43, %get3A_58, %dot_general3A_65 {dimension_numbers = #tpu.dot_dimension_numbers<[1], [0], [0], [1], [0, 0, 1, 1], [], []>, transpose_lhs_hint = false} : vector<64x64xf32>, vector<64x64xf32>, vector<64x64xf32> -> vector<64x64xf32>
    %mul3A_67 = arith.mulf %dot_general3A_66, %get3A_43 : vector<64x64xf32>
    %reduce_sum3A_68 = arith.constant dense<0.000000e+00> : vector<64xf32>
    %reduce_sum3A_69 = vector.multi_reduction <add>, %mul3A_67, %reduce_sum3A_68 [1] : vector<64x64xf32> to vector<64xf32>
    %broadcast_in_dim3A_70 = vector.shape_cast %reduce_sum3A_69 : vector<64xf32> to vector<1x64xf32>
    %mul3A_71 = arith.constant 3.05175781E-5 : f32
    %mul3A_72 = vector.broadcast %mul3A_71 : f32 to vector<1x64xf32>
    %mul3A_73 = arith.mulf %broadcast_in_dim3A_70, %mul3A_72 : vector<1x64xf32>
    %mul3A_74 = arith.constant 2.000000e+00 : f32
    %mul3A_75 = vector.broadcast %mul3A_74 : f32 to vector<1x64xf32>
    %mul3A_76 = arith.mulf %mul3A_75, %get3A_46 : vector<1x64xf32>
    %mul3A_77 = arith.mulf %mul3A_76, %mul3A_63 : vector<1x64xf32>
    %add3A_78 = arith.addf %mul3A_73, %mul3A_77 : vector<1x64xf32>
    %mul3A_79 = arith.mulf %get3A_46, %get3A_46 : vector<1x64xf32>
    %add3A_80 = arith.addf %add3A_78, %mul3A_79 : vector<1x64xf32>
    %mul3A_81 = arith.mulf %add3A_64, %add3A_64 : vector<1x64xf32>
    %sub3A_82 = arith.subf %add3A_80, %mul3A_81 : vector<1x64xf32>
    %add3A_83 = arith.constant 9.99999974E-6 : f32
    %add3A_84 = vector.broadcast %add3A_83 : f32 to vector<1x64xf32>
    %add3A_85 = arith.addf %sub3A_82, %add3A_84 : vector<1x64xf32>
    %rsqrt3A_86 = math.rsqrt %add3A_85 : vector<1x64xf32>
    %mul3A_87 = arith.mulf %get3A_49, %rsqrt3A_86 : vector<1x64xf32>
    %mul3A_88 = arith.mulf %add3A_64, %mul3A_87 : vector<1x64xf32>
    %sub3A_89 = arith.subf %get3A_52, %mul3A_88 : vector<1x64xf32>
    %get3A_90 = arith.constant 0 : index
    %get3A_91 = arith.constant 0 : index
    %get3A_92 = vector.load %arg1[%get3A_90, %get3A_91] : memref<2048x128xf32, #tpu.memory_space<vmem>>, vector<2048x64xf32>
    %get3A_93 = arith.constant 0 : index
    %get3A_94 = arith.constant 0 : index
    %get3A_95 = vector.load %arg2[%get3A_93, %get3A_94] : memref<64x64xf32, #tpu.memory_space<vmem>>, vector<64x64xf32>
    %dot_general3A_96 = arith.constant dense<0.000000e+00> : vector<2048x64xf32>
    %dot_general3A_97 = tpu.matmul %get3A_92, %get3A_95, %dot_general3A_96 {dimension_numbers = #tpu.dot_dimension_numbers<[1], [1], [0], [0], [0, 0, 1, 0], [], []>, transpose_lhs_hint = false} : vector<2048x64xf32>, vector<64x64xf32>, vector<2048x64xf32> -> vector<2048x64xf32>
    %mul3A_98 = vector.broadcast %mul3A_38 : vector<1x64xf32> to vector<2048x64xf32>
    %mul3A_99 = arith.mulf %dot_general3A_97, %mul3A_98 : vector<2048x64xf32>
    %get3A_100 = arith.constant 0 : index
    %get3A_101 = arith.constant 0 : index
    %get3A_102 = vector.load %arg3[%get3A_100, %get3A_101] : memref<1x64xf32, #tpu.memory_space<vmem>>, vector<1x64xf32>
    %mul3A_103 = arith.mulf %get3A_102, %mul3A_38 : vector<1x64xf32>
    %add3A_104 = arith.addf %mul3A_103, %sub3A_40 : vector<1x64xf32>
    %add3A_105 = vector.broadcast %add3A_104 : vector<1x64xf32> to vector<2048x64xf32>
    %add3A_106 = arith.addf %mul3A_99, %add3A_105 : vector<2048x64xf32>
    %max3A = arith.constant 0.000000e+00 : f32
    %max3A_107 = vector.broadcast %max3A : f32 to vector<2048x64xf32>
    %max3A_108 = arith.maximumf %add3A_106, %max3A_107 : vector<2048x64xf32>
    %get3A_109 = arith.constant 0 : index
    %get3A_110 = arith.constant 0 : index
    %get3A_111 = vector.load %arg6[%get3A_109, %get3A_110] : memref<64x64xf32, #tpu.memory_space<vmem>>, vector<64x64xf32>
    %dot_general3A_112 = arith.constant dense<0.000000e+00> : vector<2048x64xf32>
    %dot_general3A_113 = tpu.matmul %max3A_108, %get3A_111, %dot_general3A_112 {dimension_numbers = #tpu.dot_dimension_numbers<[1], [1], [0], [0], [0, 0, 1, 0], [], []>, transpose_lhs_hint = false} : vector<2048x64xf32>, vector<64x64xf32>, vector<2048x64xf32> -> vector<2048x64xf32>
    %mul3A_114 = vector.broadcast %mul3A_87 : vector<1x64xf32> to vector<2048x64xf32>
    %mul3A_115 = arith.mulf %dot_general3A_113, %mul3A_114 : vector<2048x64xf32>
    %get3A_116 = arith.constant 0 : index
    %get3A_117 = arith.constant 0 : index
    %get3A_118 = vector.load %arg7[%get3A_116, %get3A_117] : memref<1x64xf32, #tpu.memory_space<vmem>>, vector<1x64xf32>
    %mul3A_119 = arith.mulf %get3A_118, %mul3A_87 : vector<1x64xf32>
    %add3A_120 = arith.addf %mul3A_119, %sub3A_89 : vector<1x64xf32>
    %add3A_121 = vector.broadcast %add3A_120 : vector<1x64xf32> to vector<2048x64xf32>
    %add3A_122 = arith.addf %mul3A_115, %add3A_121 : vector<2048x64xf32>
    %max3A_123 = arith.constant 0.000000e+00 : f32
    %max3A_124 = vector.broadcast %max3A_123 : f32 to vector<2048x64xf32>
    %max3A_125 = arith.maximumf %add3A_122, %max3A_124 : vector<2048x64xf32>
    %add3A_126 = arith.addf %get3A_92, %max3A_125 : vector<2048x64xf32>
    %broadcast_in_dim3A_127 = arith.constant 0.000000e+00 : f32
    %broadcast_in_dim3A_128 = vector.broadcast %broadcast_in_dim3A_127 : f32 to vector<2048x64xf32>
    %concatenate3A = tpu.concatenate %add3A_126, %broadcast_in_dim3A_128 in 1 : vector<2048x64xf32>, vector<2048x64xf32> -> vector<2048x128xf32>
    %swap3A = arith.constant 0 : index
    %swap3A_129 = arith.constant 0 : index
    %swap3A_130 = vector.load %arg14[%swap3A, %swap3A_129] : memref<2048x128xf32, #tpu.memory_space<vmem>>, vector<2048x128xf32>
    tpu.vector_store %arg14[%swap3A, %swap3A_129], %concatenate3A {strides = array<i32>} : memref<2048x128xf32, #tpu.memory_space<vmem>>, vector<2048x128xf32>,
    return
  }
  func.func @transform_0(%arg0: i32) -> (i32, i32) {
    %c0_i32 = arith.constant 0 : i32
    %c0_i32_0 = arith.constant 0 : i32
    return %arg0, %c0_i32 : i32, i32
  }
  func.func @transform_1(%arg0: i32) -> (i32, i32) {
    %c0_i32 = arith.constant 0 : i32
    %c0_i32_0 = arith.constant 0 : i32
    %c0_i32_1 = arith.constant 0 : i32
    return %c0_i32, %c0_i32_0 : i32, i32
  }
  func.func @transform_2(%arg0: i32) -> (i32, i32) {
    %c0_i32 = arith.constant 0 : i32
    %c0_i32_0 = arith.constant 0 : i32
    %c0_i32_1 = arith.constant 0 : i32
    return %c0_i32, %c0_i32_0 : i32, i32
  }
  func.func @transform_3(%arg0: i32) -> (i32, i32) {
    %c0_i32 = arith.constant 0 : i32
    %c0_i32_0 = arith.constant 0 : i32
    %c0_i32_1 = arith.constant 0 : i32
    return %c0_i32, %c0_i32_0 : i32, i32
  }
  func.func @transform_4(%arg0: i32) -> (i32, i32) {
    %c0_i32 = arith.constant 0 : i32
    %c0_i32_0 = arith.constant 0 : i32
    %c0_i32_1 = arith.constant 0 : i32
    return %c0_i32, %c0_i32_0 : i32, i32
  }
  func.func @transform_5(%arg0: i32) -> (i32, i32) {
    %c0_i32 = arith.constant 0 : i32
    %c0_i32_0 = arith.constant 0 : i32
    %c0_i32_1 = arith.constant 0 : i32
    return %c0_i32, %c0_i32_0 : i32, i32
  }
  func.func @transform_6(%arg0: i32) -> (i32, i32) {
    %c0_i32 = arith.constant 0 : i32
    %c0_i32_0 = arith.constant 0 : i32
    %c0_i32_1 = arith.constant 0 : i32
    return %c0_i32, %c0_i32_0 : i32, i32
  }
  func.func @transform_7(%arg0: i32) -> (i32, i32) {
    %c0_i32 = arith.constant 0 : i32
    %c0_i32_0 = arith.constant 0 : i32
    %c0_i32_1 = arith.constant 0 : i32
    return %c0_i32, %c0_i32_0 : i32, i32
  }
  func.func @transform_8(%arg0: i32) -> (i32, i32) {
    %c0_i32 = arith.constant 0 : i32
    %c0_i32_0 = arith.constant 0 : i32
    %c0_i32_1 = arith.constant 0 : i32
    return %c0_i32, %c0_i32_0 : i32, i32
  }
  func.func @transform_9(%arg0: i32) -> (i32, i32) {
    %c0_i32 = arith.constant 0 : i32
    %c0_i32_0 = arith.constant 0 : i32
    %c0_i32_1 = arith.constant 0 : i32
    return %c0_i32, %c0_i32_0 : i32, i32
  }
  func.func @transform_10(%arg0: i32) -> (i32, i32) {
    %c0_i32 = arith.constant 0 : i32
    %c0_i32_0 = arith.constant 0 : i32
    %c0_i32_1 = arith.constant 0 : i32
    return %c0_i32, %c0_i32_0 : i32, i32
  }
  func.func @transform_11(%arg0: i32) -> (i32, i32) {
    %c0_i32 = arith.constant 0 : i32
    %c0_i32_0 = arith.constant 0 : i32
    %c0_i32_1 = arith.constant 0 : i32
    return %c0_i32, %c0_i32_0 : i32, i32
  }
  func.func @transform_12(%arg0: i32) -> (i32, i32) {
    %c0_i32 = arith.constant 0 : i32
    %c0_i32_0 = arith.constant 0 : i32
    %c0_i32_1 = arith.constant 0 : i32
    return %c0_i32, %c0_i32_0 : i32, i32
  }
  func.func @transform_13(%arg0: i32) -> (i32, i32) {
    %c0_i32 = arith.constant 0 : i32
    %c0_i32_0 = arith.constant 0 : i32
    return %arg0, %c0_i32 : i32, i32
  }
}

module attributes {stable_mosaic.version = 14 : i64} {
  func.func @_fbn_norm_body(%arg0: i32, %arg1: memref<2048x64xf32, #tpu.memory_space<vmem>>, %arg2: memref<1x64xf32, #tpu.memory_space<vmem>>, %arg3: memref<1x64xf32, #tpu.memory_space<vmem>>, %arg4: memref<1x64xf32, #tpu.memory_space<vmem>>, %arg5: memref<1x64xf32, #tpu.memory_space<vmem>>, %arg6: memref<2048x64xf32, #tpu.memory_space<vmem>>) attributes {dimension_semantics = [#tpu.dimension_semantics<arbitrary>], iteration_bounds = array<i64: 4>, scalar_prefetch = 0 : i64, scratch_operands = 0 : i64, tpu.core_type = #tpu.core_type<tc>, window_params = [{transform_indices = @transform_0, window_bounds = array<i64: 2048, 64>}, {pipeline_mode = #tpu.pipeline_mode<synchronous>, transform_indices = @transform_1, window_bounds = array<i64: 1, 64>}, {pipeline_mode = #tpu.pipeline_mode<synchronous>, transform_indices = @transform_2, window_bounds = array<i64: 1, 64>}, {pipeline_mode = #tpu.pipeline_mode<synchronous>, transform_indices = @transform_3, window_bounds = array<i64: 1, 64>}, {pipeline_mode = #tpu.pipeline_mode<synchronous>, transform_indices = @transform_4, window_bounds = array<i64: 1, 64>}, {transform_indices = @transform_5, window_bounds = array<i64: 2048, 64>}]} {
    %get3A = arith.constant 0 : index
    %get3A_0 = arith.constant 0 : index
    %get3A_1 = vector.load %arg2[%get3A, %get3A_0] : memref<1x64xf32, #tpu.memory_space<vmem>>, vector<1x64xf32>
    %mul3A = arith.constant 1.22070313E-4 : f32
    %mul3A_2 = vector.broadcast %mul3A : f32 to vector<1x64xf32>
    %mul3A_3 = arith.mulf %get3A_1, %mul3A_2 : vector<1x64xf32>
    %get3A_4 = arith.constant 0 : index
    %get3A_5 = arith.constant 0 : index
    %get3A_6 = vector.load %arg3[%get3A_4, %get3A_5] : memref<1x64xf32, #tpu.memory_space<vmem>>, vector<1x64xf32>
    %mul3A_7 = arith.constant 1.22070313E-4 : f32
    %mul3A_8 = vector.broadcast %mul3A_7 : f32 to vector<1x64xf32>
    %mul3A_9 = arith.mulf %get3A_6, %mul3A_8 : vector<1x64xf32>
    %mul3A_10 = arith.mulf %mul3A_3, %mul3A_3 : vector<1x64xf32>
    %sub3A = arith.subf %mul3A_9, %mul3A_10 : vector<1x64xf32>
    %get3A_11 = arith.constant 0 : index
    %get3A_12 = arith.constant 0 : index
    %get3A_13 = vector.load %arg4[%get3A_11, %get3A_12] : memref<1x64xf32, #tpu.memory_space<vmem>>, vector<1x64xf32>
    %add3A = arith.constant 9.99999974E-6 : f32
    %add3A_14 = vector.broadcast %add3A : f32 to vector<1x64xf32>
    %add3A_15 = arith.addf %sub3A, %add3A_14 : vector<1x64xf32>
    %rsqrt3A = math.rsqrt %add3A_15 : vector<1x64xf32>
    %mul3A_16 = arith.mulf %get3A_13, %rsqrt3A : vector<1x64xf32>
    %get3A_17 = arith.constant 0 : index
    %get3A_18 = arith.constant 0 : index
    %get3A_19 = vector.load %arg5[%get3A_17, %get3A_18] : memref<1x64xf32, #tpu.memory_space<vmem>>, vector<1x64xf32>
    %mul3A_20 = arith.mulf %mul3A_3, %mul3A_16 : vector<1x64xf32>
    %sub3A_21 = arith.subf %get3A_19, %mul3A_20 : vector<1x64xf32>
    %get3A_22 = arith.constant 0 : index
    %get3A_23 = arith.constant 0 : index
    %get3A_24 = vector.load %arg1[%get3A_22, %get3A_23] : memref<2048x64xf32, #tpu.memory_space<vmem>>, vector<2048x64xf32>
    %mul3A_25 = vector.broadcast %mul3A_16 : vector<1x64xf32> to vector<2048x64xf32>
    %mul3A_26 = arith.mulf %get3A_24, %mul3A_25 : vector<2048x64xf32>
    %add3A_27 = vector.broadcast %sub3A_21 : vector<1x64xf32> to vector<2048x64xf32>
    %add3A_28 = arith.addf %mul3A_26, %add3A_27 : vector<2048x64xf32>
    %swap3A = arith.constant 0 : index
    %swap3A_29 = arith.constant 0 : index
    %swap3A_30 = vector.load %arg6[%swap3A, %swap3A_29] : memref<2048x64xf32, #tpu.memory_space<vmem>>, vector<2048x64xf32>
    tpu.vector_store %arg6[%swap3A, %swap3A_29], %add3A_28 {strides = array<i32>} : memref<2048x64xf32, #tpu.memory_space<vmem>>, vector<2048x64xf32>,
    return
  }
  func.func @transform_0(%arg0: i32) -> (i32, i32) {
    %c0_i32 = arith.constant 0 : i32
    %c0_i32_0 = arith.constant 0 : i32
    return %arg0, %c0_i32 : i32, i32
  }
  func.func @transform_1(%arg0: i32) -> (i32, i32) {
    %c0_i32 = arith.constant 0 : i32
    %c0_i32_0 = arith.constant 0 : i32
    %c0_i32_1 = arith.constant 0 : i32
    return %c0_i32, %c0_i32_0 : i32, i32
  }
  func.func @transform_2(%arg0: i32) -> (i32, i32) {
    %c0_i32 = arith.constant 0 : i32
    %c0_i32_0 = arith.constant 0 : i32
    %c0_i32_1 = arith.constant 0 : i32
    return %c0_i32, %c0_i32_0 : i32, i32
  }
  func.func @transform_3(%arg0: i32) -> (i32, i32) {
    %c0_i32 = arith.constant 0 : i32
    %c0_i32_0 = arith.constant 0 : i32
    %c0_i32_1 = arith.constant 0 : i32
    return %c0_i32, %c0_i32_0 : i32, i32
  }
  func.func @transform_4(%arg0: i32) -> (i32, i32) {
    %c0_i32 = arith.constant 0 : i32
    %c0_i32_0 = arith.constant 0 : i32
    %c0_i32_1 = arith.constant 0 : i32
    return %c0_i32, %c0_i32_0 : i32, i32
  }
  func.func @transform_5(%arg0: i32) -> (i32, i32) {
    %c0_i32 = arith.constant 0 : i32
    %c0_i32_0 = arith.constant 0 : i32
    return %arg0, %c0_i32 : i32, i32
  }
}

module attributes {stable_mosaic.version = 14 : i64} {
  func.func @_fbn_stats_body(%arg0: i32, %arg1: memref<2048x64xf32, #tpu.memory_space<vmem>>, %arg2: memref<2048x128xf32, #tpu.memory_space<vmem>>, %arg3: memref<2048x64xf32, #tpu.memory_space<vmem>>, %arg4: memref<1x64xf32, #tpu.memory_space<vmem>>, %arg5: memref<1x64xf32, #tpu.memory_space<vmem>>) attributes {dimension_semantics = [#tpu.dimension_semantics<arbitrary>], iteration_bounds = array<i64: 4>, scalar_prefetch = 0 : i64, scratch_operands = 0 : i64, tpu.core_type = #tpu.core_type<tc>, window_params = [{transform_indices = @transform_0, window_bounds = array<i64: 2048, 64>}, {transform_indices = @transform_1, window_bounds = array<i64: 2048, 128>}, {transform_indices = @transform_2, window_bounds = array<i64: 2048, 64>}, {pipeline_mode = #tpu.pipeline_mode<synchronous>, transform_indices = @transform_3, window_bounds = array<i64: 1, 64>}, {pipeline_mode = #tpu.pipeline_mode<synchronous>, transform_indices = @transform_4, window_bounds = array<i64: 1, 64>}]} {
    %get3A = arith.constant 0 : index
    %get3A_0 = arith.constant 0 : index
    %get3A_1 = vector.load %arg1[%get3A, %get3A_0] : memref<2048x64xf32, #tpu.memory_space<vmem>>, vector<2048x64xf32>
    %get3A_2 = arith.constant 0 : index
    %get3A_3 = arith.constant 0 : index
    %get3A_4 = vector.load %arg2[%get3A_2, %get3A_3] : memref<2048x128xf32, #tpu.memory_space<vmem>>, vector<2048x64xf32>
    %add3A = arith.addf %get3A_1, %get3A_4 : vector<2048x64xf32>
    %swap3A = arith.constant 0 : index
    %swap3A_5 = arith.constant 0 : index
    %swap3A_6 = vector.load %arg3[%swap3A, %swap3A_5] : memref<2048x64xf32, #tpu.memory_space<vmem>>, vector<2048x64xf32>
    tpu.vector_store %arg3[%swap3A, %swap3A_5], %add3A {strides = array<i32>} : memref<2048x64xf32, #tpu.memory_space<vmem>>, vector<2048x64xf32>,
    %eq3A = arith.constant 0 : i32
    %eq3A_7 = arith.cmpi eq, %arg0, %eq3A : i32
    %convert_element_type3A = arith.extui %eq3A_7 : i1 to i32
    %cond3A = arith.constant 0 : i32
    %cond3A_8 = arith.cmpi ne, %convert_element_type3A, %cond3A : i32
    scf.if %cond3A_8 {
      %broadcast_in_dim3A_27 = arith.constant 0.000000e+00 : f32
      %broadcast_in_dim3A_28 = vector.broadcast %broadcast_in_dim3A_27 : f32 to vector<1x64xf32>
      %swap3A_29 = arith.constant 0 : index
      %swap3A_30 = arith.constant 0 : index
      %swap3A_31 = vector.load %arg4[%swap3A_29, %swap3A_30] : memref<1x64xf32, #tpu.memory_space<vmem>>, vector<1x64xf32>
      tpu.vector_store %arg4[%swap3A_29, %swap3A_30], %broadcast_in_dim3A_28 {strides = array<i32>} : memref<1x64xf32, #tpu.memory_space<vmem>>, vector<1x64xf32>,
      %broadcast_in_dim3A_32 = arith.constant 0.000000e+00 : f32
      %broadcast_in_dim3A_33 = vector.broadcast %broadcast_in_dim3A_32 : f32 to vector<1x64xf32>
      %swap3A_34 = arith.constant 0 : index
      %swap3A_35 = arith.constant 0 : index
      %swap3A_36 = vector.load %arg5[%swap3A_34, %swap3A_35] : memref<1x64xf32, #tpu.memory_space<vmem>>, vector<1x64xf32>
      tpu.vector_store %arg5[%swap3A_34, %swap3A_35], %broadcast_in_dim3A_33 {strides = array<i32>} : memref<1x64xf32, #tpu.memory_space<vmem>>, vector<1x64xf32>,
    } else {
    }
    %get3A_9 = arith.constant 0 : index
    %get3A_10 = arith.constant 0 : index
    %get3A_11 = vector.load %arg4[%get3A_9, %get3A_10] : memref<1x64xf32, #tpu.memory_space<vmem>>, vector<1x64xf32>
    %reduce_sum3A = arith.constant dense<0.000000e+00> : vector<64xf32>
    %reduce_sum3A_12 = vector.multi_reduction <add>, %add3A, %reduce_sum3A [0] : vector<2048x64xf32> to vector<64xf32>
    %broadcast_in_dim3A = vector.shape_cast %reduce_sum3A_12 : vector<64xf32> to vector<1x64xf32>
    %add3A_13 = arith.addf %get3A_11, %broadcast_in_dim3A : vector<1x64xf32>
    %swap3A_14 = arith.constant 0 : index
    %swap3A_15 = arith.constant 0 : index
    %swap3A_16 = vector.load %arg4[%swap3A_14, %swap3A_15] : memref<1x64xf32, #tpu.memory_space<vmem>>, vector<1x64xf32>
    tpu.vector_store %arg4[%swap3A_14, %swap3A_15], %add3A_13 {strides = array<i32>} : memref<1x64xf32, #tpu.memory_space<vmem>>, vector<1x64xf32>,
    %get3A_17 = arith.constant 0 : index
    %get3A_18 = arith.constant 0 : index
    %get3A_19 = vector.load %arg5[%get3A_17, %get3A_18] : memref<1x64xf32, #tpu.memory_space<vmem>>, vector<1x64xf32>
    %mul3A = arith.mulf %add3A, %add3A : vector<2048x64xf32>
    %reduce_sum3A_20 = arith.constant dense<0.000000e+00> : vector<64xf32>
    %reduce_sum3A_21 = vector.multi_reduction <add>, %mul3A, %reduce_sum3A_20 [0] : vector<2048x64xf32> to vector<64xf32>
    %broadcast_in_dim3A_22 = vector.shape_cast %reduce_sum3A_21 : vector<64xf32> to vector<1x64xf32>
    %add3A_23 = arith.addf %get3A_19, %broadcast_in_dim3A_22 : vector<1x64xf32>
    %swap3A_24 = arith.constant 0 : index
    %swap3A_25 = arith.constant 0 : index
    %swap3A_26 = vector.load %arg5[%swap3A_24, %swap3A_25] : memref<1x64xf32, #tpu.memory_space<vmem>>, vector<1x64xf32>
    tpu.vector_store %arg5[%swap3A_24, %swap3A_25], %add3A_23 {strides = array<i32>} : memref<1x64xf32, #tpu.memory_space<vmem>>, vector<1x64xf32>,
    return
  }
  func.func @transform_0(%arg0: i32) -> (i32, i32) {
    %c0_i32 = arith.constant 0 : i32
    %c0_i32_0 = arith.constant 0 : i32
    return %arg0, %c0_i32 : i32, i32
  }
  func.func @transform_1(%arg0: i32) -> (i32, i32) {
    %c0_i32 = arith.constant 0 : i32
    %c0_i32_0 = arith.constant 0 : i32
    return %arg0, %c0_i32 : i32, i32
  }
  func.func @transform_2(%arg0: i32) -> (i32, i32) {
    %c0_i32 = arith.constant 0 : i32
    %c0_i32_0 = arith.constant 0 : i32
    return %arg0, %c0_i32 : i32, i32
  }
  func.func @transform_3(%arg0: i32) -> (i32, i32) {
    %c0_i32 = arith.constant 0 : i32
    %c0_i32_0 = arith.constant 0 : i32
    %c0_i32_1 = arith.constant 0 : i32
    return %c0_i32, %c0_i32_0 : i32, i32
  }
  func.func @transform_4(%arg0: i32) -> (i32, i32) {
    %c0_i32 = arith.constant 0 : i32
    %c0_i32_0 = arith.constant 0 : i32
    %c0_i32_1 = arith.constant 0 : i32
    return %c0_i32, %c0_i32_0 : i32, i32
  }
}

</mosaic_0001>

<sc_bundles>
// kernel: kernel.11.cloned.1.call-start
scs
__scs_entry_jumppad:
0x0: {  	(pc) =	sbr.rel $0x88, $3  }
0x1: {  	(tag) =	ssettag $0x0;
	lr =	simm.s32 $0x1  }
0x2: {  	[smem:$0x3F93] =	sst lr;
	_ =	strace $0xD0000000  }
0x3: {  	_ = 	snop  }
0x4: {  	_ = 	snop  }
0x5: {  	_ = 	snop  }
0x6: {  	_ = 	snop  }
0x7: {  	_ = 	snop  }
__scs_overlays_trampoline_lowered:
0x8: {  	[smem:$0x3FA2] =	sst s0  }
0x9: {  	[smem:$0x3FA3] =	sst s1  }
0xa: {  	[smem:$0x3FA4] =	sst s2  }
0xb: {  	[smem:$0x3FA5] =	sst s3  }
0xc: {  	[smem:$0x3FA6] =	sst s4  }
0xd: {  	[smem:$0x3FA7] =	sst s5  }
0xe: {  	[smem:$0x3FA8] =	sst s6  }
0xf: {  	[smem:$0x3FA9] =	sst s7  }
0x10: {  	[smem:$0x3FAA] =	sst s8  }
0x11: {  	[smem:$0x3FAB] =	sst s9;
	s0 =	simm.s32 @!p0 $0x0  }
0x12: {  	s1 =	sld [smem:$0x3F91];
	s0 =	simm.s32 @p0 $0x1  }
0x13: {  	[smem:$0x3FAC] =	sst s0;
	s0 =	simm.s32 @!p1 $0x0  }
0x14: {  	s2 =	sld [smem:$0x3F90];
	s0 =	simm.s32 @p1 $0x1  }
0x15: {  	[smem:$0x3FAD] =	sst s0;
	s0 =	simm.s32 @!p2 $0x0  }
0x16: {  	s3 =	sld [smem:$0x3FDB];
	s0 =	simm.s32 @p2 $0x1  }
0x17: {  	s4 =	simm.s32 $0x1BF5;
	[smem:$0x3FAF] =	sst s0  }
0x18: {  	s0 =	sld [smem:$0x3F92];
	_ =	swait.ge [sflag:s4], $0x0  }
0x19: {  	s7 =	sld [smem:$0x3F93]  }
0x1a: {  	s8 =	sadd.s32 $0xFFFFE003, lr  }
0x1b: {  	s9 =	sadd.s32 $0xFFFFFEF7, lr;
	s5 =	simm.s32 $0xFFFFFFFF;
	p2 =	slt.u32 s8, $0xFFFFF086  }
0x1c: {  	p1 =	slt.u32 s9, $0xF7A;
	s5 =	simm.s32 @!p2 $0x0  }
0x1d: {  	s5 =	simm.s32 @p1 $0x1;
	p0 =	seq.s32 s7, s2  }
0x1e: {  	s7 =	smul.u32 @!p0 $0xF7A, s2;
	p2 =	seq.s32 @!p0 s5, $0x0  }
0x1f: {  	s9 =	smul.u32 $0xF7A, s1;
	s8 =	simm.s32 @!p0 $0x1BF5;
	p2 =	por !p2, p0  }
0x20: {  	[sflag:s8] =	ssyncset.s32 @!p0 $0xFFFFF086;
	s6 =	sadd.s32 @!p0 s3, s7;
	s7 =	simm.s32 @!p0 $0x108  }
0x21: {  	s3 =	sadd.s32 s3, s9;
	s6 =	sadd.s32 @!p0 $0x88, s6;
	s7 =	simm.s32 @p2 $0x1082  }
0x22: {  	[simem:s7], [sflag:s8] =	dma.local @!p0 [hbm:s6], $0xF7A  }
0x23: {  	s9 =	sor.u32 $0xD0000000, s2;
	s6 =	simm.s32 $0x108;
	_ =	swait.ge @!p0 [sflag:s8], $0x0  }
0x24: {  	s3 =	sadd.s32 $0x88, s3;
	s6 =	simm.s32 @!p1 $0x1082;
	[sflag:s4] =	ssyncset.s32 $0xFFFFF086  }
0x25: {  	[simem:s6], [sflag:s4] =	dma.local [hbm:s3], $0xF7A  }
0x26: {  	[smem:$0x3F93] =	sst s1;
	(tag) =	ssettag s2;
	_ =	strace s9  }
0x27: {  	s1 =	sld [smem:$0x3FA3]  }
0x28: {  	s2 =	sld [smem:$0x3FA4]  }
0x29: {  	s4 =	sld [smem:$0x3FA6]  }
0x2a: {  	p0 =	seq.s32 s5, $0x0;
	s5 =	sld [smem:$0x3FA7]  }
0x2b: {  	s6 =	sld [smem:$0x3FA8]  }
0x2c: {  	s7 =	sld [smem:$0x3FA9]  }
0x2d: {  	s3 =	simm.s32 $0x108;
	s8 =	sld [smem:$0x3FAA]  }
0x2e: {  	s3 =	simm.s32 @!p0 $0x1082;
	s9 =	sld [smem:$0x3FAB]  }
0x2f: {  	lr =	sadd.s32 s0, s3;
	s0 =	sld [smem:$0x3FA2]  }
0x30: {  	s3 =	sld [smem:$0x3FA5]  }
0x31: {  	[smem:$0x3FAE] =	sst s10  }
0x32: {  	s10 =	sld [smem:$0x3FAC];
	_ =	sdelay $0x3  }
0x33: {  	p0 =	seq.s32 s10, $0x1;
	s10 =	sld [smem:$0x3FAE];
	_ =	sdelay $0x3  }
0x34: {  	[smem:$0x3FAE] =	sst s10  }
0x35: {  	s10 =	sld [smem:$0x3FAD];
	_ =	sdelay $0x3  }
0x36: {  	p1 =	seq.s32 s10, $0x1;
	s10 =	sld [smem:$0x3FAE];
	_ =	sdelay $0x3  }
0x37: {  	[smem:$0x3FAE] =	sst s10  }
0x38: {  	s10 =	sld [smem:$0x3FAF]  }
0x39: {  	_ = 	snop;
	(pc) =	sbr.ind lr, $3  }
0x3a: {  	_ = 	snop  }
0x3b: {  	_ = 	snop  }
0x3c: {  	p2 =	seq.s32 s10, $0x1;
	s10 =	sld [smem:$0x3FAE]  }
0x3d: {  	_ =	shalt  }
0x3e: {  	_ =	shalt  }
0x3f: {  	_ =	shalt  }
0x40: {  	_ =	shalt  }
0x41: {  	_ =	shalt  }
0x42: {  	_ =	shalt  }
0x43: {  	_ =	shalt  }
0x44: {  	_ =	shalt  }
0x45: {  	_ =	shalt  }
0x46: {  	_ =	shalt  }
0x47: {  	_ =	shalt  }
0x48: {  	_ =	shalt  }
0x49: {  	_ =	shalt  }
0x4a: {  	_ =	shalt  }
0x4b: {  	_ =	shalt  }
0x4c: {  	_ =	shalt  }
0x4d: {  	_ =	shalt  }
0x4e: {  	_ =	shalt  }
0x4f: {  	_ =	shalt  }
0x50: {  	_ =	shalt  }
0x51: {  	_ =	shalt  }
0x52: {  	_ =	shalt  }
0x53: {  	_ =	shalt  }
0x54: {  	_ =	shalt  }
0x55: {  	_ =	shalt  }
0x56: {  	_ =	shalt  }
0x57: {  	_ =	shalt  }
0x58: {  	_ =	shalt  }
0x59: {  	_ =	shalt  }
0x5a: {  	_ =	shalt  }
0x5b: {  	_ =	shalt  }
0x5c: {  	_ =	shalt  }
0x5d: {  	_ =	shalt  }
0x5e: {  	_ =	shalt  }
0x5f: {  	_ =	shalt  }
0x60: {  	_ =	shalt  }
0x61: {  	_ =	shalt  }
0x62: {  	_ =	shalt  }
0x63: {  	_ =	shalt  }
0x64: {  	_ =	shalt  }
0x65: {  	_ =	shalt  }
0x66: {  	_ =	shalt  }
0x67: {  	_ =	shalt  }
0x68: {  	_ =	shalt  }
0x69: {  	_ =	shalt  }
0x6a: {  	_ =	shalt  }
0x6b: {  	_ =	shalt  }
0x6c: {  	_ =	shalt  }
0x6d: {  	_ =	shalt  }
0x6e: {  	_ =	shalt  }
0x6f: {  	_ =	shalt  }
0x70: {  	_ =	shalt  }
0x71: {  	_ =	shalt  }
0x72: {  	_ =	shalt  }
0x73: {  	_ =	shalt  }
0x74: {  	_ =	shalt  }
0x75: {  	_ =	shalt  }
0x76: {  	_ =	shalt  }
0x77: {  	_ =	shalt  }
0x78: {  	_ =	shalt  }
0x79: {  	_ =	shalt  }
0x7a: {  	_ =	shalt  }
0x7b: {  	_ =	shalt  }
0x7c: {  	_ =	shalt  }
0x7d: {  	_ =	shalt  }
0x7e: {  	_ =	shalt  }
0x7f: {  	_ =	shalt  }
0x80: {  	_ =	shalt  }
0x81: {  	_ =	shalt  }
0x82: {  	_ =	shalt  }
0x83: {  	_ =	shalt  }
0x84: {  	_ =	shalt  }
0x85: {  	_ =	shalt  }
0x86: {  	_ =	shalt  }
0x87: {  	_ =	shalt  }
.Lfunc_end0:
.L_simem_size_0:
called_computation_lowered:
.L_overlay_start_0:
0x88: {  	s2 =	sld [smem:$0x3FD9]  }
0x89: {  	s3 =	sld [smem:$0x3FFE];
	_ =	sdelay $0x1  }
0x8a: {  	s1 =	srdreg.scid  }
0x8b: {  	s0 =	sand.u32 $0x1, s1  }
0x8c: {  	s17 =	sshll.u32 s0, $0xA;
	s2 =	sadd.s32 s3, s2  }
0x8d: {  	s2 =	sadd.s32 s2, s17  }
0x8e: {  	[smem:$0x3FBA] =	sst s2  }
0x8f: {  	_ = 	snop  }
0x90: {  	(tm) =	ssettm $0x1  }
0x91: {  	s18 =	sld [smem:$0x3FFB];
	_ =	sdelay $0x3  }
0x92: {  	_ =	strace s18  }
0x93: {  	s2 =	sld [smem:$0x3FFC];
	_ =	sdelay $0x3  }
0x94: {  	_ =	strace s2  }
0x95: {  	s2 =	sld [smem:$0x3FFD];
	_ =	sdelay $0x3  }
0x96: {  	_ =	strace s2  }
0x97: {  	_ =	strace $0x8FFFFFFF  }
0x98: {  	s19 =	sld [smem:$0x3FDB];
	_ =	sdelay $0x1  }
0x99: {  	s20 =	simm.s32 $_scs_section_size  }
0x9a: {  	s4 =	simm.s32 $_size__tile_overlayer_lowered;
	s5 =	simm.s32 $_tile_overlayer_lowered  }
0x9b: {  	s6 =	simm.s32 $0x1BFF;
	s21 =	sshll.u32 s5, $0x1;
	s3 =	sadd.s32 s20, s19  }
0x9c: {  	s22 =	simm.s32 $0x0;
	s4 =	sshll.u32 s4, $0x1;
	s5 =	sadd.s32 s21, s3  }
0x9d: {  	[timem:s22], [sflag:s6] =	dma.local [hbm:s5], s4  }
0x9e: {  	_ =	swait.ge [sflag:s6], s4  }
0x9f: {  	s4 =	ssub.s32 $0x0, s4;
	[sflag:s6] =	ssyncset.done $0x0  }
0xa0: {  	[sflag:s6] =	ssyncadd.s32 s4;
	_ =	sdelay $0x1  }
0xa1: {  	s23 =	simm.s32 $0x1B8B  }
0xa2: {  	_ =	swait.ge [sflag:s23], $0x1  }
0xa3: {  	[sflag:s23] =	ssyncset.done $0x0  }
0xa4: {  	[sflag:s23] =	ssyncadd.s32 $0xFFFFFFFF  }
0xa5: {  	s4 =	sld [smem:$0x0]  }
0xa6: {  	s5 =	sand.u32 $0xFFFFFFFE, s1  }
0xa7: {  	p0 =	sne.s32 s1, s5  }
0xa8: {  	s5 =	sshll.u32 @p0 s5, $0xE  }
0xa9: {  	s5 =	sadd.s32 @p0 $0x11B8D, s5;
	s6 =	sshll.u32 @p0 s4, $0x11  }
0xaa: {  	s5 =	sor.u32 @p0 s6, s5  }
0xab: {  	[sflag:s5] =	ssyncadd.remote.s32 @p0 $0x1;
	_ =	sdelay $0x1  }
0xac: {  	s5 =	simm.s32 @p0 $0x1B8D  }
0xad: {  	_ =	swait.eq @p0 [sflag:s5], $0x1  }
0xae: {  	[sflag:s5] =	ssyncadd.s32 @p0 $0xFFFFFFFF  }
0xaf: {  	s6 =	sshll.u32 @!p0 s1, $0xE  }
0xb0: {  	s6 =	sor.u32 @!p0 $0x4000, s6;
	s5 =	simm.s32 @!p0 $0x1B8D  }
0xb1: {  	s4 =	sshll.u32 @!p0 s4, $0x11;
	s6 =	sadd.s32 @!p0 $0x11B8D, s6;
	_ =	swait.eq @!p0 [sflag:s5], $0x1  }
0xb2: {  	s4 =	sor.u32 @!p0 s4, s6;
	[sflag:s5] =	ssyncadd.s32 @!p0 $0xFFFFFFFF  }
0xb3: {  	s25 =	simm.s32 $0x1B8E;
	s24 =	sld [smem:$0x3FFE];
	[sflag:s4] =	ssyncadd.remote.s32 @!p0 $0x1  }
0xb4: {  	s26 =	simm.s32 $execute0_lowered;
	[smem:$0x3FD2] =	sst s25  }
0xb5: {  	s5 =	sshll.u32 s26, $0x1;
	_ =	strace $0x80000049;
	[dreg:$0x1] =	wrdreg $0xFFFFFFFF  }
0xb6: {  	s28 =	simm.s32 $_size_execute0_lowered;
	s3 =	sadd.s32 s3, s5;
	[dreg:$0x0] =	wrdreg $0x0  }
0xb7: {  	s5 =	sshll.u32 s28, $0x1;
	[dreg:$0x2] =	wrdreg s3  }
0xb8: {  	[dreg:$0x3] =	wrdreg s5  }
0xb9: {  	[dreg:$0x4] =	wrdreg $0xC0  }
0xba: {  	_ =	task [dreg:s22], $0x5FFFF  }
0xbb: {  	[dreg:$0x1] =	wrdreg $0xFFFFFFFF  }
0xbc: {  	[dreg:$0x0] =	wrdreg $0x60  }
0xbd: {  	[dreg:$0x2] =	wrdreg s24  }
0xbe: {  	[dreg:$0x3] =	wrdreg $0x9  }
0xbf: {  	_ =	task.clear_ibuf [dreg:s22], $0x4FFFF;
	_ =	strace $0x90000049  }
0xc0: {  	s29 =	simm.s32 $0x9;
	_ =	strace $0x8000004B  }
0xc1: {  	_ =	swait.ge [sflag:s29], $0x1  }
0xc2: {  	[sflag:s29] =	ssyncadd.s32 $0xFFFFFFFF  }
0xc3: {  	_ =	strace $0x9000004B  }
0xc4: {  	_ =	sfence  }
0xc5: {  	s30 =	sld [smem:$0x0];
	_ =	sdelay $0x2  }
0xc6: {  	s31 =	sshll.u32 s1, $0xD;
	s1 =	sshrl.u32 s1, $0x2  }
0xc7: {  	s4 =	sand.u32 $0x4000, s31;
	s1 =	sadd.s32 s1, s30  }
0xc8: {  	s0 =	sor.u32 s4, s0;
	s1 =	sshll.u32 s1, $0x11  }
0xc9: {  	s0 =	sor.u32 s1, s0  }
0xca: {  	s0 =	sadd.s32 $0x8F2B, s0  }
0xcb: {  	[sflag:s0] =	ssyncadd.remote.s32 $0x1  }
0xcc: {  	_ =	sfence.sel $0xFFFF  }
0xcd: {  	[dreg:$0x0] =	wrdreg $0xFFFFFFFF;
	(pc) =	sbr.abs _section_cstart, $3  }
0xce: {  	[dreg:$0x1] =	wrdreg $0xFFFFFFFF  }
0xcf: {  	_ =	task.clear_ibuf [dreg:s22], $0x2FFFF;
	_ =	strace $0x9FFFFFFF  }
0xd0: {  	(tm) =	ssettm $0x7FFFFFFF  }
0xd1: {  	_ =	shalt  }
tec
execute0_lowered:
.L_overlay_start_1:
0x0: {  	(tag) =	ssettag $0x1  }
0x1: {  	s1 =	srdreg.scid  }
0x2: {  	s0 =	stileid.u32;
	s6 =	sand.u32 $0x1, s1  }
0x3: {  	s8 =	rddreg [dreg:$0x0];
	s30 =	sshll.u32 s0, $0x9;
	s2 =	sshll.u32 s6, $0x8  }
0x4: {  	s7 =	simm.s32 $0x1;
	s1 =	rddreg [dreg:$0x1];
	s9 =	sor.u32 s2, s30  }
0x5: {  	s5 =	sadd.s32 $0x3400, s8;
	s2 =	simm.s32 $0x0;
	s3 =	sshrl.u32 s9, $0x3  }
0x6: {  	s10 =	ssub.s32 $0x2, s6;
	[smem:$0x7FF] =	sst s2;
	s3 =	sadd.s32 s3, s8  }
0x7: {  	_ =	strace $0x8000004A;
	s4 =	sadd.s32 $0x83400, s3;
	s3 =	simm.s32 $0x2  }
0x8: {  	[tilespmem:s2], [sflag:$0x2] =	stream.linear.gather [hbm4b:s4+s2], $0x100, $0x38;
	[tilespmem:$0x8100] =	vst v63  }
0x9: {  	s6 =	simm.s32 $0x100;
	s11 =	sshrl.u32 s10, $0x1;
	_ =	swait.ge [sflag:s3], $0x100  }
0xa: {  	s9 =	sshll.u32 s9, $0x4;
	s31 =	ssub.s32 s10, s11;
	[sflag:s3] =	ssyncset.done $0x0  }
0xb: {  	s8 =	sadd.s32 s9, s8;
	s9 =	smax.u32 s31, $0x1;
	[sflag:s3] =	ssyncadd.s32 $0xFFFFFF00  }
0xc: {  	[tilespmem:s6], [sflag:$0x1] =	stream.indirect.gather [hbm4b:s5+s6], $0x80, s2, s6, $0xb8;
	[tilespmem:$0x8100] =	vst v63  }
0xd: {  	p0 =	sne.s32 s9, $0x1;
	_ =	swait.ge [sflag:s7], $0x8000  }
.Ltmp0:
0xe: {  	[sflag:s7] =	ssyncset.done $0x0;
	(pc) =	sbr.rel @!p0 .LBB2_2-.Ltmp0, $4  }
0xf: {  	s8 =	sadd.s32 $0x10B800, s8;
	[sflag:s7] =	ssyncadd.s32 $0xFFFF8000  }
0x10: {  	[hbm4b:s8+s2] =	stream.linear.scatter [tilespmem:s6], [sflag:$0x2], $0x8000, $0x38;
	[tilespmem:$0x8100] =	vst v63  }
0x11: {  	_ =	swait.ge [sflag:s3], $0x8000  }
0x12: {  	s9 =	sadd.s32 $0xFFFFFFFF, s9;
	[sflag:s3] =	ssyncset.done $0x0  }
.LBB2_1:
0x13: {  	p0 =	sne.s32 s9, $0x1;
	s9 =	sadd.s32 $0xFFFFFFFF, s9;
	[sflag:s3] =	ssyncadd.s32 $0xFFFF8000  }
0x14: {  	[tilespmem:s2], [sflag:$0x2] =	stream.linear.gather [hbm4b:s4+s2], $0x100, $0x38;
	[tilespmem:$0x8100] =	vst v63  }
0x15: {  	_ =	swait.ge [sflag:s3], $0x100  }
0x16: {  	[sflag:s3] =	ssyncset.done $0x0  }
0x17: {  	[sflag:s3] =	ssyncadd.s32 $0xFFFFFF00  }
0x18: {  	[tilespmem:s6], [sflag:$0x1] =	stream.indirect.gather [hbm4b:s5+s6], $0x80, s2, s6, $0xb8;
	[tilespmem:$0x8100] =	vst v63  }
0x19: {  	_ =	swait.ge [sflag:s7], $0x8000  }
.Ltmp1:
0x1a: {  	[sflag:s7] =	ssyncset.done $0x0;
	(pc) =	sbr.rel @p0 .LBB2_1-.Ltmp1, $4  }
0x1b: {  	[sflag:s7] =	ssyncadd.s32 $0xFFFF8000  }
0x1c: {  	[hbm4b:s8+s2] =	stream.linear.scatter [tilespmem:s6], [sflag:$0x2], $0x8000, $0x38;
	[tilespmem:$0x8100] =	vst v63  }
0x1d: {  	_ =	swait.ge [sflag:s3], $0x8000  }
0x1e: {  	[sflag:s3] =	ssyncset.done $0x0  }
.LBB2_2:
0x1f: {  	[sflag:s3] =	ssyncadd.s32 $0xFFFF8000  }
0x20: {  	_ =	sfence.sel $0x180000  }
0x21: {  	[bflag:$0x0] =	sbarrier.arrive $0xFFFF  }
0x22: {  	p0 =	sne.s32 s0, $0x0;
	_ =	strace $0x9000004A  }
0x23: {  	s0 =	sadd.s32 @!p0 $0x100000, s1;
	[bflag:$0x2] =	sbarrier.arrive $0xFFFF  }
0x24: {  	[sflag:s0] =	ssyncadd.tile.s32 @!p0 $0x1;
	_ =	shalt  }
.Lfunc_end2:
_tile_overlayer_lowered:
.L_overlay_start_2:
0x25: {  	(tag) =	ssettag $0x2  }
0x26: {  	s0 =	rddreg [dreg:$0x0];
	s2 =	stileid.u32  }
0x27: {  	s1 =	rddreg [dreg:$0x1];
	p0 =	sne.s32 s2, $0x0  }
0x28: {  	s3 =	rddreg [dreg:$0x2];
	[bflag:$0x3] =	sbarrier.arrive $0xFFFF;
	s2 =	simm.s32 @!p0 $0x1C02  }
0x29: {  	[timem:s3], [sflag:s2] =	dma.local @!p0 [hbm:s0], s1  }
0x2a: {  	s0 =	simm.s32 @!p0 $0x2  }
0x2b: {  	_ =	swait.ge @!p0 [sflag:s0], s1  }
0x2c: {  	s1 =	ssub.s32 @!p0 $0x0, s1;
	[sflag:s0] =	ssyncset.done @!p0 $0x0  }
0x2d: {  	[sflag:s0] =	ssyncadd.s32 @!p0 s1  }
0x2e: {  	[bflag:$0x3] =	sbarrier.arrive $0xFFFF  }
0x2f: {  	_ =	shalt  }

// kernel: kernel.14.cloned.1.call-start
scs
__scs_entry_jumppad:
0x0: {  	(pc) =	sbr.rel $0x88, $3  }
0x1: {  	(tag) =	ssettag $0x0;
	lr =	simm.s32 $0x1  }
0x2: {  	[smem:$0x3F93] =	sst lr;
	_ =	strace $0xD0000000  }
0x3: {  	_ = 	snop  }
0x4: {  	_ = 	snop  }
0x5: {  	_ = 	snop  }
0x6: {  	_ = 	snop  }
0x7: {  	_ = 	snop  }
__scs_overlays_trampoline_lowered:
0x8: {  	[smem:$0x3FA2] =	sst s0  }
0x9: {  	[smem:$0x3FA3] =	sst s1  }
0xa: {  	[smem:$0x3FA4] =	sst s2  }
0xb: {  	[smem:$0x3FA5] =	sst s3  }
0xc: {  	[smem:$0x3FA6] =	sst s4  }
0xd: {  	[smem:$0x3FA7] =	sst s5  }
0xe: {  	[smem:$0x3FA8] =	sst s6  }
0xf: {  	[smem:$0x3FA9] =	sst s7  }
0x10: {  	[smem:$0x3FAA] =	sst s8  }
0x11: {  	[smem:$0x3FAB] =	sst s9;
	s0 =	simm.s32 @!p0 $0x0  }
0x12: {  	s1 =	sld [smem:$0x3F91];
	s0 =	simm.s32 @p0 $0x1  }
0x13: {  	[smem:$0x3FAC] =	sst s0;
	s0 =	simm.s32 @!p1 $0x0  }
0x14: {  	s2 =	sld [smem:$0x3F90];
	s0 =	simm.s32 @p1 $0x1  }
0x15: {  	[smem:$0x3FAD] =	sst s0;
	s0 =	simm.s32 @!p2 $0x0  }
0x16: {  	s3 =	sld [smem:$0x3FDB];
	s0 =	simm.s32 @p2 $0x1  }
0x17: {  	s4 =	simm.s32 $0x1BF5;
	[smem:$0x3FAF] =	sst s0  }
0x18: {  	s0 =	sld [smem:$0x3F92];
	_ =	swait.ge [sflag:s4], $0x0  }
0x19: {  	s7 =	sld [smem:$0x3F93]  }
0x1a: {  	s8 =	sadd.s32 $0xFFFFE003, lr  }
0x1b: {  	s9 =	sadd.s32 $0xFFFFFEF7, lr;
	s5 =	simm.s32 $0xFFFFFFFF;
	p2 =	slt.u32 s8, $0xFFFFF086  }
0x1c: {  	p1 =	slt.u32 s9, $0xF7A;
	s5 =	simm.s32 @!p2 $0x0  }
0x1d: {  	s5 =	simm.s32 @p1 $0x1;
	p0 =	seq.s32 s7, s2  }
0x1e: {  	s7 =	smul.u32 @!p0 $0xF7A, s2;
	p2 =	seq.s32 @!p0 s5, $0x0  }
0x1f: {  	s9 =	smul.u32 $0xF7A, s1;
	s8 =	simm.s32 @!p0 $0x1BF5;
	p2 =	por !p2, p0  }
0x20: {  	[sflag:s8] =	ssyncset.s32 @!p0 $0xFFFFF086;
	s6 =	sadd.s32 @!p0 s3, s7;
	s7 =	simm.s32 @!p0 $0x108  }
0x21: {  	s3 =	sadd.s32 s3, s9;
	s6 =	sadd.s32 @!p0 $0x88, s6;
	s7 =	simm.s32 @p2 $0x1082  }
0x22: {  	[simem:s7], [sflag:s8] =	dma.local @!p0 [hbm:s6], $0xF7A  }
0x23: {  	s9 =	sor.u32 $0xD0000000, s2;
	s6 =	simm.s32 $0x108;
	_ =	swait.ge @!p0 [sflag:s8], $0x0  }
0x24: {  	s3 =	sadd.s32 $0x88, s3;
	s6 =	simm.s32 @!p1 $0x1082;
	[sflag:s4] =	ssyncset.s32 $0xFFFFF086  }
0x25: {  	[simem:s6], [sflag:s4] =	dma.local [hbm:s3], $0xF7A  }
0x26: {  	[smem:$0x3F93] =	sst s1;
	(tag) =	ssettag s2;
	_ =	strace s9  }
0x27: {  	s1 =	sld [smem:$0x3FA3]  }
0x28: {  	s2 =	sld [smem:$0x3FA4]  }
0x29: {  	s4 =	sld [smem:$0x3FA6]  }
0x2a: {  	p0 =	seq.s32 s5, $0x0;
	s5 =	sld [smem:$0x3FA7]  }
0x2b: {  	s6 =	sld [smem:$0x3FA8]  }
0x2c: {  	s7 =	sld [smem:$0x3FA9]  }
0x2d: {  	s3 =	simm.s32 $0x108;
	s8 =	sld [smem:$0x3FAA]  }
0x2e: {  	s3 =	simm.s32 @!p0 $0x1082;
	s9 =	sld [smem:$0x3FAB]  }
0x2f: {  	lr =	sadd.s32 s0, s3;
	s0 =	sld [smem:$0x3FA2]  }
0x30: {  	s3 =	sld [smem:$0x3FA5]  }
0x31: {  	[smem:$0x3FAE] =	sst s10  }
0x32: {  	s10 =	sld [smem:$0x3FAC];
	_ =	sdelay $0x3  }
0x33: {  	p0 =	seq.s32 s10, $0x1;
	s10 =	sld [smem:$0x3FAE];
	_ =	sdelay $0x3  }
0x34: {  	[smem:$0x3FAE] =	sst s10  }
0x35: {  	s10 =	sld [smem:$0x3FAD];
	_ =	sdelay $0x3  }
0x36: {  	p1 =	seq.s32 s10, $0x1;
	s10 =	sld [smem:$0x3FAE];
	_ =	sdelay $0x3  }
0x37: {  	[smem:$0x3FAE] =	sst s10  }
0x38: {  	s10 =	sld [smem:$0x3FAF]  }
0x39: {  	_ = 	snop;
	(pc) =	sbr.ind lr, $3  }
0x3a: {  	_ = 	snop  }
0x3b: {  	_ = 	snop  }
0x3c: {  	p2 =	seq.s32 s10, $0x1;
	s10 =	sld [smem:$0x3FAE]  }
0x3d: {  	_ =	shalt  }
0x3e: {  	_ =	shalt  }
0x3f: {  	_ =	shalt  }
0x40: {  	_ =	shalt  }
0x41: {  	_ =	shalt  }
0x42: {  	_ =	shalt  }
0x43: {  	_ =	shalt  }
0x44: {  	_ =	shalt  }
0x45: {  	_ =	shalt  }
0x46: {  	_ =	shalt  }
0x47: {  	_ =	shalt  }
0x48: {  	_ =	shalt  }
0x49: {  	_ =	shalt  }
0x4a: {  	_ =	shalt  }
0x4b: {  	_ =	shalt  }
0x4c: {  	_ =	shalt  }
0x4d: {  	_ =	shalt  }
0x4e: {  	_ =	shalt  }
0x4f: {  	_ =	shalt  }
0x50: {  	_ =	shalt  }
0x51: {  	_ =	shalt  }
0x52: {  	_ =	shalt  }
0x53: {  	_ =	shalt  }
0x54: {  	_ =	shalt  }
0x55: {  	_ =	shalt  }
0x56: {  	_ =	shalt  }
0x57: {  	_ =	shalt  }
0x58: {  	_ =	shalt  }
0x59: {  	_ =	shalt  }
0x5a: {  	_ =	shalt  }
0x5b: {  	_ =	shalt  }
0x5c: {  	_ =	shalt  }
0x5d: {  	_ =	shalt  }
0x5e: {  	_ =	shalt  }
0x5f: {  	_ =	shalt  }
0x60: {  	_ =	shalt  }
0x61: {  	_ =	shalt  }
0x62: {  	_ =	shalt  }
0x63: {  	_ =	shalt  }
0x64: {  	_ =	shalt  }
0x65: {  	_ =	shalt  }
0x66: {  	_ =	shalt  }
0x67: {  	_ =	shalt  }
0x68: {  	_ =	shalt  }
0x69: {  	_ =	shalt  }
0x6a: {  	_ =	shalt  }
0x6b: {  	_ =	shalt  }
0x6c: {  	_ =	shalt  }
0x6d: {  	_ =	shalt  }
0x6e: {  	_ =	shalt  }
0x6f: {  	_ =	shalt  }
0x70: {  	_ =	shalt  }
0x71: {  	_ =	shalt  }
0x72: {  	_ =	shalt  }
0x73: {  	_ =	shalt  }
0x74: {  	_ =	shalt  }
0x75: {  	_ =	shalt  }
0x76: {  	_ =	shalt  }
0x77: {  	_ =	shalt  }
0x78: {  	_ =	shalt  }
0x79: {  	_ =	shalt  }
0x7a: {  	_ =	shalt  }
0x7b: {  	_ =	shalt  }
0x7c: {  	_ =	shalt  }
0x7d: {  	_ =	shalt  }
0x7e: {  	_ =	shalt  }
0x7f: {  	_ =	shalt  }
0x80: {  	_ =	shalt  }
0x81: {  	_ =	shalt  }
0x82: {  	_ =	shalt  }
0x83: {  	_ =	shalt  }
0x84: {  	_ =	shalt  }
0x85: {  	_ =	shalt  }
0x86: {  	_ =	shalt  }
0x87: {  	_ =	shalt  }
.Lfunc_end0:
.L_simem_size_0:
called_computation.1_lowered:
.L_overlay_start_0:
0x88: {  	s2 =	sld [smem:$0x3FD9]  }
0x89: {  	s3 =	sld [smem:$0x3FFE];
	_ =	sdelay $0x1  }
0x8a: {  	s1 =	srdreg.scid  }
0x8b: {  	s0 =	sand.u32 $0x1, s1  }
0x8c: {  	s14 =	sshll.u32 s0, $0xA;
	s2 =	sadd.s32 s3, s2  }
0x8d: {  	s2 =	sadd.s32 s2, s14  }
0x8e: {  	[smem:$0x3FBA] =	sst s2  }
0x8f: {  	_ = 	snop  }
0x90: {  	s2 =	sld [smem:$0x3FD0];
	_ =	sdelay $0x2  }
0x91: {  	s15 =	simm.s32 $0xB;
	s4 =	simm.s32 $0x10  }
0x92: {  	[smem:s4], [sflag:s15] =	dma.local [hbm:s2], $0x1  }
0x93: {  	_ =	swait.eq [sflag:s15], $0x1  }
0x94: {  	[sflag:s15] =	ssyncset.done $0x0  }
0x95: {  	[sflag:s15] =	ssyncadd.s32 $0xFFFFFFFF  }
0x96: {  	s16 =	sld [smem:$0x11];
	(tm) =	ssettm $0x1  }
0x97: {  	s17 =	sld [smem:$0x3FFB];
	_ =	sdelay $0x3  }
0x98: {  	_ =	strace s17  }
0x99: {  	s3 =	sld [smem:$0x3FFC];
	_ =	sdelay $0x3  }
0x9a: {  	_ =	strace s3  }
0x9b: {  	s3 =	sld [smem:$0x3FFD];
	_ =	sdelay $0x3  }
0x9c: {  	_ =	strace s3  }
0x9d: {  	_ =	strace $0x8FFFFFFF  }
0x9e: {  	s18 =	sld [smem:$0x3FDB];
	_ =	sdelay $0x1  }
0x9f: {  	s19 =	simm.s32 $_scs_section_size  }
0xa0: {  	s5 =	simm.s32 $_size__tile_overlayer_lowered;
	s6 =	simm.s32 $_tile_overlayer_lowered  }
0xa1: {  	s22 =	simm.s32 $0x1BFF;
	s21 =	sshll.u32 s6, $0x1;
	s3 =	sadd.s32 s19, s18  }
0xa2: {  	s7 =	simm.s32 $0x0;
	s20 =	sshll.u32 s5, $0x1;
	s5 =	sadd.s32 s21, s3  }
0xa3: {  	[timem:s7], [sflag:s22] =	dma.local [hbm:s5], s20  }
0xa4: {  	_ =	swait.ge [sflag:s22], s20  }
0xa5: {  	s4 =	ssub.s32 $0x0, s20;
	[sflag:s22] =	ssyncset.done $0x0  }
0xa6: {  	[sflag:s22] =	ssyncadd.s32 s4;
	_ =	sdelay $0x1  }
0xa7: {  	s23 =	simm.s32 $0x1B8B  }
0xa8: {  	_ =	swait.ge [sflag:s23], $0x1  }
0xa9: {  	[sflag:s23] =	ssyncset.done $0x0  }
0xaa: {  	s25 =	simm.s32 $0x1B8E;
	s24 =	sld [smem:$0x3FFE];
	[sflag:s23] =	ssyncadd.s32 $0xFFFFFFFF  }
0xab: {  	s26 =	simm.s32 $execute0_lowered;
	[smem:$0x3FD2] =	sst s25  }
0xac: {  	s5 =	sshll.u32 s26, $0x1;
	_ =	strace $0x80000046;
	[dreg:$0x1] =	wrdreg $0xFFFFFFFF  }
0xad: {  	s28 =	simm.s32 $_size_execute0_lowered;
	s3 =	sadd.s32 s3, s5;
	[dreg:$0x0] =	wrdreg $0x0  }
0xae: {  	s5 =	sshll.u32 s28, $0x1;
	[dreg:$0x2] =	wrdreg s3  }
0xaf: {  	[dreg:$0x3] =	wrdreg s5  }
0xb0: {  	[dreg:$0x4] =	wrdreg $0xC0  }
0xb1: {  	_ =	task [dreg:s7], $0x5FFFF  }
0xb2: {  	[dreg:$0x1] =	wrdreg $0xFFFFFFFF  }
0xb3: {  	[dreg:$0x0] =	wrdreg $0x60  }
0xb4: {  	[dreg:$0x2] =	wrdreg s24  }
0xb5: {  	[dreg:$0x3] =	wrdreg s16  }
0xb6: {  	[dreg:$0x4] =	wrdreg $0xA  }
0xb7: {  	_ =	task.clear_ibuf [dreg:s7], $0x5FFFF;
	_ =	strace $0x90000046  }
0xb8: {  	s29 =	simm.s32 $0xA;
	_ =	strace $0x80000048  }
0xb9: {  	_ =	swait.ge [sflag:s29], $0x1  }
0xba: {  	[sflag:s29] =	ssyncadd.s32 $0xFFFFFFFF  }
0xbb: {  	_ =	strace $0x90000048  }
0xbc: {  	_ =	sfence  }
0xbd: {  	s30 =	sld [smem:$0x0];
	_ =	sdelay $0x2  }
0xbe: {  	s31 =	sshll.u32 s1, $0xD;
	s1 =	sshrl.u32 s1, $0x2  }
0xbf: {  	s3 =	sand.u32 $0x4000, s31;
	s1 =	sadd.s32 s1, s30  }
0xc0: {  	s0 =	sor.u32 s3, s0;
	s1 =	sshll.u32 s1, $0x11  }
0xc1: {  	s0 =	sor.u32 s1, s0  }
0xc2: {  	s0 =	sadd.s32 $0x8F2B, s0  }
0xc3: {  	[sflag:s0] =	ssyncadd.remote.s32 $0x1  }
0xc4: {  	_ =	sfence.sel $0xFFFF  }
0xc5: {  	[dreg:$0x0] =	wrdreg $0xFFFFFFFF;
	(pc) =	sbr.abs _section_cstart, $3  }
0xc6: {  	[dreg:$0x1] =	wrdreg $0xFFFFFFFF  }
0xc7: {  	_ =	task.clear_ibuf [dreg:s7], $0x2FFFF;
	_ =	strace $0x9FFFFFFF  }
0xc8: {  	(tm) =	ssettm $0x7FFFFFFF  }
0xc9: {  	_ =	shalt  }
tec
execute0_lowered:
.L_overlay_start_1:
0x0: {  	(tag) =	ssettag $0x1  }
0x1: {  	s4 =	rddreg [dreg:$0x0]  }
0x2: {  	s5 =	rddreg [dreg:$0x1]  }
0x3: {  	s0 =	rddreg [dreg:$0x2]  }
0x4: {  	s3 =	srdreg.scid;
	s1 =	stileid.u32  }
0x5: {  	s2 =	simm.s32 $0x0;
	s9 =	simm.s32 $0x2000;
	s10 =	simm.s32 $0x3000  }
0x6: {  	s11 =	simm.s32 $0x1;
	s12 =	simm.s32 $0x4000;
	s13 =	simm.s32 $0x0  }
0x7: {  	s3 =	sand.u32 $0x1, s3;
	s6 =	sshll.u32 s1, $0x1;
	[smem:$0x7FF] =	sst s2  }
.Ltmp0:
0x8: {  	s6 =	sor.u32 s3, s6;
	_ =	strace $0x80000047;
	(pc) =	sbr.rel .LBB2_1-.Ltmp0, $4  }
0x9: {  	s8 =	ssub.s32 $0x2, s3;
	s3 =	sadd.s32 $0x8B800, s4;
	s7 =	sshll.u32 s6, $0xA  }
0xa: {  	s31 =	sshrl.u32 s8, $0x1;
	s6 =	sshll.u32 s6, $0xB;
	s4 =	sadd.s32 s7, s4  }
0xb: {  	s7 =	ssub.s32 s8, s31;
	s5 =	sadd.s32 s5, s6;
	s8 =	simm.s32 $0x20  }
0xc: {  	s4 =	sadd.s32 $0x83800, s4;
	s6 =	smax.u32 s7, $0x1;
	s7 =	simm.s32 $0x2  }
.LBB2_4:
0xd: {  	s13 =	sadd.s32 $0x1, s13  }
0xe: {  	p0 =	sne.s32 s13, s6  }
.Ltmp1:
0xf: {  	_ = 	snop;
	(pc) =	sbr.rel @!p0 .LBB2_5-.Ltmp1, $4  }
0x10: {  	[hbm4b:s5+s2] =	stream.linear.scatter [tilespmem:s12], [sflag:$0x2], $0x4000, $0x38;
	[tilespmem:$0x8000] =	vst v63  }
0x11: {  	_ =	swait.ge [sflag:s7], $0x4000  }
0x12: {  	[sflag:s7] =	ssyncset.done $0x0  }
0x13: {  	[sflag:s7] =	ssyncadd.s32 $0xFFFFC000  }
.LBB2_1:
0x14: {  	[tilespmem:s2], [sflag:$0x2] =	stream.linear.gather [hbm4b:s4+s2], $0x2000, $0x38;
	[tilespmem:$0x8000] =	vst v63  }
0x15: {  	_ =	swait.ge [sflag:s7], $0x2000  }
0x16: {  	[sflag:s7] =	ssyncset.done $0x0  }
0x17: {  	[sflag:s7] =	ssyncadd.s32 $0xFFFFE000  }
0x18: {  	[tilespmem:s9], [sflag:$0x1] =	stream.indirect.gather [hbm4b:s3+s8], $0x80, s2, s8, $0xb8;
	[tilespmem:$0x8000] =	vst v63  }
0x19: {  	s14 =	simm.s32 $0xFFFF8100;
	s15 =	simm.s32 $0x4040  }
0x1a: {  	[tilespmem:s10], [sflag:$0x1] =	stream.indirect.gather [hbm4b:s3+s8], $0x80, s8, s8, $0xb8;
	[tilespmem:$0x8000] =	vst v63  }
.LBB2_2:
0x1b: {  	_ =	swait.ge [sflag:s11], $0x1000  }
0x1c: {  	[sflag:s11] =	ssyncset.done $0x0  }
0x1d: {  	[sflag:s11] =	ssyncadd.s32 $0xFFFFF000  }
0x1e: {  	v0 =	vld [tilespmem:$0x2000]  }
0x1f: {  	v1 =	vld [tilespmem:$0x2080]  }
0x20: {  	v2 =	vld [tilespmem:$0x2100]  }
0x21: {  	v3 =	vld [tilespmem:$0x2180]  }
0x22: {  	v4 =	vld [tilespmem:$0x2200]  }
0x23: {  	v5 =	vld [tilespmem:$0x2280]  }
0x24: {  	v44 =	vld [tilespmem:$0x2300];
	v0 =	vmax.f32 v0, v1  }
0x25: {  	v45 =	vld [tilespmem:$0x2380];
	v0 =	vmax.f32 v0, v2  }
0x26: {  	v46 =	vld [tilespmem:$0x2400];
	v0 =	vmax.f32 v0, v3  }
0x27: {  	v47 =	vld [tilespmem:$0x2480];
	v0 =	vmax.f32 v0, v4  }
0x28: {  	v48 =	vld [tilespmem:$0x2500];
	v0 =	vmax.f32 v0, v5  }
0x29: {  	v49 =	vld [tilespmem:$0x2580];
	v0 =	vmax.f32 v0, v44  }
0x2a: {  	v50 =	vld [tilespmem:$0x2600];
	v0 =	vmax.f32 v0, v45  }
0x2b: {  	v51 =	vld [tilespmem:$0x2680];
	v0 =	vmax.f32 v0, v46  }
0x2c: {  	v52 =	vld [tilespmem:$0x2700];
	v0 =	vmax.f32 v0, v47  }
0x2d: {  	v53 =	vld [tilespmem:$0x2780];
	v0 =	vmax.f32 v0, v48  }
0x2e: {  	v54 =	vld [tilespmem:$0x2800];
	v0 =	vmax.f32 v0, v49  }
0x2f: {  	v55 =	vld [tilespmem:$0x2880];
	v0 =	vmax.f32 v0, v50  }
0x30: {  	v56 =	vld [tilespmem:$0x2900];
	v0 =	vmax.f32 v0, v51  }
0x31: {  	v57 =	vld [tilespmem:$0x2980];
	v0 =	vmax.f32 v0, v52  }
0x32: {  	v58 =	vld [tilespmem:$0x2A00];
	v0 =	vmax.f32 v0, v53  }
0x33: {  	v59 =	vld [tilespmem:$0x2A80];
	v0 =	vmax.f32 v0, v54  }
0x34: {  	v60 =	vld [tilespmem:$0x2B00];
	v0 =	vmax.f32 v0, v55  }
0x35: {  	v61 =	vld [tilespmem:$0x2B80];
	v0 =	vmax.f32 v0, v56  }
0x36: {  	v62 =	vld [tilespmem:$0x2C00];
	v0 =	vmax.f32 v0, v57  }
0x37: {  	v63 =	vld [tilespmem:$0x2C80];
	v0 =	vmax.f32 v0, v58  }
0x38: {  	v8 =	vld [tilespmem:$0x2D00];
	v0 =	vmax.f32 v0, v59  }
0x39: {  	v9 =	vld [tilespmem:$0x2D80];
	v0 =	vmax.f32 v0, v60  }
0x3a: {  	v10 =	vld [tilespmem:$0x2E00];
	v0 =	vmax.f32 v0, v61  }
0x3b: {  	v11 =	vld [tilespmem:$0x2E80];
	v0 =	vmax.f32 v0, v62  }
0x3c: {  	v12 =	vld [tilespmem:$0x2F00];
	v0 =	vmax.f32 v0, v63  }
0x3d: {  	v13 =	vld [tilespmem:$0x2F80];
	v0 =	vmax.f32 v0, v8  }
0x3e: {  	v0 =	vmax.f32 v0, v9  }
0x3f: {  	v0 =	vmax.f32 v0, v10  }
0x40: {  	v0 =	vmax.f32 v0, v11  }
0x41: {  	v0 =	vmax.f32 v0, v12  }
0x42: {  	v0 =	vmax.f32 v0, v13  }
0x43: {  	[tilespmem:s15+$0xFFFFFFC0] =	vst v0  }
0x44: {  	v0 =	vld [tilespmem:$0x2010]  }
0x45: {  	v14 =	vld [tilespmem:$0x2090]  }
0x46: {  	v15 =	vld [tilespmem:$0x2110]  }
0x47: {  	v16 =	vld [tilespmem:$0x2190]  }
0x48: {  	v17 =	vld [tilespmem:$0x2210]  }
0x49: {  	v18 =	vld [tilespmem:$0x2290]  }
0x4a: {  	v19 =	vld [tilespmem:$0x2310];
	v0 =	vmax.f32 v0, v14  }
0x4b: {  	v20 =	vld [tilespmem:$0x2390];
	v0 =	vmax.f32 v0, v15  }
0x4c: {  	v21 =	vld [tilespmem:$0x2410];
	v0 =	vmax.f32 v0, v16  }
0x4d: {  	v22 =	vld [tilespmem:$0x2490];
	v0 =	vmax.f32 v0, v17  }
0x4e: {  	v23 =	vld [tilespmem:$0x2510];
	v0 =	vmax.f32 v0, v18  }
0x4f: {  	v24 =	vld [tilespmem:$0x2590];
	v0 =	vmax.f32 v0, v19  }
0x50: {  	v25 =	vld [tilespmem:$0x2610];
	v0 =	vmax.f32 v0, v20  }
0x51: {  	v26 =	vld [tilespmem:$0x2690];
	v0 =	vmax.f32 v0, v21  }
0x52: {  	v27 =	vld [tilespmem:$0x2710];
	v0 =	vmax.f32 v0, v22  }
0x53: {  	v28 =	vld [tilespmem:$0x2790];
	v0 =	vmax.f32 v0, v23  }
0x54: {  	v29 =	vld [tilespmem:$0x2810];
	v0 =	vmax.f32 v0, v24  }
0x55: {  	v30 =	vld [tilespmem:$0x2890];
	v0 =	vmax.f32 v0, v25  }
0x56: {  	v31 =	vld [tilespmem:$0x2910];
	v0 =	vmax.f32 v0, v26  }
0x57: {  	v32 =	vld [tilespmem:$0x2990];
	v0 =	vmax.f32 v0, v27  }
0x58: {  	v33 =	vld [tilespmem:$0x2A10];
	v0 =	vmax.f32 v0, v28  }
0x59: {  	v34 =	vld [tilespmem:$0x2A90];
	v0 =	vmax.f32 v0, v29  }
0x5a: {  	v35 =	vld [tilespmem:$0x2B10];
	v0 =	vmax.f32 v0, v30  }
0x5b: {  	v36 =	vld [tilespmem:$0x2B90];
	v0 =	vmax.f32 v0, v31  }
0x5c: {  	v37 =	vld [tilespmem:$0x2C10];
	v0 =	vmax.f32 v0, v32  }
0x5d: {  	v38 =	vld [tilespmem:$0x2C90];
	v0 =	vmax.f32 v0, v33  }
0x5e: {  	v39 =	vld [tilespmem:$0x2D10];
	v0 =	vmax.f32 v0, v34  }
0x5f: {  	v40 =	vld [tilespmem:$0x2D90];
	v0 =	vmax.f32 v0, v35  }
0x60: {  	v41 =	vld [tilespmem:$0x2E10];
	v0 =	vmax.f32 v0, v36  }
0x61: {  	v42 =	vld [tilespmem:$0x2E90];
	v0 =	vmax.f32 v0, v37  }
0x62: {  	v43 =	vld [tilespmem:$0x2F10];
	v0 =	vmax.f32 v0, v38  }
0x63: {  	v44 =	vld [tilespmem:$0x2F90];
	v0 =	vmax.f32 v0, v39  }
0x64: {  	v0 =	vmax.f32 v0, v40  }
0x65: {  	v0 =	vmax.f32 v0, v41  }
0x66: {  	v0 =	vmax.f32 v0, v42  }
0x67: {  	v0 =	vmax.f32 v0, v43  }
0x68: {  	v0 =	vmax.f32 v0, v44  }
0x69: {  	[tilespmem:s15+$0xFFFFFFD0] =	vst v0  }
0x6a: {  	v0 =	vld [tilespmem:$0x2020]  }
0x6b: {  	v45 =	vld [tilespmem:$0x20A0]  }
0x6c: {  	v46 =	vld [tilespmem:$0x2120]  }
0x6d: {  	v47 =	vld [tilespmem:$0x21A0]  }
0x6e: {  	v48 =	vld [tilespmem:$0x2220]  }
0x6f: {  	v49 =	vld [tilespmem:$0x22A0]  }
0x70: {  	v50 =	vld [tilespmem:$0x2320];
	v0 =	vmax.f32 v0, v45  }
0x71: {  	v51 =	vld [tilespmem:$0x23A0];
	v0 =	vmax.f32 v0, v46  }
0x72: {  	v52 =	vld [tilespmem:$0x2420];
	v0 =	vmax.f32 v0, v47  }
0x73: {  	v53 =	vld [tilespmem:$0x24A0];
	v0 =	vmax.f32 v0, v48  }
0x74: {  	v54 =	vld [tilespmem:$0x2520];
	v0 =	vmax.f32 v0, v49  }
0x75: {  	v55 =	vld [tilespmem:$0x25A0];
	v0 =	vmax.f32 v0, v50  }
0x76: {  	v56 =	vld [tilespmem:$0x2620];
	v0 =	vmax.f32 v0, v51  }
0x77: {  	v57 =	vld [tilespmem:$0x26A0];
	v0 =	vmax.f32 v0, v52  }
0x78: {  	v58 =	vld [tilespmem:$0x2720];
	v0 =	vmax.f32 v0, v53  }
0x79: {  	v59 =	vld [tilespmem:$0x27A0];
	v0 =	vmax.f32 v0, v54  }
0x7a: {  	v60 =	vld [tilespmem:$0x2820];
	v0 =	vmax.f32 v0, v55  }
0x7b: {  	v61 =	vld [tilespmem:$0x28A0];
	v0 =	vmax.f32 v0, v56  }
0x7c: {  	v62 =	vld [tilespmem:$0x2920];
	v0 =	vmax.f32 v0, v57  }
0x7d: {  	v63 =	vld [tilespmem:$0x29A0];
	v0 =	vmax.f32 v0, v58  }
0x7e: {  	v8 =	vld [tilespmem:$0x2A20];
	v0 =	vmax.f32 v0, v59  }
0x7f: {  	v9 =	vld [tilespmem:$0x2AA0];
	v0 =	vmax.f32 v0, v60  }
0x80: {  	v10 =	vld [tilespmem:$0x2B20];
	v0 =	vmax.f32 v0, v61  }
0x81: {  	v11 =	vld [tilespmem:$0x2BA0];
	v0 =	vmax.f32 v0, v62  }
0x82: {  	v12 =	vld [tilespmem:$0x2C20];
	v0 =	vmax.f32 v0, v63  }
0x83: {  	v13 =	vld [tilespmem:$0x2CA0];
	v0 =	vmax.f32 v0, v8  }
0x84: {  	v14 =	vld [tilespmem:$0x2D20];
	v0 =	vmax.f32 v0, v9  }
0x85: {  	v15 =	vld [tilespmem:$0x2DA0];
	v0 =	vmax.f32 v0, v10  }
0x86: {  	v16 =	vld [tilespmem:$0x2E20];
	v0 =	vmax.f32 v0, v11  }
0x87: {  	v17 =	vld [tilespmem:$0x2EA0];
	v0 =	vmax.f32 v0, v12  }
0x88: {  	v18 =	vld [tilespmem:$0x2F20];
	v0 =	vmax.f32 v0, v13  }
0x89: {  	v19 =	vld [tilespmem:$0x2FA0];
	v0 =	vmax.f32 v0, v14  }
0x8a: {  	v0 =	vmax.f32 v0, v15  }
0x8b: {  	v0 =	vmax.f32 v0, v16  }
0x8c: {  	v0 =	vmax.f32 v0, v17  }
0x8d: {  	v0 =	vmax.f32 v0, v18  }
0x8e: {  	v0 =	vmax.f32 v0, v19  }
0x8f: {  	[tilespmem:s15+$0xFFFFFFE0] =	vst v0  }
0x90: {  	v0 =	vld [tilespmem:$0x2030]  }
0x91: {  	v20 =	vld [tilespmem:$0x20B0]  }
0x92: {  	v21 =	vld [tilespmem:$0x2130]  }
0x93: {  	v22 =	vld [tilespmem:$0x21B0]  }
0x94: {  	v23 =	vld [tilespmem:$0x2230]  }
0x95: {  	v24 =	vld [tilespmem:$0x22B0]  }
0x96: {  	v25 =	vld [tilespmem:$0x2330];
	v0 =	vmax.f32 v0, v20  }
0x97: {  	v26 =	vld [tilespmem:$0x23B0];
	v0 =	vmax.f32 v0, v21  }
0x98: {  	v27 =	vld [tilespmem:$0x2430];
	v0 =	vmax.f32 v0, v22  }
0x99: {  	v28 =	vld [tilespmem:$0x24B0];
	v0 =	vmax.f32 v0, v23  }
0x9a: {  	v29 =	vld [tilespmem:$0x2530];
	v0 =	vmax.f32 v0, v24  }
0x9b: {  	v30 =	vld [tilespmem:$0x25B0];
	v0 =	vmax.f32 v0, v25  }
0x9c: {  	v31 =	vld [tilespmem:$0x2630];
	v0 =	vmax.f32 v0, v26  }
0x9d: {  	v32 =	vld [tilespmem:$0x26B0];
	v0 =	vmax.f32 v0, v27  }
0x9e: {  	v33 =	vld [tilespmem:$0x2730];
	v0 =	vmax.f32 v0, v28  }
0x9f: {  	v34 =	vld [tilespmem:$0x27B0];
	v0 =	vmax.f32 v0, v29  }
0xa0: {  	v35 =	vld [tilespmem:$0x2830];
	v0 =	vmax.f32 v0, v30  }
0xa1: {  	v36 =	vld [tilespmem:$0x28B0];
	v0 =	vmax.f32 v0, v31  }
0xa2: {  	v37 =	vld [tilespmem:$0x2930];
	v0 =	vmax.f32 v0, v32  }
0xa3: {  	v38 =	vld [tilespmem:$0x29B0];
	v0 =	vmax.f32 v0, v33  }
0xa4: {  	v39 =	vld [tilespmem:$0x2A30];
	v0 =	vmax.f32 v0, v34  }
0xa5: {  	v40 =	vld [tilespmem:$0x2AB0];
	v0 =	vmax.f32 v0, v35  }
0xa6: {  	v41 =	vld [tilespmem:$0x2B30];
	v0 =	vmax.f32 v0, v36  }
0xa7: {  	v42 =	vld [tilespmem:$0x2BB0];
	v0 =	vmax.f32 v0, v37  }
0xa8: {  	v43 =	vld [tilespmem:$0x2C30];
	v0 =	vmax.f32 v0, v38  }
0xa9: {  	v44 =	vld [tilespmem:$0x2CB0];
	v0 =	vmax.f32 v0, v39  }
0xaa: {  	v45 =	vld [tilespmem:$0x2D30];
	v0 =	vmax.f32 v0, v40  }
0xab: {  	v46 =	vld [tilespmem:$0x2DB0];
	v0 =	vmax.f32 v0, v41  }
0xac: {  	v47 =	vld [tilespmem:$0x2E30];
	v0 =	vmax.f32 v0, v42  }
0xad: {  	v48 =	vld [tilespmem:$0x2EB0];
	v0 =	vmax.f32 v0, v43  }
0xae: {  	v49 =	vld [tilespmem:$0x2F30];
	v0 =	vmax.f32 v0, v44  }
0xaf: {  	v50 =	vld [tilespmem:$0x2FB0];
	v0 =	vmax.f32 v0, v45  }
0xb0: {  	v0 =	vmax.f32 v0, v46  }
0xb1: {  	v0 =	vmax.f32 v0, v47  }
0xb2: {  	v0 =	vmax.f32 v0, v48  }
0xb3: {  	p0 =	seq.s32 s14, $0x0;
	v0 =	vmax.f32 v0, v49  }
0xb4: {  	s16 =	sshra.s32 @!p0 s14, $0x2;
	v0 =	vmax.f32 v0, v50  }
0xb5: {  	s17 =	simm.s32 @!p0 $0x20;
	s18 =	simm.s32 @!p0 $0x2000;
	s16 =	sadd.s32 @!p0 $0x2000, s16;
	[tilespmem:s15+$0xFFFFFFF0] =	vst v0  }
0xb6: {  	[tilespmem:s18], [sflag:$0x1] =	stream.indirect.gather @!p0 [hbm4b:s3+s17], $0x80, s16, s17, $0xb8;
	[tilespmem:$0x8000] =	vst v63  }
0xb7: {  	_ =	swait.ge [sflag:s11], $0x1000  }
0xb8: {  	[sflag:s11] =	ssyncset.done $0x0  }
0xb9: {  	[sflag:s11] =	ssyncadd.s32 $0xFFFFF000  }
0xba: {  	v51 =	vld [tilespmem:$0x3000]  }
0xbb: {  	v52 =	vld [tilespmem:$0x3080]  }
0xbc: {  	v53 =	vld [tilespmem:$0x3100]  }
0xbd: {  	v54 =	vld [tilespmem:$0x3180]  }
0xbe: {  	v55 =	vld [tilespmem:$0x3200]  }
0xbf: {  	v56 =	vld [tilespmem:$0x3280]  }
0xc0: {  	v57 =	vld [tilespmem:$0x3300];
	v0 =	vmax.f32 v51, v52  }
0xc1: {  	v58 =	vld [tilespmem:$0x3380];
	v0 =	vmax.f32 v0, v53  }
0xc2: {  	v59 =	vld [tilespmem:$0x3400];
	v0 =	vmax.f32 v0, v54  }
0xc3: {  	v60 =	vld [tilespmem:$0x3480];
	v0 =	vmax.f32 v0, v55  }
0xc4: {  	v61 =	vld [tilespmem:$0x3500];
	v0 =	vmax.f32 v0, v56  }
0xc5: {  	v62 =	vld [tilespmem:$0x3580];
	v0 =	vmax.f32 v0, v57  }
0xc6: {  	v63 =	vld [tilespmem:$0x3600];
	v0 =	vmax.f32 v0, v58  }
0xc7: {  	v8 =	vld [tilespmem:$0x3680];
	v0 =	vmax.f32 v0, v59  }
0xc8: {  	v9 =	vld [tilespmem:$0x3700];
	v0 =	vmax.f32 v0, v60  }
0xc9: {  	v10 =	vld [tilespmem:$0x3780];
	v0 =	vmax.f32 v0, v61  }
0xca: {  	v11 =	vld [tilespmem:$0x3800];
	v0 =	vmax.f32 v0, v62  }
0xcb: {  	v12 =	vld [tilespmem:$0x3880];
	v0 =	vmax.f32 v0, v63  }
0xcc: {  	v13 =	vld [tilespmem:$0x3900];
	v0 =	vmax.f32 v0, v8  }
0xcd: {  	v14 =	vld [tilespmem:$0x3980];
	v0 =	vmax.f32 v0, v9  }
0xce: {  	v15 =	vld [tilespmem:$0x3A00];
	v0 =	vmax.f32 v0, v10  }
0xcf: {  	v16 =	vld [tilespmem:$0x3A80];
	v0 =	vmax.f32 v0, v11  }
0xd0: {  	v17 =	vld [tilespmem:$0x3B00];
	v0 =	vmax.f32 v0, v12  }
0xd1: {  	v18 =	vld [tilespmem:$0x3B80];
	v0 =	vmax.f32 v0, v13  }
0xd2: {  	v19 =	vld [tilespmem:$0x3C00];
	v0 =	vmax.f32 v0, v14  }
0xd3: {  	v20 =	vld [tilespmem:$0x3C80];
	v0 =	vmax.f32 v0, v15  }
0xd4: {  	v21 =	vld [tilespmem:$0x3D00];
	v0 =	vmax.f32 v0, v16  }
0xd5: {  	v22 =	vld [tilespmem:$0x3D80];
	v0 =	vmax.f32 v0, v17  }
0xd6: {  	v23 =	vld [tilespmem:$0x3E00];
	v0 =	vmax.f32 v0, v18  }
0xd7: {  	v24 =	vld [tilespmem:$0x3E80];
	v0 =	vmax.f32 v0, v19  }
0xd8: {  	v25 =	vld [tilespmem:$0x3F00];
	v0 =	vmax.f32 v0, v20  }
0xd9: {  	v26 =	vld [tilespmem:$0x3F80];
	v0 =	vmax.f32 v0, v21  }
0xda: {  	v0 =	vmax.f32 v0, v22  }
0xdb: {  	v0 =	vmax.f32 v0, v23  }
0xdc: {  	v0 =	vmax.f32 v0, v24  }
0xdd: {  	v0 =	vmax.f32 v0, v25  }
0xde: {  	v0 =	vmax.f32 v0, v26  }
0xdf: {  	[tilespmem:s15+$0x0] =	vst v0  }
0xe0: {  	v0 =	vld [tilespmem:$0x3010]  }
0xe1: {  	v27 =	vld [tilespmem:$0x3090]  }
0xe2: {  	v28 =	vld [tilespmem:$0x3110]  }
0xe3: {  	v29 =	vld [tilespmem:$0x3190]  }
0xe4: {  	v30 =	vld [tilespmem:$0x3210]  }
0xe5: {  	v31 =	vld [tilespmem:$0x3290]  }
0xe6: {  	v32 =	vld [tilespmem:$0x3310];
	v0 =	vmax.f32 v0, v27  }
0xe7: {  	v33 =	vld [tilespmem:$0x3390];
	v0 =	vmax.f32 v0, v28  }
0xe8: {  	v34 =	vld [tilespmem:$0x3410];
	v0 =	vmax.f32 v0, v29  }
0xe9: {  	v35 =	vld [tilespmem:$0x3490];
	v0 =	vmax.f32 v0, v30  }
0xea: {  	v36 =	vld [tilespmem:$0x3510];
	v0 =	vmax.f32 v0, v31  }
0xeb: {  	v37 =	vld [tilespmem:$0x3590];
	v0 =	vmax.f32 v0, v32  }
0xec: {  	v38 =	vld [tilespmem:$0x3610];
	v0 =	vmax.f32 v0, v33  }
0xed: {  	v39 =	vld [tilespmem:$0x3690];
	v0 =	vmax.f32 v0, v34  }
0xee: {  	v40 =	vld [tilespmem:$0x3710];
	v0 =	vmax.f32 v0, v35  }
0xef: {  	v41 =	vld [tilespmem:$0x3790];
	v0 =	vmax.f32 v0, v36  }
0xf0: {  	v42 =	vld [tilespmem:$0x3810];
	v0 =	vmax.f32 v0, v37  }
0xf1: {  	v43 =	vld [tilespmem:$0x3890];
	v0 =	vmax.f32 v0, v38  }
0xf2: {  	v44 =	vld [tilespmem:$0x3910];
	v0 =	vmax.f32 v0, v39  }
0xf3: {  	v45 =	vld [tilespmem:$0x3990];
	v0 =	vmax.f32 v0, v40  }
0xf4: {  	v46 =	vld [tilespmem:$0x3A10];
	v0 =	vmax.f32 v0, v41  }
0xf5: {  	v47 =	vld [tilespmem:$0x3A90];
	v0 =	vmax.f32 v0, v42  }
0xf6: {  	v48 =	vld [tilespmem:$0x3B10];
	v0 =	vmax.f32 v0, v43  }
0xf7: {  	v49 =	vld [tilespmem:$0x3B90];
	v0 =	vmax.f32 v0, v44  }
0xf8: {  	v50 =	vld [tilespmem:$0x3C10];
	v0 =	vmax.f32 v0, v45  }
0xf9: {  	v51 =	vld [tilespmem:$0x3C90];
	v0 =	vmax.f32 v0, v46  }
0xfa: {  	v52 =	vld [tilespmem:$0x3D10];
	v0 =	vmax.f32 v0, v47  }
0xfb: {  	v53 =	vld [tilespmem:$0x3D90];
	v0 =	vmax.f32 v0, v48  }
0xfc: {  	v54 =	vld [tilespmem:$0x3E10];
	v0 =	vmax.f32 v0, v49  }
0xfd: {  	v55 =	vld [tilespmem:$0x3E90];
	v0 =	vmax.f32 v0, v50  }
0xfe: {  	v56 =	vld [tilespmem:$0x3F10];
	v0 =	vmax.f32 v0, v51  }
0xff: {  	v57 =	vld [tilespmem:$0x3F90];
	v0 =	vmax.f32 v0, v52  }
0x100: {  	v0 =	vmax.f32 v0, v53  }
0x101: {  	v0 =	vmax.f32 v0, v54  }
0x102: {  	v0 =	vmax.f32 v0, v55  }
0x103: {  	v0 =	vmax.f32 v0, v56  }
0x104: {  	v0 =	vmax.f32 v0, v57  }
0x105: {  	[tilespmem:s15+$0x10] =	vst v0  }
0x106: {  	v0 =	vld [tilespmem:$0x3020]  }
0x107: {  	v58 =	vld [tilespmem:$0x30A0]  }
0x108: {  	v59 =	vld [tilespmem:$0x3120]  }
0x109: {  	v60 =	vld [tilespmem:$0x31A0]  }
0x10a: {  	v61 =	vld [tilespmem:$0x3220]  }
0x10b: {  	v62 =	vld [tilespmem:$0x32A0]  }
0x10c: {  	v63 =	vld [tilespmem:$0x3320];
	v0 =	vmax.f32 v0, v58  }
0x10d: {  	v8 =	vld [tilespmem:$0x33A0];
	v0 =	vmax.f32 v0, v59  }
0x10e: {  	v9 =	vld [tilespmem:$0x3420];
	v0 =	vmax.f32 v0, v60  }
0x10f: {  	v10 =	vld [tilespmem:$0x34A0];
	v0 =	vmax.f32 v0, v61  }
0x110: {  	v11 =	vld [tilespmem:$0x3520];
	v0 =	vmax.f32 v0, v62  }
0x111: {  	v12 =	vld [tilespmem:$0x35A0];
	v0 =	vmax.f32 v0, v63  }
0x112: {  	v13 =	vld [tilespmem:$0x3620];
	v0 =	vmax.f32 v0, v8  }
0x113: {  	v14 =	vld [tilespmem:$0x36A0];
	v0 =	vmax.f32 v0, v9  }
0x114: {  	v15 =	vld [tilespmem:$0x3720];
	v0 =	vmax.f32 v0, v10  }
0x115: {  	v16 =	vld [tilespmem:$0x37A0];
	v0 =	vmax.f32 v0, v11  }
0x116: {  	v17 =	vld [tilespmem:$0x3820];
	v0 =	vmax.f32 v0, v12  }
0x117: {  	v18 =	vld [tilespmem:$0x38A0];
	v0 =	vmax.f32 v0, v13  }
0x118: {  	v19 =	vld [tilespmem:$0x3920];
	v0 =	vmax.f32 v0, v14  }
0x119: {  	v20 =	vld [tilespmem:$0x39A0];
	v0 =	vmax.f32 v0, v15  }
0x11a: {  	v21 =	vld [tilespmem:$0x3A20];
	v0 =	vmax.f32 v0, v16  }
0x11b: {  	v22 =	vld [tilespmem:$0x3AA0];
	v0 =	vmax.f32 v0, v17  }
0x11c: {  	v23 =	vld [tilespmem:$0x3B20];
	v0 =	vmax.f32 v0, v18  }
0x11d: {  	v24 =	vld [tilespmem:$0x3BA0];
	v0 =	vmax.f32 v0, v19  }
0x11e: {  	v25 =	vld [tilespmem:$0x3C20];
	v0 =	vmax.f32 v0, v20  }
0x11f: {  	v26 =	vld [tilespmem:$0x3CA0];
	v0 =	vmax.f32 v0, v21  }
0x120: {  	v27 =	vld [tilespmem:$0x3D20];
	v0 =	vmax.f32 v0, v22  }
0x121: {  	v28 =	vld [tilespmem:$0x3DA0];
	v0 =	vmax.f32 v0, v23  }
0x122: {  	v29 =	vld [tilespmem:$0x3E20];
	v0 =	vmax.f32 v0, v24  }
0x123: {  	v30 =	vld [tilespmem:$0x3EA0];
	v0 =	vmax.f32 v0, v25  }
0x124: {  	v31 =	vld [tilespmem:$0x3F20];
	v0 =	vmax.f32 v0, v26  }
0x125: {  	v32 =	vld [tilespmem:$0x3FA0];
	v0 =	vmax.f32 v0, v27  }
0x126: {  	v0 =	vmax.f32 v0, v28  }
0x127: {  	v0 =	vmax.f32 v0, v29  }
0x128: {  	v0 =	vmax.f32 v0, v30  }
0x129: {  	v0 =	vmax.f32 v0, v31  }
0x12a: {  	v0 =	vmax.f32 v0, v32  }
0x12b: {  	[tilespmem:s15+$0x20] =	vst v0  }
0x12c: {  	v0 =	vld [tilespmem:$0x3030]  }
0x12d: {  	v33 =	vld [tilespmem:$0x30B0]  }
0x12e: {  	v34 =	vld [tilespmem:$0x3130]  }
0x12f: {  	v35 =	vld [tilespmem:$0x31B0]  }
0x130: {  	v36 =	vld [tilespmem:$0x3230]  }
0x131: {  	v37 =	vld [tilespmem:$0x32B0]  }
0x132: {  	v38 =	vld [tilespmem:$0x3330];
	v0 =	vmax.f32 v0, v33  }
0x133: {  	v39 =	vld [tilespmem:$0x33B0];
	v0 =	vmax.f32 v0, v34  }
0x134: {  	v40 =	vld [tilespmem:$0x3430];
	v0 =	vmax.f32 v0, v35  }
0x135: {  	v41 =	vld [tilespmem:$0x34B0];
	v0 =	vmax.f32 v0, v36  }
0x136: {  	v42 =	vld [tilespmem:$0x3530];
	v0 =	vmax.f32 v0, v37  }
0x137: {  	v43 =	vld [tilespmem:$0x35B0];
	v0 =	vmax.f32 v0, v38  }
0x138: {  	v44 =	vld [tilespmem:$0x3630];
	v0 =	vmax.f32 v0, v39  }
0x139: {  	v45 =	vld [tilespmem:$0x36B0];
	v0 =	vmax.f32 v0, v40  }
0x13a: {  	v46 =	vld [tilespmem:$0x3730];
	v0 =	vmax.f32 v0, v41  }
0x13b: {  	v47 =	vld [tilespmem:$0x37B0];
	v0 =	vmax.f32 v0, v42  }
0x13c: {  	v48 =	vld [tilespmem:$0x3830];
	v0 =	vmax.f32 v0, v43  }
0x13d: {  	v49 =	vld [tilespmem:$0x38B0];
	v0 =	vmax.f32 v0, v44  }
0x13e: {  	v50 =	vld [tilespmem:$0x3930];
	v0 =	vmax.f32 v0, v45  }
0x13f: {  	v51 =	vld [tilespmem:$0x39B0];
	v0 =	vmax.f32 v0, v46  }
0x140: {  	v52 =	vld [tilespmem:$0x3A30];
	v0 =	vmax.f32 v0, v47  }
0x141: {  	v53 =	vld [tilespmem:$0x3AB0];
	v0 =	vmax.f32 v0, v48  }
0x142: {  	v54 =	vld [tilespmem:$0x3B30];
	v0 =	vmax.f32 v0, v49  }
0x143: {  	v55 =	vld [tilespmem:$0x3BB0];
	v0 =	vmax.f32 v0, v50  }
0x144: {  	v56 =	vld [tilespmem:$0x3C30];
	v0 =	vmax.f32 v0, v51  }
0x145: {  	v57 =	vld [tilespmem:$0x3CB0];
	v0 =	vmax.f32 v0, v52  }
0x146: {  	v58 =	vld [tilespmem:$0x3D30];
	v0 =	vmax.f32 v0, v53  }
0x147: {  	v59 =	vld [tilespmem:$0x3DB0];
	v0 =	vmax.f32 v0, v54  }
0x148: {  	v60 =	vld [tilespmem:$0x3E30];
	v0 =	vmax.f32 v0, v55  }
0x149: {  	v61 =	vld [tilespmem:$0x3EB0];
	v0 =	vmax.f32 v0, v56  }
0x14a: {  	v62 =	vld [tilespmem:$0x3F30];
	v0 =	vmax.f32 v0, v57  }
0x14b: {  	v63 =	vld [tilespmem:$0x3FB0];
	v0 =	vmax.f32 v0, v58  }
0x14c: {  	v0 =	vmax.f32 v0, v59  }
.Ltmp2:
0x14d: {  	v0 =	vmax.f32 v0, v60;
	(pc) =	sbr.rel @p0 .LBB2_4-.Ltmp2, $4  }
0x14e: {  	v0 =	vmax.f32 v0, v61  }
0x14f: {  	v0 =	vmax.f32 v0, v62  }
0x150: {  	v0 =	vmax.f32 v0, v63  }
0x151: {  	[tilespmem:s15+$0x30] =	vst v0  }
.Ltmp3:
0x152: {  	(pc) =	sbr.rel .LBB2_2-.Ltmp3, $4  }
0x153: {  	_ = 	snop  }
0x154: {  	s16 =	sshra.s32 s14, $0x2  }
0x155: {  	s14 =	sadd.s32 $0x100, s14;
	s15 =	sadd.s32 $0x80, s15;
	s16 =	sadd.s32 $0x2020, s16  }
0x156: {  	[tilespmem:s10], [sflag:$0x1] =	stream.indirect.gather [hbm4b:s3+s8], $0x80, s16, s8, $0xb8;
	[tilespmem:$0x8000] =	vst v63  }
.LBB2_5:
0x157: {  	_ =	sfence.sel $0x180000  }
0x158: {  	[bflag:$0x0] =	sbarrier.arrive $0xFFFF  }
0x159: {  	p0 =	sne.s32 s1, $0x0;
	_ =	strace $0x90000047  }
0x15a: {  	s0 =	sadd.s32 @!p0 $0x100000, s0;
	[bflag:$0x2] =	sbarrier.arrive $0xFFFF  }
0x15b: {  	[sflag:s0] =	ssyncadd.tile.s32 @!p0 $0x1;
	_ =	shalt  }
.Lfunc_end2:
_tile_overlayer_lowered:
.L_overlay_start_2:
0x15c: {  	(tag) =	ssettag $0x2  }
0x15d: {  	s0 =	rddreg [dreg:$0x0];
	s2 =	stileid.u32  }
0x15e: {  	s1 =	rddreg [dreg:$0x1];
	p0 =	sne.s32 s2, $0x0  }
0x15f: {  	s3 =	rddreg [dreg:$0x2];
	[bflag:$0x3] =	sbarrier.arrive $0xFFFF;
	s2 =	simm.s32 @!p0 $0x1C02  }
0x160: {  	[timem:s3], [sflag:s2] =	dma.local @!p0 [hbm:s0], s1  }
0x161: {  	s0 =	simm.s32 @!p0 $0x2  }
0x162: {  	_ =	swait.ge @!p0 [sflag:s0], s1  }
0x163: {  	s1 =	ssub.s32 @!p0 $0x0, s1;
	[sflag:s0] =	ssyncset.done @!p0 $0x0  }
0x164: {  	[sflag:s0] =	ssyncadd.s32 @!p0 s1  }
0x165: {  	[bflag:$0x3] =	sbarrier.arrive $0xFFFF  }
0x166: {  	_ =	shalt  }

</sc_bundles>
